<compile_context>
chip_gen: v7x
topology: tpu7x:2x2x1
jax: 0.10.2.dev20260603
libtpu: 0.0.44.dev20260713+nightly
codegen_flags: <defaults>
</compile_context>

<pallas_src>
import functools

import jax
import jax.numpy as jnp
from jax import lax
from jax.experimental import pallas as pl
from jax.experimental.pallas import tpu as pltpu
from jax.experimental.pallas import tpu_sc as plsc

N = 10000
D = 128
H = 16
E = 320000
IBLK = 128
NC = 2
NS = 16
NW = NC * NS
BPT = 80
EPAD = NW * BPT * IBLK
EBP = EPAD // IBLK
PH = 20
NPHASE = BPT // PH
N_ACC = 10016
ZROWS = N_ACC // NS
ROWS_PER_TILE = N // NS

F32 = jnp.float32


def _sc_mesh():
    return plsc.VectorSubcoreMesh(
        core_axis_name="c", subcore_axis_name="s", num_cores=NC, num_subcores=NS)


def _sc_degree(dst2, zeros):

    def body(dst_hbm, z_hbm, out_hbm, acc_sh, didx_all, ones_v, drows):
        c = lax.axis_index("c")
        s = lax.axis_index("s")
        wid = c * NS + s
        pltpu.sync_copy(z_hbm.at[pl.ds(s * ZROWS, ZROWS)],
                        acc_sh.at[pl.ds(s * ZROWS, ZROWS)])
        pltpu.sync_copy(dst_hbm.at[pl.ds(wid * BPT, BPT)], didx_all)

        def fill(i, carry):
            ones_v[i, :] = jnp.ones((H,), F32)
            return carry
        lax.fori_loop(0, IBLK, fill, 0)
        plsc.subcore_barrier()

        def fire(g, j, ssem):
            pltpu.async_copy(ones_v, acc_sh.at[didx_all.at[g * PH + j]],
                             ssem, add=True)

        def run(ssem):
            for g in range(NPHASE):
                def launch(j, carry):
                    fire(g, j, ssem)
                    return carry
                lax.fori_loop(0, PH, launch, 0)
                if g > 0:
                    pltpu.make_async_copy(z_hbm.at[pl.ds(0, PH * IBLK)],
                                          drows, ssem).wait()
            pltpu.make_async_copy(z_hbm.at[pl.ds(0, PH * IBLK)],
                                  drows, ssem).wait()

        pl.run_scoped(run, pltpu.SemaphoreType.DMA)
        plsc.subcore_barrier()
        pltpu.sync_copy(acc_sh.at[pl.ds(s * ROWS_PER_TILE, ROWS_PER_TILE)],
                        out_hbm.at[c].at[pl.ds(s * ROWS_PER_TILE, ROWS_PER_TILE)])

    f = pl.kernel(
        body,
        out_type=jax.ShapeDtypeStruct((NC, N, H), F32),
        mesh=_sc_mesh(),
        compiler_params=pltpu.CompilerParams(use_tc_tiling_on_sc=False),
        scratch_types=[
            pltpu.VMEM_SHARED((N_ACC, H), F32),
            pltpu.VMEM((BPT, IBLK), jnp.int32),
            pltpu.VMEM((IBLK, H), F32),
            pltpu.VMEM((PH * IBLK, H), F32),
        ],
    )
    return f(dst2, zeros)


def _sc_gather_scatter(y, src2, dst2, zeros):

    def body(y_hbm, src_hbm, dst_hbm, z_hbm, out_hbm,
             acc_sh, y_sh, sidx_all, didx_all, rows0, rows1):
        c = lax.axis_index("c")
        s = lax.axis_index("s")
        wid = c * NS + s
        def stage(t1, t2, t3, t4):
            d1 = pltpu.async_copy(z_hbm.at[pl.ds(s * ZROWS, ZROWS)],
                                  acc_sh.at[pl.ds(s * ZROWS, ZROWS)], t1)
            d2 = pltpu.async_copy(y_hbm.at[pl.ds(s * ROWS_PER_TILE, ROWS_PER_TILE)],
                                  y_sh.at[pl.ds(s * ROWS_PER_TILE, ROWS_PER_TILE)], t2)
            d3 = pltpu.async_copy(src_hbm.at[pl.ds(wid * BPT, BPT)], sidx_all, t3)
            d4 = pltpu.async_copy(dst_hbm.at[pl.ds(wid * BPT, BPT)], didx_all, t4)
            d1.wait(); d2.wait(); d3.wait(); d4.wait()

        pl.run_scoped(stage, pltpu.SemaphoreType.DMA, pltpu.SemaphoreType.DMA,
                      pltpu.SemaphoreType.DMA, pltpu.SemaphoreType.DMA)
        plsc.subcore_barrier()

        rows = (rows0, rows1)

        def fire_gathers(p, buf, gsem):
            def launch(j, carry):
                pltpu.async_copy(y_sh.at[sidx_all.at[p * PH + j]],
                                 buf.at[pl.ds(j * IBLK, IBLK)], gsem)
                return carry
            lax.fori_loop(0, PH, launch, 0)

        def fire_scatters(p, buf, ssem):
            def launch(j, carry):
                pltpu.async_copy(buf.at[pl.ds(j * IBLK, IBLK)],
                                 acc_sh.at[didx_all.at[p * PH + j]],
                                 ssem, add=True)
                return carry
            lax.fori_loop(0, PH, launch, 0)

        def drain(sem):
            pltpu.make_async_copy(z_hbm.at[pl.ds(0, PH * IBLK)],
                                  rows0, sem).wait()

        def run(gsem, ssem):
            fire_gathers(0, rows[0], gsem)
            for p in range(NPHASE):
                cur = rows[p % 2]
                drain(gsem)
                fire_scatters(p, cur, ssem)
                if p + 1 < NPHASE:
                    fire_gathers(p + 1, rows[(p + 1) % 2], gsem)
                drain(ssem)

        pl.run_scoped(run, pltpu.SemaphoreType.DMA, pltpu.SemaphoreType.DMA)
        plsc.subcore_barrier()
        pltpu.sync_copy(acc_sh.at[pl.ds(s * ROWS_PER_TILE, ROWS_PER_TILE)],
                        out_hbm.at[c].at[pl.ds(s * ROWS_PER_TILE, ROWS_PER_TILE)])

    f = pl.kernel(
        body,
        out_type=jax.ShapeDtypeStruct((NC, N, H), F32),
        mesh=_sc_mesh(),
        compiler_params=pltpu.CompilerParams(use_tc_tiling_on_sc=False),
        scratch_types=[
            pltpu.VMEM_SHARED((N_ACC, H), F32),
            pltpu.VMEM_SHARED((N, H), F32),
            pltpu.VMEM((BPT, IBLK), jnp.int32),
            pltpu.VMEM((BPT, IBLK), jnp.int32),
            pltpu.VMEM((PH * IBLK, H), F32),
            pltpu.VMEM((PH * IBLK, H), F32),
        ],
    )
    return f(y, src2, dst2, zeros)


NS8 = N // 8


def _tc_first(x3, W1, d0s, d1s):

    def body(x_ref, w_ref, d0_ref, d1_ref, y_ref, dinv_ref):
        dinv = lax.rsqrt(d0_ref[...] + d1_ref[...] + 1.0)
        parts = [jnp.dot(x_ref[:, j, :], w_ref[...], preferred_element_type=F32)
                 for j in range(8)]
        y_ref[...] = jnp.concatenate(parts, axis=1) * dinv
        dinv_ref[...] = dinv

    return pl.pallas_call(
        body,
        out_shape=(jax.ShapeDtypeStruct((NS8, 128), F32),
                   jax.ShapeDtypeStruct((NS8, 128), F32)),
    )(x3, W1, d0s, d1s)


def _tc_combine_mm(s0, s1, y, dinv, b, Wbd):

    def body(s0_ref, s1_ref, y_ref, dinv_ref, b_ref, w_ref, o_ref):
        dinv = dinv_ref[...]
        h = jnp.maximum(dinv * (s0_ref[...] + s1_ref[...] + y_ref[...]) + b_ref[...], 0.0)
        o_ref[...] = jnp.dot(h, w_ref[...], preferred_element_type=F32) * dinv

    return pl.pallas_call(
        body, out_shape=jax.ShapeDtypeStruct((NS8, 128), F32),
    )(s0, s1, y, dinv, b, Wbd)


def _tc_combine(s0, s1, y, dinv, b):

    def body(s0_ref, s1_ref, y_ref, dinv_ref, b_ref, o_ref):
        o_ref[...] = jnp.maximum(
            dinv_ref[...] * (s0_ref[...] + s1_ref[...] + y_ref[...]) + b_ref[...], 0.0)

    return pl.pallas_call(
        body, out_shape=jax.ShapeDtypeStruct((NS8, 128), F32),
    )(s0, s1, y, dinv, b)


MV_BK = 6400


def _tc_matvec_heads(flat, Wp1, Wv1, Wp2t, bp1, bp2, bv1, wiv, biv, wev, bev):
    grid = (N * H) // MV_BK
    wrows = N // grid

    def body(f_ref, a_ref, b_ref, wp2_ref, bp1_ref, bp2_ref, bv1_ref,
             wiv_ref, biv_ref, wev_ref, bev_ref,
             x_ref, ev_ref, iv_ref, pacc, vacc, wp2_full):
        k = pl.program_id(0)

        @pl.when(k == 0)
        def _():
            pacc[...] = jnp.zeros_like(pacc)
            vacc[...] = jnp.zeros_like(vacc)

        f = f_ref[...]
        pacc[...] += jnp.dot(f, a_ref[...], preferred_element_type=F32)
        vacc[...] += jnp.dot(f, b_ref[...], preferred_element_type=F32)
        wp2_full[pl.ds(k * wrows, wrows), :] = wp2_ref[...]

        @pl.when(k == grid - 1)
        def _():
            ph = jnp.maximum(pacc[...] + bp1_ref[...], 0.0)
            x_ref[...] = lax.dot_general(
                ph, wp2_full[...], (((1,), (1,)), ((), ())),
                preferred_element_type=F32) + bp2_ref[...]
            V = jnp.maximum(vacc[...] + bv1_ref[...], 0.0)
            iv_ref[...] = jnp.sum(V * wiv_ref[...], axis=1, keepdims=True) + biv_ref[...]
            ev_ref[...] = jnp.sum(V * wev_ref[...], axis=1, keepdims=True) + bev_ref[...]

    c0 = lambda k: (0, 0)
    return pl.pallas_call(
        body,
        grid=(grid,),
        in_specs=[
            pl.BlockSpec((1, MV_BK), lambda k: (0, k)),
            pl.BlockSpec((MV_BK, 256), lambda k: (k, 0)),
            pl.BlockSpec((MV_BK, 256), lambda k: (k, 0)),
            pl.BlockSpec((wrows, 256), lambda k: (k, 0)),
            pl.BlockSpec((1, 256), c0),
            pl.BlockSpec((1, N), c0),
            pl.BlockSpec((1, 256), c0),
            pl.BlockSpec((1, 256), c0),
            pl.BlockSpec((1, 1), c0),
            pl.BlockSpec((1, 256), c0),
            pl.BlockSpec((1, 1), c0),
        ],
        out_specs=(pl.BlockSpec((1, N), c0),
                   pl.BlockSpec((1, 1), c0),
                   pl.BlockSpec((1, 1), c0)),
        out_shape=(jax.ShapeDtypeStruct((1, N), F32),
                   jax.ShapeDtypeStruct((1, 1), F32),
                   jax.ShapeDtypeStruct((1, 1), F32)),
        scratch_shapes=[
            pltpu.VMEM((1, 256), F32),
            pltpu.VMEM((1, 256), F32),
            pltpu.VMEM((N, 256), F32),
        ],
        compiler_params=pltpu.CompilerParams(vmem_limit_bytes=63 * 1024 * 1024),
    )(flat, Wp1, Wv1, Wp2t, bp1, bp2, bv1, wiv, biv, wev, bev)


def kernel(x, edge_index, W1, b1, W2, b2, W3, b3, Wp1, bp1, Wp2, bp2,
           Wv1, bv1, Wiv, biv, Wev, bev):
    ei = edge_index.astype(jnp.int32)
    pad = EPAD - E
    src2 = jnp.concatenate([ei[0], jnp.zeros((pad,), jnp.int32)]).reshape(EBP, IBLK)
    dpad = N + (jnp.arange(pad, dtype=jnp.int32) % (N_ACC - N))
    dst2 = jnp.concatenate([ei[1], dpad]).reshape(EBP, IBLK)
    zeros = jnp.zeros((N_ACC, H), F32)

    eye8 = jnp.eye(8, dtype=F32)

    def tile8(b):
        return jnp.tile(b.reshape(1, H), (1, 8))

    degp = _sc_degree(dst2, zeros)
    d0s = degp[0].reshape(NS8, 128)
    d1s = degp[1].reshape(NS8, 128)
    y1s, dinvs = _tc_first(x.reshape(NS8, 8, 128), W1, d0s, d1s)

    p1 = _sc_gather_scatter(y1s.reshape(N, H), src2, dst2, zeros)
    y2s = _tc_combine_mm(p1[0].reshape(NS8, 128), p1[1].reshape(NS8, 128),
                         y1s, dinvs, tile8(b1), jnp.kron(eye8, W2))

    p2 = _sc_gather_scatter(y2s.reshape(N, H), src2, dst2, zeros)
    y3s = _tc_combine_mm(p2[0].reshape(NS8, 128), p2[1].reshape(NS8, 128),
                         y2s, dinvs, tile8(b2), jnp.kron(eye8, W3))

    p3 = _sc_gather_scatter(y3s.reshape(N, H), src2, dst2, zeros)
    h3s = _tc_combine(p3[0].reshape(NS8, 128), p3[1].reshape(NS8, 128),
                      y3s, dinvs, tile8(b3))

    flat = h3s.reshape(1, N * H)
    X, eV, iV = _tc_matvec_heads(
        flat, Wp1, Wv1, Wp2.T, bp1.reshape(1, 256), bp2.reshape(1, N),
        bv1.reshape(1, 256), Wiv.reshape(1, 256), biv.reshape(1, 1),
        Wev.reshape(1, 256), bev.reshape(1, 1))
    return (X, eV, iV)

# --- scband reference (transcript-rebuilt; emitter-appended) ---
"""Pipeline reference for scband-gcnpolicy-27084063768597 (READ-ONLY COPY).

The authoritative reference and input builder live on the scoring server;
editing this copy changes nothing except your own understanding.
"""

import jax, jax.numpy as jnp
import numpy as np

N = 10000
D = 128
H = 16


def gcn_conv(x, src, dst, norm, W, b, num_nodes):
    xw = x @ W
    msg = xw[src] * norm[:, None]
    out = jnp.zeros((num_nodes, W.shape[1]), dtype=xw.dtype).at[dst].add(msg)
    return out + b


def setup_inputs(seed: int = 0) -> dict:
    key = jax.random.key(seed)
    ks = jax.random.split(key, 20)
    x = jax.random.normal(ks[0], (N, D), dtype=jnp.float32)
    edge_index = jax.random.randint(ks[1], (2, 320000), 0, N, dtype=jnp.int64)
    s = 0.05
    return {
        'x': x,
        'edge_index': edge_index,
        'W1': jax.random.normal(ks[2], (D, H)) * s, 'b1': jnp.zeros((H,)),
        'W2': jax.random.normal(ks[3], (H, H)) * s, 'b2': jnp.zeros((H,)),
        'W3': jax.random.normal(ks[4], (H, H)) * s, 'b3': jnp.zeros((H,)),
        'Wp1': jax.random.normal(ks[5], (N * H, 256)) * 0.002, 'bp1': jnp.zeros((256,)),
        'Wp2': jax.random.normal(ks[6], (256, N)) * s, 'bp2': jnp.zeros((N,)),
        'Wv1': jax.random.normal(ks[7], (N * H, 256)) * 0.002, 'bv1': jnp.zeros((256,)),
        'Wiv': jax.random.normal(ks[8], (256, 1)) * s, 'biv': jnp.zeros((1,)),
        'Wev': jax.random.normal(ks[9], (256, 1)) * s, 'bev': jnp.zeros((1,)),
    }


def reference(x, edge_index, W1, b1, W2, b2, W3, b3, Wp1, bp1, Wp2, bp2, Wv1, bv1, Wiv, biv, Wev, bev):
    # GCN normalization with self-loops (PyG gcn_norm, source_to_target flow)
    loop = jnp.arange(N, dtype=edge_index.dtype)
    src = jnp.concatenate([edge_index[0], loop])
    dst = jnp.concatenate([edge_index[1], loop])
    deg = jnp.zeros((N,), dtype=jnp.float32).at[dst].add(1.0)
    dinv = jnp.where(deg > 0, 1.0 / jnp.sqrt(deg), 0.0)
    norm = dinv[src] * dinv[dst]

    h = jax.nn.relu(gcn_conv(x, src, dst, norm, W1, b1, N))
    h = jax.nn.relu(gcn_conv(h, src, dst, norm, W2, b2, N))
    # dropout is identity in eval mode
    h = jax.nn.relu(gcn_conv(h, src, dst, norm, W3, b3, N))

    flat = h.reshape(-1, N * H)  # [1, node_count*16]
    X = jax.nn.relu(flat @ Wp1 + bp1) @ Wp2 + bp2
    V = jax.nn.relu(flat @ Wv1 + bv1)
    int_V = V @ Wiv + biv
    ext_V = V @ Wev + bev
    return (X, ext_V, int_V)

if __name__ == "__main__":
    import jax
    _d = setup_inputs()
    print(jax.jit(kernel)(*tuple(_d.values())))

</pallas_src>

<mosaic_0001>
#map = affine_map<(d0, d1) -> (0, 0)>
#map1 = affine_map<(d0, d1) -> (0, 0, 0)>
module attributes {stable_mosaic.version = 14 : i64} {
  func.func @body(%arg0: i32, %arg1: i32, %arg2: memref<10000x16xf32, #tpu.memory_space<hbm>>, %arg3: memref<2560x128xi32, #tpu.memory_space<hbm>>, %arg4: memref<2560x128xi32, #tpu.memory_space<hbm>>, %arg5: memref<10016x16xf32, #tpu.memory_space<hbm>>, %arg6: memref<2x10000x16xf32, #tpu.memory_space<hbm>>, %arg7: memref<10016x16xf32, #tpu.memory_space<vmem_shared>>, %arg8: memref<10000x16xf32, #tpu.memory_space<vmem_shared>>, %arg9: memref<80x128xi32, #tpu.memory_space<vmem>>, %arg10: memref<80x128xi32, #tpu.memory_space<vmem>>, %arg11: memref<2560x16xf32, #tpu.memory_space<vmem>>, %arg12: memref<2560x16xf32, #tpu.memory_space<vmem>>) attributes {dimension_semantics = [#tpu.dimension_semantics<core_parallel>, #tpu.dimension_semantics<subcore_parallel>], iteration_bounds = array<i64: 2, 16>, scalar_prefetch = 0 : i64, scratch_operands = 6 : i64, tpu.core_type = #tpu.core_type<sc_vector_subcore>, window_params = [{transform_indices = #map}, {transform_indices = #map}, {transform_indices = #map}, {transform_indices = #map}, {transform_indices = #map1}]} {
    %mul3A = arith.constant 16 : i32
    %mul3A_0 = arith.muli %arg0, %mul3A : i32
    %add3A = arith.addi %mul3A_0, %arg1 : i32
    "tpu.region"() ({
      %run_scoped3A = tpu.sem_alloc : memref<!tpu.dma_semaphore, #tpu.memory_space<semaphore_mem>>
      %run_scoped3A_6 = tpu.sem_alloc : memref<!tpu.dma_semaphore, #tpu.memory_space<semaphore_mem>>
      %run_scoped3A_7 = tpu.sem_alloc : memref<!tpu.dma_semaphore, #tpu.memory_space<semaphore_mem>>
      %run_scoped3A_8 = tpu.sem_alloc : memref<!tpu.dma_semaphore, #tpu.memory_space<semaphore_mem>>
      %mul3A_9 = arith.constant 626 : i32
      %mul3A_10 = arith.muli %arg1, %mul3A_9 : i32
      %mul3A_11 = arith.constant 626 : i32
      %mul3A_12 = arith.muli %arg1, %mul3A_11 : i32
      %dma_start3A = arith.constant 0 : i32
      %dma_start3A_13 = tpu.memref_slice %arg7[%mul3A_12, %dma_start3A] : memref<10016x16xf32, #tpu.memory_space<vmem_shared>> -> memref<626x16xf32, #tpu.memory_space<vmem_shared>>
      %dma_start3A_14 = arith.constant 0 : i32
      %dma_start3A_15 = tpu.memref_slice %arg5[%mul3A_10, %dma_start3A_14] : memref<10016x16xf32, #tpu.memory_space<hbm>> -> memref<626x16xf32, #tpu.memory_space<hbm>>
      tpu.enqueue_dma source(%dma_start3A_15 : memref<626x16xf32, #tpu.memory_space<hbm>>) target(%dma_start3A_13 : memref<626x16xf32, #tpu.memory_space<vmem_shared>>) target_semaphore(%run_scoped3A : memref<!tpu.dma_semaphore, #tpu.memory_space<semaphore_mem>>)
      %mul3A_16 = arith.constant 625 : i32
      %mul3A_17 = arith.muli %arg1, %mul3A_16 : i32
      %mul3A_18 = arith.constant 625 : i32
      %mul3A_19 = arith.muli %arg1, %mul3A_18 : i32
      %dma_start3A_20 = arith.constant 0 : i32
      %dma_start3A_21 = tpu.memref_slice %arg8[%mul3A_19, %dma_start3A_20] : memref<10000x16xf32, #tpu.memory_space<vmem_shared>> -> memref<625x16xf32, #tpu.memory_space<vmem_shared>>
      %dma_start3A_22 = arith.constant 0 : i32
      %dma_start3A_23 = tpu.memref_slice %arg2[%mul3A_17, %dma_start3A_22] : memref<10000x16xf32, #tpu.memory_space<hbm>> -> memref<625x16xf32, #tpu.memory_space<hbm>>
      tpu.enqueue_dma source(%dma_start3A_23 : memref<625x16xf32, #tpu.memory_space<hbm>>) target(%dma_start3A_21 : memref<625x16xf32, #tpu.memory_space<vmem_shared>>) target_semaphore(%run_scoped3A_6 : memref<!tpu.dma_semaphore, #tpu.memory_space<semaphore_mem>>)
      %mul3A_24 = arith.constant 80 : i32
      %mul3A_25 = arith.muli %add3A, %mul3A_24 : i32
      %dma_start3A_26 = arith.constant 0 : i32
      %dma_start3A_27 = tpu.memref_slice %arg3[%mul3A_25, %dma_start3A_26] : memref<2560x128xi32, #tpu.memory_space<hbm>> -> memref<80x128xi32, #tpu.memory_space<hbm>>
      %dma_start3A_28 = arith.constant 0 : i32
      %dma_start3A_29 = tpu.memref_slice %arg3[%mul3A_25, %dma_start3A_28] : memref<2560x128xi32, #tpu.memory_space<hbm>> -> memref<80x128xi32, #tpu.memory_space<hbm>>
      tpu.enqueue_dma source(%dma_start3A_29 : memref<80x128xi32, #tpu.memory_space<hbm>>) target(%arg9 : memref<80x128xi32, #tpu.memory_space<vmem>>) target_semaphore(%run_scoped3A_7 : memref<!tpu.dma_semaphore, #tpu.memory_space<semaphore_mem>>)
      %mul3A_30 = arith.constant 80 : i32
      %mul3A_31 = arith.muli %add3A, %mul3A_30 : i32
      %dma_start3A_32 = arith.constant 0 : i32
      %dma_start3A_33 = tpu.memref_slice %arg4[%mul3A_31, %dma_start3A_32] : memref<2560x128xi32, #tpu.memory_space<hbm>> -> memref<80x128xi32, #tpu.memory_space<hbm>>
      %dma_start3A_34 = arith.constant 0 : i32
      %dma_start3A_35 = tpu.memref_slice %arg4[%mul3A_31, %dma_start3A_34] : memref<2560x128xi32, #tpu.memory_space<hbm>> -> memref<80x128xi32, #tpu.memory_space<hbm>>
      tpu.enqueue_dma source(%dma_start3A_35 : memref<80x128xi32, #tpu.memory_space<hbm>>) target(%arg10 : memref<80x128xi32, #tpu.memory_space<vmem>>) target_semaphore(%run_scoped3A_8 : memref<!tpu.dma_semaphore, #tpu.memory_space<semaphore_mem>>)
      %dma_wait3A = arith.constant 0 : i32
      %dma_wait3A_36 = tpu.memref_slice %arg7[%mul3A_12, %dma_wait3A] : memref<10016x16xf32, #tpu.memory_space<vmem_shared>> -> memref<626x16xf32, #tpu.memory_space<vmem_shared>>
      %dma_wait3A_37 = arith.constant 0 : i32
      %dma_wait3A_38 = tpu.memref_slice %arg5[%mul3A_10, %dma_wait3A_37] : memref<10016x16xf32, #tpu.memory_space<hbm>> -> memref<626x16xf32, #tpu.memory_space<hbm>>
      tpu.wait_dma2 semaphore(%run_scoped3A : memref<!tpu.dma_semaphore, #tpu.memory_space<semaphore_mem>>) src(%dma_wait3A_38 : memref<626x16xf32, #tpu.memory_space<hbm>>) dst(%dma_wait3A_36 : memref<626x16xf32, #tpu.memory_space<vmem_shared>>)
      %dma_wait3A_39 = arith.constant 0 : i32
      %dma_wait3A_40 = tpu.memref_slice %arg8[%mul3A_19, %dma_wait3A_39] : memref<10000x16xf32, #tpu.memory_space<vmem_shared>> -> memref<625x16xf32, #tpu.memory_space<vmem_shared>>
      %dma_wait3A_41 = arith.constant 0 : i32
      %dma_wait3A_42 = tpu.memref_slice %arg2[%mul3A_17, %dma_wait3A_41] : memref<10000x16xf32, #tpu.memory_space<hbm>> -> memref<625x16xf32, #tpu.memory_space<hbm>>
      tpu.wait_dma2 semaphore(%run_scoped3A_6 : memref<!tpu.dma_semaphore, #tpu.memory_space<semaphore_mem>>) src(%dma_wait3A_42 : memref<625x16xf32, #tpu.memory_space<hbm>>) dst(%dma_wait3A_40 : memref<625x16xf32, #tpu.memory_space<vmem_shared>>)
      %dma_wait3A_43 = arith.constant 0 : i32
      %dma_wait3A_44 = tpu.memref_slice %arg3[%mul3A_25, %dma_wait3A_43] : memref<2560x128xi32, #tpu.memory_space<hbm>> -> memref<80x128xi32, #tpu.memory_space<hbm>>
      %dma_wait3A_45 = arith.constant 0 : i32
      %dma_wait3A_46 = tpu.memref_slice %arg3[%mul3A_25, %dma_wait3A_45] : memref<2560x128xi32, #tpu.memory_space<hbm>> -> memref<80x128xi32, #tpu.memory_space<hbm>>
      tpu.wait_dma2 semaphore(%run_scoped3A_7 : memref<!tpu.dma_semaphore, #tpu.memory_space<semaphore_mem>>) src(%dma_wait3A_46 : memref<80x128xi32, #tpu.memory_space<hbm>>) dst(%arg9 : memref<80x128xi32, #tpu.memory_space<vmem>>)
      %dma_wait3A_47 = arith.constant 0 : i32
      %dma_wait3A_48 = tpu.memref_slice %arg4[%mul3A_31, %dma_wait3A_47] : memref<2560x128xi32, #tpu.memory_space<hbm>> -> memref<80x128xi32, #tpu.memory_space<hbm>>
      %dma_wait3A_49 = arith.constant 0 : i32
      %dma_wait3A_50 = tpu.memref_slice %arg4[%mul3A_31, %dma_wait3A_49] : memref<2560x128xi32, #tpu.memory_space<hbm>> -> memref<80x128xi32, #tpu.memory_space<hbm>>
      tpu.wait_dma2 semaphore(%run_scoped3A_8 : memref<!tpu.dma_semaphore, #tpu.memory_space<semaphore_mem>>) src(%dma_wait3A_50 : memref<80x128xi32, #tpu.memory_space<hbm>>) dst(%arg10 : memref<80x128xi32, #tpu.memory_space<vmem>>)
      tpu.yield
    }) : () -> ()
    %barrier3A = arith.constant 0 : index
    tpu.barrier barrier_id(%barrier3A)
    "tpu.region"() ({
      %run_scoped3A = tpu.sem_alloc : memref<!tpu.dma_semaphore, #tpu.memory_space<semaphore_mem>>
      %run_scoped3A_6 = tpu.sem_alloc : memref<!tpu.dma_semaphore, #tpu.memory_space<semaphore_mem>>
      %scan3A = arith.constant 0 : i32
      %scan3A_7 = arith.constant 0 : i32
      %scan3A_8 = arith.constant 20 : i32
      %scan3A_9 = arith.addi %scan3A_7, %scan3A_8 : i32
      %scan3A_10 = arith.constant 1 : i32
      scf.for %scan3A_101 = %scan3A_7 to %scan3A_9 step %scan3A_10  : i32 {
        %add3A_102 = arith.constant 0 : i32
        %add3A_103 = arith.addi %add3A_102, %scan3A_101 : i32
        %mul3A_104 = arith.constant 128 : i32
        %mul3A_105 = arith.muli %scan3A_101, %mul3A_104 : i32
        %dma_start3A = arith.constant 0 : i32
        %dma_start3A_106 = tpu.memref_slice %arg11[%mul3A_105, %dma_start3A] : memref<2560x16xf32, #tpu.memory_space<vmem>> -> memref<128x16xf32, #tpu.memory_space<vmem>>
        %dma_start3A_107 = arith.constant 0 : i32
        %dma_start3A_108 = tpu.memref_slice %arg9[%add3A_103, %dma_start3A_107] : memref<80x128xi32, #tpu.memory_space<vmem>> -> memref<1x128xi32, #tpu.memory_space<vmem>>
        %dma_start3A_109 = tpu.memref_squeeze %dma_start3A_108 : memref<1x128xi32, #tpu.memory_space<vmem>> -> memref<128xi32, #tpu.memory_space<vmem>>
        %dma_start3A_110 = arith.constant 0 : i32
        %dma_start3A_111 = arith.constant 0 : i32
        %dma_start3A_112 = tpu.memref_slice %arg8[%dma_start3A_110, %dma_start3A_111] : memref<10000x16xf32, #tpu.memory_space<vmem_shared>> -> memref<10000x16xf32, #tpu.memory_space<vmem_shared>>
        tpu.enqueue_indirect_dma source(%dma_start3A_112 : memref<10000x16xf32, #tpu.memory_space<vmem_shared>>) target(%dma_start3A_106 : memref<128x16xf32, #tpu.memory_space<vmem>>) offsets(%dma_start3A_109 : memref<128xi32, #tpu.memory_space<vmem>>) semaphore(%run_scoped3A : memref<!tpu.dma_semaphore, #tpu.memory_space<semaphore_mem>>)
      }
      %scan3A_11 = arith.constant 20 : i32
      %dma_wait3A = arith.constant 0 : i32
      %dma_wait3A_12 = arith.constant 0 : i32
      %dma_wait3A_13 = tpu.memref_slice %arg5[%dma_wait3A, %dma_wait3A_12] : memref<10016x16xf32, #tpu.memory_space<hbm>> -> memref<2560x16xf32, #tpu.memory_space<hbm>>
      %dma_wait3A_14 = arith.constant 0 : i32
      %dma_wait3A_15 = arith.constant 0 : i32
      %dma_wait3A_16 = tpu.memref_slice %arg5[%dma_wait3A_14, %dma_wait3A_15] : memref<10016x16xf32, #tpu.memory_space<hbm>> -> memref<2560x16xf32, #tpu.memory_space<hbm>>
      tpu.wait_dma2 semaphore(%run_scoped3A : memref<!tpu.dma_semaphore, #tpu.memory_space<semaphore_mem>>) src(%dma_wait3A_16 : memref<2560x16xf32, #tpu.memory_space<hbm>>) dst(%arg11 : memref<2560x16xf32, #tpu.memory_space<vmem>>)
      %scan3A_17 = arith.constant 0 : i32
      %scan3A_18 = arith.constant 0 : i32
      %scan3A_19 = arith.constant 20 : i32
      %scan3A_20 = arith.addi %scan3A_18, %scan3A_19 : i32
      %scan3A_21 = arith.constant 1 : i32
      scf.for %scan3A_101 = %scan3A_18 to %scan3A_20 step %scan3A_21  : i32 {
        %mul3A_102 = arith.constant 128 : i32
        %mul3A_103 = arith.muli %scan3A_101, %mul3A_102 : i32
        %add3A_104 = arith.constant 0 : i32
        %add3A_105 = arith.addi %add3A_104, %scan3A_101 : i32
        %dma_start3A = arith.constant 0 : i32
        %dma_start3A_106 = tpu.memref_slice %arg11[%mul3A_103, %dma_start3A] : memref<2560x16xf32, #tpu.memory_space<vmem>> -> memref<128x16xf32, #tpu.memory_space<vmem>>
        %dma_start3A_107 = arith.constant 0 : i32
        %dma_start3A_108 = tpu.memref_slice %arg10[%add3A_105, %dma_start3A_107] : memref<80x128xi32, #tpu.memory_space<vmem>> -> memref<1x128xi32, #tpu.memory_space<vmem>>
        %dma_start3A_109 = tpu.memref_squeeze %dma_start3A_108 : memref<1x128xi32, #tpu.memory_space<vmem>> -> memref<128xi32, #tpu.memory_space<vmem>>
        %dma_start3A_110 = arith.constant 0 : i32
        %dma_start3A_111 = arith.constant 0 : i32
        %dma_start3A_112 = tpu.memref_slice %arg7[%dma_start3A_110, %dma_start3A_111] : memref<10016x16xf32, #tpu.memory_space<vmem_shared>> -> memref<10016x16xf32, #tpu.memory_space<vmem_shared>>
        tpu.enqueue_indirect_dma source(%dma_start3A_106 : memref<128x16xf32, #tpu.memory_space<vmem>>) target(%dma_start3A_112 : memref<10016x16xf32, #tpu.memory_space<vmem_shared>>) offsets(%dma_start3A_109 : memref<128xi32, #tpu.memory_space<vmem>>) semaphore(%run_scoped3A_6 : memref<!tpu.dma_semaphore, #tpu.memory_space<semaphore_mem>>) {add = true}
      }
      %scan3A_22 = arith.constant 20 : i32
      %scan3A_23 = arith.constant 0 : i32
      %scan3A_24 = arith.constant 0 : i32
      %scan3A_25 = arith.constant 20 : i32
      %scan3A_26 = arith.addi %scan3A_24, %scan3A_25 : i32
      %scan3A_27 = arith.constant 1 : i32
      scf.for %scan3A_101 = %scan3A_24 to %scan3A_26 step %scan3A_27  : i32 {
        %add3A_102 = arith.constant 20 : i32
        %add3A_103 = arith.addi %add3A_102, %scan3A_101 : i32
        %mul3A_104 = arith.constant 128 : i32
        %mul3A_105 = arith.muli %scan3A_101, %mul3A_104 : i32
        %dma_start3A = arith.constant 0 : i32
        %dma_start3A_106 = tpu.memref_slice %arg12[%mul3A_105, %dma_start3A] : memref<2560x16xf32, #tpu.memory_space<vmem>> -> memref<128x16xf32, #tpu.memory_space<vmem>>
        %dma_start3A_107 = arith.constant 0 : i32
        %dma_start3A_108 = tpu.memref_slice %arg9[%add3A_103, %dma_start3A_107] : memref<80x128xi32, #tpu.memory_space<vmem>> -> memref<1x128xi32, #tpu.memory_space<vmem>>
        %dma_start3A_109 = tpu.memref_squeeze %dma_start3A_108 : memref<1x128xi32, #tpu.memory_space<vmem>> -> memref<128xi32, #tpu.memory_space<vmem>>
        %dma_start3A_110 = arith.constant 0 : i32
        %dma_start3A_111 = arith.constant 0 : i32
        %dma_start3A_112 = tpu.memref_slice %arg8[%dma_start3A_110, %dma_start3A_111] : memref<10000x16xf32, #tpu.memory_space<vmem_shared>> -> memref<10000x16xf32, #tpu.memory_space<vmem_shared>>
        tpu.enqueue_indirect_dma source(%dma_start3A_112 : memref<10000x16xf32, #tpu.memory_space<vmem_shared>>) target(%dma_start3A_106 : memref<128x16xf32, #tpu.memory_space<vmem>>) offsets(%dma_start3A_109 : memref<128xi32, #tpu.memory_space<vmem>>) semaphore(%run_scoped3A : memref<!tpu.dma_semaphore, #tpu.memory_space<semaphore_mem>>)
      }
      %scan3A_28 = arith.constant 20 : i32
      %dma_wait3A_29 = arith.constant 0 : i32
      %dma_wait3A_30 = arith.constant 0 : i32
      %dma_wait3A_31 = tpu.memref_slice %arg5[%dma_wait3A_29, %dma_wait3A_30] : memref<10016x16xf32, #tpu.memory_space<hbm>> -> memref<2560x16xf32, #tpu.memory_space<hbm>>
      %dma_wait3A_32 = arith.constant 0 : i32
      %dma_wait3A_33 = arith.constant 0 : i32
      %dma_wait3A_34 = tpu.memref_slice %arg5[%dma_wait3A_32, %dma_wait3A_33] : memref<10016x16xf32, #tpu.memory_space<hbm>> -> memref<2560x16xf32, #tpu.memory_space<hbm>>
      tpu.wait_dma2 semaphore(%run_scoped3A_6 : memref<!tpu.dma_semaphore, #tpu.memory_space<semaphore_mem>>) src(%dma_wait3A_34 : memref<2560x16xf32, #tpu.memory_space<hbm>>) dst(%arg11 : memref<2560x16xf32, #tpu.memory_space<vmem>>)
      %dma_wait3A_35 = arith.constant 0 : i32
      %dma_wait3A_36 = arith.constant 0 : i32
      %dma_wait3A_37 = tpu.memref_slice %arg5[%dma_wait3A_35, %dma_wait3A_36] : memref<10016x16xf32, #tpu.memory_space<hbm>> -> memref<2560x16xf32, #tpu.memory_space<hbm>>
      %dma_wait3A_38 = arith.constant 0 : i32
      %dma_wait3A_39 = arith.constant 0 : i32
      %dma_wait3A_40 = tpu.memref_slice %arg5[%dma_wait3A_38, %dma_wait3A_39] : memref<10016x16xf32, #tpu.memory_space<hbm>> -> memref<2560x16xf32, #tpu.memory_space<hbm>>
      tpu.wait_dma2 semaphore(%run_scoped3A : memref<!tpu.dma_semaphore, #tpu.memory_space<semaphore_mem>>) src(%dma_wait3A_40 : memref<2560x16xf32, #tpu.memory_space<hbm>>) dst(%arg11 : memref<2560x16xf32, #tpu.memory_space<vmem>>)
      %scan3A_41 = arith.constant 0 : i32
      %scan3A_42 = arith.constant 0 : i32
      %scan3A_43 = arith.constant 20 : i32
      %scan3A_44 = arith.addi %scan3A_42, %scan3A_43 : i32
      %scan3A_45 = arith.constant 1 : i32
      scf.for %scan3A_101 = %scan3A_42 to %scan3A_44 step %scan3A_45  : i32 {
        %mul3A_102 = arith.constant 128 : i32
        %mul3A_103 = arith.muli %scan3A_101, %mul3A_102 : i32
        %add3A_104 = arith.constant 20 : i32
        %add3A_105 = arith.addi %add3A_104, %scan3A_101 : i32
        %dma_start3A = arith.constant 0 : i32
        %dma_start3A_106 = tpu.memref_slice %arg12[%mul3A_103, %dma_start3A] : memref<2560x16xf32, #tpu.memory_space<vmem>> -> memref<128x16xf32, #tpu.memory_space<vmem>>
        %dma_start3A_107 = arith.constant 0 : i32
        %dma_start3A_108 = tpu.memref_slice %arg10[%add3A_105, %dma_start3A_107] : memref<80x128xi32, #tpu.memory_space<vmem>> -> memref<1x128xi32, #tpu.memory_space<vmem>>
        %dma_start3A_109 = tpu.memref_squeeze %dma_start3A_108 : memref<1x128xi32, #tpu.memory_space<vmem>> -> memref<128xi32, #tpu.memory_space<vmem>>
        %dma_start3A_110 = arith.constant 0 : i32
        %dma_start3A_111 = arith.constant 0 : i32
        %dma_start3A_112 = tpu.memref_slice %arg7[%dma_start3A_110, %dma_start3A_111] : memref<10016x16xf32, #tpu.memory_space<vmem_shared>> -> memref<10016x16xf32, #tpu.memory_space<vmem_shared>>
        tpu.enqueue_indirect_dma source(%dma_start3A_106 : memref<128x16xf32, #tpu.memory_space<vmem>>) target(%dma_start3A_112 : memref<10016x16xf32, #tpu.memory_space<vmem_shared>>) offsets(%dma_start3A_109 : memref<128xi32, #tpu.memory_space<vmem>>) semaphore(%run_scoped3A_6 : memref<!tpu.dma_semaphore, #tpu.memory_space<semaphore_mem>>) {add = true}
      }
      %scan3A_46 = arith.constant 20 : i32
      %scan3A_47 = arith.constant 0 : i32
      %scan3A_48 = arith.constant 0 : i32
      %scan3A_49 = arith.constant 20 : i32
      %scan3A_50 = arith.addi %scan3A_48, %scan3A_49 : i32
      %scan3A_51 = arith.constant 1 : i32
      scf.for %scan3A_101 = %scan3A_48 to %scan3A_50 step %scan3A_51  : i32 {
        %add3A_102 = arith.constant 40 : i32
        %add3A_103 = arith.addi %add3A_102, %scan3A_101 : i32
        %mul3A_104 = arith.constant 128 : i32
        %mul3A_105 = arith.muli %scan3A_101, %mul3A_104 : i32
        %dma_start3A = arith.constant 0 : i32
        %dma_start3A_106 = tpu.memref_slice %arg11[%mul3A_105, %dma_start3A] : memref<2560x16xf32, #tpu.memory_space<vmem>> -> memref<128x16xf32, #tpu.memory_space<vmem>>
        %dma_start3A_107 = arith.constant 0 : i32
        %dma_start3A_108 = tpu.memref_slice %arg9[%add3A_103, %dma_start3A_107] : memref<80x128xi32, #tpu.memory_space<vmem>> -> memref<1x128xi32, #tpu.memory_space<vmem>>
        %dma_start3A_109 = tpu.memref_squeeze %dma_start3A_108 : memref<1x128xi32, #tpu.memory_space<vmem>> -> memref<128xi32, #tpu.memory_space<vmem>>
        %dma_start3A_110 = arith.constant 0 : i32
        %dma_start3A_111 = arith.constant 0 : i32
        %dma_start3A_112 = tpu.memref_slice %arg8[%dma_start3A_110, %dma_start3A_111] : memref<10000x16xf32, #tpu.memory_space<vmem_shared>> -> memref<10000x16xf32, #tpu.memory_space<vmem_shared>>
        tpu.enqueue_indirect_dma source(%dma_start3A_112 : memref<10000x16xf32, #tpu.memory_space<vmem_shared>>) target(%dma_start3A_106 : memref<128x16xf32, #tpu.memory_space<vmem>>) offsets(%dma_start3A_109 : memref<128xi32, #tpu.memory_space<vmem>>) semaphore(%run_scoped3A : memref<!tpu.dma_semaphore, #tpu.memory_space<semaphore_mem>>)
      }
      %scan3A_52 = arith.constant 20 : i32
      %dma_wait3A_53 = arith.constant 0 : i32
      %dma_wait3A_54 = arith.constant 0 : i32
      %dma_wait3A_55 = tpu.memref_slice %arg5[%dma_wait3A_53, %dma_wait3A_54] : memref<10016x16xf32, #tpu.memory_space<hbm>> -> memref<2560x16xf32, #tpu.memory_space<hbm>>
      %dma_wait3A_56 = arith.constant 0 : i32
      %dma_wait3A_57 = arith.constant 0 : i32
      %dma_wait3A_58 = tpu.memref_slice %arg5[%dma_wait3A_56, %dma_wait3A_57] : memref<10016x16xf32, #tpu.memory_space<hbm>> -> memref<2560x16xf32, #tpu.memory_space<hbm>>
      tpu.wait_dma2 semaphore(%run_scoped3A_6 : memref<!tpu.dma_semaphore, #tpu.memory_space<semaphore_mem>>) src(%dma_wait3A_58 : memref<2560x16xf32, #tpu.memory_space<hbm>>) dst(%arg11 : memref<2560x16xf32, #tpu.memory_space<vmem>>)
      %dma_wait3A_59 = arith.constant 0 : i32
      %dma_wait3A_60 = arith.constant 0 : i32
      %dma_wait3A_61 = tpu.memref_slice %arg5[%dma_wait3A_59, %dma_wait3A_60] : memref<10016x16xf32, #tpu.memory_space<hbm>> -> memref<2560x16xf32, #tpu.memory_space<hbm>>
      %dma_wait3A_62 = arith.constant 0 : i32
      %dma_wait3A_63 = arith.constant 0 : i32
      %dma_wait3A_64 = tpu.memref_slice %arg5[%dma_wait3A_62, %dma_wait3A_63] : memref<10016x16xf32, #tpu.memory_space<hbm>> -> memref<2560x16xf32, #tpu.memory_space<hbm>>
      tpu.wait_dma2 semaphore(%run_scoped3A : memref<!tpu.dma_semaphore, #tpu.memory_space<semaphore_mem>>) src(%dma_wait3A_64 : memref<2560x16xf32, #tpu.memory_space<hbm>>) dst(%arg11 : memref<2560x16xf32, #tpu.memory_space<vmem>>)
      %scan3A_65 = arith.constant 0 : i32
      %scan3A_66 = arith.constant 0 : i32
      %scan3A_67 = arith.constant 20 : i32
      %scan3A_68 = arith.addi %scan3A_66, %scan3A_67 : i32
      %scan3A_69 = arith.constant 1 : i32
      scf.for %scan3A_101 = %scan3A_66 to %scan3A_68 step %scan3A_69  : i32 {
        %mul3A_102 = arith.constant 128 : i32
        %mul3A_103 = arith.muli %scan3A_101, %mul3A_102 : i32
        %add3A_104 = arith.constant 40 : i32
        %add3A_105 = arith.addi %add3A_104, %scan3A_101 : i32
        %dma_start3A = arith.constant 0 : i32
        %dma_start3A_106 = tpu.memref_slice %arg11[%mul3A_103, %dma_start3A] : memref<2560x16xf32, #tpu.memory_space<vmem>> -> memref<128x16xf32, #tpu.memory_space<vmem>>
        %dma_start3A_107 = arith.constant 0 : i32
        %dma_start3A_108 = tpu.memref_slice %arg10[%add3A_105, %dma_start3A_107] : memref<80x128xi32, #tpu.memory_space<vmem>> -> memref<1x128xi32, #tpu.memory_space<vmem>>
        %dma_start3A_109 = tpu.memref_squeeze %dma_start3A_108 : memref<1x128xi32, #tpu.memory_space<vmem>> -> memref<128xi32, #tpu.memory_space<vmem>>
        %dma_start3A_110 = arith.constant 0 : i32
        %dma_start3A_111 = arith.constant 0 : i32
        %dma_start3A_112 = tpu.memref_slice %arg7[%dma_start3A_110, %dma_start3A_111] : memref<10016x16xf32, #tpu.memory_space<vmem_shared>> -> memref<10016x16xf32, #tpu.memory_space<vmem_shared>>
        tpu.enqueue_indirect_dma source(%dma_start3A_106 : memref<128x16xf32, #tpu.memory_space<vmem>>) target(%dma_start3A_112 : memref<10016x16xf32, #tpu.memory_space<vmem_shared>>) offsets(%dma_start3A_109 : memref<128xi32, #tpu.memory_space<vmem>>) semaphore(%run_scoped3A_6 : memref<!tpu.dma_semaphore, #tpu.memory_space<semaphore_mem>>) {add = true}
      }
      %scan3A_70 = arith.constant 20 : i32
      %scan3A_71 = arith.constant 0 : i32
      %scan3A_72 = arith.constant 0 : i32
      %scan3A_73 = arith.constant 20 : i32
      %scan3A_74 = arith.addi %scan3A_72, %scan3A_73 : i32
      %scan3A_75 = arith.constant 1 : i32
      scf.for %scan3A_101 = %scan3A_72 to %scan3A_74 step %scan3A_75  : i32 {
        %add3A_102 = arith.constant 60 : i32
        %add3A_103 = arith.addi %add3A_102, %scan3A_101 : i32
        %mul3A_104 = arith.constant 128 : i32
        %mul3A_105 = arith.muli %scan3A_101, %mul3A_104 : i32
        %dma_start3A = arith.constant 0 : i32
        %dma_start3A_106 = tpu.memref_slice %arg12[%mul3A_105, %dma_start3A] : memref<2560x16xf32, #tpu.memory_space<vmem>> -> memref<128x16xf32, #tpu.memory_space<vmem>>
        %dma_start3A_107 = arith.constant 0 : i32
        %dma_start3A_108 = tpu.memref_slice %arg9[%add3A_103, %dma_start3A_107] : memref<80x128xi32, #tpu.memory_space<vmem>> -> memref<1x128xi32, #tpu.memory_space<vmem>>
        %dma_start3A_109 = tpu.memref_squeeze %dma_start3A_108 : memref<1x128xi32, #tpu.memory_space<vmem>> -> memref<128xi32, #tpu.memory_space<vmem>>
        %dma_start3A_110 = arith.constant 0 : i32
        %dma_start3A_111 = arith.constant 0 : i32
        %dma_start3A_112 = tpu.memref_slice %arg8[%dma_start3A_110, %dma_start3A_111] : memref<10000x16xf32, #tpu.memory_space<vmem_shared>> -> memref<10000x16xf32, #tpu.memory_space<vmem_shared>>
        tpu.enqueue_indirect_dma source(%dma_start3A_112 : memref<10000x16xf32, #tpu.memory_space<vmem_shared>>) target(%dma_start3A_106 : memref<128x16xf32, #tpu.memory_space<vmem>>) offsets(%dma_start3A_109 : memref<128xi32, #tpu.memory_space<vmem>>) semaphore(%run_scoped3A : memref<!tpu.dma_semaphore, #tpu.memory_space<semaphore_mem>>)
      }
      %scan3A_76 = arith.constant 20 : i32
      %dma_wait3A_77 = arith.constant 0 : i32
      %dma_wait3A_78 = arith.constant 0 : i32
      %dma_wait3A_79 = tpu.memref_slice %arg5[%dma_wait3A_77, %dma_wait3A_78] : memref<10016x16xf32, #tpu.memory_space<hbm>> -> memref<2560x16xf32, #tpu.memory_space<hbm>>
      %dma_wait3A_80 = arith.constant 0 : i32
      %dma_wait3A_81 = arith.constant 0 : i32
      %dma_wait3A_82 = tpu.memref_slice %arg5[%dma_wait3A_80, %dma_wait3A_81] : memref<10016x16xf32, #tpu.memory_space<hbm>> -> memref<2560x16xf32, #tpu.memory_space<hbm>>
      tpu.wait_dma2 semaphore(%run_scoped3A_6 : memref<!tpu.dma_semaphore, #tpu.memory_space<semaphore_mem>>) src(%dma_wait3A_82 : memref<2560x16xf32, #tpu.memory_space<hbm>>) dst(%arg11 : memref<2560x16xf32, #tpu.memory_space<vmem>>)
      %dma_wait3A_83 = arith.constant 0 : i32
      %dma_wait3A_84 = arith.constant 0 : i32
      %dma_wait3A_85 = tpu.memref_slice %arg5[%dma_wait3A_83, %dma_wait3A_84] : memref<10016x16xf32, #tpu.memory_space<hbm>> -> memref<2560x16xf32, #tpu.memory_space<hbm>>
      %dma_wait3A_86 = arith.constant 0 : i32
      %dma_wait3A_87 = arith.constant 0 : i32
      %dma_wait3A_88 = tpu.memref_slice %arg5[%dma_wait3A_86, %dma_wait3A_87] : memref<10016x16xf32, #tpu.memory_space<hbm>> -> memref<2560x16xf32, #tpu.memory_space<hbm>>
      tpu.wait_dma2 semaphore(%run_scoped3A : memref<!tpu.dma_semaphore, #tpu.memory_space<semaphore_mem>>) src(%dma_wait3A_88 : memref<2560x16xf32, #tpu.memory_space<hbm>>) dst(%arg11 : memref<2560x16xf32, #tpu.memory_space<vmem>>)
      %scan3A_89 = arith.constant 0 : i32
      %scan3A_90 = arith.constant 0 : i32
      %scan3A_91 = arith.constant 20 : i32
      %scan3A_92 = arith.addi %scan3A_90, %scan3A_91 : i32
      %scan3A_93 = arith.constant 1 : i32
      scf.for %scan3A_101 = %scan3A_90 to %scan3A_92 step %scan3A_93  : i32 {
        %mul3A_102 = arith.constant 128 : i32
        %mul3A_103 = arith.muli %scan3A_101, %mul3A_102 : i32
        %add3A_104 = arith.constant 60 : i32
        %add3A_105 = arith.addi %add3A_104, %scan3A_101 : i32
        %dma_start3A = arith.constant 0 : i32
        %dma_start3A_106 = tpu.memref_slice %arg12[%mul3A_103, %dma_start3A] : memref<2560x16xf32, #tpu.memory_space<vmem>> -> memref<128x16xf32, #tpu.memory_space<vmem>>
        %dma_start3A_107 = arith.constant 0 : i32
        %dma_start3A_108 = tpu.memref_slice %arg10[%add3A_105, %dma_start3A_107] : memref<80x128xi32, #tpu.memory_space<vmem>> -> memref<1x128xi32, #tpu.memory_space<vmem>>
        %dma_start3A_109 = tpu.memref_squeeze %dma_start3A_108 : memref<1x128xi32, #tpu.memory_space<vmem>> -> memref<128xi32, #tpu.memory_space<vmem>>
        %dma_start3A_110 = arith.constant 0 : i32
        %dma_start3A_111 = arith.constant 0 : i32
        %dma_start3A_112 = tpu.memref_slice %arg7[%dma_start3A_110, %dma_start3A_111] : memref<10016x16xf32, #tpu.memory_space<vmem_shared>> -> memref<10016x16xf32, #tpu.memory_space<vmem_shared>>
        tpu.enqueue_indirect_dma source(%dma_start3A_106 : memref<128x16xf32, #tpu.memory_space<vmem>>) target(%dma_start3A_112 : memref<10016x16xf32, #tpu.memory_space<vmem_shared>>) offsets(%dma_start3A_109 : memref<128xi32, #tpu.memory_space<vmem>>) semaphore(%run_scoped3A_6 : memref<!tpu.dma_semaphore, #tpu.memory_space<semaphore_mem>>) {add = true}
      }
      %scan3A_94 = arith.constant 20 : i32
      %dma_wait3A_95 = arith.constant 0 : i32
      %dma_wait3A_96 = arith.constant 0 : i32
      %dma_wait3A_97 = tpu.memref_slice %arg5[%dma_wait3A_95, %dma_wait3A_96] : memref<10016x16xf32, #tpu.memory_space<hbm>> -> memref<2560x16xf32, #tpu.memory_space<hbm>>
      %dma_wait3A_98 = arith.constant 0 : i32
      %dma_wait3A_99 = arith.constant 0 : i32
      %dma_wait3A_100 = tpu.memref_slice %arg5[%dma_wait3A_98, %dma_wait3A_99] : memref<10016x16xf32, #tpu.memory_space<hbm>> -> memref<2560x16xf32, #tpu.memory_space<hbm>>
      tpu.wait_dma2 semaphore(%run_scoped3A_6 : memref<!tpu.dma_semaphore, #tpu.memory_space<semaphore_mem>>) src(%dma_wait3A_100 : memref<2560x16xf32, #tpu.memory_space<hbm>>) dst(%arg11 : memref<2560x16xf32, #tpu.memory_space<vmem>>)
      tpu.yield
    }) : () -> ()
    %barrier3A_1 = arith.constant 0 : index
    tpu.barrier barrier_id(%barrier3A_1)
    %mul3A_2 = arith.constant 625 : i32
    %mul3A_3 = arith.muli %arg1, %mul3A_2 : i32
    %mul3A_4 = arith.constant 625 : i32
    %mul3A_5 = arith.muli %arg1, %mul3A_4 : i32
    "tpu.region"() ({
      %run_scoped3A = tpu.sem_alloc : memref<!tpu.dma_semaphore, #tpu.memory_space<semaphore_mem>>
      %dma_start3A = arith.constant 0 : i32
      %dma_start3A_6 = arith.constant 0 : i32
      %dma_start3A_7 = tpu.memref_slice %arg6[%arg0, %dma_start3A, %dma_start3A_6] : memref<2x10000x16xf32, #tpu.memory_space<hbm>> -> memref<1x10000x16xf32, #tpu.memory_space<hbm>>
      %dma_start3A_8 = tpu.memref_squeeze %dma_start3A_7 : memref<1x10000x16xf32, #tpu.memory_space<hbm>> -> memref<10000x16xf32, #tpu.memory_space<hbm>>
      %dma_start3A_9 = arith.constant 0 : i32
      %dma_start3A_10 = tpu.memref_slice %dma_start3A_8[%mul3A_5, %dma_start3A_9] : memref<10000x16xf32, #tpu.memory_space<hbm>> -> memref<625x16xf32, #tpu.memory_space<hbm>>
      %dma_start3A_11 = arith.constant 0 : i32
      %dma_start3A_12 = tpu.memref_slice %arg7[%mul3A_3, %dma_start3A_11] : memref<10016x16xf32, #tpu.memory_space<vmem_shared>> -> memref<625x16xf32, #tpu.memory_space<vmem_shared>>
      tpu.enqueue_dma source(%dma_start3A_12 : memref<625x16xf32, #tpu.memory_space<vmem_shared>>) target(%dma_start3A_10 : memref<625x16xf32, #tpu.memory_space<hbm>>) target_semaphore(%run_scoped3A : memref<!tpu.dma_semaphore, #tpu.memory_space<semaphore_mem>>)
      %dma_wait3A = arith.constant 0 : i32
      %dma_wait3A_13 = arith.constant 0 : i32
      %dma_wait3A_14 = tpu.memref_slice %arg6[%arg0, %dma_wait3A, %dma_wait3A_13] : memref<2x10000x16xf32, #tpu.memory_space<hbm>> -> memref<1x10000x16xf32, #tpu.memory_space<hbm>>
      %dma_wait3A_15 = tpu.memref_squeeze %dma_wait3A_14 : memref<1x10000x16xf32, #tpu.memory_space<hbm>> -> memref<10000x16xf32, #tpu.memory_space<hbm>>
      %dma_wait3A_16 = arith.constant 0 : i32
      %dma_wait3A_17 = tpu.memref_slice %dma_wait3A_15[%mul3A_5, %dma_wait3A_16] : memref<10000x16xf32, #tpu.memory_space<hbm>> -> memref<625x16xf32, #tpu.memory_space<hbm>>
      %dma_wait3A_18 = arith.constant 0 : i32
      %dma_wait3A_19 = tpu.memref_slice %arg7[%mul3A_3, %dma_wait3A_18] : memref<10016x16xf32, #tpu.memory_space<vmem_shared>> -> memref<625x16xf32, #tpu.memory_space<vmem_shared>>
      tpu.wait_dma2 semaphore(%run_scoped3A : memref<!tpu.dma_semaphore, #tpu.memory_space<semaphore_mem>>) src(%dma_wait3A_19 : memref<625x16xf32, #tpu.memory_space<vmem_shared>>) dst(%dma_wait3A_17 : memref<625x16xf32, #tpu.memory_space<hbm>>)
      tpu.yield
    }) : () -> ()
    return
  }
}

#map = affine_map<(d0, d1) -> (0, 0)>
#map1 = affine_map<(d0, d1) -> (0, 0, 0)>
module attributes {stable_mosaic.version = 14 : i64} {
  func.func @body(%arg0: i32, %arg1: i32, %arg2: memref<10000x16xf32, #tpu.memory_space<hbm>>, %arg3: memref<2560x128xi32, #tpu.memory_space<hbm>>, %arg4: memref<2560x128xi32, #tpu.memory_space<hbm>>, %arg5: memref<10016x16xf32, #tpu.memory_space<hbm>>, %arg6: memref<2x10000x16xf32, #tpu.memory_space<hbm>>, %arg7: memref<10016x16xf32, #tpu.memory_space<vmem_shared>>, %arg8: memref<10000x16xf32, #tpu.memory_space<vmem_shared>>, %arg9: memref<80x128xi32, #tpu.memory_space<vmem>>, %arg10: memref<80x128xi32, #tpu.memory_space<vmem>>, %arg11: memref<2560x16xf32, #tpu.memory_space<vmem>>, %arg12: memref<2560x16xf32, #tpu.memory_space<vmem>>) attributes {dimension_semantics = [#tpu.dimension_semantics<core_parallel>, #tpu.dimension_semantics<subcore_parallel>], iteration_bounds = array<i64: 2, 16>, scalar_prefetch = 0 : i64, scratch_operands = 6 : i64, tpu.core_type = #tpu.core_type<sc_vector_subcore>, window_params = [{transform_indices = #map}, {transform_indices = #map}, {transform_indices = #map}, {transform_indices = #map}, {transform_indices = #map1}]} {
    %mul3A = arith.constant 16 : i32
    %mul3A_0 = arith.muli %arg0, %mul3A : i32
    %add3A = arith.addi %mul3A_0, %arg1 : i32
    "tpu.region"() ({
      %run_scoped3A = tpu.sem_alloc : memref<!tpu.dma_semaphore, #tpu.memory_space<semaphore_mem>>
      %run_scoped3A_6 = tpu.sem_alloc : memref<!tpu.dma_semaphore, #tpu.memory_space<semaphore_mem>>
      %run_scoped3A_7 = tpu.sem_alloc : memref<!tpu.dma_semaphore, #tpu.memory_space<semaphore_mem>>
      %run_scoped3A_8 = tpu.sem_alloc : memref<!tpu.dma_semaphore, #tpu.memory_space<semaphore_mem>>
      %mul3A_9 = arith.constant 626 : i32
      %mul3A_10 = arith.muli %arg1, %mul3A_9 : i32
      %mul3A_11 = arith.constant 626 : i32
      %mul3A_12 = arith.muli %arg1, %mul3A_11 : i32
      %dma_start3A = arith.constant 0 : i32
      %dma_start3A_13 = tpu.memref_slice %arg7[%mul3A_12, %dma_start3A] : memref<10016x16xf32, #tpu.memory_space<vmem_shared>> -> memref<626x16xf32, #tpu.memory_space<vmem_shared>>
      %dma_start3A_14 = arith.constant 0 : i32
      %dma_start3A_15 = tpu.memref_slice %arg5[%mul3A_10, %dma_start3A_14] : memref<10016x16xf32, #tpu.memory_space<hbm>> -> memref<626x16xf32, #tpu.memory_space<hbm>>
      tpu.enqueue_dma source(%dma_start3A_15 : memref<626x16xf32, #tpu.memory_space<hbm>>) target(%dma_start3A_13 : memref<626x16xf32, #tpu.memory_space<vmem_shared>>) target_semaphore(%run_scoped3A : memref<!tpu.dma_semaphore, #tpu.memory_space<semaphore_mem>>)
      %mul3A_16 = arith.constant 625 : i32
      %mul3A_17 = arith.muli %arg1, %mul3A_16 : i32
      %mul3A_18 = arith.constant 625 : i32
      %mul3A_19 = arith.muli %arg1, %mul3A_18 : i32
      %dma_start3A_20 = arith.constant 0 : i32
      %dma_start3A_21 = tpu.memref_slice %arg8[%mul3A_19, %dma_start3A_20] : memref<10000x16xf32, #tpu.memory_space<vmem_shared>> -> memref<625x16xf32, #tpu.memory_space<vmem_shared>>
      %dma_start3A_22 = arith.constant 0 : i32
      %dma_start3A_23 = tpu.memref_slice %arg2[%mul3A_17, %dma_start3A_22] : memref<10000x16xf32, #tpu.memory_space<hbm>> -> memref<625x16xf32, #tpu.memory_space<hbm>>
      tpu.enqueue_dma source(%dma_start3A_23 : memref<625x16xf32, #tpu.memory_space<hbm>>) target(%dma_start3A_21 : memref<625x16xf32, #tpu.memory_space<vmem_shared>>) target_semaphore(%run_scoped3A_6 : memref<!tpu.dma_semaphore, #tpu.memory_space<semaphore_mem>>)
      %mul3A_24 = arith.constant 80 : i32
      %mul3A_25 = arith.muli %add3A, %mul3A_24 : i32
      %dma_start3A_26 = arith.constant 0 : i32
      %dma_start3A_27 = tpu.memref_slice %arg3[%mul3A_25, %dma_start3A_26] : memref<2560x128xi32, #tpu.memory_space<hbm>> -> memref<80x128xi32, #tpu.memory_space<hbm>>
      %dma_start3A_28 = arith.constant 0 : i32
      %dma_start3A_29 = tpu.memref_slice %arg3[%mul3A_25, %dma_start3A_28] : memref<2560x128xi32, #tpu.memory_space<hbm>> -> memref<80x128xi32, #tpu.memory_space<hbm>>
      tpu.enqueue_dma source(%dma_start3A_29 : memref<80x128xi32, #tpu.memory_space<hbm>>) target(%arg9 : memref<80x128xi32, #tpu.memory_space<vmem>>) target_semaphore(%run_scoped3A_7 : memref<!tpu.dma_semaphore, #tpu.memory_space<semaphore_mem>>)
      %mul3A_30 = arith.constant 80 : i32
      %mul3A_31 = arith.muli %add3A, %mul3A_30 : i32
      %dma_start3A_32 = arith.constant 0 : i32
      %dma_start3A_33 = tpu.memref_slice %arg4[%mul3A_31, %dma_start3A_32] : memref<2560x128xi32, #tpu.memory_space<hbm>> -> memref<80x128xi32, #tpu.memory_space<hbm>>
      %dma_start3A_34 = arith.constant 0 : i32
      %dma_start3A_35 = tpu.memref_slice %arg4[%mul3A_31, %dma_start3A_34] : memref<2560x128xi32, #tpu.memory_space<hbm>> -> memref<80x128xi32, #tpu.memory_space<hbm>>
      tpu.enqueue_dma source(%dma_start3A_35 : memref<80x128xi32, #tpu.memory_space<hbm>>) target(%arg10 : memref<80x128xi32, #tpu.memory_space<vmem>>) target_semaphore(%run_scoped3A_8 : memref<!tpu.dma_semaphore, #tpu.memory_space<semaphore_mem>>)
      %dma_wait3A = arith.constant 0 : i32
      %dma_wait3A_36 = tpu.memref_slice %arg7[%mul3A_12, %dma_wait3A] : memref<10016x16xf32, #tpu.memory_space<vmem_shared>> -> memref<626x16xf32, #tpu.memory_space<vmem_shared>>
      %dma_wait3A_37 = arith.constant 0 : i32
      %dma_wait3A_38 = tpu.memref_slice %arg5[%mul3A_10, %dma_wait3A_37] : memref<10016x16xf32, #tpu.memory_space<hbm>> -> memref<626x16xf32, #tpu.memory_space<hbm>>
      tpu.wait_dma2 semaphore(%run_scoped3A : memref<!tpu.dma_semaphore, #tpu.memory_space<semaphore_mem>>) src(%dma_wait3A_38 : memref<626x16xf32, #tpu.memory_space<hbm>>) dst(%dma_wait3A_36 : memref<626x16xf32, #tpu.memory_space<vmem_shared>>)
      %dma_wait3A_39 = arith.constant 0 : i32
      %dma_wait3A_40 = tpu.memref_slice %arg8[%mul3A_19, %dma_wait3A_39] : memref<10000x16xf32, #tpu.memory_space<vmem_shared>> -> memref<625x16xf32, #tpu.memory_space<vmem_shared>>
      %dma_wait3A_41 = arith.constant 0 : i32
      %dma_wait3A_42 = tpu.memref_slice %arg2[%mul3A_17, %dma_wait3A_41] : memref<10000x16xf32, #tpu.memory_space<hbm>> -> memref<625x16xf32, #tpu.memory_space<hbm>>
      tpu.wait_dma2 semaphore(%run_scoped3A_6 : memref<!tpu.dma_semaphore, #tpu.memory_space<semaphore_mem>>) src(%dma_wait3A_42 : memref<625x16xf32, #tpu.memory_space<hbm>>) dst(%dma_wait3A_40 : memref<625x16xf32, #tpu.memory_space<vmem_shared>>)
      %dma_wait3A_43 = arith.constant 0 : i32
      %dma_wait3A_44 = tpu.memref_slice %arg3[%mul3A_25, %dma_wait3A_43] : memref<2560x128xi32, #tpu.memory_space<hbm>> -> memref<80x128xi32, #tpu.memory_space<hbm>>
      %dma_wait3A_45 = arith.constant 0 : i32
      %dma_wait3A_46 = tpu.memref_slice %arg3[%mul3A_25, %dma_wait3A_45] : memref<2560x128xi32, #tpu.memory_space<hbm>> -> memref<80x128xi32, #tpu.memory_space<hbm>>
      tpu.wait_dma2 semaphore(%run_scoped3A_7 : memref<!tpu.dma_semaphore, #tpu.memory_space<semaphore_mem>>) src(%dma_wait3A_46 : memref<80x128xi32, #tpu.memory_space<hbm>>) dst(%arg9 : memref<80x128xi32, #tpu.memory_space<vmem>>)
      %dma_wait3A_47 = arith.constant 0 : i32
      %dma_wait3A_48 = tpu.memref_slice %arg4[%mul3A_31, %dma_wait3A_47] : memref<2560x128xi32, #tpu.memory_space<hbm>> -> memref<80x128xi32, #tpu.memory_space<hbm>>
      %dma_wait3A_49 = arith.constant 0 : i32
      %dma_wait3A_50 = tpu.memref_slice %arg4[%mul3A_31, %dma_wait3A_49] : memref<2560x128xi32, #tpu.memory_space<hbm>> -> memref<80x128xi32, #tpu.memory_space<hbm>>
      tpu.wait_dma2 semaphore(%run_scoped3A_8 : memref<!tpu.dma_semaphore, #tpu.memory_space<semaphore_mem>>) src(%dma_wait3A_50 : memref<80x128xi32, #tpu.memory_space<hbm>>) dst(%arg10 : memref<80x128xi32, #tpu.memory_space<vmem>>)
      tpu.yield
    }) : () -> ()
    %barrier3A = arith.constant 0 : index
    tpu.barrier barrier_id(%barrier3A)
    "tpu.region"() ({
      %run_scoped3A = tpu.sem_alloc : memref<!tpu.dma_semaphore, #tpu.memory_space<semaphore_mem>>
      %run_scoped3A_6 = tpu.sem_alloc : memref<!tpu.dma_semaphore, #tpu.memory_space<semaphore_mem>>
      %scan3A = arith.constant 0 : i32
      %scan3A_7 = arith.constant 0 : i32
      %scan3A_8 = arith.constant 20 : i32
      %scan3A_9 = arith.addi %scan3A_7, %scan3A_8 : i32
      %scan3A_10 = arith.constant 1 : i32
      scf.for %scan3A_101 = %scan3A_7 to %scan3A_9 step %scan3A_10  : i32 {
        %add3A_102 = arith.constant 0 : i32
        %add3A_103 = arith.addi %add3A_102, %scan3A_101 : i32
        %mul3A_104 = arith.constant 128 : i32
        %mul3A_105 = arith.muli %scan3A_101, %mul3A_104 : i32
        %dma_start3A = arith.constant 0 : i32
        %dma_start3A_106 = tpu.memref_slice %arg11[%mul3A_105, %dma_start3A] : memref<2560x16xf32, #tpu.memory_space<vmem>> -> memref<128x16xf32, #tpu.memory_space<vmem>>
        %dma_start3A_107 = arith.constant 0 : i32
        %dma_start3A_108 = tpu.memref_slice %arg9[%add3A_103, %dma_start3A_107] : memref<80x128xi32, #tpu.memory_space<vmem>> -> memref<1x128xi32, #tpu.memory_space<vmem>>
        %dma_start3A_109 = tpu.memref_squeeze %dma_start3A_108 : memref<1x128xi32, #tpu.memory_space<vmem>> -> memref<128xi32, #tpu.memory_space<vmem>>
        %dma_start3A_110 = arith.constant 0 : i32
        %dma_start3A_111 = arith.constant 0 : i32
        %dma_start3A_112 = tpu.memref_slice %arg8[%dma_start3A_110, %dma_start3A_111] : memref<10000x16xf32, #tpu.memory_space<vmem_shared>> -> memref<10000x16xf32, #tpu.memory_space<vmem_shared>>
        tpu.enqueue_indirect_dma source(%dma_start3A_112 : memref<10000x16xf32, #tpu.memory_space<vmem_shared>>) target(%dma_start3A_106 : memref<128x16xf32, #tpu.memory_space<vmem>>) offsets(%dma_start3A_109 : memref<128xi32, #tpu.memory_space<vmem>>) semaphore(%run_scoped3A : memref<!tpu.dma_semaphore, #tpu.memory_space<semaphore_mem>>)
      }
      %scan3A_11 = arith.constant 20 : i32
      %dma_wait3A = arith.constant 0 : i32
      %dma_wait3A_12 = arith.constant 0 : i32
      %dma_wait3A_13 = tpu.memref_slice %arg5[%dma_wait3A, %dma_wait3A_12] : memref<10016x16xf32, #tpu.memory_space<hbm>> -> memref<2560x16xf32, #tpu.memory_space<hbm>>
      %dma_wait3A_14 = arith.constant 0 : i32
      %dma_wait3A_15 = arith.constant 0 : i32
      %dma_wait3A_16 = tpu.memref_slice %arg5[%dma_wait3A_14, %dma_wait3A_15] : memref<10016x16xf32, #tpu.memory_space<hbm>> -> memref<2560x16xf32, #tpu.memory_space<hbm>>
      tpu.wait_dma2 semaphore(%run_scoped3A : memref<!tpu.dma_semaphore, #tpu.memory_space<semaphore_mem>>) src(%dma_wait3A_16 : memref<2560x16xf32, #tpu.memory_space<hbm>>) dst(%arg11 : memref<2560x16xf32, #tpu.memory_space<vmem>>)
      %scan3A_17 = arith.constant 0 : i32
      %scan3A_18 = arith.constant 0 : i32
      %scan3A_19 = arith.constant 20 : i32
      %scan3A_20 = arith.addi %scan3A_18, %scan3A_19 : i32
      %scan3A_21 = arith.constant 1 : i32
      scf.for %scan3A_101 = %scan3A_18 to %scan3A_20 step %scan3A_21  : i32 {
        %mul3A_102 = arith.constant 128 : i32
        %mul3A_103 = arith.muli %scan3A_101, %mul3A_102 : i32
        %add3A_104 = arith.constant 0 : i32
        %add3A_105 = arith.addi %add3A_104, %scan3A_101 : i32
        %dma_start3A = arith.constant 0 : i32
        %dma_start3A_106 = tpu.memref_slice %arg11[%mul3A_103, %dma_start3A] : memref<2560x16xf32, #tpu.memory_space<vmem>> -> memref<128x16xf32, #tpu.memory_space<vmem>>
        %dma_start3A_107 = arith.constant 0 : i32
        %dma_start3A_108 = tpu.memref_slice %arg10[%add3A_105, %dma_start3A_107] : memref<80x128xi32, #tpu.memory_space<vmem>> -> memref<1x128xi32, #tpu.memory_space<vmem>>
        %dma_start3A_109 = tpu.memref_squeeze %dma_start3A_108 : memref<1x128xi32, #tpu.memory_space<vmem>> -> memref<128xi32, #tpu.memory_space<vmem>>
        %dma_start3A_110 = arith.constant 0 : i32
        %dma_start3A_111 = arith.constant 0 : i32
        %dma_start3A_112 = tpu.memref_slice %arg7[%dma_start3A_110, %dma_start3A_111] : memref<10016x16xf32, #tpu.memory_space<vmem_shared>> -> memref<10016x16xf32, #tpu.memory_space<vmem_shared>>
        tpu.enqueue_indirect_dma source(%dma_start3A_106 : memref<128x16xf32, #tpu.memory_space<vmem>>) target(%dma_start3A_112 : memref<10016x16xf32, #tpu.memory_space<vmem_shared>>) offsets(%dma_start3A_109 : memref<128xi32, #tpu.memory_space<vmem>>) semaphore(%run_scoped3A_6 : memref<!tpu.dma_semaphore, #tpu.memory_space<semaphore_mem>>) {add = true}
      }
      %scan3A_22 = arith.constant 20 : i32
      %scan3A_23 = arith.constant 0 : i32
      %scan3A_24 = arith.constant 0 : i32
      %scan3A_25 = arith.constant 20 : i32
      %scan3A_26 = arith.addi %scan3A_24, %scan3A_25 : i32
      %scan3A_27 = arith.constant 1 : i32
      scf.for %scan3A_101 = %scan3A_24 to %scan3A_26 step %scan3A_27  : i32 {
        %add3A_102 = arith.constant 20 : i32
        %add3A_103 = arith.addi %add3A_102, %scan3A_101 : i32
        %mul3A_104 = arith.constant 128 : i32
        %mul3A_105 = arith.muli %scan3A_101, %mul3A_104 : i32
        %dma_start3A = arith.constant 0 : i32
        %dma_start3A_106 = tpu.memref_slice %arg12[%mul3A_105, %dma_start3A] : memref<2560x16xf32, #tpu.memory_space<vmem>> -> memref<128x16xf32, #tpu.memory_space<vmem>>
        %dma_start3A_107 = arith.constant 0 : i32
        %dma_start3A_108 = tpu.memref_slice %arg9[%add3A_103, %dma_start3A_107] : memref<80x128xi32, #tpu.memory_space<vmem>> -> memref<1x128xi32, #tpu.memory_space<vmem>>
        %dma_start3A_109 = tpu.memref_squeeze %dma_start3A_108 : memref<1x128xi32, #tpu.memory_space<vmem>> -> memref<128xi32, #tpu.memory_space<vmem>>
        %dma_start3A_110 = arith.constant 0 : i32
        %dma_start3A_111 = arith.constant 0 : i32
        %dma_start3A_112 = tpu.memref_slice %arg8[%dma_start3A_110, %dma_start3A_111] : memref<10000x16xf32, #tpu.memory_space<vmem_shared>> -> memref<10000x16xf32, #tpu.memory_space<vmem_shared>>
        tpu.enqueue_indirect_dma source(%dma_start3A_112 : memref<10000x16xf32, #tpu.memory_space<vmem_shared>>) target(%dma_start3A_106 : memref<128x16xf32, #tpu.memory_space<vmem>>) offsets(%dma_start3A_109 : memref<128xi32, #tpu.memory_space<vmem>>) semaphore(%run_scoped3A : memref<!tpu.dma_semaphore, #tpu.memory_space<semaphore_mem>>)
      }
      %scan3A_28 = arith.constant 20 : i32
      %dma_wait3A_29 = arith.constant 0 : i32
      %dma_wait3A_30 = arith.constant 0 : i32
      %dma_wait3A_31 = tpu.memref_slice %arg5[%dma_wait3A_29, %dma_wait3A_30] : memref<10016x16xf32, #tpu.memory_space<hbm>> -> memref<2560x16xf32, #tpu.memory_space<hbm>>
      %dma_wait3A_32 = arith.constant 0 : i32
      %dma_wait3A_33 = arith.constant 0 : i32
      %dma_wait3A_34 = tpu.memref_slice %arg5[%dma_wait3A_32, %dma_wait3A_33] : memref<10016x16xf32, #tpu.memory_space<hbm>> -> memref<2560x16xf32, #tpu.memory_space<hbm>>
      tpu.wait_dma2 semaphore(%run_scoped3A_6 : memref<!tpu.dma_semaphore, #tpu.memory_space<semaphore_mem>>) src(%dma_wait3A_34 : memref<2560x16xf32, #tpu.memory_space<hbm>>) dst(%arg11 : memref<2560x16xf32, #tpu.memory_space<vmem>>)
      %dma_wait3A_35 = arith.constant 0 : i32
      %dma_wait3A_36 = arith.constant 0 : i32
      %dma_wait3A_37 = tpu.memref_slice %arg5[%dma_wait3A_35, %dma_wait3A_36] : memref<10016x16xf32, #tpu.memory_space<hbm>> -> memref<2560x16xf32, #tpu.memory_space<hbm>>
      %dma_wait3A_38 = arith.constant 0 : i32
      %dma_wait3A_39 = arith.constant 0 : i32
      %dma_wait3A_40 = tpu.memref_slice %arg5[%dma_wait3A_38, %dma_wait3A_39] : memref<10016x16xf32, #tpu.memory_space<hbm>> -> memref<2560x16xf32, #tpu.memory_space<hbm>>
      tpu.wait_dma2 semaphore(%run_scoped3A : memref<!tpu.dma_semaphore, #tpu.memory_space<semaphore_mem>>) src(%dma_wait3A_40 : memref<2560x16xf32, #tpu.memory_space<hbm>>) dst(%arg11 : memref<2560x16xf32, #tpu.memory_space<vmem>>)
      %scan3A_41 = arith.constant 0 : i32
      %scan3A_42 = arith.constant 0 : i32
      %scan3A_43 = arith.constant 20 : i32
      %scan3A_44 = arith.addi %scan3A_42, %scan3A_43 : i32
      %scan3A_45 = arith.constant 1 : i32
      scf.for %scan3A_101 = %scan3A_42 to %scan3A_44 step %scan3A_45  : i32 {
        %mul3A_102 = arith.constant 128 : i32
        %mul3A_103 = arith.muli %scan3A_101, %mul3A_102 : i32
        %add3A_104 = arith.constant 20 : i32
        %add3A_105 = arith.addi %add3A_104, %scan3A_101 : i32
        %dma_start3A = arith.constant 0 : i32
        %dma_start3A_106 = tpu.memref_slice %arg12[%mul3A_103, %dma_start3A] : memref<2560x16xf32, #tpu.memory_space<vmem>> -> memref<128x16xf32, #tpu.memory_space<vmem>>
        %dma_start3A_107 = arith.constant 0 : i32
        %dma_start3A_108 = tpu.memref_slice %arg10[%add3A_105, %dma_start3A_107] : memref<80x128xi32, #tpu.memory_space<vmem>> -> memref<1x128xi32, #tpu.memory_space<vmem>>
        %dma_start3A_109 = tpu.memref_squeeze %dma_start3A_108 : memref<1x128xi32, #tpu.memory_space<vmem>> -> memref<128xi32, #tpu.memory_space<vmem>>
        %dma_start3A_110 = arith.constant 0 : i32
        %dma_start3A_111 = arith.constant 0 : i32
        %dma_start3A_112 = tpu.memref_slice %arg7[%dma_start3A_110, %dma_start3A_111] : memref<10016x16xf32, #tpu.memory_space<vmem_shared>> -> memref<10016x16xf32, #tpu.memory_space<vmem_shared>>
        tpu.enqueue_indirect_dma source(%dma_start3A_106 : memref<128x16xf32, #tpu.memory_space<vmem>>) target(%dma_start3A_112 : memref<10016x16xf32, #tpu.memory_space<vmem_shared>>) offsets(%dma_start3A_109 : memref<128xi32, #tpu.memory_space<vmem>>) semaphore(%run_scoped3A_6 : memref<!tpu.dma_semaphore, #tpu.memory_space<semaphore_mem>>) {add = true}
      }
      %scan3A_46 = arith.constant 20 : i32
      %scan3A_47 = arith.constant 0 : i32
      %scan3A_48 = arith.constant 0 : i32
      %scan3A_49 = arith.constant 20 : i32
      %scan3A_50 = arith.addi %scan3A_48, %scan3A_49 : i32
      %scan3A_51 = arith.constant 1 : i32
      scf.for %scan3A_101 = %scan3A_48 to %scan3A_50 step %scan3A_51  : i32 {
        %add3A_102 = arith.constant 40 : i32
        %add3A_103 = arith.addi %add3A_102, %scan3A_101 : i32
        %mul3A_104 = arith.constant 128 : i32
        %mul3A_105 = arith.muli %scan3A_101, %mul3A_104 : i32
        %dma_start3A = arith.constant 0 : i32
        %dma_start3A_106 = tpu.memref_slice %arg11[%mul3A_105, %dma_start3A] : memref<2560x16xf32, #tpu.memory_space<vmem>> -> memref<128x16xf32, #tpu.memory_space<vmem>>
        %dma_start3A_107 = arith.constant 0 : i32
        %dma_start3A_108 = tpu.memref_slice %arg9[%add3A_103, %dma_start3A_107] : memref<80x128xi32, #tpu.memory_space<vmem>> -> memref<1x128xi32, #tpu.memory_space<vmem>>
        %dma_start3A_109 = tpu.memref_squeeze %dma_start3A_108 : memref<1x128xi32, #tpu.memory_space<vmem>> -> memref<128xi32, #tpu.memory_space<vmem>>
        %dma_start3A_110 = arith.constant 0 : i32
        %dma_start3A_111 = arith.constant 0 : i32
        %dma_start3A_112 = tpu.memref_slice %arg8[%dma_start3A_110, %dma_start3A_111] : memref<10000x16xf32, #tpu.memory_space<vmem_shared>> -> memref<10000x16xf32, #tpu.memory_space<vmem_shared>>
        tpu.enqueue_indirect_dma source(%dma_start3A_112 : memref<10000x16xf32, #tpu.memory_space<vmem_shared>>) target(%dma_start3A_106 : memref<128x16xf32, #tpu.memory_space<vmem>>) offsets(%dma_start3A_109 : memref<128xi32, #tpu.memory_space<vmem>>) semaphore(%run_scoped3A : memref<!tpu.dma_semaphore, #tpu.memory_space<semaphore_mem>>)
      }
      %scan3A_52 = arith.constant 20 : i32
      %dma_wait3A_53 = arith.constant 0 : i32
      %dma_wait3A_54 = arith.constant 0 : i32
      %dma_wait3A_55 = tpu.memref_slice %arg5[%dma_wait3A_53, %dma_wait3A_54] : memref<10016x16xf32, #tpu.memory_space<hbm>> -> memref<2560x16xf32, #tpu.memory_space<hbm>>
      %dma_wait3A_56 = arith.constant 0 : i32
      %dma_wait3A_57 = arith.constant 0 : i32
      %dma_wait3A_58 = tpu.memref_slice %arg5[%dma_wait3A_56, %dma_wait3A_57] : memref<10016x16xf32, #tpu.memory_space<hbm>> -> memref<2560x16xf32, #tpu.memory_space<hbm>>
      tpu.wait_dma2 semaphore(%run_scoped3A_6 : memref<!tpu.dma_semaphore, #tpu.memory_space<semaphore_mem>>) src(%dma_wait3A_58 : memref<2560x16xf32, #tpu.memory_space<hbm>>) dst(%arg11 : memref<2560x16xf32, #tpu.memory_space<vmem>>)
      %dma_wait3A_59 = arith.constant 0 : i32
      %dma_wait3A_60 = arith.constant 0 : i32
      %dma_wait3A_61 = tpu.memref_slice %arg5[%dma_wait3A_59, %dma_wait3A_60] : memref<10016x16xf32, #tpu.memory_space<hbm>> -> memref<2560x16xf32, #tpu.memory_space<hbm>>
      %dma_wait3A_62 = arith.constant 0 : i32
      %dma_wait3A_63 = arith.constant 0 : i32
      %dma_wait3A_64 = tpu.memref_slice %arg5[%dma_wait3A_62, %dma_wait3A_63] : memref<10016x16xf32, #tpu.memory_space<hbm>> -> memref<2560x16xf32, #tpu.memory_space<hbm>>
      tpu.wait_dma2 semaphore(%run_scoped3A : memref<!tpu.dma_semaphore, #tpu.memory_space<semaphore_mem>>) src(%dma_wait3A_64 : memref<2560x16xf32, #tpu.memory_space<hbm>>) dst(%arg11 : memref<2560x16xf32, #tpu.memory_space<vmem>>)
      %scan3A_65 = arith.constant 0 : i32
      %scan3A_66 = arith.constant 0 : i32
      %scan3A_67 = arith.constant 20 : i32
      %scan3A_68 = arith.addi %scan3A_66, %scan3A_67 : i32
      %scan3A_69 = arith.constant 1 : i32
      scf.for %scan3A_101 = %scan3A_66 to %scan3A_68 step %scan3A_69  : i32 {
        %mul3A_102 = arith.constant 128 : i32
        %mul3A_103 = arith.muli %scan3A_101, %mul3A_102 : i32
        %add3A_104 = arith.constant 40 : i32
        %add3A_105 = arith.addi %add3A_104, %scan3A_101 : i32
        %dma_start3A = arith.constant 0 : i32
        %dma_start3A_106 = tpu.memref_slice %arg11[%mul3A_103, %dma_start3A] : memref<2560x16xf32, #tpu.memory_space<vmem>> -> memref<128x16xf32, #tpu.memory_space<vmem>>
        %dma_start3A_107 = arith.constant 0 : i32
        %dma_start3A_108 = tpu.memref_slice %arg10[%add3A_105, %dma_start3A_107] : memref<80x128xi32, #tpu.memory_space<vmem>> -> memref<1x128xi32, #tpu.memory_space<vmem>>
        %dma_start3A_109 = tpu.memref_squeeze %dma_start3A_108 : memref<1x128xi32, #tpu.memory_space<vmem>> -> memref<128xi32, #tpu.memory_space<vmem>>
        %dma_start3A_110 = arith.constant 0 : i32
        %dma_start3A_111 = arith.constant 0 : i32
        %dma_start3A_112 = tpu.memref_slice %arg7[%dma_start3A_110, %dma_start3A_111] : memref<10016x16xf32, #tpu.memory_space<vmem_shared>> -> memref<10016x16xf32, #tpu.memory_space<vmem_shared>>
        tpu.enqueue_indirect_dma source(%dma_start3A_106 : memref<128x16xf32, #tpu.memory_space<vmem>>) target(%dma_start3A_112 : memref<10016x16xf32, #tpu.memory_space<vmem_shared>>) offsets(%dma_start3A_109 : memref<128xi32, #tpu.memory_space<vmem>>) semaphore(%run_scoped3A_6 : memref<!tpu.dma_semaphore, #tpu.memory_space<semaphore_mem>>) {add = true}
      }
      %scan3A_70 = arith.constant 20 : i32
      %scan3A_71 = arith.constant 0 : i32
      %scan3A_72 = arith.constant 0 : i32
      %scan3A_73 = arith.constant 20 : i32
      %scan3A_74 = arith.addi %scan3A_72, %scan3A_73 : i32
      %scan3A_75 = arith.constant 1 : i32
      scf.for %scan3A_101 = %scan3A_72 to %scan3A_74 step %scan3A_75  : i32 {
        %add3A_102 = arith.constant 60 : i32
        %add3A_103 = arith.addi %add3A_102, %scan3A_101 : i32
        %mul3A_104 = arith.constant 128 : i32
        %mul3A_105 = arith.muli %scan3A_101, %mul3A_104 : i32
        %dma_start3A = arith.constant 0 : i32
        %dma_start3A_106 = tpu.memref_slice %arg12[%mul3A_105, %dma_start3A] : memref<2560x16xf32, #tpu.memory_space<vmem>> -> memref<128x16xf32, #tpu.memory_space<vmem>>
        %dma_start3A_107 = arith.constant 0 : i32
        %dma_start3A_108 = tpu.memref_slice %arg9[%add3A_103, %dma_start3A_107] : memref<80x128xi32, #tpu.memory_space<vmem>> -> memref<1x128xi32, #tpu.memory_space<vmem>>
        %dma_start3A_109 = tpu.memref_squeeze %dma_start3A_108 : memref<1x128xi32, #tpu.memory_space<vmem>> -> memref<128xi32, #tpu.memory_space<vmem>>
        %dma_start3A_110 = arith.constant 0 : i32
        %dma_start3A_111 = arith.constant 0 : i32
        %dma_start3A_112 = tpu.memref_slice %arg8[%dma_start3A_110, %dma_start3A_111] : memref<10000x16xf32, #tpu.memory_space<vmem_shared>> -> memref<10000x16xf32, #tpu.memory_space<vmem_shared>>
        tpu.enqueue_indirect_dma source(%dma_start3A_112 : memref<10000x16xf32, #tpu.memory_space<vmem_shared>>) target(%dma_start3A_106 : memref<128x16xf32, #tpu.memory_space<vmem>>) offsets(%dma_start3A_109 : memref<128xi32, #tpu.memory_space<vmem>>) semaphore(%run_scoped3A : memref<!tpu.dma_semaphore, #tpu.memory_space<semaphore_mem>>)
      }
      %scan3A_76 = arith.constant 20 : i32
      %dma_wait3A_77 = arith.constant 0 : i32
      %dma_wait3A_78 = arith.constant 0 : i32
      %dma_wait3A_79 = tpu.memref_slice %arg5[%dma_wait3A_77, %dma_wait3A_78] : memref<10016x16xf32, #tpu.memory_space<hbm>> -> memref<2560x16xf32, #tpu.memory_space<hbm>>
      %dma_wait3A_80 = arith.constant 0 : i32
      %dma_wait3A_81 = arith.constant 0 : i32
      %dma_wait3A_82 = tpu.memref_slice %arg5[%dma_wait3A_80, %dma_wait3A_81] : memref<10016x16xf32, #tpu.memory_space<hbm>> -> memref<2560x16xf32, #tpu.memory_space<hbm>>
      tpu.wait_dma2 semaphore(%run_scoped3A_6 : memref<!tpu.dma_semaphore, #tpu.memory_space<semaphore_mem>>) src(%dma_wait3A_82 : memref<2560x16xf32, #tpu.memory_space<hbm>>) dst(%arg11 : memref<2560x16xf32, #tpu.memory_space<vmem>>)
      %dma_wait3A_83 = arith.constant 0 : i32
      %dma_wait3A_84 = arith.constant 0 : i32
      %dma_wait3A_85 = tpu.memref_slice %arg5[%dma_wait3A_83, %dma_wait3A_84] : memref<10016x16xf32, #tpu.memory_space<hbm>> -> memref<2560x16xf32, #tpu.memory_space<hbm>>
      %dma_wait3A_86 = arith.constant 0 : i32
      %dma_wait3A_87 = arith.constant 0 : i32
      %dma_wait3A_88 = tpu.memref_slice %arg5[%dma_wait3A_86, %dma_wait3A_87] : memref<10016x16xf32, #tpu.memory_space<hbm>> -> memref<2560x16xf32, #tpu.memory_space<hbm>>
      tpu.wait_dma2 semaphore(%run_scoped3A : memref<!tpu.dma_semaphore, #tpu.memory_space<semaphore_mem>>) src(%dma_wait3A_88 : memref<2560x16xf32, #tpu.memory_space<hbm>>) dst(%arg11 : memref<2560x16xf32, #tpu.memory_space<vmem>>)
      %scan3A_89 = arith.constant 0 : i32
      %scan3A_90 = arith.constant 0 : i32
      %scan3A_91 = arith.constant 20 : i32
      %scan3A_92 = arith.addi %scan3A_90, %scan3A_91 : i32
      %scan3A_93 = arith.constant 1 : i32
      scf.for %scan3A_101 = %scan3A_90 to %scan3A_92 step %scan3A_93  : i32 {
        %mul3A_102 = arith.constant 128 : i32
        %mul3A_103 = arith.muli %scan3A_101, %mul3A_102 : i32
        %add3A_104 = arith.constant 60 : i32
        %add3A_105 = arith.addi %add3A_104, %scan3A_101 : i32
        %dma_start3A = arith.constant 0 : i32
        %dma_start3A_106 = tpu.memref_slice %arg12[%mul3A_103, %dma_start3A] : memref<2560x16xf32, #tpu.memory_space<vmem>> -> memref<128x16xf32, #tpu.memory_space<vmem>>
        %dma_start3A_107 = arith.constant 0 : i32
        %dma_start3A_108 = tpu.memref_slice %arg10[%add3A_105, %dma_start3A_107] : memref<80x128xi32, #tpu.memory_space<vmem>> -> memref<1x128xi32, #tpu.memory_space<vmem>>
        %dma_start3A_109 = tpu.memref_squeeze %dma_start3A_108 : memref<1x128xi32, #tpu.memory_space<vmem>> -> memref<128xi32, #tpu.memory_space<vmem>>
        %dma_start3A_110 = arith.constant 0 : i32
        %dma_start3A_111 = arith.constant 0 : i32
        %dma_start3A_112 = tpu.memref_slice %arg7[%dma_start3A_110, %dma_start3A_111] : memref<10016x16xf32, #tpu.memory_space<vmem_shared>> -> memref<10016x16xf32, #tpu.memory_space<vmem_shared>>
        tpu.enqueue_indirect_dma source(%dma_start3A_106 : memref<128x16xf32, #tpu.memory_space<vmem>>) target(%dma_start3A_112 : memref<10016x16xf32, #tpu.memory_space<vmem_shared>>) offsets(%dma_start3A_109 : memref<128xi32, #tpu.memory_space<vmem>>) semaphore(%run_scoped3A_6 : memref<!tpu.dma_semaphore, #tpu.memory_space<semaphore_mem>>) {add = true}
      }
      %scan3A_94 = arith.constant 20 : i32
      %dma_wait3A_95 = arith.constant 0 : i32
      %dma_wait3A_96 = arith.constant 0 : i32
      %dma_wait3A_97 = tpu.memref_slice %arg5[%dma_wait3A_95, %dma_wait3A_96] : memref<10016x16xf32, #tpu.memory_space<hbm>> -> memref<2560x16xf32, #tpu.memory_space<hbm>>
      %dma_wait3A_98 = arith.constant 0 : i32
      %dma_wait3A_99 = arith.constant 0 : i32
      %dma_wait3A_100 = tpu.memref_slice %arg5[%dma_wait3A_98, %dma_wait3A_99] : memref<10016x16xf32, #tpu.memory_space<hbm>> -> memref<2560x16xf32, #tpu.memory_space<hbm>>
      tpu.wait_dma2 semaphore(%run_scoped3A_6 : memref<!tpu.dma_semaphore, #tpu.memory_space<semaphore_mem>>) src(%dma_wait3A_100 : memref<2560x16xf32, #tpu.memory_space<hbm>>) dst(%arg11 : memref<2560x16xf32, #tpu.memory_space<vmem>>)
      tpu.yield
    }) : () -> ()
    %barrier3A_1 = arith.constant 0 : index
    tpu.barrier barrier_id(%barrier3A_1)
    %mul3A_2 = arith.constant 625 : i32
    %mul3A_3 = arith.muli %arg1, %mul3A_2 : i32
    %mul3A_4 = arith.constant 625 : i32
    %mul3A_5 = arith.muli %arg1, %mul3A_4 : i32
    "tpu.region"() ({
      %run_scoped3A = tpu.sem_alloc : memref<!tpu.dma_semaphore, #tpu.memory_space<semaphore_mem>>
      %dma_start3A = arith.constant 0 : i32
      %dma_start3A_6 = arith.constant 0 : i32
      %dma_start3A_7 = tpu.memref_slice %arg6[%arg0, %dma_start3A, %dma_start3A_6] : memref<2x10000x16xf32, #tpu.memory_space<hbm>> -> memref<1x10000x16xf32, #tpu.memory_space<hbm>>
      %dma_start3A_8 = tpu.memref_squeeze %dma_start3A_7 : memref<1x10000x16xf32, #tpu.memory_space<hbm>> -> memref<10000x16xf32, #tpu.memory_space<hbm>>
      %dma_start3A_9 = arith.constant 0 : i32
      %dma_start3A_10 = tpu.memref_slice %dma_start3A_8[%mul3A_5, %dma_start3A_9] : memref<10000x16xf32, #tpu.memory_space<hbm>> -> memref<625x16xf32, #tpu.memory_space<hbm>>
      %dma_start3A_11 = arith.constant 0 : i32
      %dma_start3A_12 = tpu.memref_slice %arg7[%mul3A_3, %dma_start3A_11] : memref<10016x16xf32, #tpu.memory_space<vmem_shared>> -> memref<625x16xf32, #tpu.memory_space<vmem_shared>>
      tpu.enqueue_dma source(%dma_start3A_12 : memref<625x16xf32, #tpu.memory_space<vmem_shared>>) target(%dma_start3A_10 : memref<625x16xf32, #tpu.memory_space<hbm>>) target_semaphore(%run_scoped3A : memref<!tpu.dma_semaphore, #tpu.memory_space<semaphore_mem>>)
      %dma_wait3A = arith.constant 0 : i32
      %dma_wait3A_13 = arith.constant 0 : i32
      %dma_wait3A_14 = tpu.memref_slice %arg6[%arg0, %dma_wait3A, %dma_wait3A_13] : memref<2x10000x16xf32, #tpu.memory_space<hbm>> -> memref<1x10000x16xf32, #tpu.memory_space<hbm>>
      %dma_wait3A_15 = tpu.memref_squeeze %dma_wait3A_14 : memref<1x10000x16xf32, #tpu.memory_space<hbm>> -> memref<10000x16xf32, #tpu.memory_space<hbm>>
      %dma_wait3A_16 = arith.constant 0 : i32
      %dma_wait3A_17 = tpu.memref_slice %dma_wait3A_15[%mul3A_5, %dma_wait3A_16] : memref<10000x16xf32, #tpu.memory_space<hbm>> -> memref<625x16xf32, #tpu.memory_space<hbm>>
      %dma_wait3A_18 = arith.constant 0 : i32
      %dma_wait3A_19 = tpu.memref_slice %arg7[%mul3A_3, %dma_wait3A_18] : memref<10016x16xf32, #tpu.memory_space<vmem_shared>> -> memref<625x16xf32, #tpu.memory_space<vmem_shared>>
      tpu.wait_dma2 semaphore(%run_scoped3A : memref<!tpu.dma_semaphore, #tpu.memory_space<semaphore_mem>>) src(%dma_wait3A_19 : memref<625x16xf32, #tpu.memory_space<vmem_shared>>) dst(%dma_wait3A_17 : memref<625x16xf32, #tpu.memory_space<hbm>>)
      tpu.yield
    }) : () -> ()
    return
  }
}

#map = affine_map<(d0, d1) -> (0, 0)>
#map1 = affine_map<(d0, d1) -> (0, 0, 0)>
module attributes {stable_mosaic.version = 14 : i64} {
  func.func @body(%arg0: i32, %arg1: i32, %arg2: memref<2560x128xi32, #tpu.memory_space<hbm>>, %arg3: memref<10016x16xf32, #tpu.memory_space<hbm>>, %arg4: memref<2x10000x16xf32, #tpu.memory_space<hbm>>, %arg5: memref<10016x16xf32, #tpu.memory_space<vmem_shared>>, %arg6: memref<80x128xi32, #tpu.memory_space<vmem>>, %arg7: memref<128x16xf32, #tpu.memory_space<vmem>>, %arg8: memref<2560x16xf32, #tpu.memory_space<vmem>>) attributes {dimension_semantics = [#tpu.dimension_semantics<core_parallel>, #tpu.dimension_semantics<subcore_parallel>], iteration_bounds = array<i64: 2, 16>, scalar_prefetch = 0 : i64, scratch_operands = 4 : i64, tpu.core_type = #tpu.core_type<sc_vector_subcore>, window_params = [{transform_indices = #map}, {transform_indices = #map}, {transform_indices = #map1}]} {
    %mul3A = arith.constant 16 : i32
    %mul3A_0 = arith.muli %arg0, %mul3A : i32
    %add3A = arith.addi %mul3A_0, %arg1 : i32
    %mul3A_1 = arith.constant 626 : i32
    %mul3A_2 = arith.muli %arg1, %mul3A_1 : i32
    %mul3A_3 = arith.constant 626 : i32
    %mul3A_4 = arith.muli %arg1, %mul3A_3 : i32
    "tpu.region"() ({
      %run_scoped3A = tpu.sem_alloc : memref<!tpu.dma_semaphore, #tpu.memory_space<semaphore_mem>>
      %dma_start3A = arith.constant 0 : i32
      %dma_start3A_17 = tpu.memref_slice %arg5[%mul3A_4, %dma_start3A] : memref<10016x16xf32, #tpu.memory_space<vmem_shared>> -> memref<626x16xf32, #tpu.memory_space<vmem_shared>>
      %dma_start3A_18 = arith.constant 0 : i32
      %dma_start3A_19 = tpu.memref_slice %arg3[%mul3A_2, %dma_start3A_18] : memref<10016x16xf32, #tpu.memory_space<hbm>> -> memref<626x16xf32, #tpu.memory_space<hbm>>
      tpu.enqueue_dma source(%dma_start3A_19 : memref<626x16xf32, #tpu.memory_space<hbm>>) target(%dma_start3A_17 : memref<626x16xf32, #tpu.memory_space<vmem_shared>>) target_semaphore(%run_scoped3A : memref<!tpu.dma_semaphore, #tpu.memory_space<semaphore_mem>>)
      %dma_wait3A = arith.constant 0 : i32
      %dma_wait3A_20 = tpu.memref_slice %arg5[%mul3A_4, %dma_wait3A] : memref<10016x16xf32, #tpu.memory_space<vmem_shared>> -> memref<626x16xf32, #tpu.memory_space<vmem_shared>>
      %dma_wait3A_21 = arith.constant 0 : i32
      %dma_wait3A_22 = tpu.memref_slice %arg3[%mul3A_2, %dma_wait3A_21] : memref<10016x16xf32, #tpu.memory_space<hbm>> -> memref<626x16xf32, #tpu.memory_space<hbm>>
      tpu.wait_dma2 semaphore(%run_scoped3A : memref<!tpu.dma_semaphore, #tpu.memory_space<semaphore_mem>>) src(%dma_wait3A_22 : memref<626x16xf32, #tpu.memory_space<hbm>>) dst(%dma_wait3A_20 : memref<626x16xf32, #tpu.memory_space<vmem_shared>>)
      tpu.yield
    }) : () -> ()
    %mul3A_5 = arith.constant 80 : i32
    %mul3A_6 = arith.muli %add3A, %mul3A_5 : i32
    "tpu.region"() ({
      %run_scoped3A = tpu.sem_alloc : memref<!tpu.dma_semaphore, #tpu.memory_space<semaphore_mem>>
      %dma_start3A = arith.constant 0 : i32
      %dma_start3A_17 = tpu.memref_slice %arg2[%mul3A_6, %dma_start3A] : memref<2560x128xi32, #tpu.memory_space<hbm>> -> memref<80x128xi32, #tpu.memory_space<hbm>>
      %dma_start3A_18 = arith.constant 0 : i32
      %dma_start3A_19 = tpu.memref_slice %arg2[%mul3A_6, %dma_start3A_18] : memref<2560x128xi32, #tpu.memory_space<hbm>> -> memref<80x128xi32, #tpu.memory_space<hbm>>
      tpu.enqueue_dma source(%dma_start3A_19 : memref<80x128xi32, #tpu.memory_space<hbm>>) target(%arg6 : memref<80x128xi32, #tpu.memory_space<vmem>>) target_semaphore(%run_scoped3A : memref<!tpu.dma_semaphore, #tpu.memory_space<semaphore_mem>>)
      %dma_wait3A = arith.constant 0 : i32
      %dma_wait3A_20 = tpu.memref_slice %arg2[%mul3A_6, %dma_wait3A] : memref<2560x128xi32, #tpu.memory_space<hbm>> -> memref<80x128xi32, #tpu.memory_space<hbm>>
      %dma_wait3A_21 = arith.constant 0 : i32
      %dma_wait3A_22 = tpu.memref_slice %arg2[%mul3A_6, %dma_wait3A_21] : memref<2560x128xi32, #tpu.memory_space<hbm>> -> memref<80x128xi32, #tpu.memory_space<hbm>>
      tpu.wait_dma2 semaphore(%run_scoped3A : memref<!tpu.dma_semaphore, #tpu.memory_space<semaphore_mem>>) src(%dma_wait3A_22 : memref<80x128xi32, #tpu.memory_space<hbm>>) dst(%arg6 : memref<80x128xi32, #tpu.memory_space<vmem>>)
      tpu.yield
    }) : () -> ()
    %scan3A = arith.constant 0 : i32
    %scan3A_7 = arith.constant 0 : i32
    %scan3A_8 = arith.constant 128 : i32
    %scan3A_9 = arith.addi %scan3A_7, %scan3A_8 : i32
    %scan3A_10 = arith.constant 1 : i32
    scf.for %scan3A_17 = %scan3A_7 to %scan3A_9 step %scan3A_10  : i32 {
      %broadcast_in_dim3A = arith.constant 1.000000e+00 : f32
      %broadcast_in_dim3A_18 = vector.broadcast %broadcast_in_dim3A : f32 to vector<16xf32>
      %swap3A = arith.index_cast %scan3A_17 : i32 to index
      %swap3A_19 = arith.constant 0 : index
      %swap3A_20 = tpu.vector_load %arg7[%swap3A, %swap3A_19] {strides = array<i32>} : memref<128x16xf32, #tpu.memory_space<vmem>>, vector<1x16xf32>,
      %swap3A_21 = vector.shape_cast %swap3A_20 : vector<1x16xf32> to vector<16xf32>
      %swap3A_22 = vector.shape_cast %broadcast_in_dim3A_18 : vector<16xf32> to vector<1x16xf32>
      tpu.vector_store %arg7[%swap3A, %swap3A_19], %swap3A_22 {strides = array<i32>} : memref<128x16xf32, #tpu.memory_space<vmem>>, vector<1x16xf32>,
    }
    %scan3A_11 = arith.constant 128 : i32
    %barrier3A = arith.constant 0 : index
    tpu.barrier barrier_id(%barrier3A)
    "tpu.region"() ({
      %run_scoped3A = tpu.sem_alloc : memref<!tpu.dma_semaphore, #tpu.memory_space<semaphore_mem>>
      %scan3A_17 = arith.constant 0 : i32
      %scan3A_18 = arith.constant 0 : i32
      %scan3A_19 = arith.constant 20 : i32
      %scan3A_20 = arith.addi %scan3A_18, %scan3A_19 : i32
      %scan3A_21 = arith.constant 1 : i32
      scf.for %scan3A_64 = %scan3A_18 to %scan3A_20 step %scan3A_21  : i32 {
        %add3A_65 = arith.constant 0 : i32
        %add3A_66 = arith.addi %add3A_65, %scan3A_64 : i32
        %dma_start3A = arith.constant 0 : i32
        %dma_start3A_67 = tpu.memref_slice %arg6[%add3A_66, %dma_start3A] : memref<80x128xi32, #tpu.memory_space<vmem>> -> memref<1x128xi32, #tpu.memory_space<vmem>>
        %dma_start3A_68 = tpu.memref_squeeze %dma_start3A_67 : memref<1x128xi32, #tpu.memory_space<vmem>> -> memref<128xi32, #tpu.memory_space<vmem>>
        %dma_start3A_69 = arith.constant 0 : i32
        %dma_start3A_70 = arith.constant 0 : i32
        %dma_start3A_71 = tpu.memref_slice %arg5[%dma_start3A_69, %dma_start3A_70] : memref<10016x16xf32, #tpu.memory_space<vmem_shared>> -> memref<10016x16xf32, #tpu.memory_space<vmem_shared>>
        tpu.enqueue_indirect_dma source(%arg7 : memref<128x16xf32, #tpu.memory_space<vmem>>) target(%dma_start3A_71 : memref<10016x16xf32, #tpu.memory_space<vmem_shared>>) offsets(%dma_start3A_68 : memref<128xi32, #tpu.memory_space<vmem>>) semaphore(%run_scoped3A : memref<!tpu.dma_semaphore, #tpu.memory_space<semaphore_mem>>) {add = true}
      }
      %scan3A_22 = arith.constant 20 : i32
      %scan3A_23 = arith.constant 0 : i32
      %scan3A_24 = arith.constant 0 : i32
      %scan3A_25 = arith.constant 20 : i32
      %scan3A_26 = arith.addi %scan3A_24, %scan3A_25 : i32
      %scan3A_27 = arith.constant 1 : i32
      scf.for %scan3A_64 = %scan3A_24 to %scan3A_26 step %scan3A_27  : i32 {
        %add3A_65 = arith.constant 20 : i32
        %add3A_66 = arith.addi %add3A_65, %scan3A_64 : i32
        %dma_start3A = arith.constant 0 : i32
        %dma_start3A_67 = tpu.memref_slice %arg6[%add3A_66, %dma_start3A] : memref<80x128xi32, #tpu.memory_space<vmem>> -> memref<1x128xi32, #tpu.memory_space<vmem>>
        %dma_start3A_68 = tpu.memref_squeeze %dma_start3A_67 : memref<1x128xi32, #tpu.memory_space<vmem>> -> memref<128xi32, #tpu.memory_space<vmem>>
        %dma_start3A_69 = arith.constant 0 : i32
        %dma_start3A_70 = arith.constant 0 : i32
        %dma_start3A_71 = tpu.memref_slice %arg5[%dma_start3A_69, %dma_start3A_70] : memref<10016x16xf32, #tpu.memory_space<vmem_shared>> -> memref<10016x16xf32, #tpu.memory_space<vmem_shared>>
        tpu.enqueue_indirect_dma source(%arg7 : memref<128x16xf32, #tpu.memory_space<vmem>>) target(%dma_start3A_71 : memref<10016x16xf32, #tpu.memory_space<vmem_shared>>) offsets(%dma_start3A_68 : memref<128xi32, #tpu.memory_space<vmem>>) semaphore(%run_scoped3A : memref<!tpu.dma_semaphore, #tpu.memory_space<semaphore_mem>>) {add = true}
      }
      %scan3A_28 = arith.constant 20 : i32
      %dma_wait3A = arith.constant 0 : i32
      %dma_wait3A_29 = arith.constant 0 : i32
      %dma_wait3A_30 = tpu.memref_slice %arg3[%dma_wait3A, %dma_wait3A_29] : memref<10016x16xf32, #tpu.memory_space<hbm>> -> memref<2560x16xf32, #tpu.memory_space<hbm>>
      %dma_wait3A_31 = arith.constant 0 : i32
      %dma_wait3A_32 = arith.constant 0 : i32
      %dma_wait3A_33 = tpu.memref_slice %arg3[%dma_wait3A_31, %dma_wait3A_32] : memref<10016x16xf32, #tpu.memory_space<hbm>> -> memref<2560x16xf32, #tpu.memory_space<hbm>>
      tpu.wait_dma2 semaphore(%run_scoped3A : memref<!tpu.dma_semaphore, #tpu.memory_space<semaphore_mem>>) src(%dma_wait3A_33 : memref<2560x16xf32, #tpu.memory_space<hbm>>) dst(%arg8 : memref<2560x16xf32, #tpu.memory_space<vmem>>)
      %scan3A_34 = arith.constant 0 : i32
      %scan3A_35 = arith.constant 0 : i32
      %scan3A_36 = arith.constant 20 : i32
      %scan3A_37 = arith.addi %scan3A_35, %scan3A_36 : i32
      %scan3A_38 = arith.constant 1 : i32
      scf.for %scan3A_64 = %scan3A_35 to %scan3A_37 step %scan3A_38  : i32 {
        %add3A_65 = arith.constant 40 : i32
        %add3A_66 = arith.addi %add3A_65, %scan3A_64 : i32
        %dma_start3A = arith.constant 0 : i32
        %dma_start3A_67 = tpu.memref_slice %arg6[%add3A_66, %dma_start3A] : memref<80x128xi32, #tpu.memory_space<vmem>> -> memref<1x128xi32, #tpu.memory_space<vmem>>
        %dma_start3A_68 = tpu.memref_squeeze %dma_start3A_67 : memref<1x128xi32, #tpu.memory_space<vmem>> -> memref<128xi32, #tpu.memory_space<vmem>>
        %dma_start3A_69 = arith.constant 0 : i32
        %dma_start3A_70 = arith.constant 0 : i32
        %dma_start3A_71 = tpu.memref_slice %arg5[%dma_start3A_69, %dma_start3A_70] : memref<10016x16xf32, #tpu.memory_space<vmem_shared>> -> memref<10016x16xf32, #tpu.memory_space<vmem_shared>>
        tpu.enqueue_indirect_dma source(%arg7 : memref<128x16xf32, #tpu.memory_space<vmem>>) target(%dma_start3A_71 : memref<10016x16xf32, #tpu.memory_space<vmem_shared>>) offsets(%dma_start3A_68 : memref<128xi32, #tpu.memory_space<vmem>>) semaphore(%run_scoped3A : memref<!tpu.dma_semaphore, #tpu.memory_space<semaphore_mem>>) {add = true}
      }
      %scan3A_39 = arith.constant 20 : i32
      %dma_wait3A_40 = arith.constant 0 : i32
      %dma_wait3A_41 = arith.constant 0 : i32
      %dma_wait3A_42 = tpu.memref_slice %arg3[%dma_wait3A_40, %dma_wait3A_41] : memref<10016x16xf32, #tpu.memory_space<hbm>> -> memref<2560x16xf32, #tpu.memory_space<hbm>>
      %dma_wait3A_43 = arith.constant 0 : i32
      %dma_wait3A_44 = arith.constant 0 : i32
      %dma_wait3A_45 = tpu.memref_slice %arg3[%dma_wait3A_43, %dma_wait3A_44] : memref<10016x16xf32, #tpu.memory_space<hbm>> -> memref<2560x16xf32, #tpu.memory_space<hbm>>
      tpu.wait_dma2 semaphore(%run_scoped3A : memref<!tpu.dma_semaphore, #tpu.memory_space<semaphore_mem>>) src(%dma_wait3A_45 : memref<2560x16xf32, #tpu.memory_space<hbm>>) dst(%arg8 : memref<2560x16xf32, #tpu.memory_space<vmem>>)
      %scan3A_46 = arith.constant 0 : i32
      %scan3A_47 = arith.constant 0 : i32
      %scan3A_48 = arith.constant 20 : i32
      %scan3A_49 = arith.addi %scan3A_47, %scan3A_48 : i32
      %scan3A_50 = arith.constant 1 : i32
      scf.for %scan3A_64 = %scan3A_47 to %scan3A_49 step %scan3A_50  : i32 {
        %add3A_65 = arith.constant 60 : i32
        %add3A_66 = arith.addi %add3A_65, %scan3A_64 : i32
        %dma_start3A = arith.constant 0 : i32
        %dma_start3A_67 = tpu.memref_slice %arg6[%add3A_66, %dma_start3A] : memref<80x128xi32, #tpu.memory_space<vmem>> -> memref<1x128xi32, #tpu.memory_space<vmem>>
        %dma_start3A_68 = tpu.memref_squeeze %dma_start3A_67 : memref<1x128xi32, #tpu.memory_space<vmem>> -> memref<128xi32, #tpu.memory_space<vmem>>
        %dma_start3A_69 = arith.constant 0 : i32
        %dma_start3A_70 = arith.constant 0 : i32
        %dma_start3A_71 = tpu.memref_slice %arg5[%dma_start3A_69, %dma_start3A_70] : memref<10016x16xf32, #tpu.memory_space<vmem_shared>> -> memref<10016x16xf32, #tpu.memory_space<vmem_shared>>
        tpu.enqueue_indirect_dma source(%arg7 : memref<128x16xf32, #tpu.memory_space<vmem>>) target(%dma_start3A_71 : memref<10016x16xf32, #tpu.memory_space<vmem_shared>>) offsets(%dma_start3A_68 : memref<128xi32, #tpu.memory_space<vmem>>) semaphore(%run_scoped3A : memref<!tpu.dma_semaphore, #tpu.memory_space<semaphore_mem>>) {add = true}
      }
      %scan3A_51 = arith.constant 20 : i32
      %dma_wait3A_52 = arith.constant 0 : i32
      %dma_wait3A_53 = arith.constant 0 : i32
      %dma_wait3A_54 = tpu.memref_slice %arg3[%dma_wait3A_52, %dma_wait3A_53] : memref<10016x16xf32, #tpu.memory_space<hbm>> -> memref<2560x16xf32, #tpu.memory_space<hbm>>
      %dma_wait3A_55 = arith.constant 0 : i32
      %dma_wait3A_56 = arith.constant 0 : i32
      %dma_wait3A_57 = tpu.memref_slice %arg3[%dma_wait3A_55, %dma_wait3A_56] : memref<10016x16xf32, #tpu.memory_space<hbm>> -> memref<2560x16xf32, #tpu.memory_space<hbm>>
      tpu.wait_dma2 semaphore(%run_scoped3A : memref<!tpu.dma_semaphore, #tpu.memory_space<semaphore_mem>>) src(%dma_wait3A_57 : memref<2560x16xf32, #tpu.memory_space<hbm>>) dst(%arg8 : memref<2560x16xf32, #tpu.memory_space<vmem>>)
      %dma_wait3A_58 = arith.constant 0 : i32
      %dma_wait3A_59 = arith.constant 0 : i32
      %dma_wait3A_60 = tpu.memref_slice %arg3[%dma_wait3A_58, %dma_wait3A_59] : memref<10016x16xf32, #tpu.memory_space<hbm>> -> memref<2560x16xf32, #tpu.memory_space<hbm>>
      %dma_wait3A_61 = arith.constant 0 : i32
      %dma_wait3A_62 = arith.constant 0 : i32
      %dma_wait3A_63 = tpu.memref_slice %arg3[%dma_wait3A_61, %dma_wait3A_62] : memref<10016x16xf32, #tpu.memory_space<hbm>> -> memref<2560x16xf32, #tpu.memory_space<hbm>>
      tpu.wait_dma2 semaphore(%run_scoped3A : memref<!tpu.dma_semaphore, #tpu.memory_space<semaphore_mem>>) src(%dma_wait3A_63 : memref<2560x16xf32, #tpu.memory_space<hbm>>) dst(%arg8 : memref<2560x16xf32, #tpu.memory_space<vmem>>)
      tpu.yield
    }) : () -> ()
    %barrier3A_12 = arith.constant 0 : index
    tpu.barrier barrier_id(%barrier3A_12)
    %mul3A_13 = arith.constant 625 : i32
    %mul3A_14 = arith.muli %arg1, %mul3A_13 : i32
    %mul3A_15 = arith.constant 625 : i32
    %mul3A_16 = arith.muli %arg1, %mul3A_15 : i32
    "tpu.region"() ({
      %run_scoped3A = tpu.sem_alloc : memref<!tpu.dma_semaphore, #tpu.memory_space<semaphore_mem>>
      %dma_start3A = arith.constant 0 : i32
      %dma_start3A_17 = arith.constant 0 : i32
      %dma_start3A_18 = tpu.memref_slice %arg4[%arg0, %dma_start3A, %dma_start3A_17] : memref<2x10000x16xf32, #tpu.memory_space<hbm>> -> memref<1x10000x16xf32, #tpu.memory_space<hbm>>
      %dma_start3A_19 = tpu.memref_squeeze %dma_start3A_18 : memref<1x10000x16xf32, #tpu.memory_space<hbm>> -> memref<10000x16xf32, #tpu.memory_space<hbm>>
      %dma_start3A_20 = arith.constant 0 : i32
      %dma_start3A_21 = tpu.memref_slice %dma_start3A_19[%mul3A_16, %dma_start3A_20] : memref<10000x16xf32, #tpu.memory_space<hbm>> -> memref<625x16xf32, #tpu.memory_space<hbm>>
      %dma_start3A_22 = arith.constant 0 : i32
      %dma_start3A_23 = tpu.memref_slice %arg5[%mul3A_14, %dma_start3A_22] : memref<10016x16xf32, #tpu.memory_space<vmem_shared>> -> memref<625x16xf32, #tpu.memory_space<vmem_shared>>
      tpu.enqueue_dma source(%dma_start3A_23 : memref<625x16xf32, #tpu.memory_space<vmem_shared>>) target(%dma_start3A_21 : memref<625x16xf32, #tpu.memory_space<hbm>>) target_semaphore(%run_scoped3A : memref<!tpu.dma_semaphore, #tpu.memory_space<semaphore_mem>>)
      %dma_wait3A = arith.constant 0 : i32
      %dma_wait3A_24 = arith.constant 0 : i32
      %dma_wait3A_25 = tpu.memref_slice %arg4[%arg0, %dma_wait3A, %dma_wait3A_24] : memref<2x10000x16xf32, #tpu.memory_space<hbm>> -> memref<1x10000x16xf32, #tpu.memory_space<hbm>>
      %dma_wait3A_26 = tpu.memref_squeeze %dma_wait3A_25 : memref<1x10000x16xf32, #tpu.memory_space<hbm>> -> memref<10000x16xf32, #tpu.memory_space<hbm>>
      %dma_wait3A_27 = arith.constant 0 : i32
      %dma_wait3A_28 = tpu.memref_slice %dma_wait3A_26[%mul3A_16, %dma_wait3A_27] : memref<10000x16xf32, #tpu.memory_space<hbm>> -> memref<625x16xf32, #tpu.memory_space<hbm>>
      %dma_wait3A_29 = arith.constant 0 : i32
      %dma_wait3A_30 = tpu.memref_slice %arg5[%mul3A_14, %dma_wait3A_29] : memref<10016x16xf32, #tpu.memory_space<vmem_shared>> -> memref<625x16xf32, #tpu.memory_space<vmem_shared>>
      tpu.wait_dma2 semaphore(%run_scoped3A : memref<!tpu.dma_semaphore, #tpu.memory_space<semaphore_mem>>) src(%dma_wait3A_30 : memref<625x16xf32, #tpu.memory_space<vmem_shared>>) dst(%dma_wait3A_28 : memref<625x16xf32, #tpu.memory_space<hbm>>)
      tpu.yield
    }) : () -> ()
    return
  }
}

#map = affine_map<(d0, d1) -> (0, 0)>
#map1 = affine_map<(d0, d1) -> (0, 0, 0)>
module attributes {stable_mosaic.version = 14 : i64} {
  func.func @body(%arg0: i32, %arg1: i32, %arg2: memref<10000x16xf32, #tpu.memory_space<hbm>>, %arg3: memref<2560x128xi32, #tpu.memory_space<hbm>>, %arg4: memref<2560x128xi32, #tpu.memory_space<hbm>>, %arg5: memref<10016x16xf32, #tpu.memory_space<hbm>>, %arg6: memref<2x10000x16xf32, #tpu.memory_space<hbm>>, %arg7: memref<10016x16xf32, #tpu.memory_space<vmem_shared>>, %arg8: memref<10000x16xf32, #tpu.memory_space<vmem_shared>>, %arg9: memref<80x128xi32, #tpu.memory_space<vmem>>, %arg10: memref<80x128xi32, #tpu.memory_space<vmem>>, %arg11: memref<2560x16xf32, #tpu.memory_space<vmem>>, %arg12: memref<2560x16xf32, #tpu.memory_space<vmem>>) attributes {dimension_semantics = [#tpu.dimension_semantics<core_parallel>, #tpu.dimension_semantics<subcore_parallel>], iteration_bounds = array<i64: 2, 16>, scalar_prefetch = 0 : i64, scratch_operands = 6 : i64, tpu.core_type = #tpu.core_type<sc_vector_subcore>, window_params = [{transform_indices = #map}, {transform_indices = #map}, {transform_indices = #map}, {transform_indices = #map}, {transform_indices = #map1}]} {
    %mul3A = arith.constant 16 : i32
    %mul3A_0 = arith.muli %arg0, %mul3A : i32
    %add3A = arith.addi %mul3A_0, %arg1 : i32
    "tpu.region"() ({
      %run_scoped3A = tpu.sem_alloc : memref<!tpu.dma_semaphore, #tpu.memory_space<semaphore_mem>>
      %run_scoped3A_6 = tpu.sem_alloc : memref<!tpu.dma_semaphore, #tpu.memory_space<semaphore_mem>>
      %run_scoped3A_7 = tpu.sem_alloc : memref<!tpu.dma_semaphore, #tpu.memory_space<semaphore_mem>>
      %run_scoped3A_8 = tpu.sem_alloc : memref<!tpu.dma_semaphore, #tpu.memory_space<semaphore_mem>>
      %mul3A_9 = arith.constant 626 : i32
      %mul3A_10 = arith.muli %arg1, %mul3A_9 : i32
      %mul3A_11 = arith.constant 626 : i32
      %mul3A_12 = arith.muli %arg1, %mul3A_11 : i32
      %dma_start3A = arith.constant 0 : i32
      %dma_start3A_13 = tpu.memref_slice %arg7[%mul3A_12, %dma_start3A] : memref<10016x16xf32, #tpu.memory_space<vmem_shared>> -> memref<626x16xf32, #tpu.memory_space<vmem_shared>>
      %dma_start3A_14 = arith.constant 0 : i32
      %dma_start3A_15 = tpu.memref_slice %arg5[%mul3A_10, %dma_start3A_14] : memref<10016x16xf32, #tpu.memory_space<hbm>> -> memref<626x16xf32, #tpu.memory_space<hbm>>
      tpu.enqueue_dma source(%dma_start3A_15 : memref<626x16xf32, #tpu.memory_space<hbm>>) target(%dma_start3A_13 : memref<626x16xf32, #tpu.memory_space<vmem_shared>>) target_semaphore(%run_scoped3A : memref<!tpu.dma_semaphore, #tpu.memory_space<semaphore_mem>>)
      %mul3A_16 = arith.constant 625 : i32
      %mul3A_17 = arith.muli %arg1, %mul3A_16 : i32
      %mul3A_18 = arith.constant 625 : i32
      %mul3A_19 = arith.muli %arg1, %mul3A_18 : i32
      %dma_start3A_20 = arith.constant 0 : i32
      %dma_start3A_21 = tpu.memref_slice %arg8[%mul3A_19, %dma_start3A_20] : memref<10000x16xf32, #tpu.memory_space<vmem_shared>> -> memref<625x16xf32, #tpu.memory_space<vmem_shared>>
      %dma_start3A_22 = arith.constant 0 : i32
      %dma_start3A_23 = tpu.memref_slice %arg2[%mul3A_17, %dma_start3A_22] : memref<10000x16xf32, #tpu.memory_space<hbm>> -> memref<625x16xf32, #tpu.memory_space<hbm>>
      tpu.enqueue_dma source(%dma_start3A_23 : memref<625x16xf32, #tpu.memory_space<hbm>>) target(%dma_start3A_21 : memref<625x16xf32, #tpu.memory_space<vmem_shared>>) target_semaphore(%run_scoped3A_6 : memref<!tpu.dma_semaphore, #tpu.memory_space<semaphore_mem>>)
      %mul3A_24 = arith.constant 80 : i32
      %mul3A_25 = arith.muli %add3A, %mul3A_24 : i32
      %dma_start3A_26 = arith.constant 0 : i32
      %dma_start3A_27 = tpu.memref_slice %arg3[%mul3A_25, %dma_start3A_26] : memref<2560x128xi32, #tpu.memory_space<hbm>> -> memref<80x128xi32, #tpu.memory_space<hbm>>
      %dma_start3A_28 = arith.constant 0 : i32
      %dma_start3A_29 = tpu.memref_slice %arg3[%mul3A_25, %dma_start3A_28] : memref<2560x128xi32, #tpu.memory_space<hbm>> -> memref<80x128xi32, #tpu.memory_space<hbm>>
      tpu.enqueue_dma source(%dma_start3A_29 : memref<80x128xi32, #tpu.memory_space<hbm>>) target(%arg9 : memref<80x128xi32, #tpu.memory_space<vmem>>) target_semaphore(%run_scoped3A_7 : memref<!tpu.dma_semaphore, #tpu.memory_space<semaphore_mem>>)
      %mul3A_30 = arith.constant 80 : i32
      %mul3A_31 = arith.muli %add3A, %mul3A_30 : i32
      %dma_start3A_32 = arith.constant 0 : i32
      %dma_start3A_33 = tpu.memref_slice %arg4[%mul3A_31, %dma_start3A_32] : memref<2560x128xi32, #tpu.memory_space<hbm>> -> memref<80x128xi32, #tpu.memory_space<hbm>>
      %dma_start3A_34 = arith.constant 0 : i32
      %dma_start3A_35 = tpu.memref_slice %arg4[%mul3A_31, %dma_start3A_34] : memref<2560x128xi32, #tpu.memory_space<hbm>> -> memref<80x128xi32, #tpu.memory_space<hbm>>
      tpu.enqueue_dma source(%dma_start3A_35 : memref<80x128xi32, #tpu.memory_space<hbm>>) target(%arg10 : memref<80x128xi32, #tpu.memory_space<vmem>>) target_semaphore(%run_scoped3A_8 : memref<!tpu.dma_semaphore, #tpu.memory_space<semaphore_mem>>)
      %dma_wait3A = arith.constant 0 : i32
      %dma_wait3A_36 = tpu.memref_slice %arg7[%mul3A_12, %dma_wait3A] : memref<10016x16xf32, #tpu.memory_space<vmem_shared>> -> memref<626x16xf32, #tpu.memory_space<vmem_shared>>
      %dma_wait3A_37 = arith.constant 0 : i32
      %dma_wait3A_38 = tpu.memref_slice %arg5[%mul3A_10, %dma_wait3A_37] : memref<10016x16xf32, #tpu.memory_space<hbm>> -> memref<626x16xf32, #tpu.memory_space<hbm>>
      tpu.wait_dma2 semaphore(%run_scoped3A : memref<!tpu.dma_semaphore, #tpu.memory_space<semaphore_mem>>) src(%dma_wait3A_38 : memref<626x16xf32, #tpu.memory_space<hbm>>) dst(%dma_wait3A_36 : memref<626x16xf32, #tpu.memory_space<vmem_shared>>)
      %dma_wait3A_39 = arith.constant 0 : i32
      %dma_wait3A_40 = tpu.memref_slice %arg8[%mul3A_19, %dma_wait3A_39] : memref<10000x16xf32, #tpu.memory_space<vmem_shared>> -> memref<625x16xf32, #tpu.memory_space<vmem_shared>>
      %dma_wait3A_41 = arith.constant 0 : i32
      %dma_wait3A_42 = tpu.memref_slice %arg2[%mul3A_17, %dma_wait3A_41] : memref<10000x16xf32, #tpu.memory_space<hbm>> -> memref<625x16xf32, #tpu.memory_space<hbm>>
      tpu.wait_dma2 semaphore(%run_scoped3A_6 : memref<!tpu.dma_semaphore, #tpu.memory_space<semaphore_mem>>) src(%dma_wait3A_42 : memref<625x16xf32, #tpu.memory_space<hbm>>) dst(%dma_wait3A_40 : memref<625x16xf32, #tpu.memory_space<vmem_shared>>)
      %dma_wait3A_43 = arith.constant 0 : i32
      %dma_wait3A_44 = tpu.memref_slice %arg3[%mul3A_25, %dma_wait3A_43] : memref<2560x128xi32, #tpu.memory_space<hbm>> -> memref<80x128xi32, #tpu.memory_space<hbm>>
      %dma_wait3A_45 = arith.constant 0 : i32
      %dma_wait3A_46 = tpu.memref_slice %arg3[%mul3A_25, %dma_wait3A_45] : memref<2560x128xi32, #tpu.memory_space<hbm>> -> memref<80x128xi32, #tpu.memory_space<hbm>>
      tpu.wait_dma2 semaphore(%run_scoped3A_7 : memref<!tpu.dma_semaphore, #tpu.memory_space<semaphore_mem>>) src(%dma_wait3A_46 : memref<80x128xi32, #tpu.memory_space<hbm>>) dst(%arg9 : memref<80x128xi32, #tpu.memory_space<vmem>>)
      %dma_wait3A_47 = arith.constant 0 : i32
      %dma_wait3A_48 = tpu.memref_slice %arg4[%mul3A_31, %dma_wait3A_47] : memref<2560x128xi32, #tpu.memory_space<hbm>> -> memref<80x128xi32, #tpu.memory_space<hbm>>
      %dma_wait3A_49 = arith.constant 0 : i32
      %dma_wait3A_50 = tpu.memref_slice %arg4[%mul3A_31, %dma_wait3A_49] : memref<2560x128xi32, #tpu.memory_space<hbm>> -> memref<80x128xi32, #tpu.memory_space<hbm>>
      tpu.wait_dma2 semaphore(%run_scoped3A_8 : memref<!tpu.dma_semaphore, #tpu.memory_space<semaphore_mem>>) src(%dma_wait3A_50 : memref<80x128xi32, #tpu.memory_space<hbm>>) dst(%arg10 : memref<80x128xi32, #tpu.memory_space<vmem>>)
      tpu.yield
    }) : () -> ()
    %barrier3A = arith.constant 0 : index
    tpu.barrier barrier_id(%barrier3A)
    "tpu.region"() ({
      %run_scoped3A = tpu.sem_alloc : memref<!tpu.dma_semaphore, #tpu.memory_space<semaphore_mem>>
      %run_scoped3A_6 = tpu.sem_alloc : memref<!tpu.dma_semaphore, #tpu.memory_space<semaphore_mem>>
      %scan3A = arith.constant 0 : i32
      %scan3A_7 = arith.constant 0 : i32
      %scan3A_8 = arith.constant 20 : i32
      %scan3A_9 = arith.addi %scan3A_7, %scan3A_8 : i32
      %scan3A_10 = arith.constant 1 : i32
      scf.for %scan3A_101 = %scan3A_7 to %scan3A_9 step %scan3A_10  : i32 {
        %add3A_102 = arith.constant 0 : i32
        %add3A_103 = arith.addi %add3A_102, %scan3A_101 : i32
        %mul3A_104 = arith.constant 128 : i32
        %mul3A_105 = arith.muli %scan3A_101, %mul3A_104 : i32
        %dma_start3A = arith.constant 0 : i32
        %dma_start3A_106 = tpu.memref_slice %arg11[%mul3A_105, %dma_start3A] : memref<2560x16xf32, #tpu.memory_space<vmem>> -> memref<128x16xf32, #tpu.memory_space<vmem>>
        %dma_start3A_107 = arith.constant 0 : i32
        %dma_start3A_108 = tpu.memref_slice %arg9[%add3A_103, %dma_start3A_107] : memref<80x128xi32, #tpu.memory_space<vmem>> -> memref<1x128xi32, #tpu.memory_space<vmem>>
        %dma_start3A_109 = tpu.memref_squeeze %dma_start3A_108 : memref<1x128xi32, #tpu.memory_space<vmem>> -> memref<128xi32, #tpu.memory_space<vmem>>
        %dma_start3A_110 = arith.constant 0 : i32
        %dma_start3A_111 = arith.constant 0 : i32
        %dma_start3A_112 = tpu.memref_slice %arg8[%dma_start3A_110, %dma_start3A_111] : memref<10000x16xf32, #tpu.memory_space<vmem_shared>> -> memref<10000x16xf32, #tpu.memory_space<vmem_shared>>
        tpu.enqueue_indirect_dma source(%dma_start3A_112 : memref<10000x16xf32, #tpu.memory_space<vmem_shared>>) target(%dma_start3A_106 : memref<128x16xf32, #tpu.memory_space<vmem>>) offsets(%dma_start3A_109 : memref<128xi32, #tpu.memory_space<vmem>>) semaphore(%run_scoped3A : memref<!tpu.dma_semaphore, #tpu.memory_space<semaphore_mem>>)
      }
      %scan3A_11 = arith.constant 20 : i32
      %dma_wait3A = arith.constant 0 : i32
      %dma_wait3A_12 = arith.constant 0 : i32
      %dma_wait3A_13 = tpu.memref_slice %arg5[%dma_wait3A, %dma_wait3A_12] : memref<10016x16xf32, #tpu.memory_space<hbm>> -> memref<2560x16xf32, #tpu.memory_space<hbm>>
      %dma_wait3A_14 = arith.constant 0 : i32
      %dma_wait3A_15 = arith.constant 0 : i32
      %dma_wait3A_16 = tpu.memref_slice %arg5[%dma_wait3A_14, %dma_wait3A_15] : memref<10016x16xf32, #tpu.memory_space<hbm>> -> memref<2560x16xf32, #tpu.memory_space<hbm>>
      tpu.wait_dma2 semaphore(%run_scoped3A : memref<!tpu.dma_semaphore, #tpu.memory_space<semaphore_mem>>) src(%dma_wait3A_16 : memref<2560x16xf32, #tpu.memory_space<hbm>>) dst(%arg11 : memref<2560x16xf32, #tpu.memory_space<vmem>>)
      %scan3A_17 = arith.constant 0 : i32
      %scan3A_18 = arith.constant 0 : i32
      %scan3A_19 = arith.constant 20 : i32
      %scan3A_20 = arith.addi %scan3A_18, %scan3A_19 : i32
      %scan3A_21 = arith.constant 1 : i32
      scf.for %scan3A_101 = %scan3A_18 to %scan3A_20 step %scan3A_21  : i32 {
        %mul3A_102 = arith.constant 128 : i32
        %mul3A_103 = arith.muli %scan3A_101, %mul3A_102 : i32
        %add3A_104 = arith.constant 0 : i32
        %add3A_105 = arith.addi %add3A_104, %scan3A_101 : i32
        %dma_start3A = arith.constant 0 : i32
        %dma_start3A_106 = tpu.memref_slice %arg11[%mul3A_103, %dma_start3A] : memref<2560x16xf32, #tpu.memory_space<vmem>> -> memref<128x16xf32, #tpu.memory_space<vmem>>
        %dma_start3A_107 = arith.constant 0 : i32
        %dma_start3A_108 = tpu.memref_slice %arg10[%add3A_105, %dma_start3A_107] : memref<80x128xi32, #tpu.memory_space<vmem>> -> memref<1x128xi32, #tpu.memory_space<vmem>>
        %dma_start3A_109 = tpu.memref_squeeze %dma_start3A_108 : memref<1x128xi32, #tpu.memory_space<vmem>> -> memref<128xi32, #tpu.memory_space<vmem>>
        %dma_start3A_110 = arith.constant 0 : i32
        %dma_start3A_111 = arith.constant 0 : i32
        %dma_start3A_112 = tpu.memref_slice %arg7[%dma_start3A_110, %dma_start3A_111] : memref<10016x16xf32, #tpu.memory_space<vmem_shared>> -> memref<10016x16xf32, #tpu.memory_space<vmem_shared>>
        tpu.enqueue_indirect_dma source(%dma_start3A_106 : memref<128x16xf32, #tpu.memory_space<vmem>>) target(%dma_start3A_112 : memref<10016x16xf32, #tpu.memory_space<vmem_shared>>) offsets(%dma_start3A_109 : memref<128xi32, #tpu.memory_space<vmem>>) semaphore(%run_scoped3A_6 : memref<!tpu.dma_semaphore, #tpu.memory_space<semaphore_mem>>) {add = true}
      }
      %scan3A_22 = arith.constant 20 : i32
      %scan3A_23 = arith.constant 0 : i32
      %scan3A_24 = arith.constant 0 : i32
      %scan3A_25 = arith.constant 20 : i32
      %scan3A_26 = arith.addi %scan3A_24, %scan3A_25 : i32
      %scan3A_27 = arith.constant 1 : i32
      scf.for %scan3A_101 = %scan3A_24 to %scan3A_26 step %scan3A_27  : i32 {
        %add3A_102 = arith.constant 20 : i32
        %add3A_103 = arith.addi %add3A_102, %scan3A_101 : i32
        %mul3A_104 = arith.constant 128 : i32
        %mul3A_105 = arith.muli %scan3A_101, %mul3A_104 : i32
        %dma_start3A = arith.constant 0 : i32
        %dma_start3A_106 = tpu.memref_slice %arg12[%mul3A_105, %dma_start3A] : memref<2560x16xf32, #tpu.memory_space<vmem>> -> memref<128x16xf32, #tpu.memory_space<vmem>>
        %dma_start3A_107 = arith.constant 0 : i32
        %dma_start3A_108 = tpu.memref_slice %arg9[%add3A_103, %dma_start3A_107] : memref<80x128xi32, #tpu.memory_space<vmem>> -> memref<1x128xi32, #tpu.memory_space<vmem>>
        %dma_start3A_109 = tpu.memref_squeeze %dma_start3A_108 : memref<1x128xi32, #tpu.memory_space<vmem>> -> memref<128xi32, #tpu.memory_space<vmem>>
        %dma_start3A_110 = arith.constant 0 : i32
        %dma_start3A_111 = arith.constant 0 : i32
        %dma_start3A_112 = tpu.memref_slice %arg8[%dma_start3A_110, %dma_start3A_111] : memref<10000x16xf32, #tpu.memory_space<vmem_shared>> -> memref<10000x16xf32, #tpu.memory_space<vmem_shared>>
        tpu.enqueue_indirect_dma source(%dma_start3A_112 : memref<10000x16xf32, #tpu.memory_space<vmem_shared>>) target(%dma_start3A_106 : memref<128x16xf32, #tpu.memory_space<vmem>>) offsets(%dma_start3A_109 : memref<128xi32, #tpu.memory_space<vmem>>) semaphore(%run_scoped3A : memref<!tpu.dma_semaphore, #tpu.memory_space<semaphore_mem>>)
      }
      %scan3A_28 = arith.constant 20 : i32
      %dma_wait3A_29 = arith.constant 0 : i32
      %dma_wait3A_30 = arith.constant 0 : i32
      %dma_wait3A_31 = tpu.memref_slice %arg5[%dma_wait3A_29, %dma_wait3A_30] : memref<10016x16xf32, #tpu.memory_space<hbm>> -> memref<2560x16xf32, #tpu.memory_space<hbm>>
      %dma_wait3A_32 = arith.constant 0 : i32
      %dma_wait3A_33 = arith.constant 0 : i32
      %dma_wait3A_34 = tpu.memref_slice %arg5[%dma_wait3A_32, %dma_wait3A_33] : memref<10016x16xf32, #tpu.memory_space<hbm>> -> memref<2560x16xf32, #tpu.memory_space<hbm>>
      tpu.wait_dma2 semaphore(%run_scoped3A_6 : memref<!tpu.dma_semaphore, #tpu.memory_space<semaphore_mem>>) src(%dma_wait3A_34 : memref<2560x16xf32, #tpu.memory_space<hbm>>) dst(%arg11 : memref<2560x16xf32, #tpu.memory_space<vmem>>)
      %dma_wait3A_35 = arith.constant 0 : i32
      %dma_wait3A_36 = arith.constant 0 : i32
      %dma_wait3A_37 = tpu.memref_slice %arg5[%dma_wait3A_35, %dma_wait3A_36] : memref<10016x16xf32, #tpu.memory_space<hbm>> -> memref<2560x16xf32, #tpu.memory_space<hbm>>
      %dma_wait3A_38 = arith.constant 0 : i32
      %dma_wait3A_39 = arith.constant 0 : i32
      %dma_wait3A_40 = tpu.memref_slice %arg5[%dma_wait3A_38, %dma_wait3A_39] : memref<10016x16xf32, #tpu.memory_space<hbm>> -> memref<2560x16xf32, #tpu.memory_space<hbm>>
      tpu.wait_dma2 semaphore(%run_scoped3A : memref<!tpu.dma_semaphore, #tpu.memory_space<semaphore_mem>>) src(%dma_wait3A_40 : memref<2560x16xf32, #tpu.memory_space<hbm>>) dst(%arg11 : memref<2560x16xf32, #tpu.memory_space<vmem>>)
      %scan3A_41 = arith.constant 0 : i32
      %scan3A_42 = arith.constant 0 : i32
      %scan3A_43 = arith.constant 20 : i32
      %scan3A_44 = arith.addi %scan3A_42, %scan3A_43 : i32
      %scan3A_45 = arith.constant 1 : i32
      scf.for %scan3A_101 = %scan3A_42 to %scan3A_44 step %scan3A_45  : i32 {
        %mul3A_102 = arith.constant 128 : i32
        %mul3A_103 = arith.muli %scan3A_101, %mul3A_102 : i32
        %add3A_104 = arith.constant 20 : i32
        %add3A_105 = arith.addi %add3A_104, %scan3A_101 : i32
        %dma_start3A = arith.constant 0 : i32
        %dma_start3A_106 = tpu.memref_slice %arg12[%mul3A_103, %dma_start3A] : memref<2560x16xf32, #tpu.memory_space<vmem>> -> memref<128x16xf32, #tpu.memory_space<vmem>>
        %dma_start3A_107 = arith.constant 0 : i32
        %dma_start3A_108 = tpu.memref_slice %arg10[%add3A_105, %dma_start3A_107] : memref<80x128xi32, #tpu.memory_space<vmem>> -> memref<1x128xi32, #tpu.memory_space<vmem>>
        %dma_start3A_109 = tpu.memref_squeeze %dma_start3A_108 : memref<1x128xi32, #tpu.memory_space<vmem>> -> memref<128xi32, #tpu.memory_space<vmem>>
        %dma_start3A_110 = arith.constant 0 : i32
        %dma_start3A_111 = arith.constant 0 : i32
        %dma_start3A_112 = tpu.memref_slice %arg7[%dma_start3A_110, %dma_start3A_111] : memref<10016x16xf32, #tpu.memory_space<vmem_shared>> -> memref<10016x16xf32, #tpu.memory_space<vmem_shared>>
        tpu.enqueue_indirect_dma source(%dma_start3A_106 : memref<128x16xf32, #tpu.memory_space<vmem>>) target(%dma_start3A_112 : memref<10016x16xf32, #tpu.memory_space<vmem_shared>>) offsets(%dma_start3A_109 : memref<128xi32, #tpu.memory_space<vmem>>) semaphore(%run_scoped3A_6 : memref<!tpu.dma_semaphore, #tpu.memory_space<semaphore_mem>>) {add = true}
      }
      %scan3A_46 = arith.constant 20 : i32
      %scan3A_47 = arith.constant 0 : i32
      %scan3A_48 = arith.constant 0 : i32
      %scan3A_49 = arith.constant 20 : i32
      %scan3A_50 = arith.addi %scan3A_48, %scan3A_49 : i32
      %scan3A_51 = arith.constant 1 : i32
      scf.for %scan3A_101 = %scan3A_48 to %scan3A_50 step %scan3A_51  : i32 {
        %add3A_102 = arith.constant 40 : i32
        %add3A_103 = arith.addi %add3A_102, %scan3A_101 : i32
        %mul3A_104 = arith.constant 128 : i32
        %mul3A_105 = arith.muli %scan3A_101, %mul3A_104 : i32
        %dma_start3A = arith.constant 0 : i32
        %dma_start3A_106 = tpu.memref_slice %arg11[%mul3A_105, %dma_start3A] : memref<2560x16xf32, #tpu.memory_space<vmem>> -> memref<128x16xf32, #tpu.memory_space<vmem>>
        %dma_start3A_107 = arith.constant 0 : i32
        %dma_start3A_108 = tpu.memref_slice %arg9[%add3A_103, %dma_start3A_107] : memref<80x128xi32, #tpu.memory_space<vmem>> -> memref<1x128xi32, #tpu.memory_space<vmem>>
        %dma_start3A_109 = tpu.memref_squeeze %dma_start3A_108 : memref<1x128xi32, #tpu.memory_space<vmem>> -> memref<128xi32, #tpu.memory_space<vmem>>
        %dma_start3A_110 = arith.constant 0 : i32
        %dma_start3A_111 = arith.constant 0 : i32
        %dma_start3A_112 = tpu.memref_slice %arg8[%dma_start3A_110, %dma_start3A_111] : memref<10000x16xf32, #tpu.memory_space<vmem_shared>> -> memref<10000x16xf32, #tpu.memory_space<vmem_shared>>
        tpu.enqueue_indirect_dma source(%dma_start3A_112 : memref<10000x16xf32, #tpu.memory_space<vmem_shared>>) target(%dma_start3A_106 : memref<128x16xf32, #tpu.memory_space<vmem>>) offsets(%dma_start3A_109 : memref<128xi32, #tpu.memory_space<vmem>>) semaphore(%run_scoped3A : memref<!tpu.dma_semaphore, #tpu.memory_space<semaphore_mem>>)
      }
      %scan3A_52 = arith.constant 20 : i32
      %dma_wait3A_53 = arith.constant 0 : i32
      %dma_wait3A_54 = arith.constant 0 : i32
      %dma_wait3A_55 = tpu.memref_slice %arg5[%dma_wait3A_53, %dma_wait3A_54] : memref<10016x16xf32, #tpu.memory_space<hbm>> -> memref<2560x16xf32, #tpu.memory_space<hbm>>
      %dma_wait3A_56 = arith.constant 0 : i32
      %dma_wait3A_57 = arith.constant 0 : i32
      %dma_wait3A_58 = tpu.memref_slice %arg5[%dma_wait3A_56, %dma_wait3A_57] : memref<10016x16xf32, #tpu.memory_space<hbm>> -> memref<2560x16xf32, #tpu.memory_space<hbm>>
      tpu.wait_dma2 semaphore(%run_scoped3A_6 : memref<!tpu.dma_semaphore, #tpu.memory_space<semaphore_mem>>) src(%dma_wait3A_58 : memref<2560x16xf32, #tpu.memory_space<hbm>>) dst(%arg11 : memref<2560x16xf32, #tpu.memory_space<vmem>>)
      %dma_wait3A_59 = arith.constant 0 : i32
      %dma_wait3A_60 = arith.constant 0 : i32
      %dma_wait3A_61 = tpu.memref_slice %arg5[%dma_wait3A_59, %dma_wait3A_60] : memref<10016x16xf32, #tpu.memory_space<hbm>> -> memref<2560x16xf32, #tpu.memory_space<hbm>>
      %dma_wait3A_62 = arith.constant 0 : i32
      %dma_wait3A_63 = arith.constant 0 : i32
      %dma_wait3A_64 = tpu.memref_slice %arg5[%dma_wait3A_62, %dma_wait3A_63] : memref<10016x16xf32, #tpu.memory_space<hbm>> -> memref<2560x16xf32, #tpu.memory_space<hbm>>
      tpu.wait_dma2 semaphore(%run_scoped3A : memref<!tpu.dma_semaphore, #tpu.memory_space<semaphore_mem>>) src(%dma_wait3A_64 : memref<2560x16xf32, #tpu.memory_space<hbm>>) dst(%arg11 : memref<2560x16xf32, #tpu.memory_space<vmem>>)
      %scan3A_65 = arith.constant 0 : i32
      %scan3A_66 = arith.constant 0 : i32
      %scan3A_67 = arith.constant 20 : i32
      %scan3A_68 = arith.addi %scan3A_66, %scan3A_67 : i32
      %scan3A_69 = arith.constant 1 : i32
      scf.for %scan3A_101 = %scan3A_66 to %scan3A_68 step %scan3A_69  : i32 {
        %mul3A_102 = arith.constant 128 : i32
        %mul3A_103 = arith.muli %scan3A_101, %mul3A_102 : i32
        %add3A_104 = arith.constant 40 : i32
        %add3A_105 = arith.addi %add3A_104, %scan3A_101 : i32
        %dma_start3A = arith.constant 0 : i32
        %dma_start3A_106 = tpu.memref_slice %arg11[%mul3A_103, %dma_start3A] : memref<2560x16xf32, #tpu.memory_space<vmem>> -> memref<128x16xf32, #tpu.memory_space<vmem>>
        %dma_start3A_107 = arith.constant 0 : i32
        %dma_start3A_108 = tpu.memref_slice %arg10[%add3A_105, %dma_start3A_107] : memref<80x128xi32, #tpu.memory_space<vmem>> -> memref<1x128xi32, #tpu.memory_space<vmem>>
        %dma_start3A_109 = tpu.memref_squeeze %dma_start3A_108 : memref<1x128xi32, #tpu.memory_space<vmem>> -> memref<128xi32, #tpu.memory_space<vmem>>
        %dma_start3A_110 = arith.constant 0 : i32
        %dma_start3A_111 = arith.constant 0 : i32
        %dma_start3A_112 = tpu.memref_slice %arg7[%dma_start3A_110, %dma_start3A_111] : memref<10016x16xf32, #tpu.memory_space<vmem_shared>> -> memref<10016x16xf32, #tpu.memory_space<vmem_shared>>
        tpu.enqueue_indirect_dma source(%dma_start3A_106 : memref<128x16xf32, #tpu.memory_space<vmem>>) target(%dma_start3A_112 : memref<10016x16xf32, #tpu.memory_space<vmem_shared>>) offsets(%dma_start3A_109 : memref<128xi32, #tpu.memory_space<vmem>>) semaphore(%run_scoped3A_6 : memref<!tpu.dma_semaphore, #tpu.memory_space<semaphore_mem>>) {add = true}
      }
      %scan3A_70 = arith.constant 20 : i32
      %scan3A_71 = arith.constant 0 : i32
      %scan3A_72 = arith.constant 0 : i32
      %scan3A_73 = arith.constant 20 : i32
      %scan3A_74 = arith.addi %scan3A_72, %scan3A_73 : i32
      %scan3A_75 = arith.constant 1 : i32
      scf.for %scan3A_101 = %scan3A_72 to %scan3A_74 step %scan3A_75  : i32 {
        %add3A_102 = arith.constant 60 : i32
        %add3A_103 = arith.addi %add3A_102, %scan3A_101 : i32
        %mul3A_104 = arith.constant 128 : i32
        %mul3A_105 = arith.muli %scan3A_101, %mul3A_104 : i32
        %dma_start3A = arith.constant 0 : i32
        %dma_start3A_106 = tpu.memref_slice %arg12[%mul3A_105, %dma_start3A] : memref<2560x16xf32, #tpu.memory_space<vmem>> -> memref<128x16xf32, #tpu.memory_space<vmem>>
        %dma_start3A_107 = arith.constant 0 : i32
        %dma_start3A_108 = tpu.memref_slice %arg9[%add3A_103, %dma_start3A_107] : memref<80x128xi32, #tpu.memory_space<vmem>> -> memref<1x128xi32, #tpu.memory_space<vmem>>
        %dma_start3A_109 = tpu.memref_squeeze %dma_start3A_108 : memref<1x128xi32, #tpu.memory_space<vmem>> -> memref<128xi32, #tpu.memory_space<vmem>>
        %dma_start3A_110 = arith.constant 0 : i32
        %dma_start3A_111 = arith.constant 0 : i32
        %dma_start3A_112 = tpu.memref_slice %arg8[%dma_start3A_110, %dma_start3A_111] : memref<10000x16xf32, #tpu.memory_space<vmem_shared>> -> memref<10000x16xf32, #tpu.memory_space<vmem_shared>>
        tpu.enqueue_indirect_dma source(%dma_start3A_112 : memref<10000x16xf32, #tpu.memory_space<vmem_shared>>) target(%dma_start3A_106 : memref<128x16xf32, #tpu.memory_space<vmem>>) offsets(%dma_start3A_109 : memref<128xi32, #tpu.memory_space<vmem>>) semaphore(%run_scoped3A : memref<!tpu.dma_semaphore, #tpu.memory_space<semaphore_mem>>)
      }
      %scan3A_76 = arith.constant 20 : i32
      %dma_wait3A_77 = arith.constant 0 : i32
      %dma_wait3A_78 = arith.constant 0 : i32
      %dma_wait3A_79 = tpu.memref_slice %arg5[%dma_wait3A_77, %dma_wait3A_78] : memref<10016x16xf32, #tpu.memory_space<hbm>> -> memref<2560x16xf32, #tpu.memory_space<hbm>>
      %dma_wait3A_80 = arith.constant 0 : i32
      %dma_wait3A_81 = arith.constant 0 : i32
      %dma_wait3A_82 = tpu.memref_slice %arg5[%dma_wait3A_80, %dma_wait3A_81] : memref<10016x16xf32, #tpu.memory_space<hbm>> -> memref<2560x16xf32, #tpu.memory_space<hbm>>
      tpu.wait_dma2 semaphore(%run_scoped3A_6 : memref<!tpu.dma_semaphore, #tpu.memory_space<semaphore_mem>>) src(%dma_wait3A_82 : memref<2560x16xf32, #tpu.memory_space<hbm>>) dst(%arg11 : memref<2560x16xf32, #tpu.memory_space<vmem>>)
      %dma_wait3A_83 = arith.constant 0 : i32
      %dma_wait3A_84 = arith.constant 0 : i32
      %dma_wait3A_85 = tpu.memref_slice %arg5[%dma_wait3A_83, %dma_wait3A_84] : memref<10016x16xf32, #tpu.memory_space<hbm>> -> memref<2560x16xf32, #tpu.memory_space<hbm>>
      %dma_wait3A_86 = arith.constant 0 : i32
      %dma_wait3A_87 = arith.constant 0 : i32
      %dma_wait3A_88 = tpu.memref_slice %arg5[%dma_wait3A_86, %dma_wait3A_87] : memref<10016x16xf32, #tpu.memory_space<hbm>> -> memref<2560x16xf32, #tpu.memory_space<hbm>>
      tpu.wait_dma2 semaphore(%run_scoped3A : memref<!tpu.dma_semaphore, #tpu.memory_space<semaphore_mem>>) src(%dma_wait3A_88 : memref<2560x16xf32, #tpu.memory_space<hbm>>) dst(%arg11 : memref<2560x16xf32, #tpu.memory_space<vmem>>)
      %scan3A_89 = arith.constant 0 : i32
      %scan3A_90 = arith.constant 0 : i32
      %scan3A_91 = arith.constant 20 : i32
      %scan3A_92 = arith.addi %scan3A_90, %scan3A_91 : i32
      %scan3A_93 = arith.constant 1 : i32
      scf.for %scan3A_101 = %scan3A_90 to %scan3A_92 step %scan3A_93  : i32 {
        %mul3A_102 = arith.constant 128 : i32
        %mul3A_103 = arith.muli %scan3A_101, %mul3A_102 : i32
        %add3A_104 = arith.constant 60 : i32
        %add3A_105 = arith.addi %add3A_104, %scan3A_101 : i32
        %dma_start3A = arith.constant 0 : i32
        %dma_start3A_106 = tpu.memref_slice %arg12[%mul3A_103, %dma_start3A] : memref<2560x16xf32, #tpu.memory_space<vmem>> -> memref<128x16xf32, #tpu.memory_space<vmem>>
        %dma_start3A_107 = arith.constant 0 : i32
        %dma_start3A_108 = tpu.memref_slice %arg10[%add3A_105, %dma_start3A_107] : memref<80x128xi32, #tpu.memory_space<vmem>> -> memref<1x128xi32, #tpu.memory_space<vmem>>
        %dma_start3A_109 = tpu.memref_squeeze %dma_start3A_108 : memref<1x128xi32, #tpu.memory_space<vmem>> -> memref<128xi32, #tpu.memory_space<vmem>>
        %dma_start3A_110 = arith.constant 0 : i32
        %dma_start3A_111 = arith.constant 0 : i32
        %dma_start3A_112 = tpu.memref_slice %arg7[%dma_start3A_110, %dma_start3A_111] : memref<10016x16xf32, #tpu.memory_space<vmem_shared>> -> memref<10016x16xf32, #tpu.memory_space<vmem_shared>>
        tpu.enqueue_indirect_dma source(%dma_start3A_106 : memref<128x16xf32, #tpu.memory_space<vmem>>) target(%dma_start3A_112 : memref<10016x16xf32, #tpu.memory_space<vmem_shared>>) offsets(%dma_start3A_109 : memref<128xi32, #tpu.memory_space<vmem>>) semaphore(%run_scoped3A_6 : memref<!tpu.dma_semaphore, #tpu.memory_space<semaphore_mem>>) {add = true}
      }
      %scan3A_94 = arith.constant 20 : i32
      %dma_wait3A_95 = arith.constant 0 : i32
      %dma_wait3A_96 = arith.constant 0 : i32
      %dma_wait3A_97 = tpu.memref_slice %arg5[%dma_wait3A_95, %dma_wait3A_96] : memref<10016x16xf32, #tpu.memory_space<hbm>> -> memref<2560x16xf32, #tpu.memory_space<hbm>>
      %dma_wait3A_98 = arith.constant 0 : i32
      %dma_wait3A_99 = arith.constant 0 : i32
      %dma_wait3A_100 = tpu.memref_slice %arg5[%dma_wait3A_98, %dma_wait3A_99] : memref<10016x16xf32, #tpu.memory_space<hbm>> -> memref<2560x16xf32, #tpu.memory_space<hbm>>
      tpu.wait_dma2 semaphore(%run_scoped3A_6 : memref<!tpu.dma_semaphore, #tpu.memory_space<semaphore_mem>>) src(%dma_wait3A_100 : memref<2560x16xf32, #tpu.memory_space<hbm>>) dst(%arg11 : memref<2560x16xf32, #tpu.memory_space<vmem>>)
      tpu.yield
    }) : () -> ()
    %barrier3A_1 = arith.constant 0 : index
    tpu.barrier barrier_id(%barrier3A_1)
    %mul3A_2 = arith.constant 625 : i32
    %mul3A_3 = arith.muli %arg1, %mul3A_2 : i32
    %mul3A_4 = arith.constant 625 : i32
    %mul3A_5 = arith.muli %arg1, %mul3A_4 : i32
    "tpu.region"() ({
      %run_scoped3A = tpu.sem_alloc : memref<!tpu.dma_semaphore, #tpu.memory_space<semaphore_mem>>
      %dma_start3A = arith.constant 0 : i32
      %dma_start3A_6 = arith.constant 0 : i32
      %dma_start3A_7 = tpu.memref_slice %arg6[%arg0, %dma_start3A, %dma_start3A_6] : memref<2x10000x16xf32, #tpu.memory_space<hbm>> -> memref<1x10000x16xf32, #tpu.memory_space<hbm>>
      %dma_start3A_8 = tpu.memref_squeeze %dma_start3A_7 : memref<1x10000x16xf32, #tpu.memory_space<hbm>> -> memref<10000x16xf32, #tpu.memory_space<hbm>>
      %dma_start3A_9 = arith.constant 0 : i32
      %dma_start3A_10 = tpu.memref_slice %dma_start3A_8[%mul3A_5, %dma_start3A_9] : memref<10000x16xf32, #tpu.memory_space<hbm>> -> memref<625x16xf32, #tpu.memory_space<hbm>>
      %dma_start3A_11 = arith.constant 0 : i32
      %dma_start3A_12 = tpu.memref_slice %arg7[%mul3A_3, %dma_start3A_11] : memref<10016x16xf32, #tpu.memory_space<vmem_shared>> -> memref<625x16xf32, #tpu.memory_space<vmem_shared>>
      tpu.enqueue_dma source(%dma_start3A_12 : memref<625x16xf32, #tpu.memory_space<vmem_shared>>) target(%dma_start3A_10 : memref<625x16xf32, #tpu.memory_space<hbm>>) target_semaphore(%run_scoped3A : memref<!tpu.dma_semaphore, #tpu.memory_space<semaphore_mem>>)
      %dma_wait3A = arith.constant 0 : i32
      %dma_wait3A_13 = arith.constant 0 : i32
      %dma_wait3A_14 = tpu.memref_slice %arg6[%arg0, %dma_wait3A, %dma_wait3A_13] : memref<2x10000x16xf32, #tpu.memory_space<hbm>> -> memref<1x10000x16xf32, #tpu.memory_space<hbm>>
      %dma_wait3A_15 = tpu.memref_squeeze %dma_wait3A_14 : memref<1x10000x16xf32, #tpu.memory_space<hbm>> -> memref<10000x16xf32, #tpu.memory_space<hbm>>
      %dma_wait3A_16 = arith.constant 0 : i32
      %dma_wait3A_17 = tpu.memref_slice %dma_wait3A_15[%mul3A_5, %dma_wait3A_16] : memref<10000x16xf32, #tpu.memory_space<hbm>> -> memref<625x16xf32, #tpu.memory_space<hbm>>
      %dma_wait3A_18 = arith.constant 0 : i32
      %dma_wait3A_19 = tpu.memref_slice %arg7[%mul3A_3, %dma_wait3A_18] : memref<10016x16xf32, #tpu.memory_space<vmem_shared>> -> memref<625x16xf32, #tpu.memory_space<vmem_shared>>
      tpu.wait_dma2 semaphore(%run_scoped3A : memref<!tpu.dma_semaphore, #tpu.memory_space<semaphore_mem>>) src(%dma_wait3A_19 : memref<625x16xf32, #tpu.memory_space<vmem_shared>>) dst(%dma_wait3A_17 : memref<625x16xf32, #tpu.memory_space<hbm>>)
      tpu.yield
    }) : () -> ()
    return
  }
}

module attributes {stable_mosaic.version = 14 : i64} {
  func.func @body(%arg0: memref<1250x8x128xf32, #tpu.memory_space<vmem>>, %arg1: memref<128x16xf32, #tpu.memory_space<vmem>>, %arg2: memref<1250x128xf32, #tpu.memory_space<vmem>>, %arg3: memref<1250x128xf32, #tpu.memory_space<vmem>>, %arg4: memref<1250x128xf32, #tpu.memory_space<vmem>>, %arg5: memref<1250x128xf32, #tpu.memory_space<vmem>>) attributes {dimension_semantics = [], scalar_prefetch = 0 : i64, scratch_operands = 0 : i64, tpu.core_type = #tpu.core_type<tc>} {
    %get3A = arith.constant 0 : index
    %get3A_0 = arith.constant 0 : index
    %get3A_1 = vector.load %arg2[%get3A, %get3A_0] : memref<1250x128xf32, #tpu.memory_space<vmem>>, vector<1250x128xf32>
    %get3A_2 = arith.constant 0 : index
    %get3A_3 = arith.constant 0 : index
    %get3A_4 = vector.load %arg3[%get3A_2, %get3A_3] : memref<1250x128xf32, #tpu.memory_space<vmem>>, vector<1250x128xf32>
    %add3A = arith.addf %get3A_1, %get3A_4 : vector<1250x128xf32>
    %add3A_5 = arith.constant 1.000000e+00 : f32
    %add3A_6 = vector.broadcast %add3A_5 : f32 to vector<1250x128xf32>
    %add3A_7 = arith.addf %add3A, %add3A_6 : vector<1250x128xf32>
    %rsqrt3A = math.rsqrt %add3A_7 : vector<1250x128xf32>
    %get3A_8 = arith.constant 0 : index
    %get3A_9 = arith.constant 0 : index
    %get3A_10 = arith.constant 0 : index
    %get3A_11 = vector.load %arg0[%get3A_8, %get3A_9, %get3A_10] : memref<1250x8x128xf32, #tpu.memory_space<vmem>>, vector<1250x1x128xf32>
    %get3A_12 = vector.shape_cast %get3A_11 : vector<1250x1x128xf32> to vector<1250x128xf32>
    %get3A_13 = arith.constant 0 : index
    %get3A_14 = arith.constant 0 : index
    %get3A_15 = vector.load %arg1[%get3A_13, %get3A_14] : memref<128x16xf32, #tpu.memory_space<vmem>>, vector<128x16xf32>
    %dot_general3A = arith.constant dense<0.000000e+00> : vector<1250x16xf32>
    %dot_general3A_16 = tpu.matmul %get3A_12, %get3A_15, %dot_general3A {dimension_numbers = #tpu.dot_dimension_numbers<[1], [0], [0], [1], [0, 0, 1, 1], [], []>, transpose_lhs_hint = false} : vector<1250x128xf32>, vector<128x16xf32>, vector<1250x16xf32> -> vector<1250x16xf32>
    %get3A_17 = arith.constant 0 : index
    %get3A_18 = arith.constant 1 : index
    %get3A_19 = arith.constant 0 : index
    %get3A_20 = vector.load %arg0[%get3A_17, %get3A_18, %get3A_19] : memref<1250x8x128xf32, #tpu.memory_space<vmem>>, vector<1250x1x128xf32>
    %get3A_21 = vector.shape_cast %get3A_20 : vector<1250x1x128xf32> to vector<1250x128xf32>
    %get3A_22 = arith.constant 0 : index
    %get3A_23 = arith.constant 0 : index
    %get3A_24 = vector.load %arg1[%get3A_22, %get3A_23] : memref<128x16xf32, #tpu.memory_space<vmem>>, vector<128x16xf32>
    %dot_general3A_25 = arith.constant dense<0.000000e+00> : vector<1250x16xf32>
    %dot_general3A_26 = tpu.matmul %get3A_21, %get3A_24, %dot_general3A_25 {dimension_numbers = #tpu.dot_dimension_numbers<[1], [0], [0], [1], [0, 0, 1, 1], [], []>, transpose_lhs_hint = false} : vector<1250x128xf32>, vector<128x16xf32>, vector<1250x16xf32> -> vector<1250x16xf32>
    %get3A_27 = arith.constant 0 : index
    %get3A_28 = arith.constant 2 : index
    %get3A_29 = arith.constant 0 : index
    %get3A_30 = vector.load %arg0[%get3A_27, %get3A_28, %get3A_29] : memref<1250x8x128xf32, #tpu.memory_space<vmem>>, vector<1250x1x128xf32>
    %get3A_31 = vector.shape_cast %get3A_30 : vector<1250x1x128xf32> to vector<1250x128xf32>
    %get3A_32 = arith.constant 0 : index
    %get3A_33 = arith.constant 0 : index
    %get3A_34 = vector.load %arg1[%get3A_32, %get3A_33] : memref<128x16xf32, #tpu.memory_space<vmem>>, vector<128x16xf32>
    %dot_general3A_35 = arith.constant dense<0.000000e+00> : vector<1250x16xf32>
    %dot_general3A_36 = tpu.matmul %get3A_31, %get3A_34, %dot_general3A_35 {dimension_numbers = #tpu.dot_dimension_numbers<[1], [0], [0], [1], [0, 0, 1, 1], [], []>, transpose_lhs_hint = false} : vector<1250x128xf32>, vector<128x16xf32>, vector<1250x16xf32> -> vector<1250x16xf32>
    %get3A_37 = arith.constant 0 : index
    %get3A_38 = arith.constant 3 : index
    %get3A_39 = arith.constant 0 : index
    %get3A_40 = vector.load %arg0[%get3A_37, %get3A_38, %get3A_39] : memref<1250x8x128xf32, #tpu.memory_space<vmem>>, vector<1250x1x128xf32>
    %get3A_41 = vector.shape_cast %get3A_40 : vector<1250x1x128xf32> to vector<1250x128xf32>
    %get3A_42 = arith.constant 0 : index
    %get3A_43 = arith.constant 0 : index
    %get3A_44 = vector.load %arg1[%get3A_42, %get3A_43] : memref<128x16xf32, #tpu.memory_space<vmem>>, vector<128x16xf32>
    %dot_general3A_45 = arith.constant dense<0.000000e+00> : vector<1250x16xf32>
    %dot_general3A_46 = tpu.matmul %get3A_41, %get3A_44, %dot_general3A_45 {dimension_numbers = #tpu.dot_dimension_numbers<[1], [0], [0], [1], [0, 0, 1, 1], [], []>, transpose_lhs_hint = false} : vector<1250x128xf32>, vector<128x16xf32>, vector<1250x16xf32> -> vector<1250x16xf32>
    %get3A_47 = arith.constant 0 : index
    %get3A_48 = arith.constant 4 : index
    %get3A_49 = arith.constant 0 : index
    %get3A_50 = vector.load %arg0[%get3A_47, %get3A_48, %get3A_49] : memref<1250x8x128xf32, #tpu.memory_space<vmem>>, vector<1250x1x128xf32>
    %get3A_51 = vector.shape_cast %get3A_50 : vector<1250x1x128xf32> to vector<1250x128xf32>
    %get3A_52 = arith.constant 0 : index
    %get3A_53 = arith.constant 0 : index
    %get3A_54 = vector.load %arg1[%get3A_52, %get3A_53] : memref<128x16xf32, #tpu.memory_space<vmem>>, vector<128x16xf32>
    %dot_general3A_55 = arith.constant dense<0.000000e+00> : vector<1250x16xf32>
    %dot_general3A_56 = tpu.matmul %get3A_51, %get3A_54, %dot_general3A_55 {dimension_numbers = #tpu.dot_dimension_numbers<[1], [0], [0], [1], [0, 0, 1, 1], [], []>, transpose_lhs_hint = false} : vector<1250x128xf32>, vector<128x16xf32>, vector<1250x16xf32> -> vector<1250x16xf32>
    %get3A_57 = arith.constant 0 : index
    %get3A_58 = arith.constant 5 : index
    %get3A_59 = arith.constant 0 : index
    %get3A_60 = vector.load %arg0[%get3A_57, %get3A_58, %get3A_59] : memref<1250x8x128xf32, #tpu.memory_space<vmem>>, vector<1250x1x128xf32>
    %get3A_61 = vector.shape_cast %get3A_60 : vector<1250x1x128xf32> to vector<1250x128xf32>
    %get3A_62 = arith.constant 0 : index
    %get3A_63 = arith.constant 0 : index
    %get3A_64 = vector.load %arg1[%get3A_62, %get3A_63] : memref<128x16xf32, #tpu.memory_space<vmem>>, vector<128x16xf32>
    %dot_general3A_65 = arith.constant dense<0.000000e+00> : vector<1250x16xf32>
    %dot_general3A_66 = tpu.matmul %get3A_61, %get3A_64, %dot_general3A_65 {dimension_numbers = #tpu.dot_dimension_numbers<[1], [0], [0], [1], [0, 0, 1, 1], [], []>, transpose_lhs_hint = false} : vector<1250x128xf32>, vector<128x16xf32>, vector<1250x16xf32> -> vector<1250x16xf32>
    %get3A_67 = arith.constant 0 : index
    %get3A_68 = arith.constant 6 : index
    %get3A_69 = arith.constant 0 : index
    %get3A_70 = vector.load %arg0[%get3A_67, %get3A_68, %get3A_69] : memref<1250x8x128xf32, #tpu.memory_space<vmem>>, vector<1250x1x128xf32>
    %get3A_71 = vector.shape_cast %get3A_70 : vector<1250x1x128xf32> to vector<1250x128xf32>
    %get3A_72 = arith.constant 0 : index
    %get3A_73 = arith.constant 0 : index
    %get3A_74 = vector.load %arg1[%get3A_72, %get3A_73] : memref<128x16xf32, #tpu.memory_space<vmem>>, vector<128x16xf32>
    %dot_general3A_75 = arith.constant dense<0.000000e+00> : vector<1250x16xf32>
    %dot_general3A_76 = tpu.matmul %get3A_71, %get3A_74, %dot_general3A_75 {dimension_numbers = #tpu.dot_dimension_numbers<[1], [0], [0], [1], [0, 0, 1, 1], [], []>, transpose_lhs_hint = false} : vector<1250x128xf32>, vector<128x16xf32>, vector<1250x16xf32> -> vector<1250x16xf32>
    %get3A_77 = arith.constant 0 : index
    %get3A_78 = arith.constant 7 : index
    %get3A_79 = arith.constant 0 : index
    %get3A_80 = vector.load %arg0[%get3A_77, %get3A_78, %get3A_79] : memref<1250x8x128xf32, #tpu.memory_space<vmem>>, vector<1250x1x128xf32>
    %get3A_81 = vector.shape_cast %get3A_80 : vector<1250x1x128xf32> to vector<1250x128xf32>
    %get3A_82 = arith.constant 0 : index
    %get3A_83 = arith.constant 0 : index
    %get3A_84 = vector.load %arg1[%get3A_82, %get3A_83] : memref<128x16xf32, #tpu.memory_space<vmem>>, vector<128x16xf32>
    %dot_general3A_85 = arith.constant dense<0.000000e+00> : vector<1250x16xf32>
    %dot_general3A_86 = tpu.matmul %get3A_81, %get3A_84, %dot_general3A_85 {dimension_numbers = #tpu.dot_dimension_numbers<[1], [0], [0], [1], [0, 0, 1, 1], [], []>, transpose_lhs_hint = false} : vector<1250x128xf32>, vector<128x16xf32>, vector<1250x16xf32> -> vector<1250x16xf32>
    %concatenate3A = tpu.concatenate %dot_general3A_16, %dot_general3A_26, %dot_general3A_36, %dot_general3A_46, %dot_general3A_56, %dot_general3A_66, %dot_general3A_76, %dot_general3A_86 in 1 : vector<1250x16xf32>, vector<1250x16xf32>, vector<1250x16xf32>, vector<1250x16xf32>, vector<1250x16xf32>, vector<1250x16xf32>, vector<1250x16xf32>, vector<1250x16xf32> -> vector<1250x128xf32>
    %mul3A = arith.mulf %concatenate3A, %rsqrt3A : vector<1250x128xf32>
    %swap3A = arith.constant 0 : index
    %swap3A_87 = arith.constant 0 : index
    %swap3A_88 = vector.load %arg4[%swap3A, %swap3A_87] : memref<1250x128xf32, #tpu.memory_space<vmem>>, vector<1250x128xf32>
    tpu.vector_store %arg4[%swap3A, %swap3A_87], %mul3A {strides = array<i32>} : memref<1250x128xf32, #tpu.memory_space<vmem>>, vector<1250x128xf32>,
    %swap3A_89 = arith.constant 0 : index
    %swap3A_90 = arith.constant 0 : index
    %swap3A_91 = vector.load %arg5[%swap3A_89, %swap3A_90] : memref<1250x128xf32, #tpu.memory_space<vmem>>, vector<1250x128xf32>
    tpu.vector_store %arg5[%swap3A_89, %swap3A_90], %rsqrt3A {strides = array<i32>} : memref<1250x128xf32, #tpu.memory_space<vmem>>, vector<1250x128xf32>,
    return
  }
}

module attributes {stable_mosaic.version = 14 : i64} {
  func.func @body(%arg0: memref<1250x128xf32, #tpu.memory_space<vmem>>, %arg1: memref<1250x128xf32, #tpu.memory_space<vmem>>, %arg2: memref<1250x128xf32, #tpu.memory_space<vmem>>, %arg3: memref<1250x128xf32, #tpu.memory_space<vmem>>, %arg4: memref<1x128xf32, #tpu.memory_space<vmem>>, %arg5: memref<128x128xf32, #tpu.memory_space<vmem>>, %arg6: memref<1250x128xf32, #tpu.memory_space<vmem>>) attributes {dimension_semantics = [], scalar_prefetch = 0 : i64, scratch_operands = 0 : i64, tpu.core_type = #tpu.core_type<tc>} {
    %get3A = arith.constant 0 : index
    %get3A_0 = arith.constant 0 : index
    %get3A_1 = vector.load %arg3[%get3A, %get3A_0] : memref<1250x128xf32, #tpu.memory_space<vmem>>, vector<1250x128xf32>
    %get3A_2 = arith.constant 0 : index
    %get3A_3 = arith.constant 0 : index
    %get3A_4 = vector.load %arg0[%get3A_2, %get3A_3] : memref<1250x128xf32, #tpu.memory_space<vmem>>, vector<1250x128xf32>
    %get3A_5 = arith.constant 0 : index
    %get3A_6 = arith.constant 0 : index
    %get3A_7 = vector.load %arg1[%get3A_5, %get3A_6] : memref<1250x128xf32, #tpu.memory_space<vmem>>, vector<1250x128xf32>
    %add3A = arith.addf %get3A_4, %get3A_7 : vector<1250x128xf32>
    %get3A_8 = arith.constant 0 : index
    %get3A_9 = arith.constant 0 : index
    %get3A_10 = vector.load %arg2[%get3A_8, %get3A_9] : memref<1250x128xf32, #tpu.memory_space<vmem>>, vector<1250x128xf32>
    %add3A_11 = arith.addf %add3A, %get3A_10 : vector<1250x128xf32>
    %mul3A = arith.mulf %get3A_1, %add3A_11 : vector<1250x128xf32>
    %get3A_12 = arith.constant 0 : index
    %get3A_13 = arith.constant 0 : index
    %get3A_14 = vector.load %arg4[%get3A_12, %get3A_13] : memref<1x128xf32, #tpu.memory_space<vmem>>, vector<1x128xf32>
    %add3A_15 = vector.broadcast %get3A_14 : vector<1x128xf32> to vector<1250x128xf32>
    %add3A_16 = arith.addf %mul3A, %add3A_15 : vector<1250x128xf32>
    %max3A = arith.constant 0.000000e+00 : f32
    %max3A_17 = vector.broadcast %max3A : f32 to vector<1250x128xf32>
    %max3A_18 = arith.maximumf %add3A_16, %max3A_17 : vector<1250x128xf32>
    %get3A_19 = arith.constant 0 : index
    %get3A_20 = arith.constant 0 : index
    %get3A_21 = vector.load %arg5[%get3A_19, %get3A_20] : memref<128x128xf32, #tpu.memory_space<vmem>>, vector<128x128xf32>
    %dot_general3A = arith.constant dense<0.000000e+00> : vector<1250x128xf32>
    %dot_general3A_22 = tpu.matmul %max3A_18, %get3A_21, %dot_general3A {dimension_numbers = #tpu.dot_dimension_numbers<[1], [0], [0], [1], [0, 0, 1, 1], [], []>, transpose_lhs_hint = false} : vector<1250x128xf32>, vector<128x128xf32>, vector<1250x128xf32> -> vector<1250x128xf32>
    %mul3A_23 = arith.mulf %dot_general3A_22, %get3A_1 : vector<1250x128xf32>
    %swap3A = arith.constant 0 : index
    %swap3A_24 = arith.constant 0 : index
    %swap3A_25 = vector.load %arg6[%swap3A, %swap3A_24] : memref<1250x128xf32, #tpu.memory_space<vmem>>, vector<1250x128xf32>
    tpu.vector_store %arg6[%swap3A, %swap3A_24], %mul3A_23 {strides = array<i32>} : memref<1250x128xf32, #tpu.memory_space<vmem>>, vector<1250x128xf32>,
    return
  }
}

module attributes {stable_mosaic.version = 14 : i64} {
  func.func @body(%arg0: memref<1250x128xf32, #tpu.memory_space<vmem>>, %arg1: memref<1250x128xf32, #tpu.memory_space<vmem>>, %arg2: memref<1250x128xf32, #tpu.memory_space<vmem>>, %arg3: memref<1250x128xf32, #tpu.memory_space<vmem>>, %arg4: memref<1x128xf32, #tpu.memory_space<vmem>>, %arg5: memref<1250x128xf32, #tpu.memory_space<vmem>>) attributes {dimension_semantics = [], scalar_prefetch = 0 : i64, scratch_operands = 0 : i64, tpu.core_type = #tpu.core_type<tc>} {
    %get3A = arith.constant 0 : index
    %get3A_0 = arith.constant 0 : index
    %get3A_1 = vector.load %arg3[%get3A, %get3A_0] : memref<1250x128xf32, #tpu.memory_space<vmem>>, vector<1250x128xf32>
    %get3A_2 = arith.constant 0 : index
    %get3A_3 = arith.constant 0 : index
    %get3A_4 = vector.load %arg0[%get3A_2, %get3A_3] : memref<1250x128xf32, #tpu.memory_space<vmem>>, vector<1250x128xf32>
    %get3A_5 = arith.constant 0 : index
    %get3A_6 = arith.constant 0 : index
    %get3A_7 = vector.load %arg1[%get3A_5, %get3A_6] : memref<1250x128xf32, #tpu.memory_space<vmem>>, vector<1250x128xf32>
    %add3A = arith.addf %get3A_4, %get3A_7 : vector<1250x128xf32>
    %get3A_8 = arith.constant 0 : index
    %get3A_9 = arith.constant 0 : index
    %get3A_10 = vector.load %arg2[%get3A_8, %get3A_9] : memref<1250x128xf32, #tpu.memory_space<vmem>>, vector<1250x128xf32>
    %add3A_11 = arith.addf %add3A, %get3A_10 : vector<1250x128xf32>
    %mul3A = arith.mulf %get3A_1, %add3A_11 : vector<1250x128xf32>
    %get3A_12 = arith.constant 0 : index
    %get3A_13 = arith.constant 0 : index
    %get3A_14 = vector.load %arg4[%get3A_12, %get3A_13] : memref<1x128xf32, #tpu.memory_space<vmem>>, vector<1x128xf32>
    %add3A_15 = vector.broadcast %get3A_14 : vector<1x128xf32> to vector<1250x128xf32>
    %add3A_16 = arith.addf %mul3A, %add3A_15 : vector<1250x128xf32>
    %max3A = arith.constant 0.000000e+00 : f32
    %max3A_17 = vector.broadcast %max3A : f32 to vector<1250x128xf32>
    %max3A_18 = arith.maximumf %add3A_16, %max3A_17 : vector<1250x128xf32>
    %swap3A = arith.constant 0 : index
    %swap3A_19 = arith.constant 0 : index
    %swap3A_20 = vector.load %arg5[%swap3A, %swap3A_19] : memref<1250x128xf32, #tpu.memory_space<vmem>>, vector<1250x128xf32>
    tpu.vector_store %arg5[%swap3A, %swap3A_19], %max3A_18 {strides = array<i32>} : memref<1250x128xf32, #tpu.memory_space<vmem>>, vector<1250x128xf32>,
    return
  }
}

module attributes {stable_mosaic.version = 14 : i64} {
  func.func @body(%arg0: i32, %arg1: memref<1x6400xf32, #tpu.memory_space<vmem>>, %arg2: memref<6400x256xf32, #tpu.memory_space<vmem>>, %arg3: memref<6400x256xf32, #tpu.memory_space<vmem>>, %arg4: memref<400x256xf32, #tpu.memory_space<vmem>>, %arg5: memref<1x256xf32, #tpu.memory_space<vmem>>, %arg6: memref<1x10000xf32, #tpu.memory_space<vmem>>, %arg7: memref<1x256xf32, #tpu.memory_space<vmem>>, %arg8: memref<1x256xf32, #tpu.memory_space<vmem>>, %arg9: memref<1x1xf32, #tpu.memory_space<vmem>>, %arg10: memref<1x256xf32, #tpu.memory_space<vmem>>, %arg11: memref<1x1xf32, #tpu.memory_space<vmem>>, %arg12: memref<1x10000xf32, #tpu.memory_space<vmem>>, %arg13: memref<1x1xf32, #tpu.memory_space<vmem>>, %arg14: memref<1x1xf32, #tpu.memory_space<vmem>>, %arg15: memref<1x256xf32, #tpu.memory_space<vmem>>, %arg16: memref<1x256xf32, #tpu.memory_space<vmem>>, %arg17: memref<10000x256xf32, #tpu.memory_space<vmem>>) attributes {dimension_semantics = [#tpu.dimension_semantics<arbitrary>], iteration_bounds = array<i64: 25>, scalar_prefetch = 0 : i64, scratch_operands = 3 : i64, tpu.core_type = #tpu.core_type<tc>, window_params = [{transform_indices = @transform_0, window_bounds = array<i64: 1, 6400>}, {transform_indices = @transform_1, window_bounds = array<i64: 6400, 256>}, {transform_indices = @transform_2, window_bounds = array<i64: 6400, 256>}, {transform_indices = @transform_3, window_bounds = array<i64: 400, 256>}, {pipeline_mode = #tpu.pipeline_mode<synchronous>, transform_indices = @transform_4, window_bounds = array<i64: 1, 256>}, {pipeline_mode = #tpu.pipeline_mode<synchronous>, transform_indices = @transform_5, window_bounds = array<i64: 1, 10000>}, {pipeline_mode = #tpu.pipeline_mode<synchronous>, transform_indices = @transform_6, window_bounds = array<i64: 1, 256>}, {pipeline_mode = #tpu.pipeline_mode<synchronous>, transform_indices = @transform_7, window_bounds = array<i64: 1, 256>}, {pipeline_mode = #tpu.pipeline_mode<synchronous>, transform_indices = @transform_8, window_bounds = array<i64: 1, 1>}, {pipeline_mode = #tpu.pipeline_mode<synchronous>, transform_indices = @transform_9, window_bounds = array<i64: 1, 256>}, {pipeline_mode = #tpu.pipeline_mode<synchronous>, transform_indices = @transform_10, window_bounds = array<i64: 1, 1>}, {pipeline_mode = #tpu.pipeline_mode<synchronous>, transform_indices = @transform_11, window_bounds = array<i64: 1, 10000>}, {pipeline_mode = #tpu.pipeline_mode<synchronous>, transform_indices = @transform_12, window_bounds = array<i64: 1, 1>}, {pipeline_mode = #tpu.pipeline_mode<synchronous>, transform_indices = @transform_13, window_bounds = array<i64: 1, 1>}]} {
    %eq3A = arith.constant 0 : i32
    %eq3A_0 = arith.cmpi eq, %arg0, %eq3A : i32
    %convert_element_type3A = arith.extui %eq3A_0 : i1 to i32
    %cond3A = arith.constant 0 : i32
    %cond3A_1 = arith.cmpi ne, %convert_element_type3A, %cond3A : i32
    scf.if %cond3A_1 {
      %broadcast_in_dim3A = arith.constant 0.000000e+00 : f32
      %broadcast_in_dim3A_37 = vector.broadcast %broadcast_in_dim3A : f32 to vector<1x256xf32>
      %swap3A_38 = arith.constant 0 : index
      %swap3A_39 = arith.constant 0 : index
      %swap3A_40 = vector.load %arg15[%swap3A_38, %swap3A_39] : memref<1x256xf32, #tpu.memory_space<vmem>>, vector<1x256xf32>
      tpu.vector_store %arg15[%swap3A_38, %swap3A_39], %broadcast_in_dim3A_37 {strides = array<i32>} : memref<1x256xf32, #tpu.memory_space<vmem>>, vector<1x256xf32>,
      %broadcast_in_dim3A_41 = arith.constant 0.000000e+00 : f32
      %broadcast_in_dim3A_42 = vector.broadcast %broadcast_in_dim3A_41 : f32 to vector<1x256xf32>
      %swap3A_43 = arith.constant 0 : index
      %swap3A_44 = arith.constant 0 : index
      %swap3A_45 = vector.load %arg16[%swap3A_43, %swap3A_44] : memref<1x256xf32, #tpu.memory_space<vmem>>, vector<1x256xf32>
      tpu.vector_store %arg16[%swap3A_43, %swap3A_44], %broadcast_in_dim3A_42 {strides = array<i32>} : memref<1x256xf32, #tpu.memory_space<vmem>>, vector<1x256xf32>,
    } else {
    }
    %get3A = arith.constant 0 : index
    %get3A_2 = arith.constant 0 : index
    %get3A_3 = vector.load %arg1[%get3A, %get3A_2] : memref<1x6400xf32, #tpu.memory_space<vmem>>, vector<1x6400xf32>
    %get3A_4 = arith.constant 0 : index
    %get3A_5 = arith.constant 0 : index
    %get3A_6 = vector.load %arg15[%get3A_4, %get3A_5] : memref<1x256xf32, #tpu.memory_space<vmem>>, vector<1x256xf32>
    %get3A_7 = arith.constant 0 : index
    %get3A_8 = arith.constant 0 : index
    %get3A_9 = vector.load %arg2[%get3A_7, %get3A_8] : memref<6400x256xf32, #tpu.memory_space<vmem>>, vector<6400x256xf32>
    %dot_general3A = arith.constant dense<0.000000e+00> : vector<1x256xf32>
    %dot_general3A_10 = tpu.matmul %get3A_3, %get3A_9, %dot_general3A {dimension_numbers = #tpu.dot_dimension_numbers<[1], [0], [0], [1], [0, 0, 1, 1], [], []>, transpose_lhs_hint = false} : vector<1x6400xf32>, vector<6400x256xf32>, vector<1x256xf32> -> vector<1x256xf32>
    %add3A = arith.addf %get3A_6, %dot_general3A_10 : vector<1x256xf32>
    %swap3A = arith.constant 0 : index
    %swap3A_11 = arith.constant 0 : index
    %swap3A_12 = vector.load %arg15[%swap3A, %swap3A_11] : memref<1x256xf32, #tpu.memory_space<vmem>>, vector<1x256xf32>
    tpu.vector_store %arg15[%swap3A, %swap3A_11], %add3A {strides = array<i32>} : memref<1x256xf32, #tpu.memory_space<vmem>>, vector<1x256xf32>,
    %get3A_13 = arith.constant 0 : index
    %get3A_14 = arith.constant 0 : index
    %get3A_15 = vector.load %arg16[%get3A_13, %get3A_14] : memref<1x256xf32, #tpu.memory_space<vmem>>, vector<1x256xf32>
    %get3A_16 = arith.constant 0 : index
    %get3A_17 = arith.constant 0 : index
    %get3A_18 = vector.load %arg3[%get3A_16, %get3A_17] : memref<6400x256xf32, #tpu.memory_space<vmem>>, vector<6400x256xf32>
    %dot_general3A_19 = arith.constant dense<0.000000e+00> : vector<1x256xf32>
    %dot_general3A_20 = tpu.matmul %get3A_3, %get3A_18, %dot_general3A_19 {dimension_numbers = #tpu.dot_dimension_numbers<[1], [0], [0], [1], [0, 0, 1, 1], [], []>, transpose_lhs_hint = false} : vector<1x6400xf32>, vector<6400x256xf32>, vector<1x256xf32> -> vector<1x256xf32>
    %add3A_21 = arith.addf %get3A_15, %dot_general3A_20 : vector<1x256xf32>
    %swap3A_22 = arith.constant 0 : index
    %swap3A_23 = arith.constant 0 : index
    %swap3A_24 = vector.load %arg16[%swap3A_22, %swap3A_23] : memref<1x256xf32, #tpu.memory_space<vmem>>, vector<1x256xf32>
    tpu.vector_store %arg16[%swap3A_22, %swap3A_23], %add3A_21 {strides = array<i32>} : memref<1x256xf32, #tpu.memory_space<vmem>>, vector<1x256xf32>,
    %get3A_25 = arith.constant 0 : index
    %get3A_26 = arith.constant 0 : index
    %get3A_27 = vector.load %arg4[%get3A_25, %get3A_26] : memref<400x256xf32, #tpu.memory_space<vmem>>, vector<400x256xf32>
    %mul3A = arith.constant 400 : i32
    %mul3A_28 = arith.muli %arg0, %mul3A : i32
    %swap3A_29 = arith.index_cast %mul3A_28 : i32 to index
    %swap3A_30 = arith.constant 0 : index
    %swap3A_31 = vector.load %arg17[%swap3A_29, %swap3A_30] : memref<10000x256xf32, #tpu.memory_space<vmem>>, vector<400x256xf32>
    tpu.vector_store %arg17[%swap3A_29, %swap3A_30], %get3A_27 {strides = array<i32>} : memref<10000x256xf32, #tpu.memory_space<vmem>>, vector<400x256xf32>,
    %eq3A_32 = arith.constant 24 : i32
    %eq3A_33 = arith.cmpi eq, %arg0, %eq3A_32 : i32
    %convert_element_type3A_34 = arith.extui %eq3A_33 : i1 to i32
    %cond3A_35 = arith.constant 0 : i32
    %cond3A_36 = arith.cmpi ne, %convert_element_type3A_34, %cond3A_35 : i32
    scf.if %cond3A_36 {
      %get3A_37 = arith.constant 0 : index
      %get3A_38 = arith.constant 0 : index
      %get3A_39 = vector.load %arg15[%get3A_37, %get3A_38] : memref<1x256xf32, #tpu.memory_space<vmem>>, vector<1x256xf32>
      %get3A_40 = arith.constant 0 : index
      %get3A_41 = arith.constant 0 : index
      %get3A_42 = vector.load %arg5[%get3A_40, %get3A_41] : memref<1x256xf32, #tpu.memory_space<vmem>>, vector<1x256xf32>
      %add3A_43 = arith.addf %get3A_39, %get3A_42 : vector<1x256xf32>
      %max3A = arith.constant 0.000000e+00 : f32
      %max3A_44 = vector.broadcast %max3A : f32 to vector<1x256xf32>
      %max3A_45 = arith.maximumf %add3A_43, %max3A_44 : vector<1x256xf32>
      %get3A_46 = arith.constant 0 : index
      %get3A_47 = arith.constant 0 : index
      %get3A_48 = vector.load %arg17[%get3A_46, %get3A_47] : memref<10000x256xf32, #tpu.memory_space<vmem>>, vector<10000x256xf32>
      %dot_general3A_49 = arith.constant dense<0.000000e+00> : vector<1x10000xf32>
      %dot_general3A_50 = tpu.matmul %max3A_45, %get3A_48, %dot_general3A_49 {dimension_numbers = #tpu.dot_dimension_numbers<[1], [1], [0], [0], [0, 0, 1, 0], [], []>, transpose_lhs_hint = false} : vector<1x256xf32>, vector<10000x256xf32>, vector<1x10000xf32> -> vector<1x10000xf32>
      %get3A_51 = arith.constant 0 : index
      %get3A_52 = arith.constant 0 : index
      %get3A_53 = vector.load %arg6[%get3A_51, %get3A_52] : memref<1x10000xf32, #tpu.memory_space<vmem>>, vector<1x10000xf32>
      %add3A_54 = arith.addf %dot_general3A_50, %get3A_53 : vector<1x10000xf32>
      %swap3A_55 = arith.constant 0 : index
      %swap3A_56 = arith.constant 0 : index
      %swap3A_57 = vector.load %arg12[%swap3A_55, %swap3A_56] : memref<1x10000xf32, #tpu.memory_space<vmem>>, vector<1x10000xf32>
      tpu.vector_store %arg12[%swap3A_55, %swap3A_56], %add3A_54 {strides = array<i32>} : memref<1x10000xf32, #tpu.memory_space<vmem>>, vector<1x10000xf32>,
      %get3A_58 = arith.constant 0 : index
      %get3A_59 = arith.constant 0 : index
      %get3A_60 = vector.load %arg16[%get3A_58, %get3A_59] : memref<1x256xf32, #tpu.memory_space<vmem>>, vector<1x256xf32>
      %get3A_61 = arith.constant 0 : index
      %get3A_62 = arith.constant 0 : index
      %get3A_63 = vector.load %arg7[%get3A_61, %get3A_62] : memref<1x256xf32, #tpu.memory_space<vmem>>, vector<1x256xf32>
      %add3A_64 = arith.addf %get3A_60, %get3A_63 : vector<1x256xf32>
      %max3A_65 = arith.constant 0.000000e+00 : f32
      %max3A_66 = vector.broadcast %max3A_65 : f32 to vector<1x256xf32>
      %max3A_67 = arith.maximumf %add3A_64, %max3A_66 : vector<1x256xf32>
      %get3A_68 = arith.constant 0 : index
      %get3A_69 = arith.constant 0 : index
      %get3A_70 = vector.load %arg8[%get3A_68, %get3A_69] : memref<1x256xf32, #tpu.memory_space<vmem>>, vector<1x256xf32>
      %mul3A_71 = arith.mulf %max3A_67, %get3A_70 : vector<1x256xf32>
      %reduce_sum3A = arith.constant dense<0.000000e+00> : vector<1xf32>
      %reduce_sum3A_72 = vector.multi_reduction <add>, %mul3A_71, %reduce_sum3A [1] : vector<1x256xf32> to vector<1xf32>
      %broadcast_in_dim3A = vector.shape_cast %reduce_sum3A_72 : vector<1xf32> to vector<1x1xf32>
      %get3A_73 = arith.constant 0 : index
      %get3A_74 = arith.constant 0 : index
      %get3A_75 = vector.load %arg9[%get3A_73, %get3A_74] : memref<1x1xf32, #tpu.memory_space<vmem>>, vector<1x1xf32>
      %add3A_76 = arith.addf %broadcast_in_dim3A, %get3A_75 : vector<1x1xf32>
      %swap3A_77 = arith.constant 0 : index
      %swap3A_78 = arith.constant 0 : index
      %swap3A_79 = vector.load %arg14[%swap3A_77, %swap3A_78] : memref<1x1xf32, #tpu.memory_space<vmem>>, vector<1x1xf32>
      tpu.vector_store %arg14[%swap3A_77, %swap3A_78], %add3A_76 {strides = array<i32>} : memref<1x1xf32, #tpu.memory_space<vmem>>, vector<1x1xf32>,
      %get3A_80 = arith.constant 0 : index
      %get3A_81 = arith.constant 0 : index
      %get3A_82 = vector.load %arg10[%get3A_80, %get3A_81] : memref<1x256xf32, #tpu.memory_space<vmem>>, vector<1x256xf32>
      %mul3A_83 = arith.mulf %max3A_67, %get3A_82 : vector<1x256xf32>
      %reduce_sum3A_84 = arith.constant dense<0.000000e+00> : vector<1xf32>
      %reduce_sum3A_85 = vector.multi_reduction <add>, %mul3A_83, %reduce_sum3A_84 [1] : vector<1x256xf32> to vector<1xf32>
      %broadcast_in_dim3A_86 = vector.shape_cast %reduce_sum3A_85 : vector<1xf32> to vector<1x1xf32>
      %get3A_87 = arith.constant 0 : index
      %get3A_88 = arith.constant 0 : index
      %get3A_89 = vector.load %arg11[%get3A_87, %get3A_88] : memref<1x1xf32, #tpu.memory_space<vmem>>, vector<1x1xf32>
      %add3A_90 = arith.addf %broadcast_in_dim3A_86, %get3A_89 : vector<1x1xf32>
      %swap3A_91 = arith.constant 0 : index
      %swap3A_92 = arith.constant 0 : index
      %swap3A_93 = vector.load %arg13[%swap3A_91, %swap3A_92] : memref<1x1xf32, #tpu.memory_space<vmem>>, vector<1x1xf32>
      tpu.vector_store %arg13[%swap3A_91, %swap3A_92], %add3A_90 {strides = array<i32>} : memref<1x1xf32, #tpu.memory_space<vmem>>, vector<1x1xf32>,
    } else {
    }
    return
  }
  func.func @transform_0(%arg0: i32) -> (i32, i32) {
    %c0_i32 = arith.constant 0 : i32
    %c0_i32_0 = arith.constant 0 : i32
    return %c0_i32, %arg0 : i32, i32
  }
  func.func @transform_1(%arg0: i32) -> (i32, i32) {
    %c0_i32 = arith.constant 0 : i32
    %c0_i32_0 = arith.constant 0 : i32
    return %arg0, %c0_i32 : i32, i32
  }
  func.func @transform_2(%arg0: i32) -> (i32, i32) {
    %c0_i32 = arith.constant 0 : i32
    %c0_i32_0 = arith.constant 0 : i32
    return %arg0, %c0_i32 : i32, i32
  }
  func.func @transform_3(%arg0: i32) -> (i32, i32) {
    %c0_i32 = arith.constant 0 : i32
    %c0_i32_0 = arith.constant 0 : i32
    return %arg0, %c0_i32 : i32, i32
  }
  func.func @transform_4(%arg0: i32) -> (i32, i32) {
    %c0_i32 = arith.constant 0 : i32
    %c0_i32_0 = arith.constant 0 : i32
    %c0_i32_1 = arith.constant 0 : i32
    return %c0_i32, %c0_i32_0 : i32, i32
  }
  func.func @transform_5(%arg0: i32) -> (i32, i32) {
    %c0_i32 = arith.constant 0 : i32
    %c0_i32_0 = arith.constant 0 : i32
    %c0_i32_1 = arith.constant 0 : i32
    return %c0_i32, %c0_i32_0 : i32, i32
  }
  func.func @transform_6(%arg0: i32) -> (i32, i32) {
    %c0_i32 = arith.constant 0 : i32
    %c0_i32_0 = arith.constant 0 : i32
    %c0_i32_1 = arith.constant 0 : i32
    return %c0_i32, %c0_i32_0 : i32, i32
  }
  func.func @transform_7(%arg0: i32) -> (i32, i32) {
    %c0_i32 = arith.constant 0 : i32
    %c0_i32_0 = arith.constant 0 : i32
    %c0_i32_1 = arith.constant 0 : i32
    return %c0_i32, %c0_i32_0 : i32, i32
  }
  func.func @transform_8(%arg0: i32) -> (i32, i32) {
    %c0_i32 = arith.constant 0 : i32
    %c0_i32_0 = arith.constant 0 : i32
    %c0_i32_1 = arith.constant 0 : i32
    return %c0_i32, %c0_i32_0 : i32, i32
  }
  func.func @transform_9(%arg0: i32) -> (i32, i32) {
    %c0_i32 = arith.constant 0 : i32
    %c0_i32_0 = arith.constant 0 : i32
    %c0_i32_1 = arith.constant 0 : i32
    return %c0_i32, %c0_i32_0 : i32, i32
  }
  func.func @transform_10(%arg0: i32) -> (i32, i32) {
    %c0_i32 = arith.constant 0 : i32
    %c0_i32_0 = arith.constant 0 : i32
    %c0_i32_1 = arith.constant 0 : i32
    return %c0_i32, %c0_i32_0 : i32, i32
  }
  func.func @transform_11(%arg0: i32) -> (i32, i32) {
    %c0_i32 = arith.constant 0 : i32
    %c0_i32_0 = arith.constant 0 : i32
    %c0_i32_1 = arith.constant 0 : i32
    return %c0_i32, %c0_i32_0 : i32, i32
  }
  func.func @transform_12(%arg0: i32) -> (i32, i32) {
    %c0_i32 = arith.constant 0 : i32
    %c0_i32_0 = arith.constant 0 : i32
    %c0_i32_1 = arith.constant 0 : i32
    return %c0_i32, %c0_i32_0 : i32, i32
  }
  func.func @transform_13(%arg0: i32) -> (i32, i32) {
    %c0_i32 = arith.constant 0 : i32
    %c0_i32_0 = arith.constant 0 : i32
    %c0_i32_1 = arith.constant 0 : i32
    return %c0_i32, %c0_i32_0 : i32, i32
  }
}

</mosaic_0001>

<sc_bundles>
// kernel: kernel.11.cloned.1.call-start
scs
__scs_entry_jumppad:
0x0: {  	(pc) =	sbr.rel $0x88, $3  }
0x1: {  	(tag) =	ssettag $0x0;
	lr =	simm.s32 $0x1  }
0x2: {  	[smem:$0x3F8F] =	sst lr;
	_ =	strace $0xD0000000  }
0x3: {  	_ = 	snop  }
0x4: {  	_ = 	snop  }
0x5: {  	_ = 	snop  }
0x6: {  	_ = 	snop  }
0x7: {  	_ = 	snop  }
__scs_overlays_trampoline_lowered:
0x8: {  	[smem:$0x3F9E] =	sst s0  }
0x9: {  	[smem:$0x3F9F] =	sst s1  }
0xa: {  	[smem:$0x3FA0] =	sst s2  }
0xb: {  	[smem:$0x3FA1] =	sst s3  }
0xc: {  	[smem:$0x3FA2] =	sst s4  }
0xd: {  	[smem:$0x3FA3] =	sst s5  }
0xe: {  	[smem:$0x3FA4] =	sst s6  }
0xf: {  	[smem:$0x3FA5] =	sst s7  }
0x10: {  	[smem:$0x3FA6] =	sst s8  }
0x11: {  	[smem:$0x3FA7] =	sst s9;
	s0 =	simm.s32 @!p0 $0x0  }
0x12: {  	s1 =	sld [smem:$0x3F8D];
	s0 =	simm.s32 @p0 $0x1  }
0x13: {  	[smem:$0x3FA8] =	sst s0;
	s0 =	simm.s32 @!p1 $0x0  }
0x14: {  	s2 =	sld [smem:$0x3F8C];
	s0 =	simm.s32 @p1 $0x1  }
0x15: {  	[smem:$0x3FA9] =	sst s0;
	s0 =	simm.s32 @!p2 $0x0  }
0x16: {  	s3 =	sld [smem:$0x3FDB];
	s0 =	simm.s32 @p2 $0x1  }
0x17: {  	s4 =	simm.s32 $0x1BF5;
	[smem:$0x3FAB] =	sst s0  }
0x18: {  	s0 =	sld [smem:$0x3F8E];
	_ =	swait.ge [sflag:s4], $0x0  }
0x19: {  	s7 =	sld [smem:$0x3F8F]  }
0x1a: {  	s8 =	sadd.s32 $0xFFFFE003, lr  }
0x1b: {  	s9 =	sadd.s32 $0xFFFFFEF7, lr;
	s5 =	simm.s32 $0xFFFFFFFF;
	p2 =	slt.u32 s8, $0xFFFFF086  }
0x1c: {  	p1 =	slt.u32 s9, $0xF7A;
	s5 =	simm.s32 @!p2 $0x0  }
0x1d: {  	s5 =	simm.s32 @p1 $0x1;
	p0 =	seq.s32 s7, s2  }
0x1e: {  	s7 =	smul.u32 @!p0 $0xF7A, s2;
	p2 =	seq.s32 @!p0 s5, $0x0  }
0x1f: {  	s9 =	smul.u32 $0xF7A, s1;
	s8 =	simm.s32 @!p0 $0x1BF5;
	p2 =	por !p2, p0  }
0x20: {  	[sflag:s8] =	ssyncset.s32 @!p0 $0xFFFFF086;
	s6 =	sadd.s32 @!p0 s3, s7;
	s7 =	simm.s32 @!p0 $0x108  }
0x21: {  	s3 =	sadd.s32 s3, s9;
	s6 =	sadd.s32 @!p0 $0x88, s6;
	s7 =	simm.s32 @p2 $0x1082  }
0x22: {  	[simem:s7], [sflag:s8] =	dma.local @!p0 [hbm:s6], $0xF7A  }
0x23: {  	s9 =	sor.u32 $0xD0000000, s2;
	s6 =	simm.s32 $0x108;
	_ =	swait.ge @!p0 [sflag:s8], $0x0  }
0x24: {  	s3 =	sadd.s32 $0x88, s3;
	s6 =	simm.s32 @!p1 $0x1082;
	[sflag:s4] =	ssyncset.s32 $0xFFFFF086  }
0x25: {  	[simem:s6], [sflag:s4] =	dma.local [hbm:s3], $0xF7A  }
0x26: {  	[smem:$0x3F8F] =	sst s1;
	(tag) =	ssettag s2;
	_ =	strace s9  }
0x27: {  	s1 =	sld [smem:$0x3F9F]  }
0x28: {  	s2 =	sld [smem:$0x3FA0]  }
0x29: {  	s4 =	sld [smem:$0x3FA2]  }
0x2a: {  	p0 =	seq.s32 s5, $0x0;
	s5 =	sld [smem:$0x3FA3]  }
0x2b: {  	s6 =	sld [smem:$0x3FA4]  }
0x2c: {  	s7 =	sld [smem:$0x3FA5]  }
0x2d: {  	s3 =	simm.s32 $0x108;
	s8 =	sld [smem:$0x3FA6]  }
0x2e: {  	s3 =	simm.s32 @!p0 $0x1082;
	s9 =	sld [smem:$0x3FA7]  }
0x2f: {  	lr =	sadd.s32 s0, s3;
	s0 =	sld [smem:$0x3F9E]  }
0x30: {  	s3 =	sld [smem:$0x3FA1]  }
0x31: {  	[smem:$0x3FAA] =	sst s10  }
0x32: {  	s10 =	sld [smem:$0x3FA8];
	_ =	sdelay $0x3  }
0x33: {  	p0 =	seq.s32 s10, $0x1;
	s10 =	sld [smem:$0x3FAA];
	_ =	sdelay $0x3  }
0x34: {  	[smem:$0x3FAA] =	sst s10  }
0x35: {  	s10 =	sld [smem:$0x3FA9];
	_ =	sdelay $0x3  }
0x36: {  	p1 =	seq.s32 s10, $0x1;
	s10 =	sld [smem:$0x3FAA];
	_ =	sdelay $0x3  }
0x37: {  	[smem:$0x3FAA] =	sst s10  }
0x38: {  	s10 =	sld [smem:$0x3FAB]  }
0x39: {  	_ = 	snop;
	(pc) =	sbr.ind lr, $3  }
0x3a: {  	_ = 	snop  }
0x3b: {  	_ = 	snop  }
0x3c: {  	p2 =	seq.s32 s10, $0x1;
	s10 =	sld [smem:$0x3FAA]  }
0x3d: {  	_ =	shalt  }
0x3e: {  	_ =	shalt  }
0x3f: {  	_ =	shalt  }
0x40: {  	_ =	shalt  }
0x41: {  	_ =	shalt  }
0x42: {  	_ =	shalt  }
0x43: {  	_ =	shalt  }
0x44: {  	_ =	shalt  }
0x45: {  	_ =	shalt  }
0x46: {  	_ =	shalt  }
0x47: {  	_ =	shalt  }
0x48: {  	_ =	shalt  }
0x49: {  	_ =	shalt  }
0x4a: {  	_ =	shalt  }
0x4b: {  	_ =	shalt  }
0x4c: {  	_ =	shalt  }
0x4d: {  	_ =	shalt  }
0x4e: {  	_ =	shalt  }
0x4f: {  	_ =	shalt  }
0x50: {  	_ =	shalt  }
0x51: {  	_ =	shalt  }
0x52: {  	_ =	shalt  }
0x53: {  	_ =	shalt  }
0x54: {  	_ =	shalt  }
0x55: {  	_ =	shalt  }
0x56: {  	_ =	shalt  }
0x57: {  	_ =	shalt  }
0x58: {  	_ =	shalt  }
0x59: {  	_ =	shalt  }
0x5a: {  	_ =	shalt  }
0x5b: {  	_ =	shalt  }
0x5c: {  	_ =	shalt  }
0x5d: {  	_ =	shalt  }
0x5e: {  	_ =	shalt  }
0x5f: {  	_ =	shalt  }
0x60: {  	_ =	shalt  }
0x61: {  	_ =	shalt  }
0x62: {  	_ =	shalt  }
0x63: {  	_ =	shalt  }
0x64: {  	_ =	shalt  }
0x65: {  	_ =	shalt  }
0x66: {  	_ =	shalt  }
0x67: {  	_ =	shalt  }
0x68: {  	_ =	shalt  }
0x69: {  	_ =	shalt  }
0x6a: {  	_ =	shalt  }
0x6b: {  	_ =	shalt  }
0x6c: {  	_ =	shalt  }
0x6d: {  	_ =	shalt  }
0x6e: {  	_ =	shalt  }
0x6f: {  	_ =	shalt  }
0x70: {  	_ =	shalt  }
0x71: {  	_ =	shalt  }
0x72: {  	_ =	shalt  }
0x73: {  	_ =	shalt  }
0x74: {  	_ =	shalt  }
0x75: {  	_ =	shalt  }
0x76: {  	_ =	shalt  }
0x77: {  	_ =	shalt  }
0x78: {  	_ =	shalt  }
0x79: {  	_ =	shalt  }
0x7a: {  	_ =	shalt  }
0x7b: {  	_ =	shalt  }
0x7c: {  	_ =	shalt  }
0x7d: {  	_ =	shalt  }
0x7e: {  	_ =	shalt  }
0x7f: {  	_ =	shalt  }
0x80: {  	_ =	shalt  }
0x81: {  	_ =	shalt  }
0x82: {  	_ =	shalt  }
0x83: {  	_ =	shalt  }
0x84: {  	_ =	shalt  }
0x85: {  	_ =	shalt  }
0x86: {  	_ =	shalt  }
0x87: {  	_ =	shalt  }
.Lfunc_end0:
.L_simem_size_0:
called_computation_lowered:
.L_overlay_start_0:
0x88: {  	s2 =	sld [smem:$0x3FD9]  }
0x89: {  	s3 =	sld [smem:$0x3FFE];
	_ =	sdelay $0x1  }
0x8a: {  	s1 =	srdreg.scid  }
0x8b: {  	s0 =	sand.u32 $0x1, s1  }
0x8c: {  	s16 =	sshll.u32 s0, $0xA;
	s2 =	sadd.s32 s3, s2  }
0x8d: {  	s2 =	sadd.s32 s2, s16  }
0x8e: {  	[smem:$0x3FB6] =	sst s2  }
0x8f: {  	_ = 	snop  }
0x90: {  	(tm) =	ssettm $0x1  }
0x91: {  	s17 =	sld [smem:$0x3FFB];
	_ =	sdelay $0x3  }
0x92: {  	_ =	strace s17  }
0x93: {  	s2 =	sld [smem:$0x3FFC];
	_ =	sdelay $0x3  }
0x94: {  	_ =	strace s2  }
0x95: {  	s2 =	sld [smem:$0x3FFD];
	_ =	sdelay $0x3  }
0x96: {  	_ =	strace s2  }
0x97: {  	_ =	strace $0x8FFFFFFF  }
0x98: {  	s18 =	sld [smem:$0x3FDB];
	_ =	sdelay $0x1  }
0x99: {  	s19 =	simm.s32 $_scs_section_size  }
0x9a: {  	s4 =	simm.s32 $_size__tile_overlayer_lowered;
	s5 =	simm.s32 $_tile_overlayer_lowered  }
0x9b: {  	s22 =	simm.s32 $0x1BFF;
	s21 =	sshll.u32 s5, $0x1;
	s2 =	sadd.s32 s19, s18  }
0x9c: {  	s6 =	simm.s32 $0x0;
	s20 =	sshll.u32 s4, $0x1;
	s4 =	sadd.s32 s21, s2  }
0x9d: {  	[timem:s6], [sflag:s22] =	dma.local [hbm:s4], s20  }
0x9e: {  	_ =	swait.ge [sflag:s22], s20  }
0x9f: {  	s3 =	ssub.s32 $0x0, s20;
	[sflag:s22] =	ssyncset.done $0x0  }
0xa0: {  	[sflag:s22] =	ssyncadd.s32 s3;
	_ =	sdelay $0x1  }
0xa1: {  	s23 =	simm.s32 $0x1B8B  }
0xa2: {  	_ =	swait.ge [sflag:s23], $0x1  }
0xa3: {  	[sflag:s23] =	ssyncset.done $0x0  }
0xa4: {  	s25 =	simm.s32 $0x1B8E;
	s24 =	sld [smem:$0x3FFE];
	[sflag:s23] =	ssyncadd.s32 $0xFFFFFFFF  }
0xa5: {  	s26 =	simm.s32 $execute0_lowered;
	[smem:$0x3FD2] =	sst s25  }
0xa6: {  	s4 =	sshll.u32 s26, $0x1;
	_ =	strace $0x80000046;
	[dreg:$0x1] =	wrdreg $0xFFFFFFFF  }
0xa7: {  	s28 =	simm.s32 $_size_execute0_lowered;
	s2 =	sadd.s32 s2, s4;
	[dreg:$0x0] =	wrdreg $0x0  }
0xa8: {  	s4 =	sshll.u32 s28, $0x1;
	[dreg:$0x2] =	wrdreg s2  }
0xa9: {  	[dreg:$0x3] =	wrdreg s4  }
0xaa: {  	[dreg:$0x4] =	wrdreg $0xC0  }
0xab: {  	_ =	task [dreg:s6], $0x5FFFF  }
0xac: {  	[dreg:$0x1] =	wrdreg $0xFFFFFFFF  }
0xad: {  	[dreg:$0x0] =	wrdreg $0x60  }
0xae: {  	[dreg:$0x2] =	wrdreg s24  }
0xaf: {  	[dreg:$0x3] =	wrdreg $0x0  }
0xb0: {  	[dreg:$0x4] =	wrdreg $0x9  }
0xb1: {  	_ =	task.clear_ibuf [dreg:s6], $0x5FFFF;
	_ =	strace $0x90000046  }
0xb2: {  	s29 =	simm.s32 $0x9;
	_ =	strace $0x80000048  }
0xb3: {  	_ =	swait.ge [sflag:s29], $0x1  }
0xb4: {  	[sflag:s29] =	ssyncadd.s32 $0xFFFFFFFF  }
0xb5: {  	_ =	strace $0x90000048  }
0xb6: {  	_ =	sfence  }
0xb7: {  	s30 =	sld [smem:$0x0];
	_ =	sdelay $0x2  }
0xb8: {  	s31 =	sshll.u32 s1, $0xD;
	s1 =	sshrl.u32 s1, $0x2  }
0xb9: {  	s3 =	sand.u32 $0x4000, s31;
	s1 =	sadd.s32 s1, s30  }
0xba: {  	s0 =	sor.u32 s3, s0;
	s1 =	sshll.u32 s1, $0x11  }
0xbb: {  	s0 =	sor.u32 s1, s0  }
0xbc: {  	s0 =	sadd.s32 $0x8F2B, s0  }
0xbd: {  	[sflag:s0] =	ssyncadd.remote.s32 $0x1  }
0xbe: {  	_ =	sfence.sel $0xFFFF  }
0xbf: {  	[dreg:$0x0] =	wrdreg $0xFFFFFFFF;
	(pc) =	sbr.abs _section_cstart, $3  }
0xc0: {  	[dreg:$0x1] =	wrdreg $0xFFFFFFFF  }
0xc1: {  	_ =	task.clear_ibuf [dreg:s6], $0x2FFFF;
	_ =	strace $0x9FFFFFFF  }
0xc2: {  	(tm) =	ssettm $0x7FFFFFFF  }
0xc3: {  	_ =	shalt  }
tec
execute0_lowered:
.L_overlay_start_1:
0x0: {  	(tag) =	ssettag $0x1  }
0x1: {  	s0 =	rddreg [dreg:$0x0]  }
0x2: {  	s1 =	rddreg [dreg:$0x1];
	s2 =	srdreg.scid  }
0x3: {  	s4 =	simm.s32 $0x0;
	s9 =	stileid.u32;
	s10 =	simm.s32 $0x2720  }
0x4: {  	s11 =	simm.s32 $0x80;
	s12 =	simm.s32 $0x4F20;
	s19 =	simm.s32 $0x4720  }
0x5: {  	s20 =	simm.s32 $0x47A0;
	s21 =	simm.s32 $0x4820;
	s22 =	simm.s32 $0x48A0  }
0x6: {  	s28 =	simm.s32 $0x4A20;
	s29 =	simm.s32 $0x4AA0;
	s30 =	simm.s32 $0x4B20  }
0x7: {  	s31 =	simm.s32 $0x4BA0;
	s14 =	simm.s32 $0x4E20;
	s15 =	simm.s32 $0x4EA0  }
0x8: {  	s16 =	simm.s32 $0x0;
	s2 =	sand.u32 $0x1, s2;
	s23 =	smul.u32 $0x2720, s9  }
0x9: {  	[smem:$0x7FF] =	sst s4;
	s24 =	sshll.u32 s9, $0x6;
	s25 =	smul.u32 $0x2710, s9  }
0xa: {  	s3 =	sshll.u32 s2, $0x4;
	_ =	strace $0x80000047;
	s6 =	smul.u32 $0x4E20, s2  }
0xb: {  	s2 =	ssub.s32 $0x2, s2;
	s3 =	sor.u32 s9, s3;
	s5 =	sshrl.u32 s23, $0x3  }
0xc: {  	s7 =	sshrl.u32 s2, $0x1;
	s8 =	sadd.s32 s23, s1;
	s26 =	sshrl.u32 s25, $0x3  }
0xd: {  	s13 =	sadd.s32 s25, s1;
	s9 =	simm.s32 $0x1;
	s3 =	smul.u32 $0x500, s3  }
0xe: {  	s5 =	sadd.s32 s5, s0;
	s2 =	ssub.s32 s2, s7;
	s8 =	sshrl.u32 s8, $0x3  }
0xf: {  	s25 =	sshrl.u32 s13, $0x3;
	s13 =	simm.s32 $0x4DA0;
	s4 =	sadd.s32 $0xD600, s5  }
0x10: {  	s5 =	sor.u32 $0x1C01, s24;
	s7 =	smax.u32 s2, $0x1;
	s24 =	simm.s32 $0x4920  }
0x11: {  	s2 =	simm.s32 $0x4CA0;
	s3 =	sadd.s32 s3, s0;
	s0 =	sadd.s32 s6, s0  }
0x12: {  	s6 =	sadd.s32 $0x3600, s3;
	s0 =	sadd.s32 $0x12600, s0;
	s3 =	simm.s32 $0x4D20  }
0x13: {  	v0 =	vimm.f32 $1.000000000e+00;
	s23 =	sadd.s32 s26, s0;
	s26 =	simm.s32 $0x49A0;
	s0 =	simm.s32 $0x4C20  }
.LBB2_1:
0x14: {  	[spmem:s8], [sflag:s5] =	dma.local [hbm:s4], $0x4E4  }
0x15: {  	_ =	swait.ge [sflag:s9], $0x4E4  }
0x16: {  	[sflag:s9] =	ssyncset.done $0x0  }
0x17: {  	s17 =	simm.s32 $0x0;
	[sflag:s9] =	ssyncadd.s32 $0xFFFFFB1C  }
0x18: {  	[tilespmem:s10], [sflag:$0x1] =	stream.linear.gather [hbm4b:s6+s17], $0x2800, $0x38;
	[tilespmem:$0x5720] =	vst v63  }
0x19: {  	_ =	swait.ge [sflag:s9], $0x2800  }
0x1a: {  	[sflag:s9] =	ssyncset.done $0x0  }
0x1b: {  	s18 =	simm.s32 $0x0;
	s17 =	simm.s32 $0x40;
	[sflag:s9] =	ssyncadd.s32 $0xFFFFD800  }
.LBB2_2:
0x1c: {  	p0 =	sne.s32 s17, $0x1FC0;
	[tilespmem:s18+$0x4F20] =	vst v0;
	s18 =	smov.u32 s17;
	s17 =	sadd.s32 $0x40, s17  }
.Ltmp0:
0x1d: {  	(pc) =	sbr.rel @p0 .LBB2_2-.Ltmp0, $2  }
0x1e: {  	_ =	sdelay $0x2  }
0x1f: {  	s18 =	sshra.s32 s18, $0x2  }
0x20: {  	[tilespmem:s18+$0x4F20] =	vst v0  }
0x21: {  	[bflag:$0x0] =	sbarrier.arrive $0xFFFF  }
0x22: {  	[spmem:s1] =	stream.indirect.scatter.add.f32 [tilespmem:s12], [sflag:$0x1], $0x10, s10, s11, $0xb8;
	[tilespmem:$0x5720] =	vst v63  }
0x23: {  	s17 =	simm.s32 $0x27A0  }
0x24: {  	[spmem:s1] =	stream.indirect.scatter.add.f32 [tilespmem:s12], [sflag:$0x1], $0x10, s17, s11, $0xb8;
	[tilespmem:$0x5720] =	vst v63  }
0x25: {  	s18 =	simm.s32 $0x2820  }
0x26: {  	[spmem:s1] =	stream.indirect.scatter.add.f32 [tilespmem:s12], [sflag:$0x1], $0x10, s18, s11, $0xb8;
	[tilespmem:$0x5720] =	vst v63  }
0x27: {  	s18 =	simm.s32 $0x28A0  }
0x28: {  	[spmem:s1] =	stream.indirect.scatter.add.f32 [tilespmem:s12], [sflag:$0x1], $0x10, s18, s11, $0xb8;
	[tilespmem:$0x5720] =	vst v63  }
0x29: {  	s18 =	simm.s32 $0x2920  }
0x2a: {  	[spmem:s1] =	stream.indirect.scatter.add.f32 [tilespmem:s12], [sflag:$0x1], $0x10, s18, s11, $0xb8;
	[tilespmem:$0x5720] =	vst v63  }
0x2b: {  	s18 =	simm.s32 $0x29A0  }
0x2c: {  	[spmem:s1] =	stream.indirect.scatter.add.f32 [tilespmem:s12], [sflag:$0x1], $0x10, s18, s11, $0xb8;
	[tilespmem:$0x5720] =	vst v63  }
0x2d: {  	s18 =	simm.s32 $0x2A20  }
0x2e: {  	[spmem:s1] =	stream.indirect.scatter.add.f32 [tilespmem:s12], [sflag:$0x1], $0x10, s18, s11, $0xb8;
	[tilespmem:$0x5720] =	vst v63  }
0x2f: {  	s18 =	simm.s32 $0x2AA0  }
0x30: {  	[spmem:s1] =	stream.indirect.scatter.add.f32 [tilespmem:s12], [sflag:$0x1], $0x10, s18, s11, $0xb8;
	[tilespmem:$0x5720] =	vst v63  }
0x31: {  	s18 =	simm.s32 $0x2B20  }
0x32: {  	[spmem:s1] =	stream.indirect.scatter.add.f32 [tilespmem:s12], [sflag:$0x1], $0x10, s18, s11, $0xb8;
	[tilespmem:$0x5720] =	vst v63  }
0x33: {  	s18 =	simm.s32 $0x2BA0  }
0x34: {  	[spmem:s1] =	stream.indirect.scatter.add.f32 [tilespmem:s12], [sflag:$0x1], $0x10, s18, s11, $0xb8;
	[tilespmem:$0x5720] =	vst v63  }
0x35: {  	s18 =	simm.s32 $0x2C20  }
0x36: {  	[spmem:s1] =	stream.indirect.scatter.add.f32 [tilespmem:s12], [sflag:$0x1], $0x10, s18, s11, $0xb8;
	[tilespmem:$0x5720] =	vst v63  }
0x37: {  	s18 =	simm.s32 $0x2CA0  }
0x38: {  	[spmem:s1] =	stream.indirect.scatter.add.f32 [tilespmem:s12], [sflag:$0x1], $0x10, s18, s11, $0xb8;
	[tilespmem:$0x5720] =	vst v63  }
0x39: {  	s18 =	simm.s32 $0x2D20  }
0x3a: {  	[spmem:s1] =	stream.indirect.scatter.add.f32 [tilespmem:s12], [sflag:$0x1], $0x10, s18, s11, $0xb8;
	[tilespmem:$0x5720] =	vst v63  }
0x3b: {  	s18 =	simm.s32 $0x2DA0  }
0x3c: {  	[spmem:s1] =	stream.indirect.scatter.add.f32 [tilespmem:s12], [sflag:$0x1], $0x10, s18, s11, $0xb8;
	[tilespmem:$0x5720] =	vst v63  }
0x3d: {  	s18 =	simm.s32 $0x2E20  }
0x3e: {  	[spmem:s1] =	stream.indirect.scatter.add.f32 [tilespmem:s12], [sflag:$0x1], $0x10, s18, s11, $0xb8;
	[tilespmem:$0x5720] =	vst v63  }
0x3f: {  	s18 =	simm.s32 $0x2EA0  }
0x40: {  	[spmem:s1] =	stream.indirect.scatter.add.f32 [tilespmem:s12], [sflag:$0x1], $0x10, s18, s11, $0xb8;
	[tilespmem:$0x5720] =	vst v63  }
0x41: {  	s18 =	simm.s32 $0x2F20  }
0x42: {  	[spmem:s1] =	stream.indirect.scatter.add.f32 [tilespmem:s12], [sflag:$0x1], $0x10, s18, s11, $0xb8;
	[tilespmem:$0x5720] =	vst v63  }
0x43: {  	s18 =	simm.s32 $0x2FA0  }
0x44: {  	[spmem:s1] =	stream.indirect.scatter.add.f32 [tilespmem:s12], [sflag:$0x1], $0x10, s18, s11, $0xb8;
	[tilespmem:$0x5720] =	vst v63  }
0x45: {  	s18 =	simm.s32 $0x3020  }
0x46: {  	[spmem:s1] =	stream.indirect.scatter.add.f32 [tilespmem:s12], [sflag:$0x1], $0x10, s18, s11, $0xb8;
	[tilespmem:$0x5720] =	vst v63  }
0x47: {  	s18 =	simm.s32 $0x30A0  }
0x48: {  	[spmem:s1] =	stream.indirect.scatter.add.f32 [tilespmem:s12], [sflag:$0x1], $0x10, s18, s11, $0xb8;
	[tilespmem:$0x5720] =	vst v63  }
0x49: {  	s18 =	simm.s32 $0x3120  }
0x4a: {  	[spmem:s1] =	stream.indirect.scatter.add.f32 [tilespmem:s12], [sflag:$0x1], $0x10, s18, s11, $0xb8;
	[tilespmem:$0x5720] =	vst v63  }
0x4b: {  	s18 =	simm.s32 $0x31A0  }
0x4c: {  	[spmem:s1] =	stream.indirect.scatter.add.f32 [tilespmem:s12], [sflag:$0x1], $0x10, s18, s11, $0xb8;
	[tilespmem:$0x5720] =	vst v63  }
0x4d: {  	s18 =	simm.s32 $0x3220  }
0x4e: {  	[spmem:s1] =	stream.indirect.scatter.add.f32 [tilespmem:s12], [sflag:$0x1], $0x10, s18, s11, $0xb8;
	[tilespmem:$0x5720] =	vst v63  }
0x4f: {  	s18 =	simm.s32 $0x32A0  }
0x50: {  	[spmem:s1] =	stream.indirect.scatter.add.f32 [tilespmem:s12], [sflag:$0x1], $0x10, s18, s11, $0xb8;
	[tilespmem:$0x5720] =	vst v63  }
0x51: {  	s18 =	simm.s32 $0x3320  }
0x52: {  	[spmem:s1] =	stream.indirect.scatter.add.f32 [tilespmem:s12], [sflag:$0x1], $0x10, s18, s11, $0xb8;
	[tilespmem:$0x5720] =	vst v63  }
0x53: {  	s18 =	simm.s32 $0x33A0  }
0x54: {  	[spmem:s1] =	stream.indirect.scatter.add.f32 [tilespmem:s12], [sflag:$0x1], $0x10, s18, s11, $0xb8;
	[tilespmem:$0x5720] =	vst v63  }
0x55: {  	s18 =	simm.s32 $0x3420  }
0x56: {  	[spmem:s1] =	stream.indirect.scatter.add.f32 [tilespmem:s12], [sflag:$0x1], $0x10, s18, s11, $0xb8;
	[tilespmem:$0x5720] =	vst v63  }
0x57: {  	s18 =	simm.s32 $0x34A0  }
0x58: {  	[spmem:s1] =	stream.indirect.scatter.add.f32 [tilespmem:s12], [sflag:$0x1], $0x10, s18, s11, $0xb8;
	[tilespmem:$0x5720] =	vst v63  }
0x59: {  	s18 =	simm.s32 $0x3520  }
0x5a: {  	[spmem:s1] =	stream.indirect.scatter.add.f32 [tilespmem:s12], [sflag:$0x1], $0x10, s18, s11, $0xb8;
	[tilespmem:$0x5720] =	vst v63  }
0x5b: {  	s18 =	simm.s32 $0x35A0  }
0x5c: {  	[spmem:s1] =	stream.indirect.scatter.add.f32 [tilespmem:s12], [sflag:$0x1], $0x10, s18, s11, $0xb8;
	[tilespmem:$0x5720] =	vst v63  }
0x5d: {  	s18 =	simm.s32 $0x3620  }
0x5e: {  	[spmem:s1] =	stream.indirect.scatter.add.f32 [tilespmem:s12], [sflag:$0x1], $0x10, s18, s11, $0xb8;
	[tilespmem:$0x5720] =	vst v63  }
0x5f: {  	s18 =	simm.s32 $0x36A0  }
0x60: {  	[spmem:s1] =	stream.indirect.scatter.add.f32 [tilespmem:s12], [sflag:$0x1], $0x10, s18, s11, $0xb8;
	[tilespmem:$0x5720] =	vst v63  }
0x61: {  	s18 =	simm.s32 $0x3720  }
0x62: {  	[spmem:s1] =	stream.indirect.scatter.add.f32 [tilespmem:s12], [sflag:$0x1], $0x10, s18, s11, $0xb8;
	[tilespmem:$0x5720] =	vst v63  }
0x63: {  	s18 =	simm.s32 $0x37A0  }
0x64: {  	[spmem:s1] =	stream.indirect.scatter.add.f32 [tilespmem:s12], [sflag:$0x1], $0x10, s18, s11, $0xb8;
	[tilespmem:$0x5720] =	vst v63  }
0x65: {  	s18 =	simm.s32 $0x3820  }
0x66: {  	[spmem:s1] =	stream.indirect.scatter.add.f32 [tilespmem:s12], [sflag:$0x1], $0x10, s18, s11, $0xb8;
	[tilespmem:$0x5720] =	vst v63  }
0x67: {  	s18 =	simm.s32 $0x38A0  }
0x68: {  	[spmem:s1] =	stream.indirect.scatter.add.f32 [tilespmem:s12], [sflag:$0x1], $0x10, s18, s11, $0xb8;
	[tilespmem:$0x5720] =	vst v63  }
0x69: {  	s18 =	simm.s32 $0x3920  }
0x6a: {  	[spmem:s1] =	stream.indirect.scatter.add.f32 [tilespmem:s12], [sflag:$0x1], $0x10, s18, s11, $0xb8;
	[tilespmem:$0x5720] =	vst v63  }
0x6b: {  	s18 =	simm.s32 $0x39A0  }
0x6c: {  	[spmem:s1] =	stream.indirect.scatter.add.f32 [tilespmem:s12], [sflag:$0x1], $0x10, s18, s11, $0xb8;
	[tilespmem:$0x5720] =	vst v63  }
0x6d: {  	s18 =	simm.s32 $0x3A20  }
0x6e: {  	[spmem:s1] =	stream.indirect.scatter.add.f32 [tilespmem:s12], [sflag:$0x1], $0x10, s18, s11, $0xb8;
	[tilespmem:$0x5720] =	vst v63  }
0x6f: {  	s18 =	simm.s32 $0x3AA0  }
0x70: {  	[spmem:s1] =	stream.indirect.scatter.add.f32 [tilespmem:s12], [sflag:$0x1], $0x10, s18, s11, $0xb8;
	[tilespmem:$0x5720] =	vst v63  }
0x71: {  	_ =	swait.ge [sflag:s9], $0xA000  }
0x72: {  	[sflag:s9] =	ssyncset.done $0x0  }
0x73: {  	s18 =	simm.s32 $0x3B20;
	[sflag:s9] =	ssyncadd.s32 $0xFFFF6000  }
0x74: {  	[spmem:s1] =	stream.indirect.scatter.add.f32 [tilespmem:s12], [sflag:$0x1], $0x10, s18, s11, $0xb8;
	[tilespmem:$0x5720] =	vst v63  }
0x75: {  	s18 =	simm.s32 $0x3BA0  }
0x76: {  	[spmem:s1] =	stream.indirect.scatter.add.f32 [tilespmem:s12], [sflag:$0x1], $0x10, s18, s11, $0xb8;
	[tilespmem:$0x5720] =	vst v63  }
0x77: {  	s18 =	simm.s32 $0x3C20  }
0x78: {  	[spmem:s1] =	stream.indirect.scatter.add.f32 [tilespmem:s12], [sflag:$0x1], $0x10, s18, s11, $0xb8;
	[tilespmem:$0x5720] =	vst v63  }
0x79: {  	s18 =	simm.s32 $0x3CA0  }
0x7a: {  	[spmem:s1] =	stream.indirect.scatter.add.f32 [tilespmem:s12], [sflag:$0x1], $0x10, s18, s11, $0xb8;
	[tilespmem:$0x5720] =	vst v63  }
0x7b: {  	s18 =	simm.s32 $0x3D20  }
0x7c: {  	[spmem:s1] =	stream.indirect.scatter.add.f32 [tilespmem:s12], [sflag:$0x1], $0x10, s18, s11, $0xb8;
	[tilespmem:$0x5720] =	vst v63  }
0x7d: {  	s18 =	simm.s32 $0x3DA0  }
0x7e: {  	[spmem:s1] =	stream.indirect.scatter.add.f32 [tilespmem:s12], [sflag:$0x1], $0x10, s18, s11, $0xb8;
	[tilespmem:$0x5720] =	vst v63  }
0x7f: {  	s18 =	simm.s32 $0x3E20  }
0x80: {  	[spmem:s1] =	stream.indirect.scatter.add.f32 [tilespmem:s12], [sflag:$0x1], $0x10, s18, s11, $0xb8;
	[tilespmem:$0x5720] =	vst v63  }
0x81: {  	s18 =	simm.s32 $0x3EA0  }
0x82: {  	[spmem:s1] =	stream.indirect.scatter.add.f32 [tilespmem:s12], [sflag:$0x1], $0x10, s18, s11, $0xb8;
	[tilespmem:$0x5720] =	vst v63  }
0x83: {  	s18 =	simm.s32 $0x3F20  }
0x84: {  	[spmem:s1] =	stream.indirect.scatter.add.f32 [tilespmem:s12], [sflag:$0x1], $0x10, s18, s11, $0xb8;
	[tilespmem:$0x5720] =	vst v63  }
0x85: {  	s18 =	simm.s32 $0x3FA0  }
0x86: {  	[spmem:s1] =	stream.indirect.scatter.add.f32 [tilespmem:s12], [sflag:$0x1], $0x10, s18, s11, $0xb8;
	[tilespmem:$0x5720] =	vst v63  }
0x87: {  	s18 =	simm.s32 $0x4020  }
0x88: {  	[spmem:s1] =	stream.indirect.scatter.add.f32 [tilespmem:s12], [sflag:$0x1], $0x10, s18, s11, $0xb8;
	[tilespmem:$0x5720] =	vst v63  }
0x89: {  	s18 =	simm.s32 $0x40A0  }
0x8a: {  	[spmem:s1] =	stream.indirect.scatter.add.f32 [tilespmem:s12], [sflag:$0x1], $0x10, s18, s11, $0xb8;
	[tilespmem:$0x5720] =	vst v63  }
0x8b: {  	s18 =	simm.s32 $0x4120  }
0x8c: {  	[spmem:s1] =	stream.indirect.scatter.add.f32 [tilespmem:s12], [sflag:$0x1], $0x10, s18, s11, $0xb8;
	[tilespmem:$0x5720] =	vst v63  }
0x8d: {  	s18 =	simm.s32 $0x41A0  }
0x8e: {  	[spmem:s1] =	stream.indirect.scatter.add.f32 [tilespmem:s12], [sflag:$0x1], $0x10, s18, s11, $0xb8;
	[tilespmem:$0x5720] =	vst v63  }
0x8f: {  	s18 =	simm.s32 $0x4220  }
0x90: {  	[spmem:s1] =	stream.indirect.scatter.add.f32 [tilespmem:s12], [sflag:$0x1], $0x10, s18, s11, $0xb8;
	[tilespmem:$0x5720] =	vst v63  }
0x91: {  	s18 =	simm.s32 $0x42A0  }
0x92: {  	[spmem:s1] =	stream.indirect.scatter.add.f32 [tilespmem:s12], [sflag:$0x1], $0x10, s18, s11, $0xb8;
	[tilespmem:$0x5720] =	vst v63  }
0x93: {  	s18 =	simm.s32 $0x4320  }
0x94: {  	[spmem:s1] =	stream.indirect.scatter.add.f32 [tilespmem:s12], [sflag:$0x1], $0x10, s18, s11, $0xb8;
	[tilespmem:$0x5720] =	vst v63  }
0x95: {  	s18 =	simm.s32 $0x43A0  }
0x96: {  	[spmem:s1] =	stream.indirect.scatter.add.f32 [tilespmem:s12], [sflag:$0x1], $0x10, s18, s11, $0xb8;
	[tilespmem:$0x5720] =	vst v63  }
0x97: {  	s18 =	simm.s32 $0x4420  }
0x98: {  	[spmem:s1] =	stream.indirect.scatter.add.f32 [tilespmem:s12], [sflag:$0x1], $0x10, s18, s11, $0xb8;
	[tilespmem:$0x5720] =	vst v63  }
0x99: {  	s18 =	simm.s32 $0x44A0  }
0x9a: {  	[spmem:s1] =	stream.indirect.scatter.add.f32 [tilespmem:s12], [sflag:$0x1], $0x10, s18, s11, $0xb8;
	[tilespmem:$0x5720] =	vst v63  }
0x9b: {  	_ =	swait.ge [sflag:s9], $0xA000  }
0x9c: {  	[sflag:s9] =	ssyncset.done $0x0  }
0x9d: {  	s18 =	simm.s32 $0x4520;
	[sflag:s9] =	ssyncadd.s32 $0xFFFF6000  }
0x9e: {  	[spmem:s1] =	stream.indirect.scatter.add.f32 [tilespmem:s12], [sflag:$0x1], $0x10, s18, s11, $0xb8;
	[tilespmem:$0x5720] =	vst v63  }
0x9f: {  	s18 =	simm.s32 $0x45A0  }
0xa0: {  	[spmem:s1] =	stream.indirect.scatter.add.f32 [tilespmem:s12], [sflag:$0x1], $0x10, s18, s11, $0xb8;
	[tilespmem:$0x5720] =	vst v63  }
0xa1: {  	s18 =	simm.s32 $0x4620  }
0xa2: {  	[spmem:s1] =	stream.indirect.scatter.add.f32 [tilespmem:s12], [sflag:$0x1], $0x10, s18, s11, $0xb8;
	[tilespmem:$0x5720] =	vst v63  }
0xa3: {  	s18 =	simm.s32 $0x46A0  }
0xa4: {  	[spmem:s1] =	stream.indirect.scatter.add.f32 [tilespmem:s12], [sflag:$0x1], $0x10, s18, s11, $0xb8;
	[tilespmem:$0x5720] =	vst v63  }
0xa5: {  	_ = 	snop  }
0xa6: {  	[spmem:s1] =	stream.indirect.scatter.add.f32 [tilespmem:s12], [sflag:$0x1], $0x10, s19, s11, $0xb8;
	[tilespmem:$0x5720] =	vst v63  }
0xa7: {  	_ = 	snop  }
0xa8: {  	[spmem:s1] =	stream.indirect.scatter.add.f32 [tilespmem:s12], [sflag:$0x1], $0x10, s20, s11, $0xb8;
	[tilespmem:$0x5720] =	vst v63  }
0xa9: {  	_ = 	snop  }
0xaa: {  	[spmem:s1] =	stream.indirect.scatter.add.f32 [tilespmem:s12], [sflag:$0x1], $0x10, s21, s11, $0xb8;
	[tilespmem:$0x5720] =	vst v63  }
0xab: {  	_ = 	snop  }
0xac: {  	[spmem:s1] =	stream.indirect.scatter.add.f32 [tilespmem:s12], [sflag:$0x1], $0x10, s22, s11, $0xb8;
	[tilespmem:$0x5720] =	vst v63  }
0xad: {  	_ = 	snop  }
0xae: {  	[spmem:s1] =	stream.indirect.scatter.add.f32 [tilespmem:s12], [sflag:$0x1], $0x10, s24, s11, $0xb8;
	[tilespmem:$0x5720] =	vst v63  }
0xaf: {  	_ = 	snop  }
0xb0: {  	[spmem:s1] =	stream.indirect.scatter.add.f32 [tilespmem:s12], [sflag:$0x1], $0x10, s26, s11, $0xb8;
	[tilespmem:$0x5720] =	vst v63  }
0xb1: {  	_ = 	snop  }
0xb2: {  	[spmem:s1] =	stream.indirect.scatter.add.f32 [tilespmem:s12], [sflag:$0x1], $0x10, s28, s11, $0xb8;
	[tilespmem:$0x5720] =	vst v63  }
0xb3: {  	_ = 	snop  }
0xb4: {  	[spmem:s1] =	stream.indirect.scatter.add.f32 [tilespmem:s12], [sflag:$0x1], $0x10, s29, s11, $0xb8;
	[tilespmem:$0x5720] =	vst v63  }
0xb5: {  	_ = 	snop  }
0xb6: {  	[spmem:s1] =	stream.indirect.scatter.add.f32 [tilespmem:s12], [sflag:$0x1], $0x10, s30, s11, $0xb8;
	[tilespmem:$0x5720] =	vst v63  }
0xb7: {  	_ = 	snop  }
0xb8: {  	[spmem:s1] =	stream.indirect.scatter.add.f32 [tilespmem:s12], [sflag:$0x1], $0x10, s31, s11, $0xb8;
	[tilespmem:$0x5720] =	vst v63  }
0xb9: {  	_ = 	snop  }
0xba: {  	[spmem:s1] =	stream.indirect.scatter.add.f32 [tilespmem:s12], [sflag:$0x1], $0x10, s0, s11, $0xb8;
	[tilespmem:$0x5720] =	vst v63  }
0xbb: {  	_ = 	snop  }
0xbc: {  	[spmem:s1] =	stream.indirect.scatter.add.f32 [tilespmem:s12], [sflag:$0x1], $0x10, s2, s11, $0xb8;
	[tilespmem:$0x5720] =	vst v63  }
0xbd: {  	_ = 	snop  }
0xbe: {  	[spmem:s1] =	stream.indirect.scatter.add.f32 [tilespmem:s12], [sflag:$0x1], $0x10, s3, s11, $0xb8;
	[tilespmem:$0x5720] =	vst v63  }
0xbf: {  	_ = 	snop  }
0xc0: {  	[spmem:s1] =	stream.indirect.scatter.add.f32 [tilespmem:s12], [sflag:$0x1], $0x10, s13, s11, $0xb8;
	[tilespmem:$0x5720] =	vst v63  }
0xc1: {  	_ = 	snop  }
0xc2: {  	[spmem:s1] =	stream.indirect.scatter.add.f32 [tilespmem:s12], [sflag:$0x1], $0x10, s14, s11, $0xb8;
	[tilespmem:$0x5720] =	vst v63  }
0xc3: {  	_ = 	snop  }
0xc4: {  	[spmem:s1] =	stream.indirect.scatter.add.f32 [tilespmem:s12], [sflag:$0x1], $0x10, s15, s11, $0xb8;
	[tilespmem:$0x5720] =	vst v63  }
0xc5: {  	_ =	swait.ge [sflag:s9], $0xA000  }
0xc6: {  	[sflag:s9] =	ssyncset.done $0x0  }
0xc7: {  	[sflag:s9] =	ssyncadd.s32 $0xFFFF6000  }
0xc8: {  	_ =	swait.ge [sflag:s9], $0xA000  }
0xc9: {  	s16 =	sadd.s32 $0x1, s16;
	[sflag:s9] =	ssyncset.done $0x0  }
0xca: {  	p0 =	sne.s32 s16, s7;
	[sflag:s9] =	ssyncadd.s32 $0xFFFF6000  }
.Ltmp1:
0xcb: {  	[bflag:$0x0] =	sbarrier.arrive $0xFFFF;
	(pc) =	sbr.rel @p0 .LBB2_1-.Ltmp1, $4  }
0xcc: {  	[hbm:s23], [sflag:s5] =	dma.local [spmem:s25], $0x4E2  }
0xcd: {  	_ =	swait.ge [sflag:s9], $0x4E2  }
0xce: {  	[sflag:s9] =	ssyncset.done $0x0  }
0xcf: {  	[sflag:s9] =	ssyncadd.s32 $0xFFFFFB1E  }
0xd0: {  	_ =	sfence.sel $0x180000  }
0xd1: {  	[bflag:$0x0] =	sbarrier.arrive $0xFFFF  }
0xd2: {  	_ =	strace $0x90000047  }
0xd3: {  	s0 =	stileid.u32;
	[bflag:$0x2] =	sbarrier.arrive $0xFFFF  }
0xd4: {  	p0 =	sne.s32 s0, $0x0;
	s0 =	rddreg [dreg:$0x2]  }
0xd5: {  	s0 =	sadd.s32 @!p0 $0x100000, s0  }
0xd6: {  	[sflag:s0] =	ssyncadd.tile.s32 @!p0 $0x1;
	_ =	shalt  }
.Lfunc_end2:
_tile_overlayer_lowered:
.L_overlay_start_2:
0xd7: {  	(tag) =	ssettag $0x2  }
0xd8: {  	s0 =	rddreg [dreg:$0x0];
	s2 =	stileid.u32  }
0xd9: {  	s1 =	rddreg [dreg:$0x1];
	p0 =	sne.s32 s2, $0x0  }
0xda: {  	s3 =	rddreg [dreg:$0x2];
	[bflag:$0x3] =	sbarrier.arrive $0xFFFF;
	s2 =	simm.s32 @!p0 $0x1C01  }
0xdb: {  	[timem:s3], [sflag:s2] =	dma.local @!p0 [hbm:s0], s1  }
0xdc: {  	s0 =	simm.s32 @!p0 $0x1  }
0xdd: {  	_ =	swait.ge @!p0 [sflag:s0], s1  }
0xde: {  	s1 =	ssub.s32 @!p0 $0x0, s1;
	[sflag:s0] =	ssyncset.done @!p0 $0x0  }
0xdf: {  	[sflag:s0] =	ssyncadd.s32 @!p0 s1  }
0xe0: {  	[bflag:$0x3] =	sbarrier.arrive $0xFFFF  }
0xe1: {  	_ =	shalt  }

// kernel: kernel.14.cloned.1.call-start
scs
__scs_entry_jumppad:
0x0: {  	(pc) =	sbr.rel $0x88, $3  }
0x1: {  	(tag) =	ssettag $0x0;
	lr =	simm.s32 $0x1  }
0x2: {  	[smem:$0x3F8F] =	sst lr;
	_ =	strace $0xD0000000  }
0x3: {  	_ = 	snop  }
0x4: {  	_ = 	snop  }
0x5: {  	_ = 	snop  }
0x6: {  	_ = 	snop  }
0x7: {  	_ = 	snop  }
__scs_overlays_trampoline_lowered:
0x8: {  	[smem:$0x3F9E] =	sst s0  }
0x9: {  	[smem:$0x3F9F] =	sst s1  }
0xa: {  	[smem:$0x3FA0] =	sst s2  }
0xb: {  	[smem:$0x3FA1] =	sst s3  }
0xc: {  	[smem:$0x3FA2] =	sst s4  }
0xd: {  	[smem:$0x3FA3] =	sst s5  }
0xe: {  	[smem:$0x3FA4] =	sst s6  }
0xf: {  	[smem:$0x3FA5] =	sst s7  }
0x10: {  	[smem:$0x3FA6] =	sst s8  }
0x11: {  	[smem:$0x3FA7] =	sst s9;
	s0 =	simm.s32 @!p0 $0x0  }
0x12: {  	s1 =	sld [smem:$0x3F8D];
	s0 =	simm.s32 @p0 $0x1  }
0x13: {  	[smem:$0x3FA8] =	sst s0;
	s0 =	simm.s32 @!p1 $0x0  }
0x14: {  	s2 =	sld [smem:$0x3F8C];
	s0 =	simm.s32 @p1 $0x1  }
0x15: {  	[smem:$0x3FA9] =	sst s0;
	s0 =	simm.s32 @!p2 $0x0  }
0x16: {  	s3 =	sld [smem:$0x3FDB];
	s0 =	simm.s32 @p2 $0x1  }
0x17: {  	s4 =	simm.s32 $0x1BF5;
	[smem:$0x3FAB] =	sst s0  }
0x18: {  	s0 =	sld [smem:$0x3F8E];
	_ =	swait.ge [sflag:s4], $0x0  }
0x19: {  	s7 =	sld [smem:$0x3F8F]  }
0x1a: {  	s8 =	sadd.s32 $0xFFFFE003, lr  }
0x1b: {  	s9 =	sadd.s32 $0xFFFFFEF7, lr;
	s5 =	simm.s32 $0xFFFFFFFF;
	p2 =	slt.u32 s8, $0xFFFFF086  }
0x1c: {  	p1 =	slt.u32 s9, $0xF7A;
	s5 =	simm.s32 @!p2 $0x0  }
0x1d: {  	s5 =	simm.s32 @p1 $0x1;
	p0 =	seq.s32 s7, s2  }
0x1e: {  	s7 =	smul.u32 @!p0 $0xF7A, s2;
	p2 =	seq.s32 @!p0 s5, $0x0  }
0x1f: {  	s9 =	smul.u32 $0xF7A, s1;
	s8 =	simm.s32 @!p0 $0x1BF5;
	p2 =	por !p2, p0  }
0x20: {  	[sflag:s8] =	ssyncset.s32 @!p0 $0xFFFFF086;
	s6 =	sadd.s32 @!p0 s3, s7;
	s7 =	simm.s32 @!p0 $0x108  }
0x21: {  	s3 =	sadd.s32 s3, s9;
	s6 =	sadd.s32 @!p0 $0x88, s6;
	s7 =	simm.s32 @p2 $0x1082  }
0x22: {  	[simem:s7], [sflag:s8] =	dma.local @!p0 [hbm:s6], $0xF7A  }
0x23: {  	s9 =	sor.u32 $0xD0000000, s2;
	s6 =	simm.s32 $0x108;
	_ =	swait.ge @!p0 [sflag:s8], $0x0  }
0x24: {  	s3 =	sadd.s32 $0x88, s3;
	s6 =	simm.s32 @!p1 $0x1082;
	[sflag:s4] =	ssyncset.s32 $0xFFFFF086  }
0x25: {  	[simem:s6], [sflag:s4] =	dma.local [hbm:s3], $0xF7A  }
0x26: {  	[smem:$0x3F8F] =	sst s1;
	(tag) =	ssettag s2;
	_ =	strace s9  }
0x27: {  	s1 =	sld [smem:$0x3F9F]  }
0x28: {  	s2 =	sld [smem:$0x3FA0]  }
0x29: {  	s4 =	sld [smem:$0x3FA2]  }
0x2a: {  	p0 =	seq.s32 s5, $0x0;
	s5 =	sld [smem:$0x3FA3]  }
0x2b: {  	s6 =	sld [smem:$0x3FA4]  }
0x2c: {  	s7 =	sld [smem:$0x3FA5]  }
0x2d: {  	s3 =	simm.s32 $0x108;
	s8 =	sld [smem:$0x3FA6]  }
0x2e: {  	s3 =	simm.s32 @!p0 $0x1082;
	s9 =	sld [smem:$0x3FA7]  }
0x2f: {  	lr =	sadd.s32 s0, s3;
	s0 =	sld [smem:$0x3F9E]  }
0x30: {  	s3 =	sld [smem:$0x3FA1]  }
0x31: {  	[smem:$0x3FAA] =	sst s10  }
0x32: {  	s10 =	sld [smem:$0x3FA8];
	_ =	sdelay $0x3  }
0x33: {  	p0 =	seq.s32 s10, $0x1;
	s10 =	sld [smem:$0x3FAA];
	_ =	sdelay $0x3  }
0x34: {  	[smem:$0x3FAA] =	sst s10  }
0x35: {  	s10 =	sld [smem:$0x3FA9];
	_ =	sdelay $0x3  }
0x36: {  	p1 =	seq.s32 s10, $0x1;
	s10 =	sld [smem:$0x3FAA];
	_ =	sdelay $0x3  }
0x37: {  	[smem:$0x3FAA] =	sst s10  }
0x38: {  	s10 =	sld [smem:$0x3FAB]  }
0x39: {  	_ = 	snop;
	(pc) =	sbr.ind lr, $3  }
0x3a: {  	_ = 	snop  }
0x3b: {  	_ = 	snop  }
0x3c: {  	p2 =	seq.s32 s10, $0x1;
	s10 =	sld [smem:$0x3FAA]  }
0x3d: {  	_ =	shalt  }
0x3e: {  	_ =	shalt  }
0x3f: {  	_ =	shalt  }
0x40: {  	_ =	shalt  }
0x41: {  	_ =	shalt  }
0x42: {  	_ =	shalt  }
0x43: {  	_ =	shalt  }
0x44: {  	_ =	shalt  }
0x45: {  	_ =	shalt  }
0x46: {  	_ =	shalt  }
0x47: {  	_ =	shalt  }
0x48: {  	_ =	shalt  }
0x49: {  	_ =	shalt  }
0x4a: {  	_ =	shalt  }
0x4b: {  	_ =	shalt  }
0x4c: {  	_ =	shalt  }
0x4d: {  	_ =	shalt  }
0x4e: {  	_ =	shalt  }
0x4f: {  	_ =	shalt  }
0x50: {  	_ =	shalt  }
0x51: {  	_ =	shalt  }
0x52: {  	_ =	shalt  }
0x53: {  	_ =	shalt  }
0x54: {  	_ =	shalt  }
0x55: {  	_ =	shalt  }
0x56: {  	_ =	shalt  }
0x57: {  	_ =	shalt  }
0x58: {  	_ =	shalt  }
0x59: {  	_ =	shalt  }
0x5a: {  	_ =	shalt  }
0x5b: {  	_ =	shalt  }
0x5c: {  	_ =	shalt  }
0x5d: {  	_ =	shalt  }
0x5e: {  	_ =	shalt  }
0x5f: {  	_ =	shalt  }
0x60: {  	_ =	shalt  }
0x61: {  	_ =	shalt  }
0x62: {  	_ =	shalt  }
0x63: {  	_ =	shalt  }
0x64: {  	_ =	shalt  }
0x65: {  	_ =	shalt  }
0x66: {  	_ =	shalt  }
0x67: {  	_ =	shalt  }
0x68: {  	_ =	shalt  }
0x69: {  	_ =	shalt  }
0x6a: {  	_ =	shalt  }
0x6b: {  	_ =	shalt  }
0x6c: {  	_ =	shalt  }
0x6d: {  	_ =	shalt  }
0x6e: {  	_ =	shalt  }
0x6f: {  	_ =	shalt  }
0x70: {  	_ =	shalt  }
0x71: {  	_ =	shalt  }
0x72: {  	_ =	shalt  }
0x73: {  	_ =	shalt  }
0x74: {  	_ =	shalt  }
0x75: {  	_ =	shalt  }
0x76: {  	_ =	shalt  }
0x77: {  	_ =	shalt  }
0x78: {  	_ =	shalt  }
0x79: {  	_ =	shalt  }
0x7a: {  	_ =	shalt  }
0x7b: {  	_ =	shalt  }
0x7c: {  	_ =	shalt  }
0x7d: {  	_ =	shalt  }
0x7e: {  	_ =	shalt  }
0x7f: {  	_ =	shalt  }
0x80: {  	_ =	shalt  }
0x81: {  	_ =	shalt  }
0x82: {  	_ =	shalt  }
0x83: {  	_ =	shalt  }
0x84: {  	_ =	shalt  }
0x85: {  	_ =	shalt  }
0x86: {  	_ =	shalt  }
0x87: {  	_ =	shalt  }
.Lfunc_end0:
.L_simem_size_0:
called_computation.1_lowered:
.L_overlay_start_0:
0x88: {  	s2 =	sld [smem:$0x3FD9]  }
0x89: {  	s3 =	sld [smem:$0x3FFE];
	_ =	sdelay $0x1  }
0x8a: {  	s1 =	srdreg.scid  }
0x8b: {  	s0 =	sand.u32 $0x1, s1  }
0x8c: {  	s16 =	sshll.u32 s0, $0xA;
	s2 =	sadd.s32 s3, s2  }
0x8d: {  	s2 =	sadd.s32 s2, s16  }
0x8e: {  	[smem:$0x3FB6] =	sst s2  }
0x8f: {  	_ = 	snop  }
0x90: {  	(tm) =	ssettm $0x1  }
0x91: {  	s17 =	sld [smem:$0x3FFB];
	_ =	sdelay $0x3  }
0x92: {  	_ =	strace s17  }
0x93: {  	s2 =	sld [smem:$0x3FFC];
	_ =	sdelay $0x3  }
0x94: {  	_ =	strace s2  }
0x95: {  	s2 =	sld [smem:$0x3FFD];
	_ =	sdelay $0x3  }
0x96: {  	_ =	strace s2  }
0x97: {  	_ =	strace $0x8FFFFFFF  }
0x98: {  	s18 =	sld [smem:$0x3FDB];
	_ =	sdelay $0x1  }
0x99: {  	s19 =	simm.s32 $_scs_section_size  }
0x9a: {  	s4 =	simm.s32 $_size__tile_overlayer_lowered;
	s5 =	simm.s32 $_tile_overlayer_lowered  }
0x9b: {  	s22 =	simm.s32 $0x1BFF;
	s21 =	sshll.u32 s5, $0x1;
	s2 =	sadd.s32 s19, s18  }
0x9c: {  	s6 =	simm.s32 $0x0;
	s20 =	sshll.u32 s4, $0x1;
	s4 =	sadd.s32 s21, s2  }
0x9d: {  	[timem:s6], [sflag:s22] =	dma.local [hbm:s4], s20  }
0x9e: {  	_ =	swait.ge [sflag:s22], s20  }
0x9f: {  	s3 =	ssub.s32 $0x0, s20;
	[sflag:s22] =	ssyncset.done $0x0  }
0xa0: {  	[sflag:s22] =	ssyncadd.s32 s3;
	_ =	sdelay $0x1  }
0xa1: {  	s23 =	simm.s32 $0x1B8B  }
0xa2: {  	_ =	swait.ge [sflag:s23], $0x1  }
0xa3: {  	[sflag:s23] =	ssyncset.done $0x0  }
0xa4: {  	s25 =	simm.s32 $0x1B8E;
	s24 =	sld [smem:$0x3FFE];
	[sflag:s23] =	ssyncadd.s32 $0xFFFFFFFF  }
0xa5: {  	s26 =	simm.s32 $execute0_lowered;
	[smem:$0x3FD2] =	sst s25  }
0xa6: {  	s4 =	sshll.u32 s26, $0x1;
	_ =	strace $0x80000049;
	[dreg:$0x1] =	wrdreg $0xFFFFFFFF  }
0xa7: {  	s28 =	simm.s32 $_size_execute0_lowered;
	s2 =	sadd.s32 s2, s4;
	[dreg:$0x0] =	wrdreg $0x0  }
0xa8: {  	s4 =	sshll.u32 s28, $0x1;
	[dreg:$0x2] =	wrdreg s2  }
0xa9: {  	[dreg:$0x3] =	wrdreg s4  }
0xaa: {  	[dreg:$0x4] =	wrdreg $0xC0  }
0xab: {  	_ =	task [dreg:s6], $0x5FFFF  }
0xac: {  	[dreg:$0x1] =	wrdreg $0xFFFFFFFF  }
0xad: {  	[dreg:$0x0] =	wrdreg $0x60  }
0xae: {  	[dreg:$0x2] =	wrdreg s24  }
0xaf: {  	[dreg:$0x3] =	wrdreg $0x0  }
0xb0: {  	[dreg:$0x4] =	wrdreg $0x27200  }
0xb1: {  	[dreg:$0x5] =	wrdreg $0x9  }
0xb2: {  	_ =	task.clear_ibuf [dreg:s6], $0x6FFFF;
	_ =	strace $0x90000049  }
0xb3: {  	s29 =	simm.s32 $0x9;
	_ =	strace $0x8000004B  }
0xb4: {  	_ =	swait.ge [sflag:s29], $0x1  }
0xb5: {  	[sflag:s29] =	ssyncadd.s32 $0xFFFFFFFF  }
0xb6: {  	_ =	strace $0x9000004B  }
0xb7: {  	_ =	sfence  }
0xb8: {  	s30 =	sld [smem:$0x0];
	_ =	sdelay $0x2  }
0xb9: {  	s31 =	sshll.u32 s1, $0xD;
	s1 =	sshrl.u32 s1, $0x2  }
0xba: {  	s3 =	sand.u32 $0x4000, s31;
	s1 =	sadd.s32 s1, s30  }
0xbb: {  	s0 =	sor.u32 s3, s0;
	s1 =	sshll.u32 s1, $0x11  }
0xbc: {  	s0 =	sor.u32 s1, s0  }
0xbd: {  	s0 =	sadd.s32 $0x8F2B, s0  }
0xbe: {  	[sflag:s0] =	ssyncadd.remote.s32 $0x1  }
0xbf: {  	_ =	sfence.sel $0xFFFF  }
0xc0: {  	[dreg:$0x0] =	wrdreg $0xFFFFFFFF;
	(pc) =	sbr.abs _section_cstart, $3  }
0xc1: {  	[dreg:$0x1] =	wrdreg $0xFFFFFFFF  }
0xc2: {  	_ =	task.clear_ibuf [dreg:s6], $0x2FFFF;
	_ =	strace $0x9FFFFFFF  }
0xc3: {  	(tm) =	ssettm $0x7FFFFFFF  }
tec
execute0_lowered:
.L_overlay_start_1:
0x0: {  	(tag) =	ssettag $0x1  }
0x1: {  	s0 =	rddreg [dreg:$0x0]  }
0x2: {  	s2 =	rddreg [dreg:$0x1]  }
0x3: {  	s3 =	rddreg [dreg:$0x2];
	s1 =	srdreg.scid;
	s10 =	simm.s32 $0x0  }
0x4: {  	s11 =	sand.u32 $0x1, s1;
	[smem:$0x7FF] =	sst s10  }
0x5: {  	s31 =	simm.s32 $0x4EB0;
	[smem:$0x7FB] =	sst s11  }
0x6: {  	s12 =	simm.s32 $0x50B0;
	_ =	strace $0x8000004A;
	[dreg:$0xb] =	wrdreg s31  }
0x7: {  	s13 =	simm.s32 $0x5130;
	[dreg:$0xf] =	wrdreg s12  }
0x8: {  	s9 =	stileid.u32;
	s14 =	simm.s32 $0x51B0;
	[dreg:$0x10] =	wrdreg s13  }
0x9: {  	s15 =	simm.s32 $0x5230;
	s16 =	simm.s32 $0x52B0;
	[dreg:$0x11] =	wrdreg s14  }
0xa: {  	s17 =	simm.s32 $0x5330;
	s18 =	simm.s32 $0x53B0;
	[dreg:$0x12] =	wrdreg s15  }
0xb: {  	s19 =	simm.s32 $0x5430;
	s20 =	simm.s32 $0x54B0;
	[dreg:$0x13] =	wrdreg s16  }
0xc: {  	s5 =	smul.u32 $0x2720, s9;
	s4 =	sshll.u32 s11, $0x4;
	[dreg:$0x14] =	wrdreg s17  }
0xd: {  	s1 =	smul.u32 $0x2710, s9;
	s6 =	sor.u32 s9, s4;
	[dreg:$0x15] =	wrdreg s18  }
0xe: {  	s7 =	sshrl.u32 s5, $0x3;
	s23 =	sadd.s32 s5, s2;
	[dreg:$0x16] =	wrdreg s19  }
0xf: {  	s5 =	sshll.u32 s9, $0x6;
	s9 =	simm.s32 $0x5030;
	[dreg:$0x17] =	wrdreg s20  }
0x10: {  	s4 =	sshrl.u32 s1, $0x3;
	s24 =	sshrl.u32 s23, $0x3;
	[dreg:$0xe] =	wrdreg s9  }
0x11: {  	s25 =	sadd.s32 s1, s3;
	s26 =	sor.u32 $0x1C02, s5;
	[dreg:$0x8] =	wrdreg s24  }
0x12: {  	s7 =	sadd.s32 s7, s0;
	s28 =	sshrl.u32 s25, $0x3;
	[dreg:$0x9] =	wrdreg s26  }
0x13: {  	s8 =	sadd.s32 s4, s0;
	s7 =	sadd.s32 $0xD600, s7;
	[dreg:$0xa] =	wrdreg s28  }
0x14: {  	s21 =	sadd.s32 $0x12600, s8;
	[dreg:$0x4] =	wrdreg s7  }
0x15: {  	s6 =	smul.u32 $0x500, s6;
	s8 =	simm.s32 $0x4FB0;
	[dreg:$0x5] =	wrdreg s21  }
0x16: {  	s7 =	simm.s32 $0x4F30;
	[dreg:$0xd] =	wrdreg s8  }
0x17: {  	s6 =	sadd.s32 s6, s0;
	s21 =	simm.s32 $0x5530;
	[dreg:$0xc] =	wrdreg s7  }
0x18: {  	s22 =	sadd.s32 $0x1C400, s6;
	[dreg:$0x18] =	wrdreg s21  }
0x19: {  	s6 =	sadd.s32 $0x3600, s6;
	[dreg:$0x6] =	wrdreg s22  }
0x1a: {  	[dreg:$0x7] =	wrdreg s6;
	s22 =	simm.s32 $0x55B0  }
0x1b: {  	s23 =	simm.s32 $0x5630;
	[dreg:$0x19] =	wrdreg s22  }
0x1c: {  	s24 =	simm.s32 $0x56B0;
	[dreg:$0x1a] =	wrdreg s23  }
0x1d: {  	s25 =	simm.s32 $0x5730;
	[dreg:$0x1b] =	wrdreg s24  }
0x1e: {  	s26 =	simm.s32 $0x57B0;
	[dreg:$0x1c] =	wrdreg s25  }
0x1f: {  	s28 =	simm.s32 $0x76B0;
	[dreg:$0x1d] =	wrdreg s26  }
0x20: {  	s31 =	simm.s32 $0x7730;
	[dreg:$0x1e] =	wrdreg s28  }
0x21: {  	s7 =	simm.s32 $0x77B0;
	[dreg:$0x1f] =	wrdreg s31  }
0x22: {  	s8 =	simm.s32 $0x7830;
	[smem:$0x772] =	sst s7  }
0x23: {  	s9 =	simm.s32 $0x78B0;
	[smem:$0x773] =	sst s8  }
0x24: {  	s12 =	simm.s32 $0x7930;
	[smem:$0x774] =	sst s9  }
0x25: {  	s13 =	simm.s32 $0x79B0;
	[smem:$0x775] =	sst s12  }
0x26: {  	s14 =	simm.s32 $0x7A30;
	[smem:$0x776] =	sst s13  }
0x27: {  	s15 =	simm.s32 $0x7AB0;
	[smem:$0x777] =	sst s14  }
0x28: {  	s16 =	simm.s32 $0x7B30;
	[smem:$0x778] =	sst s15  }
0x29: {  	s17 =	simm.s32 $0x7BB0;
	[smem:$0x779] =	sst s16  }
0x2a: {  	s18 =	simm.s32 $0x7C30;
	[smem:$0x77A] =	sst s17  }
0x2b: {  	s19 =	simm.s32 $0x7CB0;
	[smem:$0x77B] =	sst s18  }
0x2c: {  	s20 =	simm.s32 $0x7D30;
	[smem:$0x77C] =	sst s19  }
0x2d: {  	s1 =	sadd.s32 s1, s2;
	s21 =	simm.s32 $0x7DB0;
	[smem:$0x77D] =	sst s20  }
0x2e: {  	s1 =	sshrl.u32 s1, $0x3;
	[smem:$0x77E] =	sst s21  }
0x2f: {  	s5 =	sor.u32 $0x1C01, s5;
	[smem:$0x7FD] =	sst s1  }
0x30: {  	s22 =	simm.s32 $0x7E30;
	[smem:$0x771] =	sst s5  }
0x31: {  	s23 =	simm.s32 $0x7EB0;
	[smem:$0x77F] =	sst s22  }
0x32: {  	s24 =	simm.s32 $0x7F30;
	[smem:$0x780] =	sst s23  }
0x33: {  	s25 =	simm.s32 $0x7FB0;
	[smem:$0x781] =	sst s24  }
0x34: {  	s26 =	simm.s32 $0x5830;
	[smem:$0x782] =	sst s25  }
0x35: {  	s28 =	simm.s32 $0x58B0;
	[smem:$0x783] =	sst s26  }
0x36: {  	s31 =	simm.s32 $0x5930;
	[smem:$0x784] =	sst s28  }
0x37: {  	s7 =	simm.s32 $0x59B0;
	[smem:$0x785] =	sst s31  }
0x38: {  	s8 =	simm.s32 $0x5A30;
	[smem:$0x786] =	sst s7  }
0x39: {  	s9 =	simm.s32 $0x5AB0;
	[smem:$0x787] =	sst s8  }
0x3a: {  	s12 =	simm.s32 $0x5B30;
	[smem:$0x788] =	sst s9  }
0x3b: {  	s13 =	simm.s32 $0x5BB0;
	[smem:$0x789] =	sst s12  }
0x3c: {  	s14 =	simm.s32 $0x5C30;
	[smem:$0x78A] =	sst s13  }
0x3d: {  	s15 =	simm.s32 $0x5CB0;
	[smem:$0x78B] =	sst s14  }
0x3e: {  	s16 =	simm.s32 $0x5D30;
	[smem:$0x78C] =	sst s15  }
0x3f: {  	s17 =	simm.s32 $0x5DB0;
	[smem:$0x78D] =	sst s16  }
0x40: {  	s18 =	simm.s32 $0x5E30;
	[smem:$0x78E] =	sst s17  }
0x41: {  	s19 =	simm.s32 $0x5EB0;
	[smem:$0x78F] =	sst s18  }
0x42: {  	s20 =	simm.s32 $0x5F30;
	[smem:$0x790] =	sst s19  }
0x43: {  	s21 =	simm.s32 $0x5FB0;
	[smem:$0x791] =	sst s20  }
0x44: {  	[smem:$0x792] =	sst s21;
	s22 =	simm.s32 $0x6030  }
0x45: {  	s23 =	simm.s32 $0x60B0;
	[smem:$0x793] =	sst s22  }
0x46: {  	s24 =	simm.s32 $0x6130;
	[smem:$0x794] =	sst s23  }
0x47: {  	s25 =	simm.s32 $0x61B0;
	[smem:$0x795] =	sst s24  }
0x48: {  	s26 =	simm.s32 $0x8030;
	[smem:$0x796] =	sst s25  }
0x49: {  	s28 =	simm.s32 $0x80B0;
	[smem:$0x797] =	sst s26  }
0x4a: {  	s31 =	simm.s32 $0x8130;
	[smem:$0x798] =	sst s28  }
0x4b: {  	s7 =	simm.s32 $0x81B0;
	[smem:$0x799] =	sst s31  }
0x4c: {  	s8 =	simm.s32 $0x8230;
	[smem:$0x79A] =	sst s7  }
0x4d: {  	s9 =	simm.s32 $0x82B0;
	[smem:$0x79B] =	sst s8  }
0x4e: {  	s12 =	simm.s32 $0x8330;
	[smem:$0x79C] =	sst s9  }
0x4f: {  	s13 =	simm.s32 $0x83B0;
	[smem:$0x79D] =	sst s12  }
0x50: {  	s14 =	simm.s32 $0x8430;
	[smem:$0x79E] =	sst s13  }
0x51: {  	s15 =	simm.s32 $0x84B0;
	[smem:$0x79F] =	sst s14  }
0x52: {  	s16 =	simm.s32 $0x8530;
	[smem:$0x7A0] =	sst s15  }
0x53: {  	s17 =	simm.s32 $0x85B0;
	[smem:$0x7A1] =	sst s16  }
0x54: {  	s18 =	simm.s32 $0x8630;
	[smem:$0x7A2] =	sst s17  }
0x55: {  	s19 =	simm.s32 $0x86B0;
	[smem:$0x7A3] =	sst s18  }
0x56: {  	s20 =	simm.s32 $0x8730;
	[smem:$0x7A4] =	sst s19  }
0x57: {  	s21 =	simm.s32 $0x87B0;
	[smem:$0x7A5] =	sst s20  }
0x58: {  	[smem:$0x7A6] =	sst s21;
	s22 =	simm.s32 $0x8830  }
0x59: {  	s23 =	simm.s32 $0x88B0;
	[smem:$0x7A7] =	sst s22  }
0x5a: {  	s24 =	simm.s32 $0x8930;
	[smem:$0x7A8] =	sst s23  }
0x5b: {  	s25 =	simm.s32 $0x89B0;
	[smem:$0x7A9] =	sst s24  }
0x5c: {  	s26 =	simm.s32 $0x6230;
	[smem:$0x7AA] =	sst s25  }
0x5d: {  	s28 =	simm.s32 $0x62B0;
	[smem:$0x7AB] =	sst s26  }
0x5e: {  	s31 =	simm.s32 $0x6330;
	[smem:$0x7AC] =	sst s28  }
0x5f: {  	s7 =	simm.s32 $0x63B0;
	[smem:$0x7AD] =	sst s31  }
0x60: {  	s8 =	simm.s32 $0x6430;
	[smem:$0x7AE] =	sst s7  }
0x61: {  	s9 =	simm.s32 $0x64B0;
	[smem:$0x7AF] =	sst s8  }
0x62: {  	s12 =	simm.s32 $0x6530;
	[smem:$0x7B0] =	sst s9  }
0x63: {  	s13 =	simm.s32 $0x65B0;
	[smem:$0x7B1] =	sst s12  }
0x64: {  	s14 =	simm.s32 $0x6630;
	[smem:$0x7B2] =	sst s13  }
0x65: {  	s15 =	simm.s32 $0x66B0;
	[smem:$0x7B3] =	sst s14  }
0x66: {  	s16 =	simm.s32 $0x6730;
	[smem:$0x7B4] =	sst s15  }
0x67: {  	s17 =	simm.s32 $0x67B0;
	[smem:$0x7B5] =	sst s16  }
0x68: {  	s18 =	simm.s32 $0x6830;
	[smem:$0x7B6] =	sst s17  }
0x69: {  	s19 =	simm.s32 $0x68B0;
	[smem:$0x7B7] =	sst s18  }
0x6a: {  	s20 =	simm.s32 $0x6930;
	[smem:$0x7B8] =	sst s19  }
0x6b: {  	s21 =	simm.s32 $0x69B0;
	[smem:$0x7B9] =	sst s20  }
0x6c: {  	[smem:$0x7BA] =	sst s21;
	s22 =	simm.s32 $0x6A30  }
0x6d: {  	s23 =	simm.s32 $0x6AB0;
	[smem:$0x7BB] =	sst s22  }
0x6e: {  	s24 =	simm.s32 $0x6B30;
	[smem:$0x7BC] =	sst s23  }
0x6f: {  	s25 =	simm.s32 $0x6BB0;
	[smem:$0x7BD] =	sst s24  }
0x70: {  	s26 =	simm.s32 $0x8A30;
	[smem:$0x7BE] =	sst s25  }
0x71: {  	s28 =	simm.s32 $0x8AB0;
	[smem:$0x7BF] =	sst s26  }
0x72: {  	s31 =	simm.s32 $0x8B30;
	[smem:$0x7C0] =	sst s28  }
0x73: {  	s7 =	simm.s32 $0x8BB0;
	[smem:$0x7C1] =	sst s31  }
0x74: {  	s8 =	simm.s32 $0x8C30;
	[smem:$0x7C2] =	sst s7  }
0x75: {  	s9 =	simm.s32 $0x8CB0;
	[smem:$0x7C3] =	sst s8  }
0x76: {  	s12 =	simm.s32 $0x8D30;
	[smem:$0x7C4] =	sst s9  }
0x77: {  	s13 =	simm.s32 $0x8DB0;
	[smem:$0x7C5] =	sst s12  }
0x78: {  	s14 =	simm.s32 $0x8E30;
	[smem:$0x7C6] =	sst s13  }
0x79: {  	s15 =	simm.s32 $0x8EB0;
	[smem:$0x7C7] =	sst s14  }
0x7a: {  	s16 =	simm.s32 $0x8F30;
	[smem:$0x7C8] =	sst s15  }
0x7b: {  	s17 =	simm.s32 $0x8FB0;
	[smem:$0x7C9] =	sst s16  }
0x7c: {  	s18 =	simm.s32 $0x9030;
	[smem:$0x7CA] =	sst s17  }
0x7d: {  	s19 =	simm.s32 $0x90B0;
	[smem:$0x7CB] =	sst s18  }
0x7e: {  	s20 =	simm.s32 $0x9130;
	[smem:$0x7CC] =	sst s19  }
0x7f: {  	s21 =	simm.s32 $0x91B0;
	[smem:$0x7CD] =	sst s20  }
0x80: {  	[smem:$0x7CE] =	sst s21;
	s22 =	simm.s32 $0x9230  }
0x81: {  	s23 =	simm.s32 $0x92B0;
	[smem:$0x7CF] =	sst s22  }
0x82: {  	s24 =	simm.s32 $0x9330;
	[smem:$0x7D0] =	sst s23  }
0x83: {  	s25 =	simm.s32 $0x93B0;
	[smem:$0x7D1] =	sst s24  }
0x84: {  	s26 =	simm.s32 $0x6C30;
	[smem:$0x7D2] =	sst s25  }
0x85: {  	s28 =	simm.s32 $0x6CB0;
	[smem:$0x7D3] =	sst s26  }
0x86: {  	s31 =	simm.s32 $0x6D30;
	[smem:$0x7D4] =	sst s28  }
0x87: {  	s7 =	simm.s32 $0x6DB0;
	[smem:$0x7D5] =	sst s31  }
0x88: {  	s8 =	simm.s32 $0x6E30;
	[smem:$0x7D6] =	sst s7  }
0x89: {  	s9 =	simm.s32 $0x6EB0;
	[smem:$0x7D7] =	sst s8  }
0x8a: {  	s12 =	simm.s32 $0x6F30;
	[smem:$0x7D8] =	sst s9  }
0x8b: {  	s13 =	simm.s32 $0x6FB0;
	[smem:$0x7D9] =	sst s12  }
0x8c: {  	s14 =	simm.s32 $0x7030;
	[smem:$0x7DA] =	sst s13  }
0x8d: {  	s15 =	simm.s32 $0x70B0;
	[smem:$0x7DB] =	sst s14  }
0x8e: {  	s16 =	simm.s32 $0x7130;
	[smem:$0x7DC] =	sst s15  }
0x8f: {  	s17 =	simm.s32 $0x71B0;
	[smem:$0x7DD] =	sst s16  }
0x90: {  	s18 =	simm.s32 $0x7230;
	[smem:$0x7DE] =	sst s17  }
0x91: {  	s19 =	simm.s32 $0x72B0;
	[smem:$0x7DF] =	sst s18  }
0x92: {  	s20 =	simm.s32 $0x7330;
	[smem:$0x7E0] =	sst s19  }
0x93: {  	s21 =	simm.s32 $0x73B0;
	[smem:$0x7E1] =	sst s20  }
0x94: {  	[smem:$0x7E2] =	sst s21;
	s22 =	simm.s32 $0x7430  }
0x95: {  	s23 =	simm.s32 $0x74B0;
	[smem:$0x7E3] =	sst s22  }
0x96: {  	s24 =	simm.s32 $0x7530;
	[smem:$0x7E4] =	sst s23  }
0x97: {  	s25 =	simm.s32 $0x75B0;
	[smem:$0x7E5] =	sst s24  }
0x98: {  	s26 =	simm.s32 $0x9430;
	[smem:$0x7E6] =	sst s25  }
0x99: {  	s28 =	simm.s32 $0x94B0;
	[smem:$0x7E7] =	sst s26  }
0x9a: {  	s31 =	simm.s32 $0x9530;
	[smem:$0x7E8] =	sst s28  }
0x9b: {  	s7 =	simm.s32 $0x95B0;
	[smem:$0x7E9] =	sst s31  }
0x9c: {  	s8 =	simm.s32 $0x9630;
	[smem:$0x7EA] =	sst s7  }
0x9d: {  	s9 =	simm.s32 $0x96B0;
	[smem:$0x7EB] =	sst s8  }
0x9e: {  	s12 =	simm.s32 $0x9730;
	[smem:$0x7EC] =	sst s9  }
0x9f: {  	s13 =	simm.s32 $0x97B0;
	[smem:$0x7ED] =	sst s12  }
0xa0: {  	s14 =	simm.s32 $0x9830;
	[smem:$0x7EE] =	sst s13  }
0xa1: {  	s15 =	simm.s32 $0x98B0;
	[smem:$0x7EF] =	sst s14  }
0xa2: {  	s16 =	simm.s32 $0x9930;
	[smem:$0x7F0] =	sst s15  }
0xa3: {  	s17 =	simm.s32 $0x99B0;
	[smem:$0x7F1] =	sst s16  }
0xa4: {  	s18 =	simm.s32 $0x9A30;
	[smem:$0x7F2] =	sst s17  }
0xa5: {  	s19 =	simm.s32 $0x9AB0;
	[smem:$0x7F3] =	sst s18  }
0xa6: {  	s20 =	simm.s32 $0x9B30;
	[smem:$0x7F4] =	sst s19  }
0xa7: {  	s21 =	simm.s32 $0x9BB0;
	[smem:$0x7F5] =	sst s20  }
0xa8: {  	[smem:$0x7F6] =	sst s21  }
0xa9: {  	s28 =	rddreg [dreg:$0x4]  }
0xaa: {  	s22 =	simm.s32 $0x9C30;
	s24 =	smul.u32 $0x4E20, s11;
	s31 =	rddreg [dreg:$0x8]  }
0xab: {  	s23 =	simm.s32 $0x9CB0;
	[smem:$0x7F7] =	sst s22  }
0xac: {  	s25 =	simm.s32 $0x9D30;
	[smem:$0x7F8] =	sst s23;
	s0 =	sadd.s32 s24, s0  }
0xad: {  	s26 =	simm.s32 $0x9DB0;
	[smem:$0x7F9] =	sst s25;
	s0 =	sadd.s32 $0x26400, s0  }
0xae: {  	[smem:$0x7FA] =	sst s26;
	s0 =	sadd.s32 s4, s0  }
0xaf: {  	[smem:$0x7FC] =	sst s0  }
0xb0: {  	[spmem:s31], [sflag:s5] =	dma.local [hbm:s28], $0x4E4  }
0xb1: {  	s7 =	rddreg [dreg:$0xa]  }
0xb2: {  	s1 =	rddreg [dreg:$0x9]  }
0xb3: {  	s4 =	rddreg [dreg:$0x5]  }
0xb4: {  	[spmem:s7], [sflag:s1] =	dma.local [hbm:s4], $0x4E2  }
0xb5: {  	s8 =	simm.s32 $0x4E30;
	s0 =	rddreg [dreg:$0x6]  }
0xb6: {  	[tilespmem:s8], [sflag:$0x3] =	stream.linear.gather [hbm4b:s0+s10], $0x2800, $0x38;
	[tilespmem:$0x1DE30] =	vst v63  }
0xb7: {  	s26 =	simm.s32 $0x1;
	s5 =	simm.s32 $0x7630;
	s1 =	rddreg [dreg:$0x7]  }
0xb8: {  	[tilespmem:s5], [sflag:$0x4] =	stream.linear.gather [hbm4b:s1+s10], $0x2800, $0x38;
	[tilespmem:$0x1DE30] =	vst v63  }
0xb9: {  	_ =	swait.ge [sflag:s26], $0x4E4  }
0xba: {  	[sflag:s26] =	ssyncset.done $0x0  }
0xbb: {  	s30 =	simm.s32 $0x2;
	[sflag:s26] =	ssyncadd.s32 $0xFFFFFB1C  }
0xbc: {  	_ =	swait.ge [sflag:s30], $0x4E2  }
0xbd: {  	[sflag:s30] =	ssyncset.done $0x0  }
0xbe: {  	s9 =	simm.s32 $0x3;
	[sflag:s30] =	ssyncadd.s32 $0xFFFFFB1E  }
0xbf: {  	_ =	swait.ge [sflag:s9], $0x2800  }
0xc0: {  	[sflag:s9] =	ssyncset.done $0x0  }
0xc1: {  	s10 =	simm.s32 $0x4;
	[sflag:s9] =	ssyncadd.s32 $0xFFFFD800  }
0xc2: {  	_ =	swait.ge [sflag:s10], $0x2800  }
0xc3: {  	[sflag:s10] =	ssyncset.done $0x0  }
0xc4: {  	[sflag:s10] =	ssyncadd.s32 $0xFFFFD800  }
0xc5: {  	s12 =	simm.s32 $0x80;
	s11 =	simm.s32 $0x9E30;
	[bflag:$0x0] =	sbarrier.arrive $0xFFFF  }
0xc6: {  	[tilespmem:s11], [sflag:$0x1] =	stream.indirect.gather [spmem:s3], $0x10, s8, s12, $0xb8;
	[tilespmem:$0x1DE30] =	vst v63  }
0xc7: {  	s14 =	simm.s32 $0xA630;
	s13 =	rddreg [dreg:$0xb]  }
0xc8: {  	[tilespmem:s14], [sflag:$0x1] =	stream.indirect.gather [spmem:s3], $0x10, s13, s12, $0xb8;
	[tilespmem:$0x1DE30] =	vst v63  }
0xc9: {  	s16 =	simm.s32 $0xAE30;
	s15 =	rddreg [dreg:$0xc]  }
0xca: {  	[tilespmem:s16], [sflag:$0x1] =	stream.indirect.gather [spmem:s3], $0x10, s15, s12, $0xb8;
	[tilespmem:$0x1DE30] =	vst v63  }
0xcb: {  	s18 =	simm.s32 $0xB630;
	s17 =	rddreg [dreg:$0xd]  }
0xcc: {  	[tilespmem:s18], [sflag:$0x1] =	stream.indirect.gather [spmem:s3], $0x10, s17, s12, $0xb8;
	[tilespmem:$0x1DE30] =	vst v63  }
0xcd: {  	s20 =	simm.s32 $0xBE30;
	s19 =	rddreg [dreg:$0xe]  }
0xce: {  	[tilespmem:s20], [sflag:$0x1] =	stream.indirect.gather [spmem:s3], $0x10, s19, s12, $0xb8;
	[tilespmem:$0x1DE30] =	vst v63  }
0xcf: {  	s22 =	simm.s32 $0xC630;
	s21 =	rddreg [dreg:$0xf]  }
0xd0: {  	[tilespmem:s22], [sflag:$0x1] =	stream.indirect.gather [spmem:s3], $0x10, s21, s12, $0xb8;
	[tilespmem:$0x1DE30] =	vst v63  }
0xd1: {  	s24 =	simm.s32 $0xCE30;
	s23 =	rddreg [dreg:$0x10]  }
0xd2: {  	[tilespmem:s24], [sflag:$0x1] =	stream.indirect.gather [spmem:s3], $0x10, s23, s12, $0xb8;
	[tilespmem:$0x1DE30] =	vst v63  }
0xd3: {  	s28 =	simm.s32 $0xD630;
	s25 =	rddreg [dreg:$0x11]  }
0xd4: {  	[tilespmem:s28], [sflag:$0x1] =	stream.indirect.gather [spmem:s3], $0x10, s25, s12, $0xb8;
	[tilespmem:$0x1DE30] =	vst v63  }
0xd5: {  	s0 =	simm.s32 $0xDE30;
	s31 =	rddreg [dreg:$0x12]  }
0xd6: {  	[tilespmem:s0], [sflag:$0x1] =	stream.indirect.gather [spmem:s3], $0x10, s31, s12, $0xb8;
	[tilespmem:$0x1DE30] =	vst v63  }
0xd7: {  	s7 =	rddreg [dreg:$0x13];
	s8 =	simm.s32 $0xE630  }
0xd8: {  	[tilespmem:s8], [sflag:$0x1] =	stream.indirect.gather [spmem:s3], $0x10, s7, s12, $0xb8;
	[tilespmem:$0x1DE30] =	vst v63  }
0xd9: {  	s9 =	rddreg [dreg:$0x14];
	s20 =	simm.s32 $0xEE30  }
0xda: {  	[tilespmem:s20], [sflag:$0x1] =	stream.indirect.gather [spmem:s3], $0x10, s9, s12, $0xb8;
	[tilespmem:$0x1DE30] =	vst v63  }
0xdb: {  	s21 =	rddreg [dreg:$0x15];
	s22 =	simm.s32 $0xF630  }
0xdc: {  	[tilespmem:s22], [sflag:$0x1] =	stream.indirect.gather [spmem:s3], $0x10, s21, s12, $0xb8;
	[tilespmem:$0x1DE30] =	vst v63  }
0xdd: {  	s23 =	rddreg [dreg:$0x16];
	s24 =	simm.s32 $0xFE30  }
0xde: {  	[tilespmem:s24], [sflag:$0x1] =	stream.indirect.gather [spmem:s3], $0x10, s23, s12, $0xb8;
	[tilespmem:$0x1DE30] =	vst v63  }
0xdf: {  	s25 =	rddreg [dreg:$0x17];
	s28 =	simm.s32 $0x10630  }
0xe0: {  	[tilespmem:s28], [sflag:$0x1] =	stream.indirect.gather [spmem:s3], $0x10, s25, s12, $0xb8;
	[tilespmem:$0x1DE30] =	vst v63  }
0xe1: {  	s31 =	rddreg [dreg:$0x18];
	s0 =	simm.s32 $0x10E30  }
0xe2: {  	[tilespmem:s0], [sflag:$0x1] =	stream.indirect.gather [spmem:s3], $0x10, s31, s12, $0xb8;
	[tilespmem:$0x1DE30] =	vst v63  }
0xe3: {  	s7 =	rddreg [dreg:$0x19];
	s8 =	simm.s32 $0x11630  }
0xe4: {  	[tilespmem:s8], [sflag:$0x1] =	stream.indirect.gather [spmem:s3], $0x10, s7, s12, $0xb8;
	[tilespmem:$0x1DE30] =	vst v63  }
0xe5: {  	s9 =	rddreg [dreg:$0x1a];
	s28 =	simm.s32 $0x11E30  }
0xe6: {  	[tilespmem:s28], [sflag:$0x1] =	stream.indirect.gather [spmem:s3], $0x10, s9, s12, $0xb8;
	[tilespmem:$0x1DE30] =	vst v63  }
0xe7: {  	s1 =	simm.s32 $0x12630;
	s31 =	rddreg [dreg:$0x1b]  }
0xe8: {  	[tilespmem:s1], [sflag:$0x1] =	stream.indirect.gather [spmem:s3], $0x10, s31, s12, $0xb8;
	[tilespmem:$0x1DE30] =	vst v63  }
0xe9: {  	s7 =	rddreg [dreg:$0x1c];
	s8 =	simm.s32 $0x12E30  }
0xea: {  	[tilespmem:s8], [sflag:$0x1] =	stream.indirect.gather [spmem:s3], $0x10, s7, s12, $0xb8;
	[tilespmem:$0x1DE30] =	vst v63  }
0xeb: {  	s9 =	rddreg [dreg:$0x1d];
	s31 =	simm.s32 $0x13630  }
0xec: {  	[tilespmem:s31], [sflag:$0x1] =	stream.indirect.gather [spmem:s3], $0x10, s9, s12, $0xb8;
	[tilespmem:$0x1DE30] =	vst v63  }
0xed: {  	_ =	swait.ge [sflag:s26], $0xA000  }
0xee: {  	[sflag:s26] =	ssyncset.done $0x0  }
0xef: {  	s6 =	simm.s32 $0x9E30;
	s8 =	rddreg [dreg:$0x1e];
	[sflag:s26] =	ssyncadd.s32 $0xFFFF6000  }
0xf0: {  	[spmem:s2] =	stream.indirect.scatter.add.f32 [tilespmem:s6], [sflag:$0x2], $0x10, s5, s12, $0xb8;
	[tilespmem:$0x1DE30] =	vst v63  }
0xf1: {  	s10 =	simm.s32 $0xA630;
	s9 =	rddreg [dreg:$0x1f]  }
0xf2: {  	[spmem:s2] =	stream.indirect.scatter.add.f32 [tilespmem:s10], [sflag:$0x2], $0x10, s8, s12, $0xb8;
	[tilespmem:$0x1DE30] =	vst v63  }
0xf3: {  	s11 =	simm.s32 $0xAE30;
	s10 =	sld [smem:$0x772]  }
0xf4: {  	[spmem:s2] =	stream.indirect.scatter.add.f32 [tilespmem:s11], [sflag:$0x2], $0x10, s9, s12, $0xb8;
	[tilespmem:$0x1DE30] =	vst v63  }
0xf5: {  	s13 =	simm.s32 $0xB630;
	s11 =	sld [smem:$0x773]  }
0xf6: {  	[spmem:s2] =	stream.indirect.scatter.add.f32 [tilespmem:s13], [sflag:$0x2], $0x10, s10, s12, $0xb8;
	[tilespmem:$0x1DE30] =	vst v63  }
0xf7: {  	s14 =	simm.s32 $0xBE30;
	s13 =	sld [smem:$0x774]  }
0xf8: {  	[spmem:s2] =	stream.indirect.scatter.add.f32 [tilespmem:s14], [sflag:$0x2], $0x10, s11, s12, $0xb8;
	[tilespmem:$0x1DE30] =	vst v63  }
0xf9: {  	s15 =	simm.s32 $0xC630;
	s14 =	sld [smem:$0x775]  }
0xfa: {  	[spmem:s2] =	stream.indirect.scatter.add.f32 [tilespmem:s15], [sflag:$0x2], $0x10, s13, s12, $0xb8;
	[tilespmem:$0x1DE30] =	vst v63  }
0xfb: {  	s16 =	simm.s32 $0xCE30;
	s15 =	sld [smem:$0x776]  }
0xfc: {  	[spmem:s2] =	stream.indirect.scatter.add.f32 [tilespmem:s16], [sflag:$0x2], $0x10, s14, s12, $0xb8;
	[tilespmem:$0x1DE30] =	vst v63  }
0xfd: {  	s17 =	simm.s32 $0xD630;
	s16 =	sld [smem:$0x777]  }
0xfe: {  	[spmem:s2] =	stream.indirect.scatter.add.f32 [tilespmem:s17], [sflag:$0x2], $0x10, s15, s12, $0xb8;
	[tilespmem:$0x1DE30] =	vst v63  }
0xff: {  	s18 =	simm.s32 $0xDE30;
	s17 =	sld [smem:$0x778]  }
0x100: {  	[spmem:s2] =	stream.indirect.scatter.add.f32 [tilespmem:s18], [sflag:$0x2], $0x10, s16, s12, $0xb8;
	[tilespmem:$0x1DE30] =	vst v63  }
0x101: {  	s19 =	simm.s32 $0xE630;
	s18 =	sld [smem:$0x779]  }
0x102: {  	[spmem:s2] =	stream.indirect.scatter.add.f32 [tilespmem:s19], [sflag:$0x2], $0x10, s17, s12, $0xb8;
	[tilespmem:$0x1DE30] =	vst v63  }
0x103: {  	s20 =	simm.s32 $0xEE30;
	s19 =	sld [smem:$0x77A]  }
0x104: {  	[spmem:s2] =	stream.indirect.scatter.add.f32 [tilespmem:s20], [sflag:$0x2], $0x10, s18, s12, $0xb8;
	[tilespmem:$0x1DE30] =	vst v63  }
0x105: {  	s21 =	simm.s32 $0xF630;
	s20 =	sld [smem:$0x77B]  }
0x106: {  	[spmem:s2] =	stream.indirect.scatter.add.f32 [tilespmem:s21], [sflag:$0x2], $0x10, s19, s12, $0xb8;
	[tilespmem:$0x1DE30] =	vst v63  }
0x107: {  	s22 =	simm.s32 $0xFE30;
	s21 =	sld [smem:$0x77C]  }
0x108: {  	[spmem:s2] =	stream.indirect.scatter.add.f32 [tilespmem:s22], [sflag:$0x2], $0x10, s20, s12, $0xb8;
	[tilespmem:$0x1DE30] =	vst v63  }
0x109: {  	s23 =	simm.s32 $0x10630;
	s22 =	sld [smem:$0x77D]  }
0x10a: {  	[spmem:s2] =	stream.indirect.scatter.add.f32 [tilespmem:s23], [sflag:$0x2], $0x10, s21, s12, $0xb8;
	[tilespmem:$0x1DE30] =	vst v63  }
0x10b: {  	s24 =	simm.s32 $0x10E30;
	s23 =	sld [smem:$0x77E]  }
0x10c: {  	[spmem:s2] =	stream.indirect.scatter.add.f32 [tilespmem:s24], [sflag:$0x2], $0x10, s22, s12, $0xb8;
	[tilespmem:$0x1DE30] =	vst v63  }
0x10d: {  	s25 =	simm.s32 $0x11630;
	s24 =	sld [smem:$0x77F]  }
0x10e: {  	[spmem:s2] =	stream.indirect.scatter.add.f32 [tilespmem:s25], [sflag:$0x2], $0x10, s23, s12, $0xb8;
	[tilespmem:$0x1DE30] =	vst v63  }
0x10f: {  	s28 =	simm.s32 $0x11E30;
	s25 =	sld [smem:$0x780]  }
0x110: {  	[spmem:s2] =	stream.indirect.scatter.add.f32 [tilespmem:s28], [sflag:$0x2], $0x10, s24, s12, $0xb8;
	[tilespmem:$0x1DE30] =	vst v63  }
0x111: {  	s0 =	simm.s32 $0x12630;
	s31 =	sld [smem:$0x781]  }
0x112: {  	[spmem:s2] =	stream.indirect.scatter.add.f32 [tilespmem:s0], [sflag:$0x2], $0x10, s25, s12, $0xb8;
	[tilespmem:$0x1DE30] =	vst v63  }
0x113: {  	s1 =	simm.s32 $0x12E30;
	s0 =	sld [smem:$0x782]  }
0x114: {  	[spmem:s2] =	stream.indirect.scatter.add.f32 [tilespmem:s1], [sflag:$0x2], $0x10, s31, s12, $0xb8;
	[tilespmem:$0x1DE30] =	vst v63  }
0x115: {  	s7 =	simm.s32 $0x13630;
	s1 =	sld [smem:$0x783]  }
0x116: {  	[spmem:s2] =	stream.indirect.scatter.add.f32 [tilespmem:s7], [sflag:$0x2], $0x10, s0, s12, $0xb8;
	[tilespmem:$0x1DE30] =	vst v63  }
0x117: {  	s6 =	simm.s32 $0x13E30;
	s7 =	sld [smem:$0x784]  }
0x118: {  	[tilespmem:s6], [sflag:$0x1] =	stream.indirect.gather [spmem:s3], $0x10, s1, s12, $0xb8;
	[tilespmem:$0x1DE30] =	vst v63  }
0x119: {  	s8 =	simm.s32 $0x14630;
	s9 =	sld [smem:$0x785]  }
0x11a: {  	[tilespmem:s8], [sflag:$0x1] =	stream.indirect.gather [spmem:s3], $0x10, s7, s12, $0xb8;
	[tilespmem:$0x1DE30] =	vst v63  }
0x11b: {  	s10 =	simm.s32 $0x14E30;
	s11 =	sld [smem:$0x786]  }
0x11c: {  	[tilespmem:s10], [sflag:$0x1] =	stream.indirect.gather [spmem:s3], $0x10, s9, s12, $0xb8;
	[tilespmem:$0x1DE30] =	vst v63  }
0x11d: {  	s13 =	simm.s32 $0x15630;
	s14 =	sld [smem:$0x787]  }
0x11e: {  	[tilespmem:s13], [sflag:$0x1] =	stream.indirect.gather [spmem:s3], $0x10, s11, s12, $0xb8;
	[tilespmem:$0x1DE30] =	vst v63  }
0x11f: {  	s15 =	simm.s32 $0x15E30;
	s16 =	sld [smem:$0x788]  }
0x120: {  	[tilespmem:s15], [sflag:$0x1] =	stream.indirect.gather [spmem:s3], $0x10, s14, s12, $0xb8;
	[tilespmem:$0x1DE30] =	vst v63  }
0x121: {  	s17 =	simm.s32 $0x16630;
	s18 =	sld [smem:$0x789]  }
0x122: {  	[tilespmem:s17], [sflag:$0x1] =	stream.indirect.gather [spmem:s3], $0x10, s16, s12, $0xb8;
	[tilespmem:$0x1DE30] =	vst v63  }
0x123: {  	s19 =	simm.s32 $0x16E30;
	s20 =	sld [smem:$0x78A]  }
0x124: {  	[tilespmem:s19], [sflag:$0x1] =	stream.indirect.gather [spmem:s3], $0x10, s18, s12, $0xb8;
	[tilespmem:$0x1DE30] =	vst v63  }
0x125: {  	s21 =	simm.s32 $0x17630;
	s22 =	sld [smem:$0x78B]  }
0x126: {  	[tilespmem:s21], [sflag:$0x1] =	stream.indirect.gather [spmem:s3], $0x10, s20, s12, $0xb8;
	[tilespmem:$0x1DE30] =	vst v63  }
0x127: {  	s23 =	simm.s32 $0x17E30;
	s24 =	sld [smem:$0x78C]  }
0x128: {  	[tilespmem:s23], [sflag:$0x1] =	stream.indirect.gather [spmem:s3], $0x10, s22, s12, $0xb8;
	[tilespmem:$0x1DE30] =	vst v63  }
0x129: {  	s28 =	sld [smem:$0x78D];
	s25 =	simm.s32 $0x18630  }
0x12a: {  	[tilespmem:s25], [sflag:$0x1] =	stream.indirect.gather [spmem:s3], $0x10, s24, s12, $0xb8;
	[tilespmem:$0x1DE30] =	vst v63  }
0x12b: {  	s31 =	simm.s32 $0x18E30;
	s14 =	sld [smem:$0x78E]  }
0x12c: {  	[tilespmem:s31], [sflag:$0x1] =	stream.indirect.gather [spmem:s3], $0x10, s28, s12, $0xb8;
	[tilespmem:$0x1DE30] =	vst v63  }
0x12d: {  	s15 =	simm.s32 $0x19630;
	s16 =	sld [smem:$0x78F]  }
0x12e: {  	[tilespmem:s15], [sflag:$0x1] =	stream.indirect.gather [spmem:s3], $0x10, s14, s12, $0xb8;
	[tilespmem:$0x1DE30] =	vst v63  }
0x12f: {  	s17 =	simm.s32 $0x19E30;
	s18 =	sld [smem:$0x790]  }
0x130: {  	[tilespmem:s17], [sflag:$0x1] =	stream.indirect.gather [spmem:s3], $0x10, s16, s12, $0xb8;
	[tilespmem:$0x1DE30] =	vst v63  }
0x131: {  	s21 =	simm.s32 $0x1A630;
	s22 =	sld [smem:$0x791]  }
0x132: {  	[tilespmem:s21], [sflag:$0x1] =	stream.indirect.gather [spmem:s3], $0x10, s18, s12, $0xb8;
	[tilespmem:$0x1DE30] =	vst v63  }
0x133: {  	s23 =	simm.s32 $0x1AE30;
	s24 =	sld [smem:$0x792]  }
0x134: {  	[tilespmem:s23], [sflag:$0x1] =	stream.indirect.gather [spmem:s3], $0x10, s22, s12, $0xb8;
	[tilespmem:$0x1DE30] =	vst v63  }
0x135: {  	s25 =	simm.s32 $0x1B630;
	s28 =	sld [smem:$0x793]  }
0x136: {  	[tilespmem:s25], [sflag:$0x1] =	stream.indirect.gather [spmem:s3], $0x10, s24, s12, $0xb8;
	[tilespmem:$0x1DE30] =	vst v63  }
0x137: {  	s19 =	sld [smem:$0x794];
	s31 =	simm.s32 $0x1BE30  }
0x138: {  	[tilespmem:s31], [sflag:$0x1] =	stream.indirect.gather [spmem:s3], $0x10, s28, s12, $0xb8;
	[tilespmem:$0x1DE30] =	vst v63  }
0x139: {  	s20 =	sld [smem:$0x795];
	s23 =	simm.s32 $0x1C630  }
0x13a: {  	[tilespmem:s23], [sflag:$0x1] =	stream.indirect.gather [spmem:s3], $0x10, s19, s12, $0xb8;
	[tilespmem:$0x1DE30] =	vst v63  }
0x13b: {  	s21 =	sld [smem:$0x796];
	s24 =	simm.s32 $0x1CE30  }
0x13c: {  	[tilespmem:s24], [sflag:$0x1] =	stream.indirect.gather [spmem:s3], $0x10, s20, s12, $0xb8;
	[tilespmem:$0x1DE30] =	vst v63  }
0x13d: {  	s25 =	simm.s32 $0x1D630  }
0x13e: {  	[tilespmem:s25], [sflag:$0x1] =	stream.indirect.gather [spmem:s3], $0x10, s21, s12, $0xb8;
	[tilespmem:$0x1DE30] =	vst v63  }
0x13f: {  	_ =	swait.ge [sflag:s30], $0xA000  }
0x140: {  	[sflag:s30] =	ssyncset.done $0x0  }
0x141: {  	[sflag:s30] =	ssyncadd.s32 $0xFFFF6000  }
0x142: {  	_ =	swait.ge [sflag:s26], $0xA000  }
0x143: {  	s22 =	sld [smem:$0x797]  }
0x144: {  	[sflag:s26] =	ssyncset.done $0x0  }
0x145: {  	s1 =	simm.s32 $0x13E30;
	s29 =	sld [smem:$0x798];
	[sflag:s26] =	ssyncadd.s32 $0xFFFF6000  }
0x146: {  	[spmem:s2] =	stream.indirect.scatter.add.f32 [tilespmem:s1], [sflag:$0x2], $0x10, s22, s12, $0xb8;
	[tilespmem:$0x1DE30] =	vst v63  }
0x147: {  	s0 =	simm.s32 $0x14630;
	s1 =	sld [smem:$0x799]  }
0x148: {  	[spmem:s2] =	stream.indirect.scatter.add.f32 [tilespmem:s0], [sflag:$0x2], $0x10, s29, s12, $0xb8;
	[tilespmem:$0x1DE30] =	vst v63  }
0x149: {  	s4 =	simm.s32 $0x14E30;
	s29 =	sld [smem:$0x79A]  }
0x14a: {  	[spmem:s2] =	stream.indirect.scatter.add.f32 [tilespmem:s4], [sflag:$0x2], $0x10, s1, s12, $0xb8;
	[tilespmem:$0x1DE30] =	vst v63  }
0x14b: {  	s6 =	simm.s32 $0x15630;
	s4 =	sld [smem:$0x79B]  }
0x14c: {  	[spmem:s2] =	stream.indirect.scatter.add.f32 [tilespmem:s6], [sflag:$0x2], $0x10, s29, s12, $0xb8;
	[tilespmem:$0x1DE30] =	vst v63  }
0x14d: {  	s5 =	simm.s32 $0x15E30;
	s29 =	sld [smem:$0x79C]  }
0x14e: {  	[spmem:s2] =	stream.indirect.scatter.add.f32 [tilespmem:s5], [sflag:$0x2], $0x10, s4, s12, $0xb8;
	[tilespmem:$0x1DE30] =	vst v63  }
0x14f: {  	s7 =	simm.s32 $0x16630;
	s5 =	sld [smem:$0x79D]  }
0x150: {  	[spmem:s2] =	stream.indirect.scatter.add.f32 [tilespmem:s7], [sflag:$0x2], $0x10, s29, s12, $0xb8;
	[tilespmem:$0x1DE30] =	vst v63  }
0x151: {  	s8 =	simm.s32 $0x16E30;
	s29 =	sld [smem:$0x79E]  }
0x152: {  	[spmem:s2] =	stream.indirect.scatter.add.f32 [tilespmem:s8], [sflag:$0x2], $0x10, s5, s12, $0xb8;
	[tilespmem:$0x1DE30] =	vst v63  }
0x153: {  	s9 =	simm.s32 $0x17630;
	s6 =	sld [smem:$0x79F]  }
0x154: {  	[spmem:s2] =	stream.indirect.scatter.add.f32 [tilespmem:s9], [sflag:$0x2], $0x10, s29, s12, $0xb8;
	[tilespmem:$0x1DE30] =	vst v63  }
0x155: {  	s10 =	simm.s32 $0x17E30;
	s29 =	sld [smem:$0x7A0]  }
0x156: {  	[spmem:s2] =	stream.indirect.scatter.add.f32 [tilespmem:s10], [sflag:$0x2], $0x10, s6, s12, $0xb8;
	[tilespmem:$0x1DE30] =	vst v63  }
0x157: {  	s11 =	simm.s32 $0x18630;
	s7 =	sld [smem:$0x7A1]  }
0x158: {  	[spmem:s2] =	stream.indirect.scatter.add.f32 [tilespmem:s11], [sflag:$0x2], $0x10, s29, s12, $0xb8;
	[tilespmem:$0x1DE30] =	vst v63  }
0x159: {  	s13 =	simm.s32 $0x18E30;
	s29 =	sld [smem:$0x7A2]  }
0x15a: {  	[spmem:s2] =	stream.indirect.scatter.add.f32 [tilespmem:s13], [sflag:$0x2], $0x10, s7, s12, $0xb8;
	[tilespmem:$0x1DE30] =	vst v63  }
0x15b: {  	s14 =	simm.s32 $0x19630;
	s8 =	sld [smem:$0x7A3]  }
0x15c: {  	[spmem:s2] =	stream.indirect.scatter.add.f32 [tilespmem:s14], [sflag:$0x2], $0x10, s29, s12, $0xb8;
	[tilespmem:$0x1DE30] =	vst v63  }
0x15d: {  	s15 =	simm.s32 $0x19E30;
	s29 =	sld [smem:$0x7A4]  }
0x15e: {  	[spmem:s2] =	stream.indirect.scatter.add.f32 [tilespmem:s15], [sflag:$0x2], $0x10, s8, s12, $0xb8;
	[tilespmem:$0x1DE30] =	vst v63  }
0x15f: {  	s16 =	simm.s32 $0x1A630;
	s9 =	sld [smem:$0x7A5]  }
0x160: {  	[spmem:s2] =	stream.indirect.scatter.add.f32 [tilespmem:s16], [sflag:$0x2], $0x10, s29, s12, $0xb8;
	[tilespmem:$0x1DE30] =	vst v63  }
0x161: {  	s17 =	simm.s32 $0x1AE30;
	s29 =	sld [smem:$0x7A6]  }
0x162: {  	[spmem:s2] =	stream.indirect.scatter.add.f32 [tilespmem:s17], [sflag:$0x2], $0x10, s9, s12, $0xb8;
	[tilespmem:$0x1DE30] =	vst v63  }
0x163: {  	s18 =	simm.s32 $0x1B630;
	s10 =	sld [smem:$0x7A7]  }
0x164: {  	[spmem:s2] =	stream.indirect.scatter.add.f32 [tilespmem:s18], [sflag:$0x2], $0x10, s29, s12, $0xb8;
	[tilespmem:$0x1DE30] =	vst v63  }
0x165: {  	s29 =	sld [smem:$0x7A8]  }
0x166: {  	[spmem:s2] =	stream.indirect.scatter.add.f32 [tilespmem:s31], [sflag:$0x2], $0x10, s10, s12, $0xb8;
	[tilespmem:$0x1DE30] =	vst v63  }
0x167: {  	s11 =	sld [smem:$0x7A9]  }
0x168: {  	[spmem:s2] =	stream.indirect.scatter.add.f32 [tilespmem:s23], [sflag:$0x2], $0x10, s29, s12, $0xb8;
	[tilespmem:$0x1DE30] =	vst v63  }
0x169: {  	s29 =	sld [smem:$0x7AA]  }
0x16a: {  	[spmem:s2] =	stream.indirect.scatter.add.f32 [tilespmem:s24], [sflag:$0x2], $0x10, s11, s12, $0xb8;
	[tilespmem:$0x1DE30] =	vst v63  }
0x16b: {  	s13 =	sld [smem:$0x7AB]  }
0x16c: {  	[spmem:s2] =	stream.indirect.scatter.add.f32 [tilespmem:s25], [sflag:$0x2], $0x10, s29, s12, $0xb8;
	[tilespmem:$0x1DE30] =	vst v63  }
0x16d: {  	s0 =	simm.s32 $0x9E30;
	s29 =	sld [smem:$0x7AC]  }
0x16e: {  	[tilespmem:s0], [sflag:$0x1] =	stream.indirect.gather [spmem:s3], $0x10, s13, s12, $0xb8;
	[tilespmem:$0x1DE30] =	vst v63  }
0x16f: {  	s1 =	simm.s32 $0xA630;
	s14 =	sld [smem:$0x7AD]  }
0x170: {  	[tilespmem:s1], [sflag:$0x1] =	stream.indirect.gather [spmem:s3], $0x10, s29, s12, $0xb8;
	[tilespmem:$0x1DE30] =	vst v63  }
0x171: {  	s4 =	simm.s32 $0xAE30;
	s29 =	sld [smem:$0x7AE]  }
0x172: {  	[tilespmem:s4], [sflag:$0x1] =	stream.indirect.gather [spmem:s3], $0x10, s14, s12, $0xb8;
	[tilespmem:$0x1DE30] =	vst v63  }
0x173: {  	s5 =	simm.s32 $0xB630;
	s15 =	sld [smem:$0x7AF]  }
0x174: {  	[tilespmem:s5], [sflag:$0x1] =	stream.indirect.gather [spmem:s3], $0x10, s29, s12, $0xb8;
	[tilespmem:$0x1DE30] =	vst v63  }
0x175: {  	s6 =	simm.s32 $0xBE30;
	s29 =	sld [smem:$0x7B0]  }
0x176: {  	[tilespmem:s6], [sflag:$0x1] =	stream.indirect.gather [spmem:s3], $0x10, s15, s12, $0xb8;
	[tilespmem:$0x1DE30] =	vst v63  }
0x177: {  	s7 =	simm.s32 $0xC630;
	s16 =	sld [smem:$0x7B1]  }
0x178: {  	[tilespmem:s7], [sflag:$0x1] =	stream.indirect.gather [spmem:s3], $0x10, s29, s12, $0xb8;
	[tilespmem:$0x1DE30] =	vst v63  }
0x179: {  	s8 =	simm.s32 $0xCE30;
	s29 =	sld [smem:$0x7B2]  }
0x17a: {  	[tilespmem:s8], [sflag:$0x1] =	stream.indirect.gather [spmem:s3], $0x10, s16, s12, $0xb8;
	[tilespmem:$0x1DE30] =	vst v63  }
0x17b: {  	s17 =	sld [smem:$0x7B3];
	s9 =	simm.s32 $0xD630  }
0x17c: {  	[tilespmem:s9], [sflag:$0x1] =	stream.indirect.gather [spmem:s3], $0x10, s29, s12, $0xb8;
	[tilespmem:$0x1DE30] =	vst v63  }
0x17d: {  	s10 =	simm.s32 $0xDE30;
	s29 =	sld [smem:$0x7B4]  }
0x17e: {  	[tilespmem:s10], [sflag:$0x1] =	stream.indirect.gather [spmem:s3], $0x10, s17, s12, $0xb8;
	[tilespmem:$0x1DE30] =	vst v63  }
0x17f: {  	s18 =	sld [smem:$0x7B5];
	s11 =	simm.s32 $0xE630  }
0x180: {  	[tilespmem:s11], [sflag:$0x1] =	stream.indirect.gather [spmem:s3], $0x10, s29, s12, $0xb8;
	[tilespmem:$0x1DE30] =	vst v63  }
0x181: {  	s13 =	simm.s32 $0xEE30;
	s29 =	sld [smem:$0x7B6]  }
0x182: {  	[tilespmem:s13], [sflag:$0x1] =	stream.indirect.gather [spmem:s3], $0x10, s18, s12, $0xb8;
	[tilespmem:$0x1DE30] =	vst v63  }
0x183: {  	s19 =	sld [smem:$0x7B7];
	s14 =	simm.s32 $0xF630  }
0x184: {  	[tilespmem:s14], [sflag:$0x1] =	stream.indirect.gather [spmem:s3], $0x10, s29, s12, $0xb8;
	[tilespmem:$0x1DE30] =	vst v63  }
0x185: {  	s15 =	simm.s32 $0xFE30;
	s29 =	sld [smem:$0x7B8]  }
0x186: {  	[tilespmem:s15], [sflag:$0x1] =	stream.indirect.gather [spmem:s3], $0x10, s19, s12, $0xb8;
	[tilespmem:$0x1DE30] =	vst v63  }
0x187: {  	s20 =	sld [smem:$0x7B9];
	s16 =	simm.s32 $0x10630  }
0x188: {  	[tilespmem:s16], [sflag:$0x1] =	stream.indirect.gather [spmem:s3], $0x10, s29, s12, $0xb8;
	[tilespmem:$0x1DE30] =	vst v63  }
0x189: {  	s17 =	simm.s32 $0x10E30;
	s29 =	sld [smem:$0x7BA]  }
0x18a: {  	[tilespmem:s17], [sflag:$0x1] =	stream.indirect.gather [spmem:s3], $0x10, s20, s12, $0xb8;
	[tilespmem:$0x1DE30] =	vst v63  }
0x18b: {  	s21 =	sld [smem:$0x7BB];
	s18 =	simm.s32 $0x11630  }
0x18c: {  	[tilespmem:s18], [sflag:$0x1] =	stream.indirect.gather [spmem:s3], $0x10, s29, s12, $0xb8;
	[tilespmem:$0x1DE30] =	vst v63  }
0x18d: {  	s19 =	simm.s32 $0x11E30;
	s29 =	sld [smem:$0x7BC]  }
0x18e: {  	[tilespmem:s19], [sflag:$0x1] =	stream.indirect.gather [spmem:s3], $0x10, s21, s12, $0xb8;
	[tilespmem:$0x1DE30] =	vst v63  }
0x18f: {  	s22 =	sld [smem:$0x7BD];
	s20 =	simm.s32 $0x12630  }
0x190: {  	[tilespmem:s20], [sflag:$0x1] =	stream.indirect.gather [spmem:s3], $0x10, s29, s12, $0xb8;
	[tilespmem:$0x1DE30] =	vst v63  }
0x191: {  	s21 =	simm.s32 $0x12E30;
	s29 =	sld [smem:$0x7BE]  }
0x192: {  	[tilespmem:s21], [sflag:$0x1] =	stream.indirect.gather [spmem:s3], $0x10, s22, s12, $0xb8;
	[tilespmem:$0x1DE30] =	vst v63  }
0x193: {  	s22 =	simm.s32 $0x13630  }
0x194: {  	[tilespmem:s22], [sflag:$0x1] =	stream.indirect.gather [spmem:s3], $0x10, s29, s12, $0xb8;
	[tilespmem:$0x1DE30] =	vst v63  }
0x195: {  	_ =	swait.ge [sflag:s30], $0xA000  }
0x196: {  	[sflag:s30] =	ssyncset.done $0x0  }
0x197: {  	[sflag:s30] =	ssyncadd.s32 $0xFFFF6000  }
0x198: {  	_ =	swait.ge [sflag:s26], $0xA000  }
0x199: {  	s28 =	sld [smem:$0x7BF]  }
0x19a: {  	[sflag:s26] =	ssyncset.done $0x0  }
0x19b: {  	s29 =	sld [smem:$0x7C0];
	[sflag:s26] =	ssyncadd.s32 $0xFFFF6000  }
0x19c: {  	[spmem:s2] =	stream.indirect.scatter.add.f32 [tilespmem:s0], [sflag:$0x2], $0x10, s28, s12, $0xb8;
	[tilespmem:$0x1DE30] =	vst v63  }
0x19d: {  	s0 =	sld [smem:$0x7C1]  }
0x19e: {  	[spmem:s2] =	stream.indirect.scatter.add.f32 [tilespmem:s1], [sflag:$0x2], $0x10, s29, s12, $0xb8;
	[tilespmem:$0x1DE30] =	vst v63  }
0x19f: {  	s29 =	sld [smem:$0x7C2]  }
0x1a0: {  	[spmem:s2] =	stream.indirect.scatter.add.f32 [tilespmem:s4], [sflag:$0x2], $0x10, s0, s12, $0xb8;
	[tilespmem:$0x1DE30] =	vst v63  }
0x1a1: {  	s1 =	sld [smem:$0x7C3]  }
0x1a2: {  	[spmem:s2] =	stream.indirect.scatter.add.f32 [tilespmem:s5], [sflag:$0x2], $0x10, s29, s12, $0xb8;
	[tilespmem:$0x1DE30] =	vst v63  }
0x1a3: {  	s29 =	sld [smem:$0x7C4]  }
0x1a4: {  	[spmem:s2] =	stream.indirect.scatter.add.f32 [tilespmem:s6], [sflag:$0x2], $0x10, s1, s12, $0xb8;
	[tilespmem:$0x1DE30] =	vst v63  }
0x1a5: {  	s4 =	sld [smem:$0x7C5]  }
0x1a6: {  	[spmem:s2] =	stream.indirect.scatter.add.f32 [tilespmem:s7], [sflag:$0x2], $0x10, s29, s12, $0xb8;
	[tilespmem:$0x1DE30] =	vst v63  }
0x1a7: {  	s29 =	sld [smem:$0x7C6]  }
0x1a8: {  	[spmem:s2] =	stream.indirect.scatter.add.f32 [tilespmem:s8], [sflag:$0x2], $0x10, s4, s12, $0xb8;
	[tilespmem:$0x1DE30] =	vst v63  }
0x1a9: {  	s5 =	sld [smem:$0x7C7]  }
0x1aa: {  	[spmem:s2] =	stream.indirect.scatter.add.f32 [tilespmem:s9], [sflag:$0x2], $0x10, s29, s12, $0xb8;
	[tilespmem:$0x1DE30] =	vst v63  }
0x1ab: {  	s29 =	sld [smem:$0x7C8]  }
0x1ac: {  	[spmem:s2] =	stream.indirect.scatter.add.f32 [tilespmem:s10], [sflag:$0x2], $0x10, s5, s12, $0xb8;
	[tilespmem:$0x1DE30] =	vst v63  }
0x1ad: {  	s6 =	sld [smem:$0x7C9]  }
0x1ae: {  	[spmem:s2] =	stream.indirect.scatter.add.f32 [tilespmem:s11], [sflag:$0x2], $0x10, s29, s12, $0xb8;
	[tilespmem:$0x1DE30] =	vst v63  }
0x1af: {  	s29 =	sld [smem:$0x7CA]  }
0x1b0: {  	[spmem:s2] =	stream.indirect.scatter.add.f32 [tilespmem:s13], [sflag:$0x2], $0x10, s6, s12, $0xb8;
	[tilespmem:$0x1DE30] =	vst v63  }
0x1b1: {  	s7 =	sld [smem:$0x7CB]  }
0x1b2: {  	[spmem:s2] =	stream.indirect.scatter.add.f32 [tilespmem:s14], [sflag:$0x2], $0x10, s29, s12, $0xb8;
	[tilespmem:$0x1DE30] =	vst v63  }
0x1b3: {  	s29 =	sld [smem:$0x7CC]  }
0x1b4: {  	[spmem:s2] =	stream.indirect.scatter.add.f32 [tilespmem:s15], [sflag:$0x2], $0x10, s7, s12, $0xb8;
	[tilespmem:$0x1DE30] =	vst v63  }
0x1b5: {  	s8 =	sld [smem:$0x7CD]  }
0x1b6: {  	[spmem:s2] =	stream.indirect.scatter.add.f32 [tilespmem:s16], [sflag:$0x2], $0x10, s29, s12, $0xb8;
	[tilespmem:$0x1DE30] =	vst v63  }
0x1b7: {  	s29 =	sld [smem:$0x7CE]  }
0x1b8: {  	[spmem:s2] =	stream.indirect.scatter.add.f32 [tilespmem:s17], [sflag:$0x2], $0x10, s8, s12, $0xb8;
	[tilespmem:$0x1DE30] =	vst v63  }
0x1b9: {  	s9 =	sld [smem:$0x7CF]  }
0x1ba: {  	[spmem:s2] =	stream.indirect.scatter.add.f32 [tilespmem:s18], [sflag:$0x2], $0x10, s29, s12, $0xb8;
	[tilespmem:$0x1DE30] =	vst v63  }
0x1bb: {  	s29 =	sld [smem:$0x7D0]  }
0x1bc: {  	[spmem:s2] =	stream.indirect.scatter.add.f32 [tilespmem:s19], [sflag:$0x2], $0x10, s9, s12, $0xb8;
	[tilespmem:$0x1DE30] =	vst v63  }
0x1bd: {  	s10 =	sld [smem:$0x7D1]  }
0x1be: {  	[spmem:s2] =	stream.indirect.scatter.add.f32 [tilespmem:s20], [sflag:$0x2], $0x10, s29, s12, $0xb8;
	[tilespmem:$0x1DE30] =	vst v63  }
0x1bf: {  	s29 =	sld [smem:$0x7D2]  }
0x1c0: {  	[spmem:s2] =	stream.indirect.scatter.add.f32 [tilespmem:s21], [sflag:$0x2], $0x10, s10, s12, $0xb8;
	[tilespmem:$0x1DE30] =	vst v63  }
0x1c1: {  	s11 =	sld [smem:$0x7D3]  }
0x1c2: {  	[spmem:s2] =	stream.indirect.scatter.add.f32 [tilespmem:s22], [sflag:$0x2], $0x10, s29, s12, $0xb8;
	[tilespmem:$0x1DE30] =	vst v63  }
0x1c3: {  	s0 =	simm.s32 $0x13E30;
	s29 =	sld [smem:$0x7D4]  }
0x1c4: {  	[tilespmem:s0], [sflag:$0x1] =	stream.indirect.gather [spmem:s3], $0x10, s11, s12, $0xb8;
	[tilespmem:$0x1DE30] =	vst v63  }
0x1c5: {  	s1 =	simm.s32 $0x14630;
	s13 =	sld [smem:$0x7D5]  }
0x1c6: {  	[tilespmem:s1], [sflag:$0x1] =	stream.indirect.gather [spmem:s3], $0x10, s29, s12, $0xb8;
	[tilespmem:$0x1DE30] =	vst v63  }
0x1c7: {  	s4 =	simm.s32 $0x14E30;
	s29 =	sld [smem:$0x7D6]  }
0x1c8: {  	[tilespmem:s4], [sflag:$0x1] =	stream.indirect.gather [spmem:s3], $0x10, s13, s12, $0xb8;
	[tilespmem:$0x1DE30] =	vst v63  }
0x1c9: {  	s5 =	simm.s32 $0x15630;
	s14 =	sld [smem:$0x7D7]  }
0x1ca: {  	[tilespmem:s5], [sflag:$0x1] =	stream.indirect.gather [spmem:s3], $0x10, s29, s12, $0xb8;
	[tilespmem:$0x1DE30] =	vst v63  }
0x1cb: {  	s6 =	simm.s32 $0x15E30;
	s29 =	sld [smem:$0x7D8]  }
0x1cc: {  	[tilespmem:s6], [sflag:$0x1] =	stream.indirect.gather [spmem:s3], $0x10, s14, s12, $0xb8;
	[tilespmem:$0x1DE30] =	vst v63  }
0x1cd: {  	s15 =	sld [smem:$0x7D9];
	s7 =	simm.s32 $0x16630  }
0x1ce: {  	[tilespmem:s7], [sflag:$0x1] =	stream.indirect.gather [spmem:s3], $0x10, s29, s12, $0xb8;
	[tilespmem:$0x1DE30] =	vst v63  }
0x1cf: {  	s8 =	simm.s32 $0x16E30;
	s29 =	sld [smem:$0x7DA]  }
0x1d0: {  	[tilespmem:s8], [sflag:$0x1] =	stream.indirect.gather [spmem:s3], $0x10, s15, s12, $0xb8;
	[tilespmem:$0x1DE30] =	vst v63  }
0x1d1: {  	s16 =	sld [smem:$0x7DB];
	s9 =	simm.s32 $0x17630  }
0x1d2: {  	[tilespmem:s9], [sflag:$0x1] =	stream.indirect.gather [spmem:s3], $0x10, s29, s12, $0xb8;
	[tilespmem:$0x1DE30] =	vst v63  }
0x1d3: {  	s10 =	simm.s32 $0x17E30;
	s29 =	sld [smem:$0x7DC]  }
0x1d4: {  	[tilespmem:s10], [sflag:$0x1] =	stream.indirect.gather [spmem:s3], $0x10, s16, s12, $0xb8;
	[tilespmem:$0x1DE30] =	vst v63  }
0x1d5: {  	s17 =	sld [smem:$0x7DD];
	s11 =	simm.s32 $0x18630  }
0x1d6: {  	[tilespmem:s11], [sflag:$0x1] =	stream.indirect.gather [spmem:s3], $0x10, s29, s12, $0xb8;
	[tilespmem:$0x1DE30] =	vst v63  }
0x1d7: {  	s13 =	simm.s32 $0x18E30;
	s29 =	sld [smem:$0x7DE]  }
0x1d8: {  	[tilespmem:s13], [sflag:$0x1] =	stream.indirect.gather [spmem:s3], $0x10, s17, s12, $0xb8;
	[tilespmem:$0x1DE30] =	vst v63  }
0x1d9: {  	s18 =	sld [smem:$0x7DF];
	s14 =	simm.s32 $0x19630  }
0x1da: {  	[tilespmem:s14], [sflag:$0x1] =	stream.indirect.gather [spmem:s3], $0x10, s29, s12, $0xb8;
	[tilespmem:$0x1DE30] =	vst v63  }
0x1db: {  	s15 =	simm.s32 $0x19E30;
	s29 =	sld [smem:$0x7E0]  }
0x1dc: {  	[tilespmem:s15], [sflag:$0x1] =	stream.indirect.gather [spmem:s3], $0x10, s18, s12, $0xb8;
	[tilespmem:$0x1DE30] =	vst v63  }
0x1dd: {  	s19 =	sld [smem:$0x7E1];
	s16 =	simm.s32 $0x1A630  }
0x1de: {  	[tilespmem:s16], [sflag:$0x1] =	stream.indirect.gather [spmem:s3], $0x10, s29, s12, $0xb8;
	[tilespmem:$0x1DE30] =	vst v63  }
0x1df: {  	s17 =	simm.s32 $0x1AE30;
	s29 =	sld [smem:$0x7E2]  }
0x1e0: {  	[tilespmem:s17], [sflag:$0x1] =	stream.indirect.gather [spmem:s3], $0x10, s19, s12, $0xb8;
	[tilespmem:$0x1DE30] =	vst v63  }
0x1e1: {  	s20 =	sld [smem:$0x7E3];
	s18 =	simm.s32 $0x1B630  }
0x1e2: {  	[tilespmem:s18], [sflag:$0x1] =	stream.indirect.gather [spmem:s3], $0x10, s29, s12, $0xb8;
	[tilespmem:$0x1DE30] =	vst v63  }
0x1e3: {  	s29 =	sld [smem:$0x7E4]  }
0x1e4: {  	[tilespmem:s31], [sflag:$0x1] =	stream.indirect.gather [spmem:s3], $0x10, s20, s12, $0xb8;
	[tilespmem:$0x1DE30] =	vst v63  }
0x1e5: {  	s21 =	sld [smem:$0x7E5]  }
0x1e6: {  	[tilespmem:s23], [sflag:$0x1] =	stream.indirect.gather [spmem:s3], $0x10, s29, s12, $0xb8;
	[tilespmem:$0x1DE30] =	vst v63  }
0x1e7: {  	s29 =	sld [smem:$0x7E6]  }
0x1e8: {  	[tilespmem:s24], [sflag:$0x1] =	stream.indirect.gather [spmem:s3], $0x10, s21, s12, $0xb8;
	[tilespmem:$0x1DE30] =	vst v63  }
0x1e9: {  	_ = 	snop  }
0x1ea: {  	[tilespmem:s25], [sflag:$0x1] =	stream.indirect.gather [spmem:s3], $0x10, s29, s12, $0xb8;
	[tilespmem:$0x1DE30] =	vst v63  }
0x1eb: {  	_ =	swait.ge [sflag:s30], $0xA000  }
0x1ec: {  	[sflag:s30] =	ssyncset.done $0x0  }
0x1ed: {  	[sflag:s30] =	ssyncadd.s32 $0xFFFF6000  }
0x1ee: {  	_ =	swait.ge [sflag:s26], $0xA000  }
0x1ef: {  	s22 =	sld [smem:$0x7E7]  }
0x1f0: {  	[sflag:s26] =	ssyncset.done $0x0;
	s29 =	sld [smem:$0x7E8]  }
0x1f1: {  	s19 =	sld [smem:$0x7F1];
	[sflag:s26] =	ssyncadd.s32 $0xFFFF6000  }
0x1f2: {  	[spmem:s2] =	stream.indirect.scatter.add.f32 [tilespmem:s0], [sflag:$0x2], $0x10, s22, s12, $0xb8;
	[tilespmem:$0x1DE30] =	vst v63  }
0x1f3: {  	s0 =	sld [smem:$0x7E9]  }
0x1f4: {  	[spmem:s2] =	stream.indirect.scatter.add.f32 [tilespmem:s1], [sflag:$0x2], $0x10, s29, s12, $0xb8;
	[tilespmem:$0x1DE30] =	vst v63  }
0x1f5: {  	s29 =	sld [smem:$0x7EA]  }
0x1f6: {  	[spmem:s2] =	stream.indirect.scatter.add.f32 [tilespmem:s4], [sflag:$0x2], $0x10, s0, s12, $0xb8;
	[tilespmem:$0x1DE30] =	vst v63  }
0x1f7: {  	s4 =	sld [smem:$0x7EB]  }
0x1f8: {  	[spmem:s2] =	stream.indirect.scatter.add.f32 [tilespmem:s5], [sflag:$0x2], $0x10, s29, s12, $0xb8;
	[tilespmem:$0x1DE30] =	vst v63  }
0x1f9: {  	s29 =	sld [smem:$0x7EC]  }
0x1fa: {  	[spmem:s2] =	stream.indirect.scatter.add.f32 [tilespmem:s6], [sflag:$0x2], $0x10, s4, s12, $0xb8;
	[tilespmem:$0x1DE30] =	vst v63  }
0x1fb: {  	s6 =	sld [smem:$0x7ED]  }
0x1fc: {  	[spmem:s2] =	stream.indirect.scatter.add.f32 [tilespmem:s7], [sflag:$0x2], $0x10, s29, s12, $0xb8;
	[tilespmem:$0x1DE30] =	vst v63  }
0x1fd: {  	s29 =	sld [smem:$0x7EE]  }
0x1fe: {  	[spmem:s2] =	stream.indirect.scatter.add.f32 [tilespmem:s8], [sflag:$0x2], $0x10, s6, s12, $0xb8;
	[tilespmem:$0x1DE30] =	vst v63  }
0x1ff: {  	s8 =	sld [smem:$0x7EF]  }
0x200: {  	[spmem:s2] =	stream.indirect.scatter.add.f32 [tilespmem:s9], [sflag:$0x2], $0x10, s29, s12, $0xb8;
	[tilespmem:$0x1DE30] =	vst v63  }
0x201: {  	s29 =	sld [smem:$0x7F0]  }
0x202: {  	[spmem:s2] =	stream.indirect.scatter.add.f32 [tilespmem:s10], [sflag:$0x2], $0x10, s8, s12, $0xb8;
	[tilespmem:$0x1DE30] =	vst v63  }
0x203: {  	s20 =	sld [smem:$0x7F3]  }
0x204: {  	[spmem:s2] =	stream.indirect.scatter.add.f32 [tilespmem:s11], [sflag:$0x2], $0x10, s29, s12, $0xb8;
	[tilespmem:$0x1DE30] =	vst v63  }
0x205: {  	s29 =	sld [smem:$0x7F2]  }
0x206: {  	[spmem:s2] =	stream.indirect.scatter.add.f32 [tilespmem:s13], [sflag:$0x2], $0x10, s19, s12, $0xb8;
	[tilespmem:$0x1DE30] =	vst v63  }
0x207: {  	s21 =	sld [smem:$0x7F5]  }
0x208: {  	[spmem:s2] =	stream.indirect.scatter.add.f32 [tilespmem:s14], [sflag:$0x2], $0x10, s29, s12, $0xb8;
	[tilespmem:$0x1DE30] =	vst v63  }
0x209: {  	s29 =	sld [smem:$0x7F4]  }
0x20a: {  	[spmem:s2] =	stream.indirect.scatter.add.f32 [tilespmem:s15], [sflag:$0x2], $0x10, s20, s12, $0xb8;
	[tilespmem:$0x1DE30] =	vst v63  }
0x20b: {  	s28 =	sld [smem:$0x7FB]  }
0x20c: {  	[spmem:s2] =	stream.indirect.scatter.add.f32 [tilespmem:s16], [sflag:$0x2], $0x10, s29, s12, $0xb8;
	[tilespmem:$0x1DE30] =	vst v63  }
0x20d: {  	s29 =	sld [smem:$0x7F6]  }
0x20e: {  	[spmem:s2] =	stream.indirect.scatter.add.f32 [tilespmem:s17], [sflag:$0x2], $0x10, s21, s12, $0xb8;
	[tilespmem:$0x1DE30] =	vst v63  }
0x20f: {  	s22 =	sld [smem:$0x7F7]  }
0x210: {  	[spmem:s2] =	stream.indirect.scatter.add.f32 [tilespmem:s18], [sflag:$0x2], $0x10, s29, s12, $0xb8;
	[tilespmem:$0x1DE30] =	vst v63  }
0x211: {  	s29 =	sld [smem:$0x7F8]  }
0x212: {  	[spmem:s2] =	stream.indirect.scatter.add.f32 [tilespmem:s31], [sflag:$0x2], $0x10, s22, s12, $0xb8;
	[tilespmem:$0x1DE30] =	vst v63  }
0x213: {  	s26 =	sld [smem:$0x7F9]  }
0x214: {  	[spmem:s2] =	stream.indirect.scatter.add.f32 [tilespmem:s23], [sflag:$0x2], $0x10, s29, s12, $0xb8;
	[tilespmem:$0x1DE30] =	vst v63  }
0x215: {  	s29 =	sld [smem:$0x7FA]  }
0x216: {  	[spmem:s2] =	stream.indirect.scatter.add.f32 [tilespmem:s24], [sflag:$0x2], $0x10, s26, s12, $0xb8;
	[tilespmem:$0x1DE30] =	vst v63  }
0x217: {  	s31 =	ssub.s32 $0x2, s28  }
0x218: {  	[spmem:s2] =	stream.indirect.scatter.add.f32 [tilespmem:s25], [sflag:$0x2], $0x10, s29, s12, $0xb8;
	[tilespmem:$0x1DE30] =	vst v63  }
0x219: {  	s29 =	sshrl.u32 s31, $0x1  }
0x21a: {  	s28 =	ssub.s32 s31, s29  }
0x21b: {  	s28 =	smax.u32 s28, $0x1  }
0x21c: {  	_ =	swait.ge [sflag:s30], $0xA000;
	p0 =	sne.s32 s28, $0x1  }
.Ltmp0:
0x21d: {  	[sflag:s30] =	ssyncset.done $0x0;
	(pc) =	sbr.rel @!p0 .LBB2_3-.Ltmp0, $4  }
0x21e: {  	[sflag:s30] =	ssyncadd.s32 $0xFFFF6000  }
0x21f: {  	[bflag:$0x0] =	sbarrier.arrive $0xFFFF  }
0x220: {  	s29 =	sld [smem:$0x7FC]  }
0x221: {  	s0 =	sadd.s32 $0xFFFFFFFF, s28;
	s30 =	sld [smem:$0x7FD]  }
0x222: {  	s28 =	simm.s32 $0x1;
	s17 =	simm.s32 $0x2  }
0x223: {  	s24 =	simm.s32 $0xDE30;
	s25 =	simm.s32 $0xE630;
	s26 =	simm.s32 $0xEE30  }
.LBB2_2:
0x224: {  	s31 =	sld [smem:$0x771];
	_ =	sdelay $0x1  }
0x225: {  	s11 =	sadd.s32 $0xFFFFFFFF, s0  }
0x226: {  	[hbm:s29], [sflag:s31] =	dma.local [spmem:s30], $0x4E2  }
0x227: {  	[smem:$0x770] =	sst s11  }
0x228: {  	_ =	swait.ge [sflag:s28], $0x4E2  }
0x229: {  	s29 =	rddreg [dreg:$0x4];
	[sflag:s28] =	ssyncset.done $0x0  }
0x22a: {  	s30 =	rddreg [dreg:$0x8];
	[sflag:s28] =	ssyncadd.s32 $0xFFFFFB1E  }
0x22b: {  	[spmem:s30], [sflag:s31] =	dma.local [hbm:s29], $0x4E4  }
0x22c: {  	s29 =	rddreg [dreg:$0xa]  }
0x22d: {  	s30 =	rddreg [dreg:$0x9]  }
0x22e: {  	s31 =	rddreg [dreg:$0x5]  }
0x22f: {  	[spmem:s29], [sflag:s30] =	dma.local [hbm:s31], $0x4E2  }
0x230: {  	s13 =	simm.s32 $0x0;
	s14 =	simm.s32 $0x4E30;
	s29 =	rddreg [dreg:$0x6]  }
0x231: {  	[tilespmem:s14], [sflag:$0x3] =	stream.linear.gather [hbm4b:s29+s13], $0x2800, $0x38;
	[tilespmem:$0x1DE30] =	vst v63  }
0x232: {  	s1 =	simm.s32 $0x7630;
	s30 =	rddreg [dreg:$0x7]  }
0x233: {  	[tilespmem:s1], [sflag:$0x4] =	stream.linear.gather [hbm4b:s30+s13], $0x2800, $0x38;
	[tilespmem:$0x1DE30] =	vst v63  }
0x234: {  	_ =	swait.ge [sflag:s28], $0x4E4  }
0x235: {  	[sflag:s28] =	ssyncset.done $0x0  }
0x236: {  	[sflag:s28] =	ssyncadd.s32 $0xFFFFFB1C  }
0x237: {  	_ =	swait.ge [sflag:s17], $0x4E2  }
0x238: {  	[sflag:s17] =	ssyncset.done $0x0  }
0x239: {  	s29 =	simm.s32 $0x3;
	[sflag:s17] =	ssyncadd.s32 $0xFFFFFB1E  }
0x23a: {  	_ =	swait.ge [sflag:s29], $0x2800  }
0x23b: {  	[sflag:s29] =	ssyncset.done $0x0  }
0x23c: {  	[sflag:s29] =	ssyncadd.s32 $0xFFFFD800;
	s29 =	simm.s32 $0x4  }
0x23d: {  	_ =	swait.ge [sflag:s29], $0x2800  }
0x23e: {  	[sflag:s29] =	ssyncset.done $0x0  }
0x23f: {  	[sflag:s29] =	ssyncadd.s32 $0xFFFFD800  }
0x240: {  	s31 =	simm.s32 $0x9E30;
	[bflag:$0x0] =	sbarrier.arrive $0xFFFF  }
0x241: {  	[tilespmem:s31], [sflag:$0x1] =	stream.indirect.gather [spmem:s3], $0x10, s14, s12, $0xb8;
	[tilespmem:$0x1DE30] =	vst v63  }
0x242: {  	s15 =	simm.s32 $0xA630;
	s29 =	rddreg [dreg:$0xb]  }
0x243: {  	[tilespmem:s15], [sflag:$0x1] =	stream.indirect.gather [spmem:s3], $0x10, s29, s12, $0xb8;
	[tilespmem:$0x1DE30] =	vst v63  }
0x244: {  	s16 =	simm.s32 $0xAE30;
	s30 =	rddreg [dreg:$0xc]  }
0x245: {  	[tilespmem:s16], [sflag:$0x1] =	stream.indirect.gather [spmem:s3], $0x10, s30, s12, $0xb8;
	[tilespmem:$0x1DE30] =	vst v63  }
0x246: {  	s18 =	simm.s32 $0xB630;
	s29 =	rddreg [dreg:$0xd]  }
0x247: {  	[tilespmem:s18], [sflag:$0x1] =	stream.indirect.gather [spmem:s3], $0x10, s29, s12, $0xb8;
	[tilespmem:$0x1DE30] =	vst v63  }
0x248: {  	s19 =	simm.s32 $0xBE30;
	s30 =	rddreg [dreg:$0xe]  }
0x249: {  	[tilespmem:s19], [sflag:$0x1] =	stream.indirect.gather [spmem:s3], $0x10, s30, s12, $0xb8;
	[tilespmem:$0x1DE30] =	vst v63  }
0x24a: {  	s20 =	simm.s32 $0xC630;
	s29 =	rddreg [dreg:$0xf]  }
0x24b: {  	[tilespmem:s20], [sflag:$0x1] =	stream.indirect.gather [spmem:s3], $0x10, s29, s12, $0xb8;
	[tilespmem:$0x1DE30] =	vst v63  }
0x24c: {  	s21 =	simm.s32 $0xCE30;
	s30 =	rddreg [dreg:$0x10]  }
0x24d: {  	[tilespmem:s21], [sflag:$0x1] =	stream.indirect.gather [spmem:s3], $0x10, s30, s12, $0xb8;
	[tilespmem:$0x1DE30] =	vst v63  }
0x24e: {  	s23 =	simm.s32 $0xD630;
	s29 =	rddreg [dreg:$0x11]  }
0x24f: {  	[tilespmem:s23], [sflag:$0x1] =	stream.indirect.gather [spmem:s3], $0x10, s29, s12, $0xb8;
	[tilespmem:$0x1DE30] =	vst v63  }
0x250: {  	s9 =	simm.s32 $0xDE30;
	s30 =	rddreg [dreg:$0x12]  }
0x251: {  	[tilespmem:s9], [sflag:$0x1] =	stream.indirect.gather [spmem:s3], $0x10, s30, s12, $0xb8;
	[tilespmem:$0x1DE30] =	vst v63  }
0x252: {  	s10 =	simm.s32 $0xE630;
	s29 =	rddreg [dreg:$0x13]  }
0x253: {  	[tilespmem:s10], [sflag:$0x1] =	stream.indirect.gather [spmem:s3], $0x10, s29, s12, $0xb8;
	[tilespmem:$0x1DE30] =	vst v63  }
0x254: {  	s11 =	simm.s32 $0xEE30;
	s30 =	rddreg [dreg:$0x14]  }
0x255: {  	[tilespmem:s11], [sflag:$0x1] =	stream.indirect.gather [spmem:s3], $0x10, s30, s12, $0xb8;
	[tilespmem:$0x1DE30] =	vst v63  }
0x256: {  	s13 =	simm.s32 $0xF630;
	s29 =	rddreg [dreg:$0x15]  }
0x257: {  	[tilespmem:s13], [sflag:$0x1] =	stream.indirect.gather [spmem:s3], $0x10, s29, s12, $0xb8;
	[tilespmem:$0x1DE30] =	vst v63  }
0x258: {  	s14 =	simm.s32 $0xFE30;
	s30 =	rddreg [dreg:$0x16]  }
0x259: {  	[tilespmem:s14], [sflag:$0x1] =	stream.indirect.gather [spmem:s3], $0x10, s30, s12, $0xb8;
	[tilespmem:$0x1DE30] =	vst v63  }
0x25a: {  	s15 =	simm.s32 $0x10630;
	s29 =	rddreg [dreg:$0x17]  }
0x25b: {  	[tilespmem:s15], [sflag:$0x1] =	stream.indirect.gather [spmem:s3], $0x10, s29, s12, $0xb8;
	[tilespmem:$0x1DE30] =	vst v63  }
0x25c: {  	s16 =	simm.s32 $0x10E30;
	s30 =	rddreg [dreg:$0x18]  }
0x25d: {  	[tilespmem:s16], [sflag:$0x1] =	stream.indirect.gather [spmem:s3], $0x10, s30, s12, $0xb8;
	[tilespmem:$0x1DE30] =	vst v63  }
0x25e: {  	s18 =	simm.s32 $0x11630;
	s29 =	rddreg [dreg:$0x19]  }
0x25f: {  	[tilespmem:s18], [sflag:$0x1] =	stream.indirect.gather [spmem:s3], $0x10, s29, s12, $0xb8;
	[tilespmem:$0x1DE30] =	vst v63  }
0x260: {  	s19 =	simm.s32 $0x11E30;
	s30 =	rddreg [dreg:$0x1a]  }
0x261: {  	[tilespmem:s19], [sflag:$0x1] =	stream.indirect.gather [spmem:s3], $0x10, s30, s12, $0xb8;
	[tilespmem:$0x1DE30] =	vst v63  }
0x262: {  	s20 =	simm.s32 $0x12630;
	s29 =	rddreg [dreg:$0x1b]  }
0x263: {  	[tilespmem:s20], [sflag:$0x1] =	stream.indirect.gather [spmem:s3], $0x10, s29, s12, $0xb8;
	[tilespmem:$0x1DE30] =	vst v63  }
0x264: {  	s21 =	simm.s32 $0x12E30;
	s30 =	rddreg [dreg:$0x1c]  }
0x265: {  	[tilespmem:s21], [sflag:$0x1] =	stream.indirect.gather [spmem:s3], $0x10, s30, s12, $0xb8;
	[tilespmem:$0x1DE30] =	vst v63  }
0x266: {  	p0 =	sne.s32 s0, $0x1;
	s0 =	simm.s32 $0x13630;
	s29 =	rddreg [dreg:$0x1d]  }
0x267: {  	[tilespmem:s0], [sflag:$0x1] =	stream.indirect.gather [spmem:s3], $0x10, s29, s12, $0xb8;
	[tilespmem:$0x1DE30] =	vst v63  }
0x268: {  	_ =	swait.ge [sflag:s28], $0xA000  }
0x269: {  	[sflag:s28] =	ssyncset.done $0x0  }
0x26a: {  	s29 =	rddreg [dreg:$0x1e];
	[sflag:s28] =	ssyncadd.s32 $0xFFFF6000  }
0x26b: {  	[spmem:s2] =	stream.indirect.scatter.add.f32 [tilespmem:s31], [sflag:$0x2], $0x10, s1, s12, $0xb8;
	[tilespmem:$0x1DE30] =	vst v63  }
0x26c: {  	s4 =	simm.s32 $0xA630;
	s30 =	rddreg [dreg:$0x1f]  }
0x26d: {  	[spmem:s2] =	stream.indirect.scatter.add.f32 [tilespmem:s4], [sflag:$0x2], $0x10, s29, s12, $0xb8;
	[tilespmem:$0x1DE30] =	vst v63  }
0x26e: {  	s22 =	simm.s32 $0xAE30;
	s29 =	sld [smem:$0x772]  }
0x26f: {  	[spmem:s2] =	stream.indirect.scatter.add.f32 [tilespmem:s22], [sflag:$0x2], $0x10, s30, s12, $0xb8;
	[tilespmem:$0x1DE30] =	vst v63  }
0x270: {  	s5 =	simm.s32 $0xB630;
	s30 =	sld [smem:$0x773]  }
0x271: {  	[spmem:s2] =	stream.indirect.scatter.add.f32 [tilespmem:s5], [sflag:$0x2], $0x10, s29, s12, $0xb8;
	[tilespmem:$0x1DE30] =	vst v63  }
0x272: {  	s6 =	simm.s32 $0xBE30;
	s29 =	sld [smem:$0x774]  }
0x273: {  	[spmem:s2] =	stream.indirect.scatter.add.f32 [tilespmem:s6], [sflag:$0x2], $0x10, s30, s12, $0xb8;
	[tilespmem:$0x1DE30] =	vst v63  }
0x274: {  	s7 =	simm.s32 $0xC630;
	s30 =	sld [smem:$0x775]  }
0x275: {  	[spmem:s2] =	stream.indirect.scatter.add.f32 [tilespmem:s7], [sflag:$0x2], $0x10, s29, s12, $0xb8;
	[tilespmem:$0x1DE30] =	vst v63  }
0x276: {  	s8 =	simm.s32 $0xCE30;
	s29 =	sld [smem:$0x776]  }
0x277: {  	[spmem:s2] =	stream.indirect.scatter.add.f32 [tilespmem:s8], [sflag:$0x2], $0x10, s30, s12, $0xb8;
	[tilespmem:$0x1DE30] =	vst v63  }
0x278: {  	s23 =	simm.s32 $0xD630;
	s30 =	sld [smem:$0x777]  }
0x279: {  	[spmem:s2] =	stream.indirect.scatter.add.f32 [tilespmem:s23], [sflag:$0x2], $0x10, s29, s12, $0xb8;
	[tilespmem:$0x1DE30] =	vst v63  }
0x27a: {  	s9 =	simm.s32 $0xDE30;
	s29 =	sld [smem:$0x778]  }
0x27b: {  	[spmem:s2] =	stream.indirect.scatter.add.f32 [tilespmem:s9], [sflag:$0x2], $0x10, s30, s12, $0xb8;
	[tilespmem:$0x1DE30] =	vst v63  }
0x27c: {  	s10 =	simm.s32 $0xE630;
	s30 =	sld [smem:$0x779]  }
0x27d: {  	[spmem:s2] =	stream.indirect.scatter.add.f32 [tilespmem:s10], [sflag:$0x2], $0x10, s29, s12, $0xb8;
	[tilespmem:$0x1DE30] =	vst v63  }
0x27e: {  	s11 =	simm.s32 $0xEE30;
	s29 =	sld [smem:$0x77A]  }
0x27f: {  	[spmem:s2] =	stream.indirect.scatter.add.f32 [tilespmem:s11], [sflag:$0x2], $0x10, s30, s12, $0xb8;
	[tilespmem:$0x1DE30] =	vst v63  }
0x280: {  	s13 =	simm.s32 $0xF630;
	s30 =	sld [smem:$0x77B]  }
0x281: {  	[spmem:s2] =	stream.indirect.scatter.add.f32 [tilespmem:s13], [sflag:$0x2], $0x10, s29, s12, $0xb8;
	[tilespmem:$0x1DE30] =	vst v63  }
0x282: {  	s14 =	simm.s32 $0xFE30;
	s29 =	sld [smem:$0x77C]  }
0x283: {  	[spmem:s2] =	stream.indirect.scatter.add.f32 [tilespmem:s14], [sflag:$0x2], $0x10, s30, s12, $0xb8;
	[tilespmem:$0x1DE30] =	vst v63  }
0x284: {  	s15 =	simm.s32 $0x10630;
	s30 =	sld [smem:$0x77D]  }
0x285: {  	[spmem:s2] =	stream.indirect.scatter.add.f32 [tilespmem:s15], [sflag:$0x2], $0x10, s29, s12, $0xb8;
	[tilespmem:$0x1DE30] =	vst v63  }
0x286: {  	s16 =	simm.s32 $0x10E30;
	s29 =	sld [smem:$0x77E]  }
0x287: {  	[spmem:s2] =	stream.indirect.scatter.add.f32 [tilespmem:s16], [sflag:$0x2], $0x10, s30, s12, $0xb8;
	[tilespmem:$0x1DE30] =	vst v63  }
0x288: {  	s18 =	simm.s32 $0x11630;
	s30 =	sld [smem:$0x77F]  }
0x289: {  	[spmem:s2] =	stream.indirect.scatter.add.f32 [tilespmem:s18], [sflag:$0x2], $0x10, s29, s12, $0xb8;
	[tilespmem:$0x1DE30] =	vst v63  }
0x28a: {  	s19 =	simm.s32 $0x11E30;
	s29 =	sld [smem:$0x780]  }
0x28b: {  	[spmem:s2] =	stream.indirect.scatter.add.f32 [tilespmem:s19], [sflag:$0x2], $0x10, s30, s12, $0xb8;
	[tilespmem:$0x1DE30] =	vst v63  }
0x28c: {  	s20 =	simm.s32 $0x12630;
	s30 =	sld [smem:$0x781]  }
0x28d: {  	[spmem:s2] =	stream.indirect.scatter.add.f32 [tilespmem:s20], [sflag:$0x2], $0x10, s29, s12, $0xb8;
	[tilespmem:$0x1DE30] =	vst v63  }
0x28e: {  	s21 =	simm.s32 $0x12E30;
	s29 =	sld [smem:$0x782]  }
0x28f: {  	[spmem:s2] =	stream.indirect.scatter.add.f32 [tilespmem:s21], [sflag:$0x2], $0x10, s30, s12, $0xb8;
	[tilespmem:$0x1DE30] =	vst v63  }
0x290: {  	s0 =	simm.s32 $0x13630;
	s30 =	sld [smem:$0x783]  }
0x291: {  	[spmem:s2] =	stream.indirect.scatter.add.f32 [tilespmem:s0], [sflag:$0x2], $0x10, s29, s12, $0xb8;
	[tilespmem:$0x1DE30] =	vst v63  }
0x292: {  	s5 =	simm.s32 $0x13E30;
	s29 =	sld [smem:$0x784]  }
0x293: {  	[tilespmem:s5], [sflag:$0x1] =	stream.indirect.gather [spmem:s3], $0x10, s30, s12, $0xb8;
	[tilespmem:$0x1DE30] =	vst v63  }
0x294: {  	s6 =	simm.s32 $0x14630;
	s30 =	sld [smem:$0x785]  }
0x295: {  	[tilespmem:s6], [sflag:$0x1] =	stream.indirect.gather [spmem:s3], $0x10, s29, s12, $0xb8;
	[tilespmem:$0x1DE30] =	vst v63  }
0x296: {  	s7 =	simm.s32 $0x14E30;
	s29 =	sld [smem:$0x786]  }
0x297: {  	[tilespmem:s7], [sflag:$0x1] =	stream.indirect.gather [spmem:s3], $0x10, s30, s12, $0xb8;
	[tilespmem:$0x1DE30] =	vst v63  }
0x298: {  	s8 =	simm.s32 $0x15630;
	s30 =	sld [smem:$0x787]  }
0x299: {  	[tilespmem:s8], [sflag:$0x1] =	stream.indirect.gather [spmem:s3], $0x10, s29, s12, $0xb8;
	[tilespmem:$0x1DE30] =	vst v63  }
0x29a: {  	s9 =	simm.s32 $0x15E30;
	s29 =	sld [smem:$0x788]  }
0x29b: {  	[tilespmem:s9], [sflag:$0x1] =	stream.indirect.gather [spmem:s3], $0x10, s30, s12, $0xb8;
	[tilespmem:$0x1DE30] =	vst v63  }
0x29c: {  	s10 =	simm.s32 $0x16630;
	s30 =	sld [smem:$0x789]  }
0x29d: {  	[tilespmem:s10], [sflag:$0x1] =	stream.indirect.gather [spmem:s3], $0x10, s29, s12, $0xb8;
	[tilespmem:$0x1DE30] =	vst v63  }
0x29e: {  	s11 =	simm.s32 $0x16E30;
	s29 =	sld [smem:$0x78A]  }
0x29f: {  	[tilespmem:s11], [sflag:$0x1] =	stream.indirect.gather [spmem:s3], $0x10, s30, s12, $0xb8;
	[tilespmem:$0x1DE30] =	vst v63  }
0x2a0: {  	s13 =	simm.s32 $0x17630;
	s30 =	sld [smem:$0x78B]  }
0x2a1: {  	[tilespmem:s13], [sflag:$0x1] =	stream.indirect.gather [spmem:s3], $0x10, s29, s12, $0xb8;
	[tilespmem:$0x1DE30] =	vst v63  }
0x2a2: {  	s14 =	simm.s32 $0x17E30;
	s29 =	sld [smem:$0x78C]  }
0x2a3: {  	[tilespmem:s14], [sflag:$0x1] =	stream.indirect.gather [spmem:s3], $0x10, s30, s12, $0xb8;
	[tilespmem:$0x1DE30] =	vst v63  }
0x2a4: {  	s15 =	simm.s32 $0x18630;
	s30 =	sld [smem:$0x78D]  }
0x2a5: {  	[tilespmem:s15], [sflag:$0x1] =	stream.indirect.gather [spmem:s3], $0x10, s29, s12, $0xb8;
	[tilespmem:$0x1DE30] =	vst v63  }
0x2a6: {  	s16 =	simm.s32 $0x18E30;
	s29 =	sld [smem:$0x78E]  }
0x2a7: {  	[tilespmem:s16], [sflag:$0x1] =	stream.indirect.gather [spmem:s3], $0x10, s30, s12, $0xb8;
	[tilespmem:$0x1DE30] =	vst v63  }
0x2a8: {  	s18 =	simm.s32 $0x19630;
	s30 =	sld [smem:$0x78F]  }
0x2a9: {  	[tilespmem:s18], [sflag:$0x1] =	stream.indirect.gather [spmem:s3], $0x10, s29, s12, $0xb8;
	[tilespmem:$0x1DE30] =	vst v63  }
0x2aa: {  	s19 =	simm.s32 $0x19E30;
	s29 =	sld [smem:$0x790]  }
0x2ab: {  	[tilespmem:s19], [sflag:$0x1] =	stream.indirect.gather [spmem:s3], $0x10, s30, s12, $0xb8;
	[tilespmem:$0x1DE30] =	vst v63  }
0x2ac: {  	s20 =	simm.s32 $0x1A630;
	s30 =	sld [smem:$0x791]  }
0x2ad: {  	[tilespmem:s20], [sflag:$0x1] =	stream.indirect.gather [spmem:s3], $0x10, s29, s12, $0xb8;
	[tilespmem:$0x1DE30] =	vst v63  }
0x2ae: {  	s23 =	simm.s32 $0x1AE30;
	s29 =	sld [smem:$0x792]  }
0x2af: {  	[tilespmem:s23], [sflag:$0x1] =	stream.indirect.gather [spmem:s3], $0x10, s30, s12, $0xb8;
	[tilespmem:$0x1DE30] =	vst v63  }
0x2b0: {  	s16 =	simm.s32 $0x1B630;
	s30 =	sld [smem:$0x793]  }
0x2b1: {  	[tilespmem:s16], [sflag:$0x1] =	stream.indirect.gather [spmem:s3], $0x10, s29, s12, $0xb8;
	[tilespmem:$0x1DE30] =	vst v63  }
0x2b2: {  	s19 =	simm.s32 $0x1BE30;
	s29 =	sld [smem:$0x794]  }
0x2b3: {  	[tilespmem:s19], [sflag:$0x1] =	stream.indirect.gather [spmem:s3], $0x10, s30, s12, $0xb8;
	[tilespmem:$0x1DE30] =	vst v63  }
0x2b4: {  	s20 =	simm.s32 $0x1C630;
	s30 =	sld [smem:$0x795]  }
0x2b5: {  	[tilespmem:s20], [sflag:$0x1] =	stream.indirect.gather [spmem:s3], $0x10, s29, s12, $0xb8;
	[tilespmem:$0x1DE30] =	vst v63  }
0x2b6: {  	s23 =	simm.s32 $0x1CE30;
	s29 =	sld [smem:$0x796]  }
0x2b7: {  	[tilespmem:s23], [sflag:$0x1] =	stream.indirect.gather [spmem:s3], $0x10, s30, s12, $0xb8;
	[tilespmem:$0x1DE30] =	vst v63  }
0x2b8: {  	s30 =	simm.s32 $0x1D630  }
0x2b9: {  	[tilespmem:s30], [sflag:$0x1] =	stream.indirect.gather [spmem:s3], $0x10, s29, s12, $0xb8;
	[tilespmem:$0x1DE30] =	vst v63  }
0x2ba: {  	_ =	swait.ge [sflag:s17], $0xA000  }
0x2bb: {  	[sflag:s17] =	ssyncset.done $0x0  }
0x2bc: {  	[sflag:s17] =	ssyncadd.s32 $0xFFFF6000  }
0x2bd: {  	_ =	swait.ge [sflag:s28], $0xA000  }
0x2be: {  	s29 =	sld [smem:$0x797]  }
0x2bf: {  	[sflag:s28] =	ssyncset.done $0x0  }
0x2c0: {  	s4 =	simm.s32 $0x13E30;
	s30 =	sld [smem:$0x798];
	[sflag:s28] =	ssyncadd.s32 $0xFFFF6000  }
0x2c1: {  	[spmem:s2] =	stream.indirect.scatter.add.f32 [tilespmem:s4], [sflag:$0x2], $0x10, s29, s12, $0xb8;
	[tilespmem:$0x1DE30] =	vst v63  }
0x2c2: {  	s21 =	simm.s32 $0x14630;
	s29 =	sld [smem:$0x799]  }
0x2c3: {  	[spmem:s2] =	stream.indirect.scatter.add.f32 [tilespmem:s21], [sflag:$0x2], $0x10, s30, s12, $0xb8;
	[tilespmem:$0x1DE30] =	vst v63  }
0x2c4: {  	s22 =	simm.s32 $0x14E30;
	s30 =	sld [smem:$0x79A]  }
0x2c5: {  	[spmem:s2] =	stream.indirect.scatter.add.f32 [tilespmem:s22], [sflag:$0x2], $0x10, s29, s12, $0xb8;
	[tilespmem:$0x1DE30] =	vst v63  }
0x2c6: {  	s0 =	simm.s32 $0x15630;
	s29 =	sld [smem:$0x79B]  }
0x2c7: {  	[spmem:s2] =	stream.indirect.scatter.add.f32 [tilespmem:s0], [sflag:$0x2], $0x10, s30, s12, $0xb8;
	[tilespmem:$0x1DE30] =	vst v63  }
0x2c8: {  	s8 =	simm.s32 $0x15E30;
	s30 =	sld [smem:$0x79C]  }
0x2c9: {  	[spmem:s2] =	stream.indirect.scatter.add.f32 [tilespmem:s8], [sflag:$0x2], $0x10, s29, s12, $0xb8;
	[tilespmem:$0x1DE30] =	vst v63  }
0x2ca: {  	s5 =	simm.s32 $0x16630;
	s29 =	sld [smem:$0x79D]  }
0x2cb: {  	[spmem:s2] =	stream.indirect.scatter.add.f32 [tilespmem:s5], [sflag:$0x2], $0x10, s30, s12, $0xb8;
	[tilespmem:$0x1DE30] =	vst v63  }
0x2cc: {  	s7 =	simm.s32 $0x16E30;
	s30 =	sld [smem:$0x79E]  }
0x2cd: {  	[spmem:s2] =	stream.indirect.scatter.add.f32 [tilespmem:s7], [sflag:$0x2], $0x10, s29, s12, $0xb8;
	[tilespmem:$0x1DE30] =	vst v63  }
0x2ce: {  	s6 =	simm.s32 $0x17630;
	s29 =	sld [smem:$0x79F]  }
0x2cf: {  	[spmem:s2] =	stream.indirect.scatter.add.f32 [tilespmem:s6], [sflag:$0x2], $0x10, s30, s12, $0xb8;
	[tilespmem:$0x1DE30] =	vst v63  }
0x2d0: {  	s10 =	simm.s32 $0x17E30;
	s30 =	sld [smem:$0x7A0]  }
0x2d1: {  	[spmem:s2] =	stream.indirect.scatter.add.f32 [tilespmem:s10], [sflag:$0x2], $0x10, s29, s12, $0xb8;
	[tilespmem:$0x1DE30] =	vst v63  }
0x2d2: {  	s9 =	simm.s32 $0x18630;
	s29 =	sld [smem:$0x7A1]  }
0x2d3: {  	[spmem:s2] =	stream.indirect.scatter.add.f32 [tilespmem:s9], [sflag:$0x2], $0x10, s30, s12, $0xb8;
	[tilespmem:$0x1DE30] =	vst v63  }
0x2d4: {  	s13 =	simm.s32 $0x18E30;
	s30 =	sld [smem:$0x7A2]  }
0x2d5: {  	[spmem:s2] =	stream.indirect.scatter.add.f32 [tilespmem:s13], [sflag:$0x2], $0x10, s29, s12, $0xb8;
	[tilespmem:$0x1DE30] =	vst v63  }
0x2d6: {  	s11 =	simm.s32 $0x19630;
	s29 =	sld [smem:$0x7A3]  }
0x2d7: {  	[spmem:s2] =	stream.indirect.scatter.add.f32 [tilespmem:s11], [sflag:$0x2], $0x10, s30, s12, $0xb8;
	[tilespmem:$0x1DE30] =	vst v63  }
0x2d8: {  	s15 =	simm.s32 $0x19E30;
	s30 =	sld [smem:$0x7A4]  }
0x2d9: {  	[spmem:s2] =	stream.indirect.scatter.add.f32 [tilespmem:s15], [sflag:$0x2], $0x10, s29, s12, $0xb8;
	[tilespmem:$0x1DE30] =	vst v63  }
0x2da: {  	s14 =	simm.s32 $0x1A630;
	s29 =	sld [smem:$0x7A5]  }
0x2db: {  	[spmem:s2] =	stream.indirect.scatter.add.f32 [tilespmem:s14], [sflag:$0x2], $0x10, s30, s12, $0xb8;
	[tilespmem:$0x1DE30] =	vst v63  }
0x2dc: {  	s18 =	simm.s32 $0x1AE30;
	s30 =	sld [smem:$0x7A6]  }
0x2dd: {  	[spmem:s2] =	stream.indirect.scatter.add.f32 [tilespmem:s18], [sflag:$0x2], $0x10, s29, s12, $0xb8;
	[tilespmem:$0x1DE30] =	vst v63  }
0x2de: {  	s16 =	simm.s32 $0x1B630;
	s29 =	sld [smem:$0x7A7]  }
0x2df: {  	[spmem:s2] =	stream.indirect.scatter.add.f32 [tilespmem:s16], [sflag:$0x2], $0x10, s30, s12, $0xb8;
	[tilespmem:$0x1DE30] =	vst v63  }
0x2e0: {  	s19 =	simm.s32 $0x1BE30;
	s30 =	sld [smem:$0x7A8]  }
0x2e1: {  	[spmem:s2] =	stream.indirect.scatter.add.f32 [tilespmem:s19], [sflag:$0x2], $0x10, s29, s12, $0xb8;
	[tilespmem:$0x1DE30] =	vst v63  }
0x2e2: {  	s1 =	simm.s32 $0x1C630;
	s29 =	sld [smem:$0x7A9]  }
0x2e3: {  	[spmem:s2] =	stream.indirect.scatter.add.f32 [tilespmem:s1], [sflag:$0x2], $0x10, s30, s12, $0xb8;
	[tilespmem:$0x1DE30] =	vst v63  }
0x2e4: {  	s23 =	simm.s32 $0x1CE30;
	s30 =	sld [smem:$0x7AA]  }
0x2e5: {  	[spmem:s2] =	stream.indirect.scatter.add.f32 [tilespmem:s23], [sflag:$0x2], $0x10, s29, s12, $0xb8;
	[tilespmem:$0x1DE30] =	vst v63  }
0x2e6: {  	s20 =	simm.s32 $0x1D630;
	s29 =	sld [smem:$0x7AB]  }
0x2e7: {  	[spmem:s2] =	stream.indirect.scatter.add.f32 [tilespmem:s20], [sflag:$0x2], $0x10, s30, s12, $0xb8;
	[tilespmem:$0x1DE30] =	vst v63  }
0x2e8: {  	s30 =	sld [smem:$0x7AC]  }
0x2e9: {  	[tilespmem:s31], [sflag:$0x1] =	stream.indirect.gather [spmem:s3], $0x10, s29, s12, $0xb8;
	[tilespmem:$0x1DE30] =	vst v63  }
0x2ea: {  	s23 =	simm.s32 $0xA630;
	s29 =	sld [smem:$0x7AD]  }
0x2eb: {  	[tilespmem:s23], [sflag:$0x1] =	stream.indirect.gather [spmem:s3], $0x10, s30, s12, $0xb8;
	[tilespmem:$0x1DE30] =	vst v63  }
0x2ec: {  	s15 =	simm.s32 $0xAE30;
	s30 =	sld [smem:$0x7AE]  }
0x2ed: {  	[tilespmem:s15], [sflag:$0x1] =	stream.indirect.gather [spmem:s3], $0x10, s29, s12, $0xb8;
	[tilespmem:$0x1DE30] =	vst v63  }
0x2ee: {  	s0 =	simm.s32 $0xB630;
	s29 =	sld [smem:$0x7AF]  }
0x2ef: {  	[tilespmem:s0], [sflag:$0x1] =	stream.indirect.gather [spmem:s3], $0x10, s30, s12, $0xb8;
	[tilespmem:$0x1DE30] =	vst v63  }
0x2f0: {  	s1 =	simm.s32 $0xBE30;
	s30 =	sld [smem:$0x7B0]  }
0x2f1: {  	[tilespmem:s1], [sflag:$0x1] =	stream.indirect.gather [spmem:s3], $0x10, s29, s12, $0xb8;
	[tilespmem:$0x1DE30] =	vst v63  }
0x2f2: {  	s4 =	simm.s32 $0xC630;
	s29 =	sld [smem:$0x7B1]  }
0x2f3: {  	[tilespmem:s4], [sflag:$0x1] =	stream.indirect.gather [spmem:s3], $0x10, s30, s12, $0xb8;
	[tilespmem:$0x1DE30] =	vst v63  }
0x2f4: {  	s5 =	simm.s32 $0xCE30;
	s30 =	sld [smem:$0x7B2]  }
0x2f5: {  	[tilespmem:s5], [sflag:$0x1] =	stream.indirect.gather [spmem:s3], $0x10, s29, s12, $0xb8;
	[tilespmem:$0x1DE30] =	vst v63  }
0x2f6: {  	s16 =	simm.s32 $0xD630;
	s29 =	sld [smem:$0x7B3]  }
0x2f7: {  	[tilespmem:s16], [sflag:$0x1] =	stream.indirect.gather [spmem:s3], $0x10, s30, s12, $0xb8;
	[tilespmem:$0x1DE30] =	vst v63  }
0x2f8: {  	s30 =	sld [smem:$0x7B4]  }
0x2f9: {  	[tilespmem:s24], [sflag:$0x1] =	stream.indirect.gather [spmem:s3], $0x10, s29, s12, $0xb8;
	[tilespmem:$0x1DE30] =	vst v63  }
0x2fa: {  	s29 =	sld [smem:$0x7B5]  }
0x2fb: {  	[tilespmem:s25], [sflag:$0x1] =	stream.indirect.gather [spmem:s3], $0x10, s30, s12, $0xb8;
	[tilespmem:$0x1DE30] =	vst v63  }
0x2fc: {  	s30 =	sld [smem:$0x7B6]  }
0x2fd: {  	[tilespmem:s26], [sflag:$0x1] =	stream.indirect.gather [spmem:s3], $0x10, s29, s12, $0xb8;
	[tilespmem:$0x1DE30] =	vst v63  }
0x2fe: {  	s6 =	simm.s32 $0xF630;
	s29 =	sld [smem:$0x7B7]  }
0x2ff: {  	[tilespmem:s6], [sflag:$0x1] =	stream.indirect.gather [spmem:s3], $0x10, s30, s12, $0xb8;
	[tilespmem:$0x1DE30] =	vst v63  }
0x300: {  	s7 =	simm.s32 $0xFE30;
	s30 =	sld [smem:$0x7B8]  }
0x301: {  	[tilespmem:s7], [sflag:$0x1] =	stream.indirect.gather [spmem:s3], $0x10, s29, s12, $0xb8;
	[tilespmem:$0x1DE30] =	vst v63  }
0x302: {  	s8 =	simm.s32 $0x10630;
	s29 =	sld [smem:$0x7B9]  }
0x303: {  	[tilespmem:s8], [sflag:$0x1] =	stream.indirect.gather [spmem:s3], $0x10, s30, s12, $0xb8;
	[tilespmem:$0x1DE30] =	vst v63  }
0x304: {  	s9 =	simm.s32 $0x10E30;
	s30 =	sld [smem:$0x7BA]  }
0x305: {  	[tilespmem:s9], [sflag:$0x1] =	stream.indirect.gather [spmem:s3], $0x10, s29, s12, $0xb8;
	[tilespmem:$0x1DE30] =	vst v63  }
0x306: {  	s10 =	simm.s32 $0x11630;
	s29 =	sld [smem:$0x7BB]  }
0x307: {  	[tilespmem:s10], [sflag:$0x1] =	stream.indirect.gather [spmem:s3], $0x10, s30, s12, $0xb8;
	[tilespmem:$0x1DE30] =	vst v63  }
0x308: {  	s11 =	simm.s32 $0x11E30;
	s30 =	sld [smem:$0x7BC]  }
0x309: {  	[tilespmem:s11], [sflag:$0x1] =	stream.indirect.gather [spmem:s3], $0x10, s29, s12, $0xb8;
	[tilespmem:$0x1DE30] =	vst v63  }
0x30a: {  	s13 =	simm.s32 $0x12630;
	s29 =	sld [smem:$0x7BD]  }
0x30b: {  	[tilespmem:s13], [sflag:$0x1] =	stream.indirect.gather [spmem:s3], $0x10, s30, s12, $0xb8;
	[tilespmem:$0x1DE30] =	vst v63  }
0x30c: {  	s14 =	simm.s32 $0x12E30;
	s30 =	sld [smem:$0x7BE]  }
0x30d: {  	[tilespmem:s14], [sflag:$0x1] =	stream.indirect.gather [spmem:s3], $0x10, s29, s12, $0xb8;
	[tilespmem:$0x1DE30] =	vst v63  }
0x30e: {  	s19 =	simm.s32 $0x13630  }
0x30f: {  	[tilespmem:s19], [sflag:$0x1] =	stream.indirect.gather [spmem:s3], $0x10, s30, s12, $0xb8;
	[tilespmem:$0x1DE30] =	vst v63  }
0x310: {  	_ =	swait.ge [sflag:s17], $0xA000  }
0x311: {  	[sflag:s17] =	ssyncset.done $0x0  }
0x312: {  	[sflag:s17] =	ssyncadd.s32 $0xFFFF6000  }
0x313: {  	_ =	swait.ge [sflag:s28], $0xA000  }
0x314: {  	s29 =	sld [smem:$0x7BF]  }
0x315: {  	[sflag:s28] =	ssyncset.done $0x0  }
0x316: {  	s30 =	sld [smem:$0x7C0];
	[sflag:s28] =	ssyncadd.s32 $0xFFFF6000  }
0x317: {  	[spmem:s2] =	stream.indirect.scatter.add.f32 [tilespmem:s31], [sflag:$0x2], $0x10, s29, s12, $0xb8;
	[tilespmem:$0x1DE30] =	vst v63  }
0x318: {  	s29 =	sld [smem:$0x7C1]  }
0x319: {  	[spmem:s2] =	stream.indirect.scatter.add.f32 [tilespmem:s23], [sflag:$0x2], $0x10, s30, s12, $0xb8;
	[tilespmem:$0x1DE30] =	vst v63  }
0x31a: {  	s30 =	sld [smem:$0x7C2]  }
0x31b: {  	[spmem:s2] =	stream.indirect.scatter.add.f32 [tilespmem:s15], [sflag:$0x2], $0x10, s29, s12, $0xb8;
	[tilespmem:$0x1DE30] =	vst v63  }
0x31c: {  	s29 =	sld [smem:$0x7C3]  }
0x31d: {  	[spmem:s2] =	stream.indirect.scatter.add.f32 [tilespmem:s0], [sflag:$0x2], $0x10, s30, s12, $0xb8;
	[tilespmem:$0x1DE30] =	vst v63  }
0x31e: {  	s30 =	sld [smem:$0x7C4]  }
0x31f: {  	[spmem:s2] =	stream.indirect.scatter.add.f32 [tilespmem:s1], [sflag:$0x2], $0x10, s29, s12, $0xb8;
	[tilespmem:$0x1DE30] =	vst v63  }
0x320: {  	s29 =	sld [smem:$0x7C5]  }
0x321: {  	[spmem:s2] =	stream.indirect.scatter.add.f32 [tilespmem:s4], [sflag:$0x2], $0x10, s30, s12, $0xb8;
	[tilespmem:$0x1DE30] =	vst v63  }
0x322: {  	s30 =	sld [smem:$0x7C6]  }
0x323: {  	[spmem:s2] =	stream.indirect.scatter.add.f32 [tilespmem:s5], [sflag:$0x2], $0x10, s29, s12, $0xb8;
	[tilespmem:$0x1DE30] =	vst v63  }
0x324: {  	s29 =	sld [smem:$0x7C7]  }
0x325: {  	[spmem:s2] =	stream.indirect.scatter.add.f32 [tilespmem:s16], [sflag:$0x2], $0x10, s30, s12, $0xb8;
	[tilespmem:$0x1DE30] =	vst v63  }
0x326: {  	s30 =	sld [smem:$0x7C8]  }
0x327: {  	[spmem:s2] =	stream.indirect.scatter.add.f32 [tilespmem:s24], [sflag:$0x2], $0x10, s29, s12, $0xb8;
	[tilespmem:$0x1DE30] =	vst v63  }
0x328: {  	s29 =	sld [smem:$0x7C9]  }
0x329: {  	[spmem:s2] =	stream.indirect.scatter.add.f32 [tilespmem:s25], [sflag:$0x2], $0x10, s30, s12, $0xb8;
	[tilespmem:$0x1DE30] =	vst v63  }
0x32a: {  	s30 =	sld [smem:$0x7CA]  }
0x32b: {  	[spmem:s2] =	stream.indirect.scatter.add.f32 [tilespmem:s26], [sflag:$0x2], $0x10, s29, s12, $0xb8;
	[tilespmem:$0x1DE30] =	vst v63  }
0x32c: {  	s29 =	sld [smem:$0x7CB]  }
0x32d: {  	[spmem:s2] =	stream.indirect.scatter.add.f32 [tilespmem:s6], [sflag:$0x2], $0x10, s30, s12, $0xb8;
	[tilespmem:$0x1DE30] =	vst v63  }
0x32e: {  	s30 =	sld [smem:$0x7CC]  }
0x32f: {  	[spmem:s2] =	stream.indirect.scatter.add.f32 [tilespmem:s7], [sflag:$0x2], $0x10, s29, s12, $0xb8;
	[tilespmem:$0x1DE30] =	vst v63  }
0x330: {  	s29 =	sld [smem:$0x7CD]  }
0x331: {  	[spmem:s2] =	stream.indirect.scatter.add.f32 [tilespmem:s8], [sflag:$0x2], $0x10, s30, s12, $0xb8;
	[tilespmem:$0x1DE30] =	vst v63  }
0x332: {  	s30 =	sld [smem:$0x7CE]  }
0x333: {  	[spmem:s2] =	stream.indirect.scatter.add.f32 [tilespmem:s9], [sflag:$0x2], $0x10, s29, s12, $0xb8;
	[tilespmem:$0x1DE30] =	vst v63  }
0x334: {  	s29 =	sld [smem:$0x7CF]  }
0x335: {  	[spmem:s2] =	stream.indirect.scatter.add.f32 [tilespmem:s10], [sflag:$0x2], $0x10, s30, s12, $0xb8;
	[tilespmem:$0x1DE30] =	vst v63  }
0x336: {  	s30 =	sld [smem:$0x7D0]  }
0x337: {  	[spmem:s2] =	stream.indirect.scatter.add.f32 [tilespmem:s11], [sflag:$0x2], $0x10, s29, s12, $0xb8;
	[tilespmem:$0x1DE30] =	vst v63  }
0x338: {  	s29 =	sld [smem:$0x7D1]  }
0x339: {  	[spmem:s2] =	stream.indirect.scatter.add.f32 [tilespmem:s13], [sflag:$0x2], $0x10, s30, s12, $0xb8;
	[tilespmem:$0x1DE30] =	vst v63  }
0x33a: {  	s30 =	sld [smem:$0x7D2]  }
0x33b: {  	[spmem:s2] =	stream.indirect.scatter.add.f32 [tilespmem:s14], [sflag:$0x2], $0x10, s29, s12, $0xb8;
	[tilespmem:$0x1DE30] =	vst v63  }
0x33c: {  	s29 =	sld [smem:$0x7D3]  }
0x33d: {  	[spmem:s2] =	stream.indirect.scatter.add.f32 [tilespmem:s19], [sflag:$0x2], $0x10, s30, s12, $0xb8;
	[tilespmem:$0x1DE30] =	vst v63  }
0x33e: {  	s16 =	simm.s32 $0x13E30;
	s30 =	sld [smem:$0x7D4]  }
0x33f: {  	[tilespmem:s16], [sflag:$0x1] =	stream.indirect.gather [spmem:s3], $0x10, s29, s12, $0xb8;
	[tilespmem:$0x1DE30] =	vst v63  }
0x340: {  	s4 =	simm.s32 $0x14630;
	s29 =	sld [smem:$0x7D5]  }
0x341: {  	[tilespmem:s4], [sflag:$0x1] =	stream.indirect.gather [spmem:s3], $0x10, s30, s12, $0xb8;
	[tilespmem:$0x1DE30] =	vst v63  }
0x342: {  	s21 =	simm.s32 $0x14E30;
	s30 =	sld [smem:$0x7D6]  }
0x343: {  	[tilespmem:s21], [sflag:$0x1] =	stream.indirect.gather [spmem:s3], $0x10, s29, s12, $0xb8;
	[tilespmem:$0x1DE30] =	vst v63  }
0x344: {  	s22 =	simm.s32 $0x15630;
	s29 =	sld [smem:$0x7D7]  }
0x345: {  	[tilespmem:s22], [sflag:$0x1] =	stream.indirect.gather [spmem:s3], $0x10, s30, s12, $0xb8;
	[tilespmem:$0x1DE30] =	vst v63  }
0x346: {  	s0 =	simm.s32 $0x15E30;
	s30 =	sld [smem:$0x7D8]  }
0x347: {  	[tilespmem:s0], [sflag:$0x1] =	stream.indirect.gather [spmem:s3], $0x10, s29, s12, $0xb8;
	[tilespmem:$0x1DE30] =	vst v63  }
0x348: {  	s8 =	simm.s32 $0x16630;
	s29 =	sld [smem:$0x7D9]  }
0x349: {  	[tilespmem:s8], [sflag:$0x1] =	stream.indirect.gather [spmem:s3], $0x10, s30, s12, $0xb8;
	[tilespmem:$0x1DE30] =	vst v63  }
0x34a: {  	s5 =	simm.s32 $0x16E30;
	s30 =	sld [smem:$0x7DA]  }
0x34b: {  	[tilespmem:s5], [sflag:$0x1] =	stream.indirect.gather [spmem:s3], $0x10, s29, s12, $0xb8;
	[tilespmem:$0x1DE30] =	vst v63  }
0x34c: {  	s7 =	simm.s32 $0x17630;
	s29 =	sld [smem:$0x7DB]  }
0x34d: {  	[tilespmem:s7], [sflag:$0x1] =	stream.indirect.gather [spmem:s3], $0x10, s30, s12, $0xb8;
	[tilespmem:$0x1DE30] =	vst v63  }
0x34e: {  	s6 =	simm.s32 $0x17E30;
	s30 =	sld [smem:$0x7DC]  }
0x34f: {  	[tilespmem:s6], [sflag:$0x1] =	stream.indirect.gather [spmem:s3], $0x10, s29, s12, $0xb8;
	[tilespmem:$0x1DE30] =	vst v63  }
0x350: {  	s10 =	simm.s32 $0x18630;
	s29 =	sld [smem:$0x7DD]  }
0x351: {  	[tilespmem:s10], [sflag:$0x1] =	stream.indirect.gather [spmem:s3], $0x10, s30, s12, $0xb8;
	[tilespmem:$0x1DE30] =	vst v63  }
0x352: {  	s9 =	simm.s32 $0x18E30;
	s30 =	sld [smem:$0x7DE]  }
0x353: {  	[tilespmem:s9], [sflag:$0x1] =	stream.indirect.gather [spmem:s3], $0x10, s29, s12, $0xb8;
	[tilespmem:$0x1DE30] =	vst v63  }
0x354: {  	s13 =	simm.s32 $0x19630;
	s29 =	sld [smem:$0x7DF]  }
0x355: {  	[tilespmem:s13], [sflag:$0x1] =	stream.indirect.gather [spmem:s3], $0x10, s30, s12, $0xb8;
	[tilespmem:$0x1DE30] =	vst v63  }
0x356: {  	s11 =	simm.s32 $0x19E30;
	s30 =	sld [smem:$0x7E0]  }
0x357: {  	[tilespmem:s11], [sflag:$0x1] =	stream.indirect.gather [spmem:s3], $0x10, s29, s12, $0xb8;
	[tilespmem:$0x1DE30] =	vst v63  }
0x358: {  	s15 =	simm.s32 $0x1A630;
	s29 =	sld [smem:$0x7E1]  }
0x359: {  	[tilespmem:s15], [sflag:$0x1] =	stream.indirect.gather [spmem:s3], $0x10, s30, s12, $0xb8;
	[tilespmem:$0x1DE30] =	vst v63  }
0x35a: {  	s14 =	simm.s32 $0x1AE30;
	s30 =	sld [smem:$0x7E2]  }
0x35b: {  	[tilespmem:s14], [sflag:$0x1] =	stream.indirect.gather [spmem:s3], $0x10, s29, s12, $0xb8;
	[tilespmem:$0x1DE30] =	vst v63  }
0x35c: {  	s16 =	simm.s32 $0x1B630;
	s29 =	sld [smem:$0x7E3]  }
0x35d: {  	[tilespmem:s16], [sflag:$0x1] =	stream.indirect.gather [spmem:s3], $0x10, s30, s12, $0xb8;
	[tilespmem:$0x1DE30] =	vst v63  }
0x35e: {  	s18 =	simm.s32 $0x1BE30;
	s30 =	sld [smem:$0x7E4]  }
0x35f: {  	[tilespmem:s18], [sflag:$0x1] =	stream.indirect.gather [spmem:s3], $0x10, s29, s12, $0xb8;
	[tilespmem:$0x1DE30] =	vst v63  }
0x360: {  	s1 =	simm.s32 $0x1C630;
	s29 =	sld [smem:$0x7E5]  }
0x361: {  	[tilespmem:s1], [sflag:$0x1] =	stream.indirect.gather [spmem:s3], $0x10, s30, s12, $0xb8;
	[tilespmem:$0x1DE30] =	vst v63  }
0x362: {  	s31 =	simm.s32 $0x1CE30;
	s30 =	sld [smem:$0x7E6]  }
0x363: {  	[tilespmem:s31], [sflag:$0x1] =	stream.indirect.gather [spmem:s3], $0x10, s29, s12, $0xb8;
	[tilespmem:$0x1DE30] =	vst v63  }
0x364: {  	_ = 	snop  }
0x365: {  	[tilespmem:s20], [sflag:$0x1] =	stream.indirect.gather [spmem:s3], $0x10, s30, s12, $0xb8;
	[tilespmem:$0x1DE30] =	vst v63  }
0x366: {  	_ =	swait.ge [sflag:s17], $0xA000  }
0x367: {  	[sflag:s17] =	ssyncset.done $0x0  }
0x368: {  	[sflag:s17] =	ssyncadd.s32 $0xFFFF6000  }
0x369: {  	_ =	swait.ge [sflag:s28], $0xA000  }
0x36a: {  	s29 =	sld [smem:$0x7E7]  }
0x36b: {  	[sflag:s28] =	ssyncset.done $0x0  }
0x36c: {  	s23 =	simm.s32 $0x13E30;
	s30 =	sld [smem:$0x7E8];
	[sflag:s28] =	ssyncadd.s32 $0xFFFF6000  }
0x36d: {  	[spmem:s2] =	stream.indirect.scatter.add.f32 [tilespmem:s23], [sflag:$0x2], $0x10, s29, s12, $0xb8;
	[tilespmem:$0x1DE30] =	vst v63  }
0x36e: {  	s29 =	sld [smem:$0x7E9]  }
0x36f: {  	[spmem:s2] =	stream.indirect.scatter.add.f32 [tilespmem:s4], [sflag:$0x2], $0x10, s30, s12, $0xb8;
	[tilespmem:$0x1DE30] =	vst v63  }
0x370: {  	s30 =	sld [smem:$0x7EA]  }
0x371: {  	[spmem:s2] =	stream.indirect.scatter.add.f32 [tilespmem:s21], [sflag:$0x2], $0x10, s29, s12, $0xb8;
	[tilespmem:$0x1DE30] =	vst v63  }
0x372: {  	s29 =	sld [smem:$0x7EB]  }
0x373: {  	[spmem:s2] =	stream.indirect.scatter.add.f32 [tilespmem:s22], [sflag:$0x2], $0x10, s30, s12, $0xb8;
	[tilespmem:$0x1DE30] =	vst v63  }
0x374: {  	s30 =	sld [smem:$0x7EC]  }
0x375: {  	[spmem:s2] =	stream.indirect.scatter.add.f32 [tilespmem:s0], [sflag:$0x2], $0x10, s29, s12, $0xb8;
	[tilespmem:$0x1DE30] =	vst v63  }
0x376: {  	s29 =	sld [smem:$0x7ED]  }
0x377: {  	[spmem:s2] =	stream.indirect.scatter.add.f32 [tilespmem:s8], [sflag:$0x2], $0x10, s30, s12, $0xb8;
	[tilespmem:$0x1DE30] =	vst v63  }
0x378: {  	s30 =	sld [smem:$0x7EE]  }
0x379: {  	[spmem:s2] =	stream.indirect.scatter.add.f32 [tilespmem:s5], [sflag:$0x2], $0x10, s29, s12, $0xb8;
	[tilespmem:$0x1DE30] =	vst v63  }
0x37a: {  	s29 =	sld [smem:$0x7EF]  }
0x37b: {  	[spmem:s2] =	stream.indirect.scatter.add.f32 [tilespmem:s7], [sflag:$0x2], $0x10, s30, s12, $0xb8;
	[tilespmem:$0x1DE30] =	vst v63  }
0x37c: {  	s30 =	sld [smem:$0x7F0]  }
0x37d: {  	[spmem:s2] =	stream.indirect.scatter.add.f32 [tilespmem:s6], [sflag:$0x2], $0x10, s29, s12, $0xb8;
	[tilespmem:$0x1DE30] =	vst v63  }
0x37e: {  	s29 =	sld [smem:$0x7F1]  }
0x37f: {  	[spmem:s2] =	stream.indirect.scatter.add.f32 [tilespmem:s10], [sflag:$0x2], $0x10, s30, s12, $0xb8;
	[tilespmem:$0x1DE30] =	vst v63  }
0x380: {  	s30 =	sld [smem:$0x7F2]  }
0x381: {  	[spmem:s2] =	stream.indirect.scatter.add.f32 [tilespmem:s9], [sflag:$0x2], $0x10, s29, s12, $0xb8;
	[tilespmem:$0x1DE30] =	vst v63  }
0x382: {  	s29 =	sld [smem:$0x7F3]  }
0x383: {  	[spmem:s2] =	stream.indirect.scatter.add.f32 [tilespmem:s13], [sflag:$0x2], $0x10, s30, s12, $0xb8;
	[tilespmem:$0x1DE30] =	vst v63  }
0x384: {  	s30 =	sld [smem:$0x7F4]  }
0x385: {  	[spmem:s2] =	stream.indirect.scatter.add.f32 [tilespmem:s11], [sflag:$0x2], $0x10, s29, s12, $0xb8;
	[tilespmem:$0x1DE30] =	vst v63  }
0x386: {  	s29 =	sld [smem:$0x7F5]  }
0x387: {  	[spmem:s2] =	stream.indirect.scatter.add.f32 [tilespmem:s15], [sflag:$0x2], $0x10, s30, s12, $0xb8;
	[tilespmem:$0x1DE30] =	vst v63  }
0x388: {  	s30 =	sld [smem:$0x7F6]  }
0x389: {  	[spmem:s2] =	stream.indirect.scatter.add.f32 [tilespmem:s14], [sflag:$0x2], $0x10, s29, s12, $0xb8;
	[tilespmem:$0x1DE30] =	vst v63  }
0x38a: {  	s29 =	sld [smem:$0x7F7]  }
0x38b: {  	[spmem:s2] =	stream.indirect.scatter.add.f32 [tilespmem:s16], [sflag:$0x2], $0x10, s30, s12, $0xb8;
	[tilespmem:$0x1DE30] =	vst v63  }
0x38c: {  	s30 =	sld [smem:$0x7F8]  }
0x38d: {  	[spmem:s2] =	stream.indirect.scatter.add.f32 [tilespmem:s18], [sflag:$0x2], $0x10, s29, s12, $0xb8;
	[tilespmem:$0x1DE30] =	vst v63  }
0x38e: {  	s29 =	sld [smem:$0x7F9]  }
0x38f: {  	[spmem:s2] =	stream.indirect.scatter.add.f32 [tilespmem:s1], [sflag:$0x2], $0x10, s30, s12, $0xb8;
	[tilespmem:$0x1DE30] =	vst v63  }
0x390: {  	s30 =	sld [smem:$0x7FA]  }
0x391: {  	[spmem:s2] =	stream.indirect.scatter.add.f32 [tilespmem:s31], [sflag:$0x2], $0x10, s29, s12, $0xb8;
	[tilespmem:$0x1DE30] =	vst v63  }
0x392: {  	_ = 	snop  }
0x393: {  	[spmem:s2] =	stream.indirect.scatter.add.f32 [tilespmem:s20], [sflag:$0x2], $0x10, s30, s12, $0xb8;
	[tilespmem:$0x1DE30] =	vst v63  }
0x394: {  	s0 =	sld [smem:$0x770];
	_ =	swait.ge [sflag:s17], $0xA000  }
.Ltmp1:
0x395: {  	[sflag:s17] =	ssyncset.done $0x0;
	(pc) =	sbr.rel @p0 .LBB2_2-.Ltmp1, $4  }
0x396: {  	[sflag:s17] =	ssyncadd.s32 $0xFFFF6000  }
0x397: {  	[bflag:$0x0] =	sbarrier.arrive $0xFFFF  }
0x398: {  	s29 =	sld [smem:$0x7FC]  }
0x399: {  	s30 =	sld [smem:$0x7FD]  }
.LBB2_3:
0x39a: {  	s0 =	sld [smem:$0x771];
	_ =	sdelay $0x2  }
0x39b: {  	[hbm:s29], [sflag:s0] =	dma.local [spmem:s30], $0x4E2  }
0x39c: {  	s30 =	simm.s32 $0x1  }
0x39d: {  	_ =	swait.ge [sflag:s30], $0x4E2  }
0x39e: {  	[sflag:s30] =	ssyncset.done $0x0  }
0x39f: {  	[sflag:s30] =	ssyncadd.s32 $0xFFFFFB1E  }
0x3a0: {  	_ =	sfence.sel $0x180000  }
0x3a1: {  	[bflag:$0x0] =	sbarrier.arrive $0xFFFF  }
0x3a2: {  	_ =	strace $0x9000004A  }
0x3a3: {  	s31 =	stileid.u32;
	[bflag:$0x2] =	sbarrier.arrive $0xFFFF  }
0x3a4: {  	p0 =	sne.s32 s31, $0x0;
	s0 =	rddreg [dreg:$0x3]  }
0x3a5: {  	s0 =	sadd.s32 @!p0 $0x100000, s0  }
0x3a6: {  	[sflag:s0] =	ssyncadd.tile.s32 @!p0 $0x1;
	_ =	shalt  }
.Lfunc_end2:
_tile_overlayer_lowered:
.L_overlay_start_2:
0x3a7: {  	(tag) =	ssettag $0x2  }
0x3a8: {  	s0 =	rddreg [dreg:$0x0];
	s2 =	stileid.u32  }
0x3a9: {  	s1 =	rddreg [dreg:$0x1];
	p0 =	sne.s32 s2, $0x0  }
0x3aa: {  	s3 =	rddreg [dreg:$0x2];
	[bflag:$0x3] =	sbarrier.arrive $0xFFFF;
	s2 =	simm.s32 @!p0 $0x1C01  }
0x3ab: {  	[timem:s3], [sflag:s2] =	dma.local @!p0 [hbm:s0], s1  }
0x3ac: {  	s0 =	simm.s32 @!p0 $0x1  }
0x3ad: {  	_ =	swait.ge @!p0 [sflag:s0], s1  }
0x3ae: {  	s1 =	ssub.s32 @!p0 $0x0, s1;
	[sflag:s0] =	ssyncset.done @!p0 $0x0  }
0x3af: {  	[sflag:s0] =	ssyncadd.s32 @!p0 s1  }
0x3b0: {  	[bflag:$0x3] =	sbarrier.arrive $0xFFFF  }
0x3b1: {  	_ =	shalt  }

// kernel: kernel.17.cloned.1.call-start
scs
__scs_entry_jumppad:
0x0: {  	(pc) =	sbr.rel $0x88, $3  }
0x1: {  	(tag) =	ssettag $0x0;
	lr =	simm.s32 $0x1  }
0x2: {  	[smem:$0x3F8F] =	sst lr;
	_ =	strace $0xD0000000  }
0x3: {  	_ = 	snop  }
0x4: {  	_ = 	snop  }
0x5: {  	_ = 	snop  }
0x6: {  	_ = 	snop  }
0x7: {  	_ = 	snop  }
__scs_overlays_trampoline_lowered:
0x8: {  	[smem:$0x3F9E] =	sst s0  }
0x9: {  	[smem:$0x3F9F] =	sst s1  }
0xa: {  	[smem:$0x3FA0] =	sst s2  }
0xb: {  	[smem:$0x3FA1] =	sst s3  }
0xc: {  	[smem:$0x3FA2] =	sst s4  }
0xd: {  	[smem:$0x3FA3] =	sst s5  }
0xe: {  	[smem:$0x3FA4] =	sst s6  }
0xf: {  	[smem:$0x3FA5] =	sst s7  }
0x10: {  	[smem:$0x3FA6] =	sst s8  }
0x11: {  	[smem:$0x3FA7] =	sst s9;
	s0 =	simm.s32 @!p0 $0x0  }
0x12: {  	s1 =	sld [smem:$0x3F8D];
	s0 =	simm.s32 @p0 $0x1  }
0x13: {  	[smem:$0x3FA8] =	sst s0;
	s0 =	simm.s32 @!p1 $0x0  }
0x14: {  	s2 =	sld [smem:$0x3F8C];
	s0 =	simm.s32 @p1 $0x1  }
0x15: {  	[smem:$0x3FA9] =	sst s0;
	s0 =	simm.s32 @!p2 $0x0  }
0x16: {  	s3 =	sld [smem:$0x3FDB];
	s0 =	simm.s32 @p2 $0x1  }
0x17: {  	s4 =	simm.s32 $0x1BF5;
	[smem:$0x3FAB] =	sst s0  }
0x18: {  	s0 =	sld [smem:$0x3F8E];
	_ =	swait.ge [sflag:s4], $0x0  }
0x19: {  	s7 =	sld [smem:$0x3F8F]  }
0x1a: {  	s8 =	sadd.s32 $0xFFFFE003, lr  }
0x1b: {  	s9 =	sadd.s32 $0xFFFFFEF7, lr;
	s5 =	simm.s32 $0xFFFFFFFF;
	p2 =	slt.u32 s8, $0xFFFFF086  }
0x1c: {  	p1 =	slt.u32 s9, $0xF7A;
	s5 =	simm.s32 @!p2 $0x0  }
0x1d: {  	s5 =	simm.s32 @p1 $0x1;
	p0 =	seq.s32 s7, s2  }
0x1e: {  	s7 =	smul.u32 @!p0 $0xF7A, s2;
	p2 =	seq.s32 @!p0 s5, $0x0  }
0x1f: {  	s9 =	smul.u32 $0xF7A, s1;
	s8 =	simm.s32 @!p0 $0x1BF5;
	p2 =	por !p2, p0  }
0x20: {  	[sflag:s8] =	ssyncset.s32 @!p0 $0xFFFFF086;
	s6 =	sadd.s32 @!p0 s3, s7;
	s7 =	simm.s32 @!p0 $0x108  }
0x21: {  	s3 =	sadd.s32 s3, s9;
	s6 =	sadd.s32 @!p0 $0x88, s6;
	s7 =	simm.s32 @p2 $0x1082  }
0x22: {  	[simem:s7], [sflag:s8] =	dma.local @!p0 [hbm:s6], $0xF7A  }
0x23: {  	s9 =	sor.u32 $0xD0000000, s2;
	s6 =	simm.s32 $0x108;
	_ =	swait.ge @!p0 [sflag:s8], $0x0  }
0x24: {  	s3 =	sadd.s32 $0x88, s3;
	s6 =	simm.s32 @!p1 $0x1082;
	[sflag:s4] =	ssyncset.s32 $0xFFFFF086  }
0x25: {  	[simem:s6], [sflag:s4] =	dma.local [hbm:s3], $0xF7A  }
0x26: {  	[smem:$0x3F8F] =	sst s1;
	(tag) =	ssettag s2;
	_ =	strace s9  }
0x27: {  	s1 =	sld [smem:$0x3F9F]  }
0x28: {  	s2 =	sld [smem:$0x3FA0]  }
0x29: {  	s4 =	sld [smem:$0x3FA2]  }
0x2a: {  	p0 =	seq.s32 s5, $0x0;
	s5 =	sld [smem:$0x3FA3]  }
0x2b: {  	s6 =	sld [smem:$0x3FA4]  }
0x2c: {  	s7 =	sld [smem:$0x3FA5]  }
0x2d: {  	s3 =	simm.s32 $0x108;
	s8 =	sld [smem:$0x3FA6]  }
0x2e: {  	s3 =	simm.s32 @!p0 $0x1082;
	s9 =	sld [smem:$0x3FA7]  }
0x2f: {  	lr =	sadd.s32 s0, s3;
	s0 =	sld [smem:$0x3F9E]  }
0x30: {  	s3 =	sld [smem:$0x3FA1]  }
0x31: {  	[smem:$0x3FAA] =	sst s10  }
0x32: {  	s10 =	sld [smem:$0x3FA8];
	_ =	sdelay $0x3  }
0x33: {  	p0 =	seq.s32 s10, $0x1;
	s10 =	sld [smem:$0x3FAA];
	_ =	sdelay $0x3  }
0x34: {  	[smem:$0x3FAA] =	sst s10  }
0x35: {  	s10 =	sld [smem:$0x3FA9];
	_ =	sdelay $0x3  }
0x36: {  	p1 =	seq.s32 s10, $0x1;
	s10 =	sld [smem:$0x3FAA];
	_ =	sdelay $0x3  }
0x37: {  	[smem:$0x3FAA] =	sst s10  }
0x38: {  	s10 =	sld [smem:$0x3FAB]  }
0x39: {  	_ = 	snop;
	(pc) =	sbr.ind lr, $3  }
0x3a: {  	_ = 	snop  }
0x3b: {  	_ = 	snop  }
0x3c: {  	p2 =	seq.s32 s10, $0x1;
	s10 =	sld [smem:$0x3FAA]  }
0x3d: {  	_ =	shalt  }
0x3e: {  	_ =	shalt  }
0x3f: {  	_ =	shalt  }
0x40: {  	_ =	shalt  }
0x41: {  	_ =	shalt  }
0x42: {  	_ =	shalt  }
0x43: {  	_ =	shalt  }
0x44: {  	_ =	shalt  }
0x45: {  	_ =	shalt  }
0x46: {  	_ =	shalt  }
0x47: {  	_ =	shalt  }
0x48: {  	_ =	shalt  }
0x49: {  	_ =	shalt  }
0x4a: {  	_ =	shalt  }
0x4b: {  	_ =	shalt  }
0x4c: {  	_ =	shalt  }
0x4d: {  	_ =	shalt  }
0x4e: {  	_ =	shalt  }
0x4f: {  	_ =	shalt  }
0x50: {  	_ =	shalt  }
0x51: {  	_ =	shalt  }
0x52: {  	_ =	shalt  }
0x53: {  	_ =	shalt  }
0x54: {  	_ =	shalt  }
0x55: {  	_ =	shalt  }
0x56: {  	_ =	shalt  }
0x57: {  	_ =	shalt  }
0x58: {  	_ =	shalt  }
0x59: {  	_ =	shalt  }
0x5a: {  	_ =	shalt  }
0x5b: {  	_ =	shalt  }
0x5c: {  	_ =	shalt  }
0x5d: {  	_ =	shalt  }
0x5e: {  	_ =	shalt  }
0x5f: {  	_ =	shalt  }
0x60: {  	_ =	shalt  }
0x61: {  	_ =	shalt  }
0x62: {  	_ =	shalt  }
0x63: {  	_ =	shalt  }
0x64: {  	_ =	shalt  }
0x65: {  	_ =	shalt  }
0x66: {  	_ =	shalt  }
0x67: {  	_ =	shalt  }
0x68: {  	_ =	shalt  }
0x69: {  	_ =	shalt  }
0x6a: {  	_ =	shalt  }
0x6b: {  	_ =	shalt  }
0x6c: {  	_ =	shalt  }
0x6d: {  	_ =	shalt  }
0x6e: {  	_ =	shalt  }
0x6f: {  	_ =	shalt  }
0x70: {  	_ =	shalt  }
0x71: {  	_ =	shalt  }
0x72: {  	_ =	shalt  }
0x73: {  	_ =	shalt  }
0x74: {  	_ =	shalt  }
0x75: {  	_ =	shalt  }
0x76: {  	_ =	shalt  }
0x77: {  	_ =	shalt  }
0x78: {  	_ =	shalt  }
0x79: {  	_ =	shalt  }
0x7a: {  	_ =	shalt  }
0x7b: {  	_ =	shalt  }
0x7c: {  	_ =	shalt  }
0x7d: {  	_ =	shalt  }
0x7e: {  	_ =	shalt  }
0x7f: {  	_ =	shalt  }
0x80: {  	_ =	shalt  }
0x81: {  	_ =	shalt  }
0x82: {  	_ =	shalt  }
0x83: {  	_ =	shalt  }
0x84: {  	_ =	shalt  }
0x85: {  	_ =	shalt  }
0x86: {  	_ =	shalt  }
0x87: {  	_ =	shalt  }
.Lfunc_end0:
.L_simem_size_0:
called_computation.2_lowered:
.L_overlay_start_0:
0x88: {  	s2 =	sld [smem:$0x3FD9]  }
0x89: {  	s3 =	sld [smem:$0x3FFE];
	_ =	sdelay $0x1  }
0x8a: {  	s1 =	srdreg.scid  }
0x8b: {  	s0 =	sand.u32 $0x1, s1  }
0x8c: {  	s16 =	sshll.u32 s0, $0xA;
	s2 =	sadd.s32 s3, s2  }
0x8d: {  	s2 =	sadd.s32 s2, s16  }
0x8e: {  	[smem:$0x3FB6] =	sst s2  }
0x8f: {  	_ = 	snop  }
0x90: {  	(tm) =	ssettm $0x1  }
0x91: {  	s17 =	sld [smem:$0x3FFB];
	_ =	sdelay $0x3  }
0x92: {  	_ =	strace s17  }
0x93: {  	s2 =	sld [smem:$0x3FFC];
	_ =	sdelay $0x3  }
0x94: {  	_ =	strace s2  }
0x95: {  	s2 =	sld [smem:$0x3FFD];
	_ =	sdelay $0x3  }
0x96: {  	_ =	strace s2  }
0x97: {  	_ =	strace $0x8FFFFFFF  }
0x98: {  	s18 =	sld [smem:$0x3FDB];
	_ =	sdelay $0x1  }
0x99: {  	s19 =	simm.s32 $_scs_section_size  }
0x9a: {  	s4 =	simm.s32 $_size__tile_overlayer_lowered;
	s5 =	simm.s32 $_tile_overlayer_lowered  }
0x9b: {  	s22 =	simm.s32 $0x1BFF;
	s21 =	sshll.u32 s5, $0x1;
	s2 =	sadd.s32 s19, s18  }
0x9c: {  	s6 =	simm.s32 $0x0;
	s20 =	sshll.u32 s4, $0x1;
	s4 =	sadd.s32 s21, s2  }
0x9d: {  	[timem:s6], [sflag:s22] =	dma.local [hbm:s4], s20  }
0x9e: {  	_ =	swait.ge [sflag:s22], s20  }
0x9f: {  	s3 =	ssub.s32 $0x0, s20;
	[sflag:s22] =	ssyncset.done $0x0  }
0xa0: {  	[sflag:s22] =	ssyncadd.s32 s3;
	_ =	sdelay $0x1  }
0xa1: {  	s23 =	simm.s32 $0x1B8B  }
0xa2: {  	_ =	swait.ge [sflag:s23], $0x1  }
0xa3: {  	[sflag:s23] =	ssyncset.done $0x0  }
0xa4: {  	s25 =	simm.s32 $0x1B8E;
	s24 =	sld [smem:$0x3FFE];
	[sflag:s23] =	ssyncadd.s32 $0xFFFFFFFF  }
0xa5: {  	s26 =	simm.s32 $execute0_lowered;
	[smem:$0x3FD2] =	sst s25  }
0xa6: {  	s4 =	sshll.u32 s26, $0x1;
	_ =	strace $0x8000004C;
	[dreg:$0x1] =	wrdreg $0xFFFFFFFF  }
0xa7: {  	s28 =	simm.s32 $_size_execute0_lowered;
	s2 =	sadd.s32 s2, s4;
	[dreg:$0x0] =	wrdreg $0x0  }
0xa8: {  	s4 =	sshll.u32 s28, $0x1;
	[dreg:$0x2] =	wrdreg s2  }
0xa9: {  	[dreg:$0x3] =	wrdreg s4  }
0xaa: {  	[dreg:$0x4] =	wrdreg $0xC0  }
0xab: {  	_ =	task [dreg:s6], $0x5FFFF  }
0xac: {  	[dreg:$0x1] =	wrdreg $0xFFFFFFFF  }
0xad: {  	[dreg:$0x0] =	wrdreg $0x60  }
0xae: {  	[dreg:$0x2] =	wrdreg s24  }
0xaf: {  	[dreg:$0x3] =	wrdreg $0x0  }
0xb0: {  	[dreg:$0x4] =	wrdreg $0x27200  }
0xb1: {  	[dreg:$0x5] =	wrdreg $0x9  }
0xb2: {  	_ =	task.clear_ibuf [dreg:s6], $0x6FFFF;
	_ =	strace $0x9000004C  }
0xb3: {  	s29 =	simm.s32 $0x9;
	_ =	strace $0x8000004E  }
0xb4: {  	_ =	swait.ge [sflag:s29], $0x1  }
0xb5: {  	[sflag:s29] =	ssyncadd.s32 $0xFFFFFFFF  }
0xb6: {  	_ =	strace $0x9000004E  }
0xb7: {  	_ =	sfence  }
0xb8: {  	s30 =	sld [smem:$0x0];
	_ =	sdelay $0x2  }
0xb9: {  	s31 =	sshll.u32 s1, $0xD;
	s1 =	sshrl.u32 s1, $0x2  }
0xba: {  	s3 =	sand.u32 $0x4000, s31;
	s1 =	sadd.s32 s1, s30  }
0xbb: {  	s0 =	sor.u32 s3, s0;
	s1 =	sshll.u32 s1, $0x11  }
0xbc: {  	s0 =	sor.u32 s1, s0  }
0xbd: {  	s0 =	sadd.s32 $0x8F2B, s0  }
0xbe: {  	[sflag:s0] =	ssyncadd.remote.s32 $0x1  }
0xbf: {  	_ =	sfence.sel $0xFFFF  }
0xc0: {  	[dreg:$0x0] =	wrdreg $0xFFFFFFFF;
	(pc) =	sbr.abs _section_cstart, $3  }
0xc1: {  	[dreg:$0x1] =	wrdreg $0xFFFFFFFF  }
0xc2: {  	_ =	task.clear_ibuf [dreg:s6], $0x2FFFF;
	_ =	strace $0x9FFFFFFF  }
0xc3: {  	(tm) =	ssettm $0x7FFFFFFF  }
tec
execute0_lowered:
.L_overlay_start_1:
0x0: {  	(tag) =	ssettag $0x1  }
0x1: {  	s0 =	rddreg [dreg:$0x0]  }
0x2: {  	s2 =	rddreg [dreg:$0x1]  }
0x3: {  	s3 =	rddreg [dreg:$0x2];
	s1 =	srdreg.scid;
	s10 =	simm.s32 $0x0  }
0x4: {  	s11 =	sand.u32 $0x1, s1;
	[smem:$0x7FF] =	sst s10  }
0x5: {  	s31 =	simm.s32 $0x4EB0;
	[smem:$0x7FB] =	sst s11  }
0x6: {  	s12 =	simm.s32 $0x50B0;
	_ =	strace $0x8000004D;
	[dreg:$0xb] =	wrdreg s31  }
0x7: {  	s13 =	simm.s32 $0x5130;
	[dreg:$0xf] =	wrdreg s12  }
0x8: {  	s9 =	stileid.u32;
	s14 =	simm.s32 $0x51B0;
	[dreg:$0x10] =	wrdreg s13  }
0x9: {  	s15 =	simm.s32 $0x5230;
	s16 =	simm.s32 $0x52B0;
	[dreg:$0x11] =	wrdreg s14  }
0xa: {  	s17 =	simm.s32 $0x5330;
	s18 =	simm.s32 $0x53B0;
	[dreg:$0x12] =	wrdreg s15  }
0xb: {  	s19 =	simm.s32 $0x5430;
	s20 =	simm.s32 $0x54B0;
	[dreg:$0x13] =	wrdreg s16  }
0xc: {  	s5 =	smul.u32 $0x2720, s9;
	s4 =	sshll.u32 s11, $0x4;
	[dreg:$0x14] =	wrdreg s17  }
0xd: {  	s1 =	smul.u32 $0x2710, s9;
	s6 =	sor.u32 s9, s4;
	[dreg:$0x15] =	wrdreg s18  }
0xe: {  	s7 =	sshrl.u32 s5, $0x3;
	s23 =	sadd.s32 s5, s2;
	[dreg:$0x16] =	wrdreg s19  }
0xf: {  	s5 =	sshll.u32 s9, $0x6;
	s9 =	simm.s32 $0x5030;
	[dreg:$0x17] =	wrdreg s20  }
0x10: {  	s4 =	sshrl.u32 s1, $0x3;
	s24 =	sshrl.u32 s23, $0x3;
	[dreg:$0xe] =	wrdreg s9  }
0x11: {  	s25 =	sadd.s32 s1, s3;
	s26 =	sor.u32 $0x1C02, s5;
	[dreg:$0x8] =	wrdreg s24  }
0x12: {  	s7 =	sadd.s32 s7, s0;
	s28 =	sshrl.u32 s25, $0x3;
	[dreg:$0x9] =	wrdreg s26  }
0x13: {  	s8 =	sadd.s32 s4, s0;
	s7 =	sadd.s32 $0xD600, s7;
	[dreg:$0xa] =	wrdreg s28  }
0x14: {  	s21 =	sadd.s32 $0x12600, s8;
	[dreg:$0x4] =	wrdreg s7  }
0x15: {  	s6 =	smul.u32 $0x500, s6;
	s8 =	simm.s32 $0x4FB0;
	[dreg:$0x5] =	wrdreg s21  }
0x16: {  	s7 =	simm.s32 $0x4F30;
	[dreg:$0xd] =	wrdreg s8  }
0x17: {  	s6 =	sadd.s32 s6, s0;
	s21 =	simm.s32 $0x5530;
	[dreg:$0xc] =	wrdreg s7  }
0x18: {  	s22 =	sadd.s32 $0x1C400, s6;
	[dreg:$0x18] =	wrdreg s21  }
0x19: {  	s6 =	sadd.s32 $0x3600, s6;
	[dreg:$0x6] =	wrdreg s22  }
0x1a: {  	[dreg:$0x7] =	wrdreg s6;
	s22 =	simm.s32 $0x55B0  }
0x1b: {  	s23 =	simm.s32 $0x5630;
	[dreg:$0x19] =	wrdreg s22  }
0x1c: {  	s24 =	simm.s32 $0x56B0;
	[dreg:$0x1a] =	wrdreg s23  }
0x1d: {  	s25 =	simm.s32 $0x5730;
	[dreg:$0x1b] =	wrdreg s24  }
0x1e: {  	s26 =	simm.s32 $0x57B0;
	[dreg:$0x1c] =	wrdreg s25  }
0x1f: {  	s28 =	simm.s32 $0x76B0;
	[dreg:$0x1d] =	wrdreg s26  }
0x20: {  	s31 =	simm.s32 $0x7730;
	[dreg:$0x1e] =	wrdreg s28  }
0x21: {  	s7 =	simm.s32 $0x77B0;
	[dreg:$0x1f] =	wrdreg s31  }
0x22: {  	s8 =	simm.s32 $0x7830;
	[smem:$0x772] =	sst s7  }
0x23: {  	s9 =	simm.s32 $0x78B0;
	[smem:$0x773] =	sst s8  }
0x24: {  	s12 =	simm.s32 $0x7930;
	[smem:$0x774] =	sst s9  }
0x25: {  	s13 =	simm.s32 $0x79B0;
	[smem:$0x775] =	sst s12  }
0x26: {  	s14 =	simm.s32 $0x7A30;
	[smem:$0x776] =	sst s13  }
0x27: {  	s15 =	simm.s32 $0x7AB0;
	[smem:$0x777] =	sst s14  }
0x28: {  	s16 =	simm.s32 $0x7B30;
	[smem:$0x778] =	sst s15  }
0x29: {  	s17 =	simm.s32 $0x7BB0;
	[smem:$0x779] =	sst s16  }
0x2a: {  	s18 =	simm.s32 $0x7C30;
	[smem:$0x77A] =	sst s17  }
0x2b: {  	s19 =	simm.s32 $0x7CB0;
	[smem:$0x77B] =	sst s18  }
0x2c: {  	s20 =	simm.s32 $0x7D30;
	[smem:$0x77C] =	sst s19  }
0x2d: {  	s1 =	sadd.s32 s1, s2;
	s21 =	simm.s32 $0x7DB0;
	[smem:$0x77D] =	sst s20  }
0x2e: {  	s1 =	sshrl.u32 s1, $0x3;
	[smem:$0x77E] =	sst s21  }
0x2f: {  	s5 =	sor.u32 $0x1C01, s5;
	[smem:$0x7FD] =	sst s1  }
0x30: {  	s22 =	simm.s32 $0x7E30;
	[smem:$0x771] =	sst s5  }
0x31: {  	s23 =	simm.s32 $0x7EB0;
	[smem:$0x77F] =	sst s22  }
0x32: {  	s24 =	simm.s32 $0x7F30;
	[smem:$0x780] =	sst s23  }
0x33: {  	s25 =	simm.s32 $0x7FB0;
	[smem:$0x781] =	sst s24  }
0x34: {  	s26 =	simm.s32 $0x5830;
	[smem:$0x782] =	sst s25  }
0x35: {  	s28 =	simm.s32 $0x58B0;
	[smem:$0x783] =	sst s26  }
0x36: {  	s31 =	simm.s32 $0x5930;
	[smem:$0x784] =	sst s28  }
0x37: {  	s7 =	simm.s32 $0x59B0;
	[smem:$0x785] =	sst s31  }
0x38: {  	s8 =	simm.s32 $0x5A30;
	[smem:$0x786] =	sst s7  }
0x39: {  	s9 =	simm.s32 $0x5AB0;
	[smem:$0x787] =	sst s8  }
0x3a: {  	s12 =	simm.s32 $0x5B30;
	[smem:$0x788] =	sst s9  }
0x3b: {  	s13 =	simm.s32 $0x5BB0;
	[smem:$0x789] =	sst s12  }
0x3c: {  	s14 =	simm.s32 $0x5C30;
	[smem:$0x78A] =	sst s13  }
0x3d: {  	s15 =	simm.s32 $0x5CB0;
	[smem:$0x78B] =	sst s14  }
0x3e: {  	s16 =	simm.s32 $0x5D30;
	[smem:$0x78C] =	sst s15  }
0x3f: {  	s17 =	simm.s32 $0x5DB0;
	[smem:$0x78D] =	sst s16  }
0x40: {  	s18 =	simm.s32 $0x5E30;
	[smem:$0x78E] =	sst s17  }
0x41: {  	s19 =	simm.s32 $0x5EB0;
	[smem:$0x78F] =	sst s18  }
0x42: {  	s20 =	simm.s32 $0x5F30;
	[smem:$0x790] =	sst s19  }
0x43: {  	s21 =	simm.s32 $0x5FB0;
	[smem:$0x791] =	sst s20  }
0x44: {  	[smem:$0x792] =	sst s21;
	s22 =	simm.s32 $0x6030  }
0x45: {  	s23 =	simm.s32 $0x60B0;
	[smem:$0x793] =	sst s22  }
0x46: {  	s24 =	simm.s32 $0x6130;
	[smem:$0x794] =	sst s23  }
0x47: {  	s25 =	simm.s32 $0x61B0;
	[smem:$0x795] =	sst s24  }
0x48: {  	s26 =	simm.s32 $0x8030;
	[smem:$0x796] =	sst s25  }
0x49: {  	s28 =	simm.s32 $0x80B0;
	[smem:$0x797] =	sst s26  }
0x4a: {  	s31 =	simm.s32 $0x8130;
	[smem:$0x798] =	sst s28  }
0x4b: {  	s7 =	simm.s32 $0x81B0;
	[smem:$0x799] =	sst s31  }
0x4c: {  	s8 =	simm.s32 $0x8230;
	[smem:$0x79A] =	sst s7  }
0x4d: {  	s9 =	simm.s32 $0x82B0;
	[smem:$0x79B] =	sst s8  }
0x4e: {  	s12 =	simm.s32 $0x8330;
	[smem:$0x79C] =	sst s9  }
0x4f: {  	s13 =	simm.s32 $0x83B0;
	[smem:$0x79D] =	sst s12  }
0x50: {  	s14 =	simm.s32 $0x8430;
	[smem:$0x79E] =	sst s13  }
0x51: {  	s15 =	simm.s32 $0x84B0;
	[smem:$0x79F] =	sst s14  }
0x52: {  	s16 =	simm.s32 $0x8530;
	[smem:$0x7A0] =	sst s15  }
0x53: {  	s17 =	simm.s32 $0x85B0;
	[smem:$0x7A1] =	sst s16  }
0x54: {  	s18 =	simm.s32 $0x8630;
	[smem:$0x7A2] =	sst s17  }
0x55: {  	s19 =	simm.s32 $0x86B0;
	[smem:$0x7A3] =	sst s18  }
0x56: {  	s20 =	simm.s32 $0x8730;
	[smem:$0x7A4] =	sst s19  }
0x57: {  	s21 =	simm.s32 $0x87B0;
	[smem:$0x7A5] =	sst s20  }
0x58: {  	[smem:$0x7A6] =	sst s21;
	s22 =	simm.s32 $0x8830  }
0x59: {  	s23 =	simm.s32 $0x88B0;
	[smem:$0x7A7] =	sst s22  }
0x5a: {  	s24 =	simm.s32 $0x8930;
	[smem:$0x7A8] =	sst s23  }
0x5b: {  	s25 =	simm.s32 $0x89B0;
	[smem:$0x7A9] =	sst s24  }
0x5c: {  	s26 =	simm.s32 $0x6230;
	[smem:$0x7AA] =	sst s25  }
0x5d: {  	s28 =	simm.s32 $0x62B0;
	[smem:$0x7AB] =	sst s26  }
0x5e: {  	s31 =	simm.s32 $0x6330;
	[smem:$0x7AC] =	sst s28  }
0x5f: {  	s7 =	simm.s32 $0x63B0;
	[smem:$0x7AD] =	sst s31  }
0x60: {  	s8 =	simm.s32 $0x6430;
	[smem:$0x7AE] =	sst s7  }
0x61: {  	s9 =	simm.s32 $0x64B0;
	[smem:$0x7AF] =	sst s8  }
0x62: {  	s12 =	simm.s32 $0x6530;
	[smem:$0x7B0] =	sst s9  }
0x63: {  	s13 =	simm.s32 $0x65B0;
	[smem:$0x7B1] =	sst s12  }
0x64: {  	s14 =	simm.s32 $0x6630;
	[smem:$0x7B2] =	sst s13  }
0x65: {  	s15 =	simm.s32 $0x66B0;
	[smem:$0x7B3] =	sst s14  }
0x66: {  	s16 =	simm.s32 $0x6730;
	[smem:$0x7B4] =	sst s15  }
0x67: {  	s17 =	simm.s32 $0x67B0;
	[smem:$0x7B5] =	sst s16  }
0x68: {  	s18 =	simm.s32 $0x6830;
	[smem:$0x7B6] =	sst s17  }
0x69: {  	s19 =	simm.s32 $0x68B0;
	[smem:$0x7B7] =	sst s18  }
0x6a: {  	s20 =	simm.s32 $0x6930;
	[smem:$0x7B8] =	sst s19  }
0x6b: {  	s21 =	simm.s32 $0x69B0;
	[smem:$0x7B9] =	sst s20  }
0x6c: {  	[smem:$0x7BA] =	sst s21;
	s22 =	simm.s32 $0x6A30  }
0x6d: {  	s23 =	simm.s32 $0x6AB0;
	[smem:$0x7BB] =	sst s22  }
0x6e: {  	s24 =	simm.s32 $0x6B30;
	[smem:$0x7BC] =	sst s23  }
0x6f: {  	s25 =	simm.s32 $0x6BB0;
	[smem:$0x7BD] =	sst s24  }
0x70: {  	s26 =	simm.s32 $0x8A30;
	[smem:$0x7BE] =	sst s25  }
0x71: {  	s28 =	simm.s32 $0x8AB0;
	[smem:$0x7BF] =	sst s26  }
0x72: {  	s31 =	simm.s32 $0x8B30;
	[smem:$0x7C0] =	sst s28  }
0x73: {  	s7 =	simm.s32 $0x8BB0;
	[smem:$0x7C1] =	sst s31  }
0x74: {  	s8 =	simm.s32 $0x8C30;
	[smem:$0x7C2] =	sst s7  }
0x75: {  	s9 =	simm.s32 $0x8CB0;
	[smem:$0x7C3] =	sst s8  }
0x76: {  	s12 =	simm.s32 $0x8D30;
	[smem:$0x7C4] =	sst s9  }
0x77: {  	s13 =	simm.s32 $0x8DB0;
	[smem:$0x7C5] =	sst s12  }
0x78: {  	s14 =	simm.s32 $0x8E30;
	[smem:$0x7C6] =	sst s13  }
0x79: {  	s15 =	simm.s32 $0x8EB0;
	[smem:$0x7C7] =	sst s14  }
0x7a: {  	s16 =	simm.s32 $0x8F30;
	[smem:$0x7C8] =	sst s15  }
0x7b: {  	s17 =	simm.s32 $0x8FB0;
	[smem:$0x7C9] =	sst s16  }
0x7c: {  	s18 =	simm.s32 $0x9030;
	[smem:$0x7CA] =	sst s17  }
0x7d: {  	s19 =	simm.s32 $0x90B0;
	[smem:$0x7CB] =	sst s18  }
0x7e: {  	s20 =	simm.s32 $0x9130;
	[smem:$0x7CC] =	sst s19  }
0x7f: {  	s21 =	simm.s32 $0x91B0;
	[smem:$0x7CD] =	sst s20  }
0x80: {  	[smem:$0x7CE] =	sst s21;
	s22 =	simm.s32 $0x9230  }
0x81: {  	s23 =	simm.s32 $0x92B0;
	[smem:$0x7CF] =	sst s22  }
0x82: {  	s24 =	simm.s32 $0x9330;
	[smem:$0x7D0] =	sst s23  }
0x83: {  	s25 =	simm.s32 $0x93B0;
	[smem:$0x7D1] =	sst s24  }
0x84: {  	s26 =	simm.s32 $0x6C30;
	[smem:$0x7D2] =	sst s25  }
0x85: {  	s28 =	simm.s32 $0x6CB0;
	[smem:$0x7D3] =	sst s26  }
0x86: {  	s31 =	simm.s32 $0x6D30;
	[smem:$0x7D4] =	sst s28  }
0x87: {  	s7 =	simm.s32 $0x6DB0;
	[smem:$0x7D5] =	sst s31  }
0x88: {  	s8 =	simm.s32 $0x6E30;
	[smem:$0x7D6] =	sst s7  }
0x89: {  	s9 =	simm.s32 $0x6EB0;
	[smem:$0x7D7] =	sst s8  }
0x8a: {  	s12 =	simm.s32 $0x6F30;
	[smem:$0x7D8] =	sst s9  }
0x8b: {  	s13 =	simm.s32 $0x6FB0;
	[smem:$0x7D9] =	sst s12  }
0x8c: {  	s14 =	simm.s32 $0x7030;
	[smem:$0x7DA] =	sst s13  }
0x8d: {  	s15 =	simm.s32 $0x70B0;
	[smem:$0x7DB] =	sst s14  }
0x8e: {  	s16 =	simm.s32 $0x7130;
	[smem:$0x7DC] =	sst s15  }
0x8f: {  	s17 =	simm.s32 $0x71B0;
	[smem:$0x7DD] =	sst s16  }
0x90: {  	s18 =	simm.s32 $0x7230;
	[smem:$0x7DE] =	sst s17  }
0x91: {  	s19 =	simm.s32 $0x72B0;
	[smem:$0x7DF] =	sst s18  }
0x92: {  	s20 =	simm.s32 $0x7330;
	[smem:$0x7E0] =	sst s19  }
0x93: {  	s21 =	simm.s32 $0x73B0;
	[smem:$0x7E1] =	sst s20  }
0x94: {  	[smem:$0x7E2] =	sst s21;
	s22 =	simm.s32 $0x7430  }
0x95: {  	s23 =	simm.s32 $0x74B0;
	[smem:$0x7E3] =	sst s22  }
0x96: {  	s24 =	simm.s32 $0x7530;
	[smem:$0x7E4] =	sst s23  }
0x97: {  	s25 =	simm.s32 $0x75B0;
	[smem:$0x7E5] =	sst s24  }
0x98: {  	s26 =	simm.s32 $0x9430;
	[smem:$0x7E6] =	sst s25  }
0x99: {  	s28 =	simm.s32 $0x94B0;
	[smem:$0x7E7] =	sst s26  }
0x9a: {  	s31 =	simm.s32 $0x9530;
	[smem:$0x7E8] =	sst s28  }
0x9b: {  	s7 =	simm.s32 $0x95B0;
	[smem:$0x7E9] =	sst s31  }
0x9c: {  	s8 =	simm.s32 $0x9630;
	[smem:$0x7EA] =	sst s7  }
0x9d: {  	s9 =	simm.s32 $0x96B0;
	[smem:$0x7EB] =	sst s8  }
0x9e: {  	s12 =	simm.s32 $0x9730;
	[smem:$0x7EC] =	sst s9  }
0x9f: {  	s13 =	simm.s32 $0x97B0;
	[smem:$0x7ED] =	sst s12  }
0xa0: {  	s14 =	simm.s32 $0x9830;
	[smem:$0x7EE] =	sst s13  }
0xa1: {  	s15 =	simm.s32 $0x98B0;
	[smem:$0x7EF] =	sst s14  }
0xa2: {  	s16 =	simm.s32 $0x9930;
	[smem:$0x7F0] =	sst s15  }
0xa3: {  	s17 =	simm.s32 $0x99B0;
	[smem:$0x7F1] =	sst s16  }
0xa4: {  	s18 =	simm.s32 $0x9A30;
	[smem:$0x7F2] =	sst s17  }
0xa5: {  	s19 =	simm.s32 $0x9AB0;
	[smem:$0x7F3] =	sst s18  }
0xa6: {  	s20 =	simm.s32 $0x9B30;
	[smem:$0x7F4] =	sst s19  }
0xa7: {  	s21 =	simm.s32 $0x9BB0;
	[smem:$0x7F5] =	sst s20  }
0xa8: {  	[smem:$0x7F6] =	sst s21  }
0xa9: {  	s28 =	rddreg [dreg:$0x4]  }
0xaa: {  	s22 =	simm.s32 $0x9C30;
	s24 =	smul.u32 $0x4E20, s11;
	s31 =	rddreg [dreg:$0x8]  }
0xab: {  	s23 =	simm.s32 $0x9CB0;
	[smem:$0x7F7] =	sst s22  }
0xac: {  	s25 =	simm.s32 $0x9D30;
	[smem:$0x7F8] =	sst s23;
	s0 =	sadd.s32 s24, s0  }
0xad: {  	s26 =	simm.s32 $0x9DB0;
	[smem:$0x7F9] =	sst s25;
	s0 =	sadd.s32 $0x26400, s0  }
0xae: {  	[smem:$0x7FA] =	sst s26;
	s0 =	sadd.s32 s4, s0  }
0xaf: {  	[smem:$0x7FC] =	sst s0  }
0xb0: {  	[spmem:s31], [sflag:s5] =	dma.local [hbm:s28], $0x4E4  }
0xb1: {  	s7 =	rddreg [dreg:$0xa]  }
0xb2: {  	s1 =	rddreg [dreg:$0x9]  }
0xb3: {  	s4 =	rddreg [dreg:$0x5]  }
0xb4: {  	[spmem:s7], [sflag:s1] =	dma.local [hbm:s4], $0x4E2  }
0xb5: {  	s8 =	simm.s32 $0x4E30;
	s0 =	rddreg [dreg:$0x6]  }
0xb6: {  	[tilespmem:s8], [sflag:$0x3] =	stream.linear.gather [hbm4b:s0+s10], $0x2800, $0x38;
	[tilespmem:$0x1DE30] =	vst v63  }
0xb7: {  	s26 =	simm.s32 $0x1;
	s5 =	simm.s32 $0x7630;
	s1 =	rddreg [dreg:$0x7]  }
0xb8: {  	[tilespmem:s5], [sflag:$0x4] =	stream.linear.gather [hbm4b:s1+s10], $0x2800, $0x38;
	[tilespmem:$0x1DE30] =	vst v63  }
0xb9: {  	_ =	swait.ge [sflag:s26], $0x4E4  }
0xba: {  	[sflag:s26] =	ssyncset.done $0x0  }
0xbb: {  	s30 =	simm.s32 $0x2;
	[sflag:s26] =	ssyncadd.s32 $0xFFFFFB1C  }
0xbc: {  	_ =	swait.ge [sflag:s30], $0x4E2  }
0xbd: {  	[sflag:s30] =	ssyncset.done $0x0  }
0xbe: {  	s9 =	simm.s32 $0x3;
	[sflag:s30] =	ssyncadd.s32 $0xFFFFFB1E  }
0xbf: {  	_ =	swait.ge [sflag:s9], $0x2800  }
0xc0: {  	[sflag:s9] =	ssyncset.done $0x0  }
0xc1: {  	s10 =	simm.s32 $0x4;
	[sflag:s9] =	ssyncadd.s32 $0xFFFFD800  }
0xc2: {  	_ =	swait.ge [sflag:s10], $0x2800  }
0xc3: {  	[sflag:s10] =	ssyncset.done $0x0  }
0xc4: {  	[sflag:s10] =	ssyncadd.s32 $0xFFFFD800  }
0xc5: {  	s12 =	simm.s32 $0x80;
	s11 =	simm.s32 $0x9E30;
	[bflag:$0x0] =	sbarrier.arrive $0xFFFF  }
0xc6: {  	[tilespmem:s11], [sflag:$0x1] =	stream.indirect.gather [spmem:s3], $0x10, s8, s12, $0xb8;
	[tilespmem:$0x1DE30] =	vst v63  }
0xc7: {  	s14 =	simm.s32 $0xA630;
	s13 =	rddreg [dreg:$0xb]  }
0xc8: {  	[tilespmem:s14], [sflag:$0x1] =	stream.indirect.gather [spmem:s3], $0x10, s13, s12, $0xb8;
	[tilespmem:$0x1DE30] =	vst v63  }
0xc9: {  	s16 =	simm.s32 $0xAE30;
	s15 =	rddreg [dreg:$0xc]  }
0xca: {  	[tilespmem:s16], [sflag:$0x1] =	stream.indirect.gather [spmem:s3], $0x10, s15, s12, $0xb8;
	[tilespmem:$0x1DE30] =	vst v63  }
0xcb: {  	s18 =	simm.s32 $0xB630;
	s17 =	rddreg [dreg:$0xd]  }
0xcc: {  	[tilespmem:s18], [sflag:$0x1] =	stream.indirect.gather [spmem:s3], $0x10, s17, s12, $0xb8;
	[tilespmem:$0x1DE30] =	vst v63  }
0xcd: {  	s20 =	simm.s32 $0xBE30;
	s19 =	rddreg [dreg:$0xe]  }
0xce: {  	[tilespmem:s20], [sflag:$0x1] =	stream.indirect.gather [spmem:s3], $0x10, s19, s12, $0xb8;
	[tilespmem:$0x1DE30] =	vst v63  }
0xcf: {  	s22 =	simm.s32 $0xC630;
	s21 =	rddreg [dreg:$0xf]  }
0xd0: {  	[tilespmem:s22], [sflag:$0x1] =	stream.indirect.gather [spmem:s3], $0x10, s21, s12, $0xb8;
	[tilespmem:$0x1DE30] =	vst v63  }
0xd1: {  	s24 =	simm.s32 $0xCE30;
	s23 =	rddreg [dreg:$0x10]  }
0xd2: {  	[tilespmem:s24], [sflag:$0x1] =	stream.indirect.gather [spmem:s3], $0x10, s23, s12, $0xb8;
	[tilespmem:$0x1DE30] =	vst v63  }
0xd3: {  	s28 =	simm.s32 $0xD630;
	s25 =	rddreg [dreg:$0x11]  }
0xd4: {  	[tilespmem:s28], [sflag:$0x1] =	stream.indirect.gather [spmem:s3], $0x10, s25, s12, $0xb8;
	[tilespmem:$0x1DE30] =	vst v63  }
0xd5: {  	s0 =	simm.s32 $0xDE30;
	s31 =	rddreg [dreg:$0x12]  }
0xd6: {  	[tilespmem:s0], [sflag:$0x1] =	stream.indirect.gather [spmem:s3], $0x10, s31, s12, $0xb8;
	[tilespmem:$0x1DE30] =	vst v63  }
0xd7: {  	s7 =	rddreg [dreg:$0x13];
	s8 =	simm.s32 $0xE630  }
0xd8: {  	[tilespmem:s8], [sflag:$0x1] =	stream.indirect.gather [spmem:s3], $0x10, s7, s12, $0xb8;
	[tilespmem:$0x1DE30] =	vst v63  }
0xd9: {  	s9 =	rddreg [dreg:$0x14];
	s20 =	simm.s32 $0xEE30  }
0xda: {  	[tilespmem:s20], [sflag:$0x1] =	stream.indirect.gather [spmem:s3], $0x10, s9, s12, $0xb8;
	[tilespmem:$0x1DE30] =	vst v63  }
0xdb: {  	s21 =	rddreg [dreg:$0x15];
	s22 =	simm.s32 $0xF630  }
0xdc: {  	[tilespmem:s22], [sflag:$0x1] =	stream.indirect.gather [spmem:s3], $0x10, s21, s12, $0xb8;
	[tilespmem:$0x1DE30] =	vst v63  }
0xdd: {  	s23 =	rddreg [dreg:$0x16];
	s24 =	simm.s32 $0xFE30  }
0xde: {  	[tilespmem:s24], [sflag:$0x1] =	stream.indirect.gather [spmem:s3], $0x10, s23, s12, $0xb8;
	[tilespmem:$0x1DE30] =	vst v63  }
0xdf: {  	s25 =	rddreg [dreg:$0x17];
	s28 =	simm.s32 $0x10630  }
0xe0: {  	[tilespmem:s28], [sflag:$0x1] =	stream.indirect.gather [spmem:s3], $0x10, s25, s12, $0xb8;
	[tilespmem:$0x1DE30] =	vst v63  }
0xe1: {  	s31 =	rddreg [dreg:$0x18];
	s0 =	simm.s32 $0x10E30  }
0xe2: {  	[tilespmem:s0], [sflag:$0x1] =	stream.indirect.gather [spmem:s3], $0x10, s31, s12, $0xb8;
	[tilespmem:$0x1DE30] =	vst v63  }
0xe3: {  	s7 =	rddreg [dreg:$0x19];
	s8 =	simm.s32 $0x11630  }
0xe4: {  	[tilespmem:s8], [sflag:$0x1] =	stream.indirect.gather [spmem:s3], $0x10, s7, s12, $0xb8;
	[tilespmem:$0x1DE30] =	vst v63  }
0xe5: {  	s9 =	rddreg [dreg:$0x1a];
	s28 =	simm.s32 $0x11E30  }
0xe6: {  	[tilespmem:s28], [sflag:$0x1] =	stream.indirect.gather [spmem:s3], $0x10, s9, s12, $0xb8;
	[tilespmem:$0x1DE30] =	vst v63  }
0xe7: {  	s1 =	simm.s32 $0x12630;
	s31 =	rddreg [dreg:$0x1b]  }
0xe8: {  	[tilespmem:s1], [sflag:$0x1] =	stream.indirect.gather [spmem:s3], $0x10, s31, s12, $0xb8;
	[tilespmem:$0x1DE30] =	vst v63  }
0xe9: {  	s7 =	rddreg [dreg:$0x1c];
	s8 =	simm.s32 $0x12E30  }
0xea: {  	[tilespmem:s8], [sflag:$0x1] =	stream.indirect.gather [spmem:s3], $0x10, s7, s12, $0xb8;
	[tilespmem:$0x1DE30] =	vst v63  }
0xeb: {  	s9 =	rddreg [dreg:$0x1d];
	s31 =	simm.s32 $0x13630  }
0xec: {  	[tilespmem:s31], [sflag:$0x1] =	stream.indirect.gather [spmem:s3], $0x10, s9, s12, $0xb8;
	[tilespmem:$0x1DE30] =	vst v63  }
0xed: {  	_ =	swait.ge [sflag:s26], $0xA000  }
0xee: {  	[sflag:s26] =	ssyncset.done $0x0  }
0xef: {  	s6 =	simm.s32 $0x9E30;
	s8 =	rddreg [dreg:$0x1e];
	[sflag:s26] =	ssyncadd.s32 $0xFFFF6000  }
0xf0: {  	[spmem:s2] =	stream.indirect.scatter.add.f32 [tilespmem:s6], [sflag:$0x2], $0x10, s5, s12, $0xb8;
	[tilespmem:$0x1DE30] =	vst v63  }
0xf1: {  	s10 =	simm.s32 $0xA630;
	s9 =	rddreg [dreg:$0x1f]  }
0xf2: {  	[spmem:s2] =	stream.indirect.scatter.add.f32 [tilespmem:s10], [sflag:$0x2], $0x10, s8, s12, $0xb8;
	[tilespmem:$0x1DE30] =	vst v63  }
0xf3: {  	s11 =	simm.s32 $0xAE30;
	s10 =	sld [smem:$0x772]  }
0xf4: {  	[spmem:s2] =	stream.indirect.scatter.add.f32 [tilespmem:s11], [sflag:$0x2], $0x10, s9, s12, $0xb8;
	[tilespmem:$0x1DE30] =	vst v63  }
0xf5: {  	s13 =	simm.s32 $0xB630;
	s11 =	sld [smem:$0x773]  }
0xf6: {  	[spmem:s2] =	stream.indirect.scatter.add.f32 [tilespmem:s13], [sflag:$0x2], $0x10, s10, s12, $0xb8;
	[tilespmem:$0x1DE30] =	vst v63  }
0xf7: {  	s14 =	simm.s32 $0xBE30;
	s13 =	sld [smem:$0x774]  }
0xf8: {  	[spmem:s2] =	stream.indirect.scatter.add.f32 [tilespmem:s14], [sflag:$0x2], $0x10, s11, s12, $0xb8;
	[tilespmem:$0x1DE30] =	vst v63  }
0xf9: {  	s15 =	simm.s32 $0xC630;
	s14 =	sld [smem:$0x775]  }
0xfa: {  	[spmem:s2] =	stream.indirect.scatter.add.f32 [tilespmem:s15], [sflag:$0x2], $0x10, s13, s12, $0xb8;
	[tilespmem:$0x1DE30] =	vst v63  }
0xfb: {  	s16 =	simm.s32 $0xCE30;
	s15 =	sld [smem:$0x776]  }
0xfc: {  	[spmem:s2] =	stream.indirect.scatter.add.f32 [tilespmem:s16], [sflag:$0x2], $0x10, s14, s12, $0xb8;
	[tilespmem:$0x1DE30] =	vst v63  }
0xfd: {  	s17 =	simm.s32 $0xD630;
	s16 =	sld [smem:$0x777]  }
0xfe: {  	[spmem:s2] =	stream.indirect.scatter.add.f32 [tilespmem:s17], [sflag:$0x2], $0x10, s15, s12, $0xb8;
	[tilespmem:$0x1DE30] =	vst v63  }
0xff: {  	s18 =	simm.s32 $0xDE30;
	s17 =	sld [smem:$0x778]  }
0x100: {  	[spmem:s2] =	stream.indirect.scatter.add.f32 [tilespmem:s18], [sflag:$0x2], $0x10, s16, s12, $0xb8;
	[tilespmem:$0x1DE30] =	vst v63  }
0x101: {  	s19 =	simm.s32 $0xE630;
	s18 =	sld [smem:$0x779]  }
0x102: {  	[spmem:s2] =	stream.indirect.scatter.add.f32 [tilespmem:s19], [sflag:$0x2], $0x10, s17, s12, $0xb8;
	[tilespmem:$0x1DE30] =	vst v63  }
0x103: {  	s20 =	simm.s32 $0xEE30;
	s19 =	sld [smem:$0x77A]  }
0x104: {  	[spmem:s2] =	stream.indirect.scatter.add.f32 [tilespmem:s20], [sflag:$0x2], $0x10, s18, s12, $0xb8;
	[tilespmem:$0x1DE30] =	vst v63  }
0x105: {  	s21 =	simm.s32 $0xF630;
	s20 =	sld [smem:$0x77B]  }
0x106: {  	[spmem:s2] =	stream.indirect.scatter.add.f32 [tilespmem:s21], [sflag:$0x2], $0x10, s19, s12, $0xb8;
	[tilespmem:$0x1DE30] =	vst v63  }
0x107: {  	s22 =	simm.s32 $0xFE30;
	s21 =	sld [smem:$0x77C]  }
0x108: {  	[spmem:s2] =	stream.indirect.scatter.add.f32 [tilespmem:s22], [sflag:$0x2], $0x10, s20, s12, $0xb8;
	[tilespmem:$0x1DE30] =	vst v63  }
0x109: {  	s23 =	simm.s32 $0x10630;
	s22 =	sld [smem:$0x77D]  }
0x10a: {  	[spmem:s2] =	stream.indirect.scatter.add.f32 [tilespmem:s23], [sflag:$0x2], $0x10, s21, s12, $0xb8;
	[tilespmem:$0x1DE30] =	vst v63  }
0x10b: {  	s24 =	simm.s32 $0x10E30;
	s23 =	sld [smem:$0x77E]  }
0x10c: {  	[spmem:s2] =	stream.indirect.scatter.add.f32 [tilespmem:s24], [sflag:$0x2], $0x10, s22, s12, $0xb8;
	[tilespmem:$0x1DE30] =	vst v63  }
0x10d: {  	s25 =	simm.s32 $0x11630;
	s24 =	sld [smem:$0x77F]  }
0x10e: {  	[spmem:s2] =	stream.indirect.scatter.add.f32 [tilespmem:s25], [sflag:$0x2], $0x10, s23, s12, $0xb8;
	[tilespmem:$0x1DE30] =	vst v63  }
0x10f: {  	s28 =	simm.s32 $0x11E30;
	s25 =	sld [smem:$0x780]  }
0x110: {  	[spmem:s2] =	stream.indirect.scatter.add.f32 [tilespmem:s28], [sflag:$0x2], $0x10, s24, s12, $0xb8;
	[tilespmem:$0x1DE30] =	vst v63  }
0x111: {  	s0 =	simm.s32 $0x12630;
	s31 =	sld [smem:$0x781]  }
0x112: {  	[spmem:s2] =	stream.indirect.scatter.add.f32 [tilespmem:s0], [sflag:$0x2], $0x10, s25, s12, $0xb8;
	[tilespmem:$0x1DE30] =	vst v63  }
0x113: {  	s1 =	simm.s32 $0x12E30;
	s0 =	sld [smem:$0x782]  }
0x114: {  	[spmem:s2] =	stream.indirect.scatter.add.f32 [tilespmem:s1], [sflag:$0x2], $0x10, s31, s12, $0xb8;
	[tilespmem:$0x1DE30] =	vst v63  }
0x115: {  	s7 =	simm.s32 $0x13630;
	s1 =	sld [smem:$0x783]  }
0x116: {  	[spmem:s2] =	stream.indirect.scatter.add.f32 [tilespmem:s7], [sflag:$0x2], $0x10, s0, s12, $0xb8;
	[tilespmem:$0x1DE30] =	vst v63  }
0x117: {  	s6 =	simm.s32 $0x13E30;
	s7 =	sld [smem:$0x784]  }
0x118: {  	[tilespmem:s6], [sflag:$0x1] =	stream.indirect.gather [spmem:s3], $0x10, s1, s12, $0xb8;
	[tilespmem:$0x1DE30] =	vst v63  }
0x119: {  	s8 =	simm.s32 $0x14630;
	s9 =	sld [smem:$0x785]  }
0x11a: {  	[tilespmem:s8], [sflag:$0x1] =	stream.indirect.gather [spmem:s3], $0x10, s7, s12, $0xb8;
	[tilespmem:$0x1DE30] =	vst v63  }
0x11b: {  	s10 =	simm.s32 $0x14E30;
	s11 =	sld [smem:$0x786]  }
0x11c: {  	[tilespmem:s10], [sflag:$0x1] =	stream.indirect.gather [spmem:s3], $0x10, s9, s12, $0xb8;
	[tilespmem:$0x1DE30] =	vst v63  }
0x11d: {  	s13 =	simm.s32 $0x15630;
	s14 =	sld [smem:$0x787]  }
0x11e: {  	[tilespmem:s13], [sflag:$0x1] =	stream.indirect.gather [spmem:s3], $0x10, s11, s12, $0xb8;
	[tilespmem:$0x1DE30] =	vst v63  }
0x11f: {  	s15 =	simm.s32 $0x15E30;
	s16 =	sld [smem:$0x788]  }
0x120: {  	[tilespmem:s15], [sflag:$0x1] =	stream.indirect.gather [spmem:s3], $0x10, s14, s12, $0xb8;
	[tilespmem:$0x1DE30] =	vst v63  }
0x121: {  	s17 =	simm.s32 $0x16630;
	s18 =	sld [smem:$0x789]  }
0x122: {  	[tilespmem:s17], [sflag:$0x1] =	stream.indirect.gather [spmem:s3], $0x10, s16, s12, $0xb8;
	[tilespmem:$0x1DE30] =	vst v63  }
0x123: {  	s19 =	simm.s32 $0x16E30;
	s20 =	sld [smem:$0x78A]  }
0x124: {  	[tilespmem:s19], [sflag:$0x1] =	stream.indirect.gather [spmem:s3], $0x10, s18, s12, $0xb8;
	[tilespmem:$0x1DE30] =	vst v63  }
0x125: {  	s21 =	simm.s32 $0x17630;
	s22 =	sld [smem:$0x78B]  }
0x126: {  	[tilespmem:s21], [sflag:$0x1] =	stream.indirect.gather [spmem:s3], $0x10, s20, s12, $0xb8;
	[tilespmem:$0x1DE30] =	vst v63  }
0x127: {  	s23 =	simm.s32 $0x17E30;
	s24 =	sld [smem:$0x78C]  }
0x128: {  	[tilespmem:s23], [sflag:$0x1] =	stream.indirect.gather [spmem:s3], $0x10, s22, s12, $0xb8;
	[tilespmem:$0x1DE30] =	vst v63  }
0x129: {  	s28 =	sld [smem:$0x78D];
	s25 =	simm.s32 $0x18630  }
0x12a: {  	[tilespmem:s25], [sflag:$0x1] =	stream.indirect.gather [spmem:s3], $0x10, s24, s12, $0xb8;
	[tilespmem:$0x1DE30] =	vst v63  }
0x12b: {  	s31 =	simm.s32 $0x18E30;
	s14 =	sld [smem:$0x78E]  }
0x12c: {  	[tilespmem:s31], [sflag:$0x1] =	stream.indirect.gather [spmem:s3], $0x10, s28, s12, $0xb8;
	[tilespmem:$0x1DE30] =	vst v63  }
0x12d: {  	s15 =	simm.s32 $0x19630;
	s16 =	sld [smem:$0x78F]  }
0x12e: {  	[tilespmem:s15], [sflag:$0x1] =	stream.indirect.gather [spmem:s3], $0x10, s14, s12, $0xb8;
	[tilespmem:$0x1DE30] =	vst v63  }
0x12f: {  	s17 =	simm.s32 $0x19E30;
	s18 =	sld [smem:$0x790]  }
0x130: {  	[tilespmem:s17], [sflag:$0x1] =	stream.indirect.gather [spmem:s3], $0x10, s16, s12, $0xb8;
	[tilespmem:$0x1DE30] =	vst v63  }
0x131: {  	s21 =	simm.s32 $0x1A630;
	s22 =	sld [smem:$0x791]  }
0x132: {  	[tilespmem:s21], [sflag:$0x1] =	stream.indirect.gather [spmem:s3], $0x10, s18, s12, $0xb8;
	[tilespmem:$0x1DE30] =	vst v63  }
0x133: {  	s23 =	simm.s32 $0x1AE30;
	s24 =	sld [smem:$0x792]  }
0x134: {  	[tilespmem:s23], [sflag:$0x1] =	stream.indirect.gather [spmem:s3], $0x10, s22, s12, $0xb8;
	[tilespmem:$0x1DE30] =	vst v63  }
0x135: {  	s25 =	simm.s32 $0x1B630;
	s28 =	sld [smem:$0x793]  }
0x136: {  	[tilespmem:s25], [sflag:$0x1] =	stream.indirect.gather [spmem:s3], $0x10, s24, s12, $0xb8;
	[tilespmem:$0x1DE30] =	vst v63  }
0x137: {  	s19 =	sld [smem:$0x794];
	s31 =	simm.s32 $0x1BE30  }
0x138: {  	[tilespmem:s31], [sflag:$0x1] =	stream.indirect.gather [spmem:s3], $0x10, s28, s12, $0xb8;
	[tilespmem:$0x1DE30] =	vst v63  }
0x139: {  	s20 =	sld [smem:$0x795];
	s23 =	simm.s32 $0x1C630  }
0x13a: {  	[tilespmem:s23], [sflag:$0x1] =	stream.indirect.gather [spmem:s3], $0x10, s19, s12, $0xb8;
	[tilespmem:$0x1DE30] =	vst v63  }
0x13b: {  	s21 =	sld [smem:$0x796];
	s24 =	simm.s32 $0x1CE30  }
0x13c: {  	[tilespmem:s24], [sflag:$0x1] =	stream.indirect.gather [spmem:s3], $0x10, s20, s12, $0xb8;
	[tilespmem:$0x1DE30] =	vst v63  }
0x13d: {  	s25 =	simm.s32 $0x1D630  }
0x13e: {  	[tilespmem:s25], [sflag:$0x1] =	stream.indirect.gather [spmem:s3], $0x10, s21, s12, $0xb8;
	[tilespmem:$0x1DE30] =	vst v63  }
0x13f: {  	_ =	swait.ge [sflag:s30], $0xA000  }
0x140: {  	[sflag:s30] =	ssyncset.done $0x0  }
0x141: {  	[sflag:s30] =	ssyncadd.s32 $0xFFFF6000  }
0x142: {  	_ =	swait.ge [sflag:s26], $0xA000  }
0x143: {  	s22 =	sld [smem:$0x797]  }
0x144: {  	[sflag:s26] =	ssyncset.done $0x0  }
0x145: {  	s1 =	simm.s32 $0x13E30;
	s29 =	sld [smem:$0x798];
	[sflag:s26] =	ssyncadd.s32 $0xFFFF6000  }
0x146: {  	[spmem:s2] =	stream.indirect.scatter.add.f32 [tilespmem:s1], [sflag:$0x2], $0x10, s22, s12, $0xb8;
	[tilespmem:$0x1DE30] =	vst v63  }
0x147: {  	s0 =	simm.s32 $0x14630;
	s1 =	sld [smem:$0x799]  }
0x148: {  	[spmem:s2] =	stream.indirect.scatter.add.f32 [tilespmem:s0], [sflag:$0x2], $0x10, s29, s12, $0xb8;
	[tilespmem:$0x1DE30] =	vst v63  }
0x149: {  	s4 =	simm.s32 $0x14E30;
	s29 =	sld [smem:$0x79A]  }
0x14a: {  	[spmem:s2] =	stream.indirect.scatter.add.f32 [tilespmem:s4], [sflag:$0x2], $0x10, s1, s12, $0xb8;
	[tilespmem:$0x1DE30] =	vst v63  }
0x14b: {  	s6 =	simm.s32 $0x15630;
	s4 =	sld [smem:$0x79B]  }
0x14c: {  	[spmem:s2] =	stream.indirect.scatter.add.f32 [tilespmem:s6], [sflag:$0x2], $0x10, s29, s12, $0xb8;
	[tilespmem:$0x1DE30] =	vst v63  }
0x14d: {  	s5 =	simm.s32 $0x15E30;
	s29 =	sld [smem:$0x79C]  }
0x14e: {  	[spmem:s2] =	stream.indirect.scatter.add.f32 [tilespmem:s5], [sflag:$0x2], $0x10, s4, s12, $0xb8;
	[tilespmem:$0x1DE30] =	vst v63  }
0x14f: {  	s7 =	simm.s32 $0x16630;
	s5 =	sld [smem:$0x79D]  }
0x150: {  	[spmem:s2] =	stream.indirect.scatter.add.f32 [tilespmem:s7], [sflag:$0x2], $0x10, s29, s12, $0xb8;
	[tilespmem:$0x1DE30] =	vst v63  }
0x151: {  	s8 =	simm.s32 $0x16E30;
	s29 =	sld [smem:$0x79E]  }
0x152: {  	[spmem:s2] =	stream.indirect.scatter.add.f32 [tilespmem:s8], [sflag:$0x2], $0x10, s5, s12, $0xb8;
	[tilespmem:$0x1DE30] =	vst v63  }
0x153: {  	s9 =	simm.s32 $0x17630;
	s6 =	sld [smem:$0x79F]  }
0x154: {  	[spmem:s2] =	stream.indirect.scatter.add.f32 [tilespmem:s9], [sflag:$0x2], $0x10, s29, s12, $0xb8;
	[tilespmem:$0x1DE30] =	vst v63  }
0x155: {  	s10 =	simm.s32 $0x17E30;
	s29 =	sld [smem:$0x7A0]  }
0x156: {  	[spmem:s2] =	stream.indirect.scatter.add.f32 [tilespmem:s10], [sflag:$0x2], $0x10, s6, s12, $0xb8;
	[tilespmem:$0x1DE30] =	vst v63  }
0x157: {  	s11 =	simm.s32 $0x18630;
	s7 =	sld [smem:$0x7A1]  }
0x158: {  	[spmem:s2] =	stream.indirect.scatter.add.f32 [tilespmem:s11], [sflag:$0x2], $0x10, s29, s12, $0xb8;
	[tilespmem:$0x1DE30] =	vst v63  }
0x159: {  	s13 =	simm.s32 $0x18E30;
	s29 =	sld [smem:$0x7A2]  }
0x15a: {  	[spmem:s2] =	stream.indirect.scatter.add.f32 [tilespmem:s13], [sflag:$0x2], $0x10, s7, s12, $0xb8;
	[tilespmem:$0x1DE30] =	vst v63  }
0x15b: {  	s14 =	simm.s32 $0x19630;
	s8 =	sld [smem:$0x7A3]  }
0x15c: {  	[spmem:s2] =	stream.indirect.scatter.add.f32 [tilespmem:s14], [sflag:$0x2], $0x10, s29, s12, $0xb8;
	[tilespmem:$0x1DE30] =	vst v63  }
0x15d: {  	s15 =	simm.s32 $0x19E30;
	s29 =	sld [smem:$0x7A4]  }
0x15e: {  	[spmem:s2] =	stream.indirect.scatter.add.f32 [tilespmem:s15], [sflag:$0x2], $0x10, s8, s12, $0xb8;
	[tilespmem:$0x1DE30] =	vst v63  }
0x15f: {  	s16 =	simm.s32 $0x1A630;
	s9 =	sld [smem:$0x7A5]  }
0x160: {  	[spmem:s2] =	stream.indirect.scatter.add.f32 [tilespmem:s16], [sflag:$0x2], $0x10, s29, s12, $0xb8;
	[tilespmem:$0x1DE30] =	vst v63  }
0x161: {  	s17 =	simm.s32 $0x1AE30;
	s29 =	sld [smem:$0x7A6]  }
0x162: {  	[spmem:s2] =	stream.indirect.scatter.add.f32 [tilespmem:s17], [sflag:$0x2], $0x10, s9, s12, $0xb8;
	[tilespmem:$0x1DE30] =	vst v63  }
0x163: {  	s18 =	simm.s32 $0x1B630;
	s10 =	sld [smem:$0x7A7]  }
0x164: {  	[spmem:s2] =	stream.indirect.scatter.add.f32 [tilespmem:s18], [sflag:$0x2], $0x10, s29, s12, $0xb8;
	[tilespmem:$0x1DE30] =	vst v63  }
0x165: {  	s29 =	sld [smem:$0x7A8]  }
0x166: {  	[spmem:s2] =	stream.indirect.scatter.add.f32 [tilespmem:s31], [sflag:$0x2], $0x10, s10, s12, $0xb8;
	[tilespmem:$0x1DE30] =	vst v63  }
0x167: {  	s11 =	sld [smem:$0x7A9]  }
0x168: {  	[spmem:s2] =	stream.indirect.scatter.add.f32 [tilespmem:s23], [sflag:$0x2], $0x10, s29, s12, $0xb8;
	[tilespmem:$0x1DE30] =	vst v63  }
0x169: {  	s29 =	sld [smem:$0x7AA]  }
0x16a: {  	[spmem:s2] =	stream.indirect.scatter.add.f32 [tilespmem:s24], [sflag:$0x2], $0x10, s11, s12, $0xb8;
	[tilespmem:$0x1DE30] =	vst v63  }
0x16b: {  	s13 =	sld [smem:$0x7AB]  }
0x16c: {  	[spmem:s2] =	stream.indirect.scatter.add.f32 [tilespmem:s25], [sflag:$0x2], $0x10, s29, s12, $0xb8;
	[tilespmem:$0x1DE30] =	vst v63  }
0x16d: {  	s0 =	simm.s32 $0x9E30;
	s29 =	sld [smem:$0x7AC]  }
0x16e: {  	[tilespmem:s0], [sflag:$0x1] =	stream.indirect.gather [spmem:s3], $0x10, s13, s12, $0xb8;
	[tilespmem:$0x1DE30] =	vst v63  }
0x16f: {  	s1 =	simm.s32 $0xA630;
	s14 =	sld [smem:$0x7AD]  }
0x170: {  	[tilespmem:s1], [sflag:$0x1] =	stream.indirect.gather [spmem:s3], $0x10, s29, s12, $0xb8;
	[tilespmem:$0x1DE30] =	vst v63  }
0x171: {  	s4 =	simm.s32 $0xAE30;
	s29 =	sld [smem:$0x7AE]  }
0x172: {  	[tilespmem:s4], [sflag:$0x1] =	stream.indirect.gather [spmem:s3], $0x10, s14, s12, $0xb8;
	[tilespmem:$0x1DE30] =	vst v63  }
0x173: {  	s5 =	simm.s32 $0xB630;
	s15 =	sld [smem:$0x7AF]  }
0x174: {  	[tilespmem:s5], [sflag:$0x1] =	stream.indirect.gather [spmem:s3], $0x10, s29, s12, $0xb8;
	[tilespmem:$0x1DE30] =	vst v63  }
0x175: {  	s6 =	simm.s32 $0xBE30;
	s29 =	sld [smem:$0x7B0]  }
0x176: {  	[tilespmem:s6], [sflag:$0x1] =	stream.indirect.gather [spmem:s3], $0x10, s15, s12, $0xb8;
	[tilespmem:$0x1DE30] =	vst v63  }
0x177: {  	s7 =	simm.s32 $0xC630;
	s16 =	sld [smem:$0x7B1]  }
0x178: {  	[tilespmem:s7], [sflag:$0x1] =	stream.indirect.gather [spmem:s3], $0x10, s29, s12, $0xb8;
	[tilespmem:$0x1DE30] =	vst v63  }
0x179: {  	s8 =	simm.s32 $0xCE30;
	s29 =	sld [smem:$0x7B2]  }
0x17a: {  	[tilespmem:s8], [sflag:$0x1] =	stream.indirect.gather [spmem:s3], $0x10, s16, s12, $0xb8;
	[tilespmem:$0x1DE30] =	vst v63  }
0x17b: {  	s17 =	sld [smem:$0x7B3];
	s9 =	simm.s32 $0xD630  }
0x17c: {  	[tilespmem:s9], [sflag:$0x1] =	stream.indirect.gather [spmem:s3], $0x10, s29, s12, $0xb8;
	[tilespmem:$0x1DE30] =	vst v63  }
0x17d: {  	s10 =	simm.s32 $0xDE30;
	s29 =	sld [smem:$0x7B4]  }
0x17e: {  	[tilespmem:s10], [sflag:$0x1] =	stream.indirect.gather [spmem:s3], $0x10, s17, s12, $0xb8;
	[tilespmem:$0x1DE30] =	vst v63  }
0x17f: {  	s18 =	sld [smem:$0x7B5];
	s11 =	simm.s32 $0xE630  }
0x180: {  	[tilespmem:s11], [sflag:$0x1] =	stream.indirect.gather [spmem:s3], $0x10, s29, s12, $0xb8;
	[tilespmem:$0x1DE30] =	vst v63  }
0x181: {  	s13 =	simm.s32 $0xEE30;
	s29 =	sld [smem:$0x7B6]  }
0x182: {  	[tilespmem:s13], [sflag:$0x1] =	stream.indirect.gather [spmem:s3], $0x10, s18, s12, $0xb8;
	[tilespmem:$0x1DE30] =	vst v63  }
0x183: {  	s19 =	sld [smem:$0x7B7];
	s14 =	simm.s32 $0xF630  }
0x184: {  	[tilespmem:s14], [sflag:$0x1] =	stream.indirect.gather [spmem:s3], $0x10, s29, s12, $0xb8;
	[tilespmem:$0x1DE30] =	vst v63  }
0x185: {  	s15 =	simm.s32 $0xFE30;
	s29 =	sld [smem:$0x7B8]  }
0x186: {  	[tilespmem:s15], [sflag:$0x1] =	stream.indirect.gather [spmem:s3], $0x10, s19, s12, $0xb8;
	[tilespmem:$0x1DE30] =	vst v63  }
0x187: {  	s20 =	sld [smem:$0x7B9];
	s16 =	simm.s32 $0x10630  }
0x188: {  	[tilespmem:s16], [sflag:$0x1] =	stream.indirect.gather [spmem:s3], $0x10, s29, s12, $0xb8;
	[tilespmem:$0x1DE30] =	vst v63  }
0x189: {  	s17 =	simm.s32 $0x10E30;
	s29 =	sld [smem:$0x7BA]  }
0x18a: {  	[tilespmem:s17], [sflag:$0x1] =	stream.indirect.gather [spmem:s3], $0x10, s20, s12, $0xb8;
	[tilespmem:$0x1DE30] =	vst v63  }
0x18b: {  	s21 =	sld [smem:$0x7BB];
	s18 =	simm.s32 $0x11630  }
0x18c: {  	[tilespmem:s18], [sflag:$0x1] =	stream.indirect.gather [spmem:s3], $0x10, s29, s12, $0xb8;
	[tilespmem:$0x1DE30] =	vst v63  }
0x18d: {  	s19 =	simm.s32 $0x11E30;
	s29 =	sld [smem:$0x7BC]  }
0x18e: {  	[tilespmem:s19], [sflag:$0x1] =	stream.indirect.gather [spmem:s3], $0x10, s21, s12, $0xb8;
	[tilespmem:$0x1DE30] =	vst v63  }
0x18f: {  	s22 =	sld [smem:$0x7BD];
	s20 =	simm.s32 $0x12630  }
0x190: {  	[tilespmem:s20], [sflag:$0x1] =	stream.indirect.gather [spmem:s3], $0x10, s29, s12, $0xb8;
	[tilespmem:$0x1DE30] =	vst v63  }
0x191: {  	s21 =	simm.s32 $0x12E30;
	s29 =	sld [smem:$0x7BE]  }
0x192: {  	[tilespmem:s21], [sflag:$0x1] =	stream.indirect.gather [spmem:s3], $0x10, s22, s12, $0xb8;
	[tilespmem:$0x1DE30] =	vst v63  }
0x193: {  	s22 =	simm.s32 $0x13630  }
0x194: {  	[tilespmem:s22], [sflag:$0x1] =	stream.indirect.gather [spmem:s3], $0x10, s29, s12, $0xb8;
	[tilespmem:$0x1DE30] =	vst v63  }
0x195: {  	_ =	swait.ge [sflag:s30], $0xA000  }
0x196: {  	[sflag:s30] =	ssyncset.done $0x0  }
0x197: {  	[sflag:s30] =	ssyncadd.s32 $0xFFFF6000  }
0x198: {  	_ =	swait.ge [sflag:s26], $0xA000  }
0x199: {  	s28 =	sld [smem:$0x7BF]  }
0x19a: {  	[sflag:s26] =	ssyncset.done $0x0  }
0x19b: {  	s29 =	sld [smem:$0x7C0];
	[sflag:s26] =	ssyncadd.s32 $0xFFFF6000  }
0x19c: {  	[spmem:s2] =	stream.indirect.scatter.add.f32 [tilespmem:s0], [sflag:$0x2], $0x10, s28, s12, $0xb8;
	[tilespmem:$0x1DE30] =	vst v63  }
0x19d: {  	s0 =	sld [smem:$0x7C1]  }
0x19e: {  	[spmem:s2] =	stream.indirect.scatter.add.f32 [tilespmem:s1], [sflag:$0x2], $0x10, s29, s12, $0xb8;
	[tilespmem:$0x1DE30] =	vst v63  }
0x19f: {  	s29 =	sld [smem:$0x7C2]  }
0x1a0: {  	[spmem:s2] =	stream.indirect.scatter.add.f32 [tilespmem:s4], [sflag:$0x2], $0x10, s0, s12, $0xb8;
	[tilespmem:$0x1DE30] =	vst v63  }
0x1a1: {  	s1 =	sld [smem:$0x7C3]  }
0x1a2: {  	[spmem:s2] =	stream.indirect.scatter.add.f32 [tilespmem:s5], [sflag:$0x2], $0x10, s29, s12, $0xb8;
	[tilespmem:$0x1DE30] =	vst v63  }
0x1a3: {  	s29 =	sld [smem:$0x7C4]  }
0x1a4: {  	[spmem:s2] =	stream.indirect.scatter.add.f32 [tilespmem:s6], [sflag:$0x2], $0x10, s1, s12, $0xb8;
	[tilespmem:$0x1DE30] =	vst v63  }
0x1a5: {  	s4 =	sld [smem:$0x7C5]  }
0x1a6: {  	[spmem:s2] =	stream.indirect.scatter.add.f32 [tilespmem:s7], [sflag:$0x2], $0x10, s29, s12, $0xb8;
	[tilespmem:$0x1DE30] =	vst v63  }
0x1a7: {  	s29 =	sld [smem:$0x7C6]  }
0x1a8: {  	[spmem:s2] =	stream.indirect.scatter.add.f32 [tilespmem:s8], [sflag:$0x2], $0x10, s4, s12, $0xb8;
	[tilespmem:$0x1DE30] =	vst v63  }
0x1a9: {  	s5 =	sld [smem:$0x7C7]  }
0x1aa: {  	[spmem:s2] =	stream.indirect.scatter.add.f32 [tilespmem:s9], [sflag:$0x2], $0x10, s29, s12, $0xb8;
	[tilespmem:$0x1DE30] =	vst v63  }
0x1ab: {  	s29 =	sld [smem:$0x7C8]  }
0x1ac: {  	[spmem:s2] =	stream.indirect.scatter.add.f32 [tilespmem:s10], [sflag:$0x2], $0x10, s5, s12, $0xb8;
	[tilespmem:$0x1DE30] =	vst v63  }
0x1ad: {  	s6 =	sld [smem:$0x7C9]  }
0x1ae: {  	[spmem:s2] =	stream.indirect.scatter.add.f32 [tilespmem:s11], [sflag:$0x2], $0x10, s29, s12, $0xb8;
	[tilespmem:$0x1DE30] =	vst v63  }
0x1af: {  	s29 =	sld [smem:$0x7CA]  }
0x1b0: {  	[spmem:s2] =	stream.indirect.scatter.add.f32 [tilespmem:s13], [sflag:$0x2], $0x10, s6, s12, $0xb8;
	[tilespmem:$0x1DE30] =	vst v63  }
0x1b1: {  	s7 =	sld [smem:$0x7CB]  }
0x1b2: {  	[spmem:s2] =	stream.indirect.scatter.add.f32 [tilespmem:s14], [sflag:$0x2], $0x10, s29, s12, $0xb8;
	[tilespmem:$0x1DE30] =	vst v63  }
0x1b3: {  	s29 =	sld [smem:$0x7CC]  }
0x1b4: {  	[spmem:s2] =	stream.indirect.scatter.add.f32 [tilespmem:s15], [sflag:$0x2], $0x10, s7, s12, $0xb8;
	[tilespmem:$0x1DE30] =	vst v63  }
0x1b5: {  	s8 =	sld [smem:$0x7CD]  }
0x1b6: {  	[spmem:s2] =	stream.indirect.scatter.add.f32 [tilespmem:s16], [sflag:$0x2], $0x10, s29, s12, $0xb8;
	[tilespmem:$0x1DE30] =	vst v63  }
0x1b7: {  	s29 =	sld [smem:$0x7CE]  }
0x1b8: {  	[spmem:s2] =	stream.indirect.scatter.add.f32 [tilespmem:s17], [sflag:$0x2], $0x10, s8, s12, $0xb8;
	[tilespmem:$0x1DE30] =	vst v63  }
0x1b9: {  	s9 =	sld [smem:$0x7CF]  }
0x1ba: {  	[spmem:s2] =	stream.indirect.scatter.add.f32 [tilespmem:s18], [sflag:$0x2], $0x10, s29, s12, $0xb8;
	[tilespmem:$0x1DE30] =	vst v63  }
0x1bb: {  	s29 =	sld [smem:$0x7D0]  }
0x1bc: {  	[spmem:s2] =	stream.indirect.scatter.add.f32 [tilespmem:s19], [sflag:$0x2], $0x10, s9, s12, $0xb8;
	[tilespmem:$0x1DE30] =	vst v63  }
0x1bd: {  	s10 =	sld [smem:$0x7D1]  }
0x1be: {  	[spmem:s2] =	stream.indirect.scatter.add.f32 [tilespmem:s20], [sflag:$0x2], $0x10, s29, s12, $0xb8;
	[tilespmem:$0x1DE30] =	vst v63  }
0x1bf: {  	s29 =	sld [smem:$0x7D2]  }
0x1c0: {  	[spmem:s2] =	stream.indirect.scatter.add.f32 [tilespmem:s21], [sflag:$0x2], $0x10, s10, s12, $0xb8;
	[tilespmem:$0x1DE30] =	vst v63  }
0x1c1: {  	s11 =	sld [smem:$0x7D3]  }
0x1c2: {  	[spmem:s2] =	stream.indirect.scatter.add.f32 [tilespmem:s22], [sflag:$0x2], $0x10, s29, s12, $0xb8;
	[tilespmem:$0x1DE30] =	vst v63  }
0x1c3: {  	s0 =	simm.s32 $0x13E30;
	s29 =	sld [smem:$0x7D4]  }
0x1c4: {  	[tilespmem:s0], [sflag:$0x1] =	stream.indirect.gather [spmem:s3], $0x10, s11, s12, $0xb8;
	[tilespmem:$0x1DE30] =	vst v63  }
0x1c5: {  	s1 =	simm.s32 $0x14630;
	s13 =	sld [smem:$0x7D5]  }
0x1c6: {  	[tilespmem:s1], [sflag:$0x1] =	stream.indirect.gather [spmem:s3], $0x10, s29, s12, $0xb8;
	[tilespmem:$0x1DE30] =	vst v63  }
0x1c7: {  	s4 =	simm.s32 $0x14E30;
	s29 =	sld [smem:$0x7D6]  }
0x1c8: {  	[tilespmem:s4], [sflag:$0x1] =	stream.indirect.gather [spmem:s3], $0x10, s13, s12, $0xb8;
	[tilespmem:$0x1DE30] =	vst v63  }
0x1c9: {  	s5 =	simm.s32 $0x15630;
	s14 =	sld [smem:$0x7D7]  }
0x1ca: {  	[tilespmem:s5], [sflag:$0x1] =	stream.indirect.gather [spmem:s3], $0x10, s29, s12, $0xb8;
	[tilespmem:$0x1DE30] =	vst v63  }
0x1cb: {  	s6 =	simm.s32 $0x15E30;
	s29 =	sld [smem:$0x7D8]  }
0x1cc: {  	[tilespmem:s6], [sflag:$0x1] =	stream.indirect.gather [spmem:s3], $0x10, s14, s12, $0xb8;
	[tilespmem:$0x1DE30] =	vst v63  }
0x1cd: {  	s15 =	sld [smem:$0x7D9];
	s7 =	simm.s32 $0x16630  }
0x1ce: {  	[tilespmem:s7], [sflag:$0x1] =	stream.indirect.gather [spmem:s3], $0x10, s29, s12, $0xb8;
	[tilespmem:$0x1DE30] =	vst v63  }
0x1cf: {  	s8 =	simm.s32 $0x16E30;
	s29 =	sld [smem:$0x7DA]  }
0x1d0: {  	[tilespmem:s8], [sflag:$0x1] =	stream.indirect.gather [spmem:s3], $0x10, s15, s12, $0xb8;
	[tilespmem:$0x1DE30] =	vst v63  }
0x1d1: {  	s16 =	sld [smem:$0x7DB];
	s9 =	simm.s32 $0x17630  }
0x1d2: {  	[tilespmem:s9], [sflag:$0x1] =	stream.indirect.gather [spmem:s3], $0x10, s29, s12, $0xb8;
	[tilespmem:$0x1DE30] =	vst v63  }
0x1d3: {  	s10 =	simm.s32 $0x17E30;
	s29 =	sld [smem:$0x7DC]  }
0x1d4: {  	[tilespmem:s10], [sflag:$0x1] =	stream.indirect.gather [spmem:s3], $0x10, s16, s12, $0xb8;
	[tilespmem:$0x1DE30] =	vst v63  }
0x1d5: {  	s17 =	sld [smem:$0x7DD];
	s11 =	simm.s32 $0x18630  }
0x1d6: {  	[tilespmem:s11], [sflag:$0x1] =	stream.indirect.gather [spmem:s3], $0x10, s29, s12, $0xb8;
	[tilespmem:$0x1DE30] =	vst v63  }
0x1d7: {  	s13 =	simm.s32 $0x18E30;
	s29 =	sld [smem:$0x7DE]  }
0x1d8: {  	[tilespmem:s13], [sflag:$0x1] =	stream.indirect.gather [spmem:s3], $0x10, s17, s12, $0xb8;
	[tilespmem:$0x1DE30] =	vst v63  }
0x1d9: {  	s18 =	sld [smem:$0x7DF];
	s14 =	simm.s32 $0x19630  }
0x1da: {  	[tilespmem:s14], [sflag:$0x1] =	stream.indirect.gather [spmem:s3], $0x10, s29, s12, $0xb8;
	[tilespmem:$0x1DE30] =	vst v63  }
0x1db: {  	s15 =	simm.s32 $0x19E30;
	s29 =	sld [smem:$0x7E0]  }
0x1dc: {  	[tilespmem:s15], [sflag:$0x1] =	stream.indirect.gather [spmem:s3], $0x10, s18, s12, $0xb8;
	[tilespmem:$0x1DE30] =	vst v63  }
0x1dd: {  	s19 =	sld [smem:$0x7E1];
	s16 =	simm.s32 $0x1A630  }
0x1de: {  	[tilespmem:s16], [sflag:$0x1] =	stream.indirect.gather [spmem:s3], $0x10, s29, s12, $0xb8;
	[tilespmem:$0x1DE30] =	vst v63  }
0x1df: {  	s17 =	simm.s32 $0x1AE30;
	s29 =	sld [smem:$0x7E2]  }
0x1e0: {  	[tilespmem:s17], [sflag:$0x1] =	stream.indirect.gather [spmem:s3], $0x10, s19, s12, $0xb8;
	[tilespmem:$0x1DE30] =	vst v63  }
0x1e1: {  	s20 =	sld [smem:$0x7E3];
	s18 =	simm.s32 $0x1B630  }
0x1e2: {  	[tilespmem:s18], [sflag:$0x1] =	stream.indirect.gather [spmem:s3], $0x10, s29, s12, $0xb8;
	[tilespmem:$0x1DE30] =	vst v63  }
0x1e3: {  	s29 =	sld [smem:$0x7E4]  }
0x1e4: {  	[tilespmem:s31], [sflag:$0x1] =	stream.indirect.gather [spmem:s3], $0x10, s20, s12, $0xb8;
	[tilespmem:$0x1DE30] =	vst v63  }
0x1e5: {  	s21 =	sld [smem:$0x7E5]  }
0x1e6: {  	[tilespmem:s23], [sflag:$0x1] =	stream.indirect.gather [spmem:s3], $0x10, s29, s12, $0xb8;
	[tilespmem:$0x1DE30] =	vst v63  }
0x1e7: {  	s29 =	sld [smem:$0x7E6]  }
0x1e8: {  	[tilespmem:s24], [sflag:$0x1] =	stream.indirect.gather [spmem:s3], $0x10, s21, s12, $0xb8;
	[tilespmem:$0x1DE30] =	vst v63  }
0x1e9: {  	_ = 	snop  }
0x1ea: {  	[tilespmem:s25], [sflag:$0x1] =	stream.indirect.gather [spmem:s3], $0x10, s29, s12, $0xb8;
	[tilespmem:$0x1DE30] =	vst v63  }
0x1eb: {  	_ =	swait.ge [sflag:s30], $0xA000  }
0x1ec: {  	[sflag:s30] =	ssyncset.done $0x0  }
0x1ed: {  	[sflag:s30] =	ssyncadd.s32 $0xFFFF6000  }
0x1ee: {  	_ =	swait.ge [sflag:s26], $0xA000  }
0x1ef: {  	s22 =	sld [smem:$0x7E7]  }
0x1f0: {  	[sflag:s26] =	ssyncset.done $0x0;
	s29 =	sld [smem:$0x7E8]  }
0x1f1: {  	s19 =	sld [smem:$0x7F1];
	[sflag:s26] =	ssyncadd.s32 $0xFFFF6000  }
0x1f2: {  	[spmem:s2] =	stream.indirect.scatter.add.f32 [tilespmem:s0], [sflag:$0x2], $0x10, s22, s12, $0xb8;
	[tilespmem:$0x1DE30] =	vst v63  }
0x1f3: {  	s0 =	sld [smem:$0x7E9]  }
0x1f4: {  	[spmem:s2] =	stream.indirect.scatter.add.f32 [tilespmem:s1], [sflag:$0x2], $0x10, s29, s12, $0xb8;
	[tilespmem:$0x1DE30] =	vst v63  }
0x1f5: {  	s29 =	sld [smem:$0x7EA]  }
0x1f6: {  	[spmem:s2] =	stream.indirect.scatter.add.f32 [tilespmem:s4], [sflag:$0x2], $0x10, s0, s12, $0xb8;
	[tilespmem:$0x1DE30] =	vst v63  }
0x1f7: {  	s4 =	sld [smem:$0x7EB]  }
0x1f8: {  	[spmem:s2] =	stream.indirect.scatter.add.f32 [tilespmem:s5], [sflag:$0x2], $0x10, s29, s12, $0xb8;
	[tilespmem:$0x1DE30] =	vst v63  }
0x1f9: {  	s29 =	sld [smem:$0x7EC]  }
0x1fa: {  	[spmem:s2] =	stream.indirect.scatter.add.f32 [tilespmem:s6], [sflag:$0x2], $0x10, s4, s12, $0xb8;
	[tilespmem:$0x1DE30] =	vst v63  }
0x1fb: {  	s6 =	sld [smem:$0x7ED]  }
0x1fc: {  	[spmem:s2] =	stream.indirect.scatter.add.f32 [tilespmem:s7], [sflag:$0x2], $0x10, s29, s12, $0xb8;
	[tilespmem:$0x1DE30] =	vst v63  }
0x1fd: {  	s29 =	sld [smem:$0x7EE]  }
0x1fe: {  	[spmem:s2] =	stream.indirect.scatter.add.f32 [tilespmem:s8], [sflag:$0x2], $0x10, s6, s12, $0xb8;
	[tilespmem:$0x1DE30] =	vst v63  }
0x1ff: {  	s8 =	sld [smem:$0x7EF]  }
0x200: {  	[spmem:s2] =	stream.indirect.scatter.add.f32 [tilespmem:s9], [sflag:$0x2], $0x10, s29, s12, $0xb8;
	[tilespmem:$0x1DE30] =	vst v63  }
0x201: {  	s29 =	sld [smem:$0x7F0]  }
0x202: {  	[spmem:s2] =	stream.indirect.scatter.add.f32 [tilespmem:s10], [sflag:$0x2], $0x10, s8, s12, $0xb8;
	[tilespmem:$0x1DE30] =	vst v63  }
0x203: {  	s20 =	sld [smem:$0x7F3]  }
0x204: {  	[spmem:s2] =	stream.indirect.scatter.add.f32 [tilespmem:s11], [sflag:$0x2], $0x10, s29, s12, $0xb8;
	[tilespmem:$0x1DE30] =	vst v63  }
0x205: {  	s29 =	sld [smem:$0x7F2]  }
0x206: {  	[spmem:s2] =	stream.indirect.scatter.add.f32 [tilespmem:s13], [sflag:$0x2], $0x10, s19, s12, $0xb8;
	[tilespmem:$0x1DE30] =	vst v63  }
0x207: {  	s21 =	sld [smem:$0x7F5]  }
0x208: {  	[spmem:s2] =	stream.indirect.scatter.add.f32 [tilespmem:s14], [sflag:$0x2], $0x10, s29, s12, $0xb8;
	[tilespmem:$0x1DE30] =	vst v63  }
0x209: {  	s29 =	sld [smem:$0x7F4]  }
0x20a: {  	[spmem:s2] =	stream.indirect.scatter.add.f32 [tilespmem:s15], [sflag:$0x2], $0x10, s20, s12, $0xb8;
	[tilespmem:$0x1DE30] =	vst v63  }
0x20b: {  	s28 =	sld [smem:$0x7FB]  }
0x20c: {  	[spmem:s2] =	stream.indirect.scatter.add.f32 [tilespmem:s16], [sflag:$0x2], $0x10, s29, s12, $0xb8;
	[tilespmem:$0x1DE30] =	vst v63  }
0x20d: {  	s29 =	sld [smem:$0x7F6]  }
0x20e: {  	[spmem:s2] =	stream.indirect.scatter.add.f32 [tilespmem:s17], [sflag:$0x2], $0x10, s21, s12, $0xb8;
	[tilespmem:$0x1DE30] =	vst v63  }
0x20f: {  	s22 =	sld [smem:$0x7F7]  }
0x210: {  	[spmem:s2] =	stream.indirect.scatter.add.f32 [tilespmem:s18], [sflag:$0x2], $0x10, s29, s12, $0xb8;
	[tilespmem:$0x1DE30] =	vst v63  }
0x211: {  	s29 =	sld [smem:$0x7F8]  }
0x212: {  	[spmem:s2] =	stream.indirect.scatter.add.f32 [tilespmem:s31], [sflag:$0x2], $0x10, s22, s12, $0xb8;
	[tilespmem:$0x1DE30] =	vst v63  }
0x213: {  	s26 =	sld [smem:$0x7F9]  }
0x214: {  	[spmem:s2] =	stream.indirect.scatter.add.f32 [tilespmem:s23], [sflag:$0x2], $0x10, s29, s12, $0xb8;
	[tilespmem:$0x1DE30] =	vst v63  }
0x215: {  	s29 =	sld [smem:$0x7FA]  }
0x216: {  	[spmem:s2] =	stream.indirect.scatter.add.f32 [tilespmem:s24], [sflag:$0x2], $0x10, s26, s12, $0xb8;
	[tilespmem:$0x1DE30] =	vst v63  }
0x217: {  	s31 =	ssub.s32 $0x2, s28  }
0x218: {  	[spmem:s2] =	stream.indirect.scatter.add.f32 [tilespmem:s25], [sflag:$0x2], $0x10, s29, s12, $0xb8;
	[tilespmem:$0x1DE30] =	vst v63  }
0x219: {  	s29 =	sshrl.u32 s31, $0x1  }
0x21a: {  	s28 =	ssub.s32 s31, s29  }
0x21b: {  	s28 =	smax.u32 s28, $0x1  }
0x21c: {  	_ =	swait.ge [sflag:s30], $0xA000;
	p0 =	sne.s32 s28, $0x1  }
.Ltmp0:
0x21d: {  	[sflag:s30] =	ssyncset.done $0x0;
	(pc) =	sbr.rel @!p0 .LBB2_3-.Ltmp0, $4  }
0x21e: {  	[sflag:s30] =	ssyncadd.s32 $0xFFFF6000  }
0x21f: {  	[bflag:$0x0] =	sbarrier.arrive $0xFFFF  }
0x220: {  	s29 =	sld [smem:$0x7FC]  }
0x221: {  	s0 =	sadd.s32 $0xFFFFFFFF, s28;
	s30 =	sld [smem:$0x7FD]  }
0x222: {  	s28 =	simm.s32 $0x1;
	s17 =	simm.s32 $0x2  }
0x223: {  	s24 =	simm.s32 $0xDE30;
	s25 =	simm.s32 $0xE630;
	s26 =	simm.s32 $0xEE30  }
.LBB2_2:
0x224: {  	s31 =	sld [smem:$0x771];
	_ =	sdelay $0x1  }
0x225: {  	s11 =	sadd.s32 $0xFFFFFFFF, s0  }
0x226: {  	[hbm:s29], [sflag:s31] =	dma.local [spmem:s30], $0x4E2  }
0x227: {  	[smem:$0x770] =	sst s11  }
0x228: {  	_ =	swait.ge [sflag:s28], $0x4E2  }
0x229: {  	s29 =	rddreg [dreg:$0x4];
	[sflag:s28] =	ssyncset.done $0x0  }
0x22a: {  	s30 =	rddreg [dreg:$0x8];
	[sflag:s28] =	ssyncadd.s32 $0xFFFFFB1E  }
0x22b: {  	[spmem:s30], [sflag:s31] =	dma.local [hbm:s29], $0x4E4  }
0x22c: {  	s29 =	rddreg [dreg:$0xa]  }
0x22d: {  	s30 =	rddreg [dreg:$0x9]  }
0x22e: {  	s31 =	rddreg [dreg:$0x5]  }
0x22f: {  	[spmem:s29], [sflag:s30] =	dma.local [hbm:s31], $0x4E2  }
0x230: {  	s13 =	simm.s32 $0x0;
	s14 =	simm.s32 $0x4E30;
	s29 =	rddreg [dreg:$0x6]  }
0x231: {  	[tilespmem:s14], [sflag:$0x3] =	stream.linear.gather [hbm4b:s29+s13], $0x2800, $0x38;
	[tilespmem:$0x1DE30] =	vst v63  }
0x232: {  	s1 =	simm.s32 $0x7630;
	s30 =	rddreg [dreg:$0x7]  }
0x233: {  	[tilespmem:s1], [sflag:$0x4] =	stream.linear.gather [hbm4b:s30+s13], $0x2800, $0x38;
	[tilespmem:$0x1DE30] =	vst v63  }
0x234: {  	_ =	swait.ge [sflag:s28], $0x4E4  }
0x235: {  	[sflag:s28] =	ssyncset.done $0x0  }
0x236: {  	[sflag:s28] =	ssyncadd.s32 $0xFFFFFB1C  }
0x237: {  	_ =	swait.ge [sflag:s17], $0x4E2  }
0x238: {  	[sflag:s17] =	ssyncset.done $0x0  }
0x239: {  	s29 =	simm.s32 $0x3;
	[sflag:s17] =	ssyncadd.s32 $0xFFFFFB1E  }
0x23a: {  	_ =	swait.ge [sflag:s29], $0x2800  }
0x23b: {  	[sflag:s29] =	ssyncset.done $0x0  }
0x23c: {  	[sflag:s29] =	ssyncadd.s32 $0xFFFFD800;
	s29 =	simm.s32 $0x4  }
0x23d: {  	_ =	swait.ge [sflag:s29], $0x2800  }
0x23e: {  	[sflag:s29] =	ssyncset.done $0x0  }
0x23f: {  	[sflag:s29] =	ssyncadd.s32 $0xFFFFD800  }
0x240: {  	s31 =	simm.s32 $0x9E30;
	[bflag:$0x0] =	sbarrier.arrive $0xFFFF  }
0x241: {  	[tilespmem:s31], [sflag:$0x1] =	stream.indirect.gather [spmem:s3], $0x10, s14, s12, $0xb8;
	[tilespmem:$0x1DE30] =	vst v63  }
0x242: {  	s15 =	simm.s32 $0xA630;
	s29 =	rddreg [dreg:$0xb]  }
0x243: {  	[tilespmem:s15], [sflag:$0x1] =	stream.indirect.gather [spmem:s3], $0x10, s29, s12, $0xb8;
	[tilespmem:$0x1DE30] =	vst v63  }
0x244: {  	s16 =	simm.s32 $0xAE30;
	s30 =	rddreg [dreg:$0xc]  }
0x245: {  	[tilespmem:s16], [sflag:$0x1] =	stream.indirect.gather [spmem:s3], $0x10, s30, s12, $0xb8;
	[tilespmem:$0x1DE30] =	vst v63  }
0x246: {  	s18 =	simm.s32 $0xB630;
	s29 =	rddreg [dreg:$0xd]  }
0x247: {  	[tilespmem:s18], [sflag:$0x1] =	stream.indirect.gather [spmem:s3], $0x10, s29, s12, $0xb8;
	[tilespmem:$0x1DE30] =	vst v63  }
0x248: {  	s19 =	simm.s32 $0xBE30;
	s30 =	rddreg [dreg:$0xe]  }
0x249: {  	[tilespmem:s19], [sflag:$0x1] =	stream.indirect.gather [spmem:s3], $0x10, s30, s12, $0xb8;
	[tilespmem:$0x1DE30] =	vst v63  }
0x24a: {  	s20 =	simm.s32 $0xC630;
	s29 =	rddreg [dreg:$0xf]  }
0x24b: {  	[tilespmem:s20], [sflag:$0x1] =	stream.indirect.gather [spmem:s3], $0x10, s29, s12, $0xb8;
	[tilespmem:$0x1DE30] =	vst v63  }
0x24c: {  	s21 =	simm.s32 $0xCE30;
	s30 =	rddreg [dreg:$0x10]  }
0x24d: {  	[tilespmem:s21], [sflag:$0x1] =	stream.indirect.gather [spmem:s3], $0x10, s30, s12, $0xb8;
	[tilespmem:$0x1DE30] =	vst v63  }
0x24e: {  	s23 =	simm.s32 $0xD630;
	s29 =	rddreg [dreg:$0x11]  }
0x24f: {  	[tilespmem:s23], [sflag:$0x1] =	stream.indirect.gather [spmem:s3], $0x10, s29, s12, $0xb8;
	[tilespmem:$0x1DE30] =	vst v63  }
0x250: {  	s9 =	simm.s32 $0xDE30;
	s30 =	rddreg [dreg:$0x12]  }
0x251: {  	[tilespmem:s9], [sflag:$0x1] =	stream.indirect.gather [spmem:s3], $0x10, s30, s12, $0xb8;
	[tilespmem:$0x1DE30] =	vst v63  }
0x252: {  	s10 =	simm.s32 $0xE630;
	s29 =	rddreg [dreg:$0x13]  }
0x253: {  	[tilespmem:s10], [sflag:$0x1] =	stream.indirect.gather [spmem:s3], $0x10, s29, s12, $0xb8;
	[tilespmem:$0x1DE30] =	vst v63  }
0x254: {  	s11 =	simm.s32 $0xEE30;
	s30 =	rddreg [dreg:$0x14]  }
0x255: {  	[tilespmem:s11], [sflag:$0x1] =	stream.indirect.gather [spmem:s3], $0x10, s30, s12, $0xb8;
	[tilespmem:$0x1DE30] =	vst v63  }
0x256: {  	s13 =	simm.s32 $0xF630;
	s29 =	rddreg [dreg:$0x15]  }
0x257: {  	[tilespmem:s13], [sflag:$0x1] =	stream.indirect.gather [spmem:s3], $0x10, s29, s12, $0xb8;
	[tilespmem:$0x1DE30] =	vst v63  }
0x258: {  	s14 =	simm.s32 $0xFE30;
	s30 =	rddreg [dreg:$0x16]  }
0x259: {  	[tilespmem:s14], [sflag:$0x1] =	stream.indirect.gather [spmem:s3], $0x10, s30, s12, $0xb8;
	[tilespmem:$0x1DE30] =	vst v63  }
0x25a: {  	s15 =	simm.s32 $0x10630;
	s29 =	rddreg [dreg:$0x17]  }
0x25b: {  	[tilespmem:s15], [sflag:$0x1] =	stream.indirect.gather [spmem:s3], $0x10, s29, s12, $0xb8;
	[tilespmem:$0x1DE30] =	vst v63  }
0x25c: {  	s16 =	simm.s32 $0x10E30;
	s30 =	rddreg [dreg:$0x18]  }
0x25d: {  	[tilespmem:s16], [sflag:$0x1] =	stream.indirect.gather [spmem:s3], $0x10, s30, s12, $0xb8;
	[tilespmem:$0x1DE30] =	vst v63  }
0x25e: {  	s18 =	simm.s32 $0x11630;
	s29 =	rddreg [dreg:$0x19]  }
0x25f: {  	[tilespmem:s18], [sflag:$0x1] =	stream.indirect.gather [spmem:s3], $0x10, s29, s12, $0xb8;
	[tilespmem:$0x1DE30] =	vst v63  }
0x260: {  	s19 =	simm.s32 $0x11E30;
	s30 =	rddreg [dreg:$0x1a]  }
0x261: {  	[tilespmem:s19], [sflag:$0x1] =	stream.indirect.gather [spmem:s3], $0x10, s30, s12, $0xb8;
	[tilespmem:$0x1DE30] =	vst v63  }
0x262: {  	s20 =	simm.s32 $0x12630;
	s29 =	rddreg [dreg:$0x1b]  }
0x263: {  	[tilespmem:s20], [sflag:$0x1] =	stream.indirect.gather [spmem:s3], $0x10, s29, s12, $0xb8;
	[tilespmem:$0x1DE30] =	vst v63  }
0x264: {  	s21 =	simm.s32 $0x12E30;
	s30 =	rddreg [dreg:$0x1c]  }
0x265: {  	[tilespmem:s21], [sflag:$0x1] =	stream.indirect.gather [spmem:s3], $0x10, s30, s12, $0xb8;
	[tilespmem:$0x1DE30] =	vst v63  }
0x266: {  	p0 =	sne.s32 s0, $0x1;
	s0 =	simm.s32 $0x13630;
	s29 =	rddreg [dreg:$0x1d]  }
0x267: {  	[tilespmem:s0], [sflag:$0x1] =	stream.indirect.gather [spmem:s3], $0x10, s29, s12, $0xb8;
	[tilespmem:$0x1DE30] =	vst v63  }
0x268: {  	_ =	swait.ge [sflag:s28], $0xA000  }
0x269: {  	[sflag:s28] =	ssyncset.done $0x0  }
0x26a: {  	s29 =	rddreg [dreg:$0x1e];
	[sflag:s28] =	ssyncadd.s32 $0xFFFF6000  }
0x26b: {  	[spmem:s2] =	stream.indirect.scatter.add.f32 [tilespmem:s31], [sflag:$0x2], $0x10, s1, s12, $0xb8;
	[tilespmem:$0x1DE30] =	vst v63  }
0x26c: {  	s4 =	simm.s32 $0xA630;
	s30 =	rddreg [dreg:$0x1f]  }
0x26d: {  	[spmem:s2] =	stream.indirect.scatter.add.f32 [tilespmem:s4], [sflag:$0x2], $0x10, s29, s12, $0xb8;
	[tilespmem:$0x1DE30] =	vst v63  }
0x26e: {  	s22 =	simm.s32 $0xAE30;
	s29 =	sld [smem:$0x772]  }
0x26f: {  	[spmem:s2] =	stream.indirect.scatter.add.f32 [tilespmem:s22], [sflag:$0x2], $0x10, s30, s12, $0xb8;
	[tilespmem:$0x1DE30] =	vst v63  }
0x270: {  	s5 =	simm.s32 $0xB630;
	s30 =	sld [smem:$0x773]  }
0x271: {  	[spmem:s2] =	stream.indirect.scatter.add.f32 [tilespmem:s5], [sflag:$0x2], $0x10, s29, s12, $0xb8;
	[tilespmem:$0x1DE30] =	vst v63  }
0x272: {  	s6 =	simm.s32 $0xBE30;
	s29 =	sld [smem:$0x774]  }
0x273: {  	[spmem:s2] =	stream.indirect.scatter.add.f32 [tilespmem:s6], [sflag:$0x2], $0x10, s30, s12, $0xb8;
	[tilespmem:$0x1DE30] =	vst v63  }
0x274: {  	s7 =	simm.s32 $0xC630;
	s30 =	sld [smem:$0x775]  }
0x275: {  	[spmem:s2] =	stream.indirect.scatter.add.f32 [tilespmem:s7], [sflag:$0x2], $0x10, s29, s12, $0xb8;
	[tilespmem:$0x1DE30] =	vst v63  }
0x276: {  	s8 =	simm.s32 $0xCE30;
	s29 =	sld [smem:$0x776]  }
0x277: {  	[spmem:s2] =	stream.indirect.scatter.add.f32 [tilespmem:s8], [sflag:$0x2], $0x10, s30, s12, $0xb8;
	[tilespmem:$0x1DE30] =	vst v63  }
0x278: {  	s23 =	simm.s32 $0xD630;
	s30 =	sld [smem:$0x777]  }
0x279: {  	[spmem:s2] =	stream.indirect.scatter.add.f32 [tilespmem:s23], [sflag:$0x2], $0x10, s29, s12, $0xb8;
	[tilespmem:$0x1DE30] =	vst v63  }
0x27a: {  	s9 =	simm.s32 $0xDE30;
	s29 =	sld [smem:$0x778]  }
0x27b: {  	[spmem:s2] =	stream.indirect.scatter.add.f32 [tilespmem:s9], [sflag:$0x2], $0x10, s30, s12, $0xb8;
	[tilespmem:$0x1DE30] =	vst v63  }
0x27c: {  	s10 =	simm.s32 $0xE630;
	s30 =	sld [smem:$0x779]  }
0x27d: {  	[spmem:s2] =	stream.indirect.scatter.add.f32 [tilespmem:s10], [sflag:$0x2], $0x10, s29, s12, $0xb8;
	[tilespmem:$0x1DE30] =	vst v63  }
0x27e: {  	s11 =	simm.s32 $0xEE30;
	s29 =	sld [smem:$0x77A]  }
0x27f: {  	[spmem:s2] =	stream.indirect.scatter.add.f32 [tilespmem:s11], [sflag:$0x2], $0x10, s30, s12, $0xb8;
	[tilespmem:$0x1DE30] =	vst v63  }
0x280: {  	s13 =	simm.s32 $0xF630;
	s30 =	sld [smem:$0x77B]  }
0x281: {  	[spmem:s2] =	stream.indirect.scatter.add.f32 [tilespmem:s13], [sflag:$0x2], $0x10, s29, s12, $0xb8;
	[tilespmem:$0x1DE30] =	vst v63  }
0x282: {  	s14 =	simm.s32 $0xFE30;
	s29 =	sld [smem:$0x77C]  }
0x283: {  	[spmem:s2] =	stream.indirect.scatter.add.f32 [tilespmem:s14], [sflag:$0x2], $0x10, s30, s12, $0xb8;
	[tilespmem:$0x1DE30] =	vst v63  }
0x284: {  	s15 =	simm.s32 $0x10630;
	s30 =	sld [smem:$0x77D]  }
0x285: {  	[spmem:s2] =	stream.indirect.scatter.add.f32 [tilespmem:s15], [sflag:$0x2], $0x10, s29, s12, $0xb8;
	[tilespmem:$0x1DE30] =	vst v63  }
0x286: {  	s16 =	simm.s32 $0x10E30;
	s29 =	sld [smem:$0x77E]  }
0x287: {  	[spmem:s2] =	stream.indirect.scatter.add.f32 [tilespmem:s16], [sflag:$0x2], $0x10, s30, s12, $0xb8;
	[tilespmem:$0x1DE30] =	vst v63  }
0x288: {  	s18 =	simm.s32 $0x11630;
	s30 =	sld [smem:$0x77F]  }
0x289: {  	[spmem:s2] =	stream.indirect.scatter.add.f32 [tilespmem:s18], [sflag:$0x2], $0x10, s29, s12, $0xb8;
	[tilespmem:$0x1DE30] =	vst v63  }
0x28a: {  	s19 =	simm.s32 $0x11E30;
	s29 =	sld [smem:$0x780]  }
0x28b: {  	[spmem:s2] =	stream.indirect.scatter.add.f32 [tilespmem:s19], [sflag:$0x2], $0x10, s30, s12, $0xb8;
	[tilespmem:$0x1DE30] =	vst v63  }
0x28c: {  	s20 =	simm.s32 $0x12630;
	s30 =	sld [smem:$0x781]  }
0x28d: {  	[spmem:s2] =	stream.indirect.scatter.add.f32 [tilespmem:s20], [sflag:$0x2], $0x10, s29, s12, $0xb8;
	[tilespmem:$0x1DE30] =	vst v63  }
0x28e: {  	s21 =	simm.s32 $0x12E30;
	s29 =	sld [smem:$0x782]  }
0x28f: {  	[spmem:s2] =	stream.indirect.scatter.add.f32 [tilespmem:s21], [sflag:$0x2], $0x10, s30, s12, $0xb8;
	[tilespmem:$0x1DE30] =	vst v63  }
0x290: {  	s0 =	simm.s32 $0x13630;
	s30 =	sld [smem:$0x783]  }
0x291: {  	[spmem:s2] =	stream.indirect.scatter.add.f32 [tilespmem:s0], [sflag:$0x2], $0x10, s29, s12, $0xb8;
	[tilespmem:$0x1DE30] =	vst v63  }
0x292: {  	s5 =	simm.s32 $0x13E30;
	s29 =	sld [smem:$0x784]  }
0x293: {  	[tilespmem:s5], [sflag:$0x1] =	stream.indirect.gather [spmem:s3], $0x10, s30, s12, $0xb8;
	[tilespmem:$0x1DE30] =	vst v63  }
0x294: {  	s6 =	simm.s32 $0x14630;
	s30 =	sld [smem:$0x785]  }
0x295: {  	[tilespmem:s6], [sflag:$0x1] =	stream.indirect.gather [spmem:s3], $0x10, s29, s12, $0xb8;
	[tilespmem:$0x1DE30] =	vst v63  }
0x296: {  	s7 =	simm.s32 $0x14E30;
	s29 =	sld [smem:$0x786]  }
0x297: {  	[tilespmem:s7], [sflag:$0x1] =	stream.indirect.gather [spmem:s3], $0x10, s30, s12, $0xb8;
	[tilespmem:$0x1DE30] =	vst v63  }
0x298: {  	s8 =	simm.s32 $0x15630;
	s30 =	sld [smem:$0x787]  }
0x299: {  	[tilespmem:s8], [sflag:$0x1] =	stream.indirect.gather [spmem:s3], $0x10, s29, s12, $0xb8;
	[tilespmem:$0x1DE30] =	vst v63  }
0x29a: {  	s9 =	simm.s32 $0x15E30;
	s29 =	sld [smem:$0x788]  }
0x29b: {  	[tilespmem:s9], [sflag:$0x1] =	stream.indirect.gather [spmem:s3], $0x10, s30, s12, $0xb8;
	[tilespmem:$0x1DE30] =	vst v63  }
0x29c: {  	s10 =	simm.s32 $0x16630;
	s30 =	sld [smem:$0x789]  }
0x29d: {  	[tilespmem:s10], [sflag:$0x1] =	stream.indirect.gather [spmem:s3], $0x10, s29, s12, $0xb8;
	[tilespmem:$0x1DE30] =	vst v63  }
0x29e: {  	s11 =	simm.s32 $0x16E30;
	s29 =	sld [smem:$0x78A]  }
0x29f: {  	[tilespmem:s11], [sflag:$0x1] =	stream.indirect.gather [spmem:s3], $0x10, s30, s12, $0xb8;
	[tilespmem:$0x1DE30] =	vst v63  }
0x2a0: {  	s13 =	simm.s32 $0x17630;
	s30 =	sld [smem:$0x78B]  }
0x2a1: {  	[tilespmem:s13], [sflag:$0x1] =	stream.indirect.gather [spmem:s3], $0x10, s29, s12, $0xb8;
	[tilespmem:$0x1DE30] =	vst v63  }
0x2a2: {  	s14 =	simm.s32 $0x17E30;
	s29 =	sld [smem:$0x78C]  }
0x2a3: {  	[tilespmem:s14], [sflag:$0x1] =	stream.indirect.gather [spmem:s3], $0x10, s30, s12, $0xb8;
	[tilespmem:$0x1DE30] =	vst v63  }
0x2a4: {  	s15 =	simm.s32 $0x18630;
	s30 =	sld [smem:$0x78D]  }
0x2a5: {  	[tilespmem:s15], [sflag:$0x1] =	stream.indirect.gather [spmem:s3], $0x10, s29, s12, $0xb8;
	[tilespmem:$0x1DE30] =	vst v63  }
0x2a6: {  	s16 =	simm.s32 $0x18E30;
	s29 =	sld [smem:$0x78E]  }
0x2a7: {  	[tilespmem:s16], [sflag:$0x1] =	stream.indirect.gather [spmem:s3], $0x10, s30, s12, $0xb8;
	[tilespmem:$0x1DE30] =	vst v63  }
0x2a8: {  	s18 =	simm.s32 $0x19630;
	s30 =	sld [smem:$0x78F]  }
0x2a9: {  	[tilespmem:s18], [sflag:$0x1] =	stream.indirect.gather [spmem:s3], $0x10, s29, s12, $0xb8;
	[tilespmem:$0x1DE30] =	vst v63  }
0x2aa: {  	s19 =	simm.s32 $0x19E30;
	s29 =	sld [smem:$0x790]  }
0x2ab: {  	[tilespmem:s19], [sflag:$0x1] =	stream.indirect.gather [spmem:s3], $0x10, s30, s12, $0xb8;
	[tilespmem:$0x1DE30] =	vst v63  }
0x2ac: {  	s20 =	simm.s32 $0x1A630;
	s30 =	sld [smem:$0x791]  }
0x2ad: {  	[tilespmem:s20], [sflag:$0x1] =	stream.indirect.gather [spmem:s3], $0x10, s29, s12, $0xb8;
	[tilespmem:$0x1DE30] =	vst v63  }
0x2ae: {  	s23 =	simm.s32 $0x1AE30;
	s29 =	sld [smem:$0x792]  }
0x2af: {  	[tilespmem:s23], [sflag:$0x1] =	stream.indirect.gather [spmem:s3], $0x10, s30, s12, $0xb8;
	[tilespmem:$0x1DE30] =	vst v63  }
0x2b0: {  	s16 =	simm.s32 $0x1B630;
	s30 =	sld [smem:$0x793]  }
0x2b1: {  	[tilespmem:s16], [sflag:$0x1] =	stream.indirect.gather [spmem:s3], $0x10, s29, s12, $0xb8;
	[tilespmem:$0x1DE30] =	vst v63  }
0x2b2: {  	s19 =	simm.s32 $0x1BE30;
	s29 =	sld [smem:$0x794]  }
0x2b3: {  	[tilespmem:s19], [sflag:$0x1] =	stream.indirect.gather [spmem:s3], $0x10, s30, s12, $0xb8;
	[tilespmem:$0x1DE30] =	vst v63  }
0x2b4: {  	s20 =	simm.s32 $0x1C630;
	s30 =	sld [smem:$0x795]  }
0x2b5: {  	[tilespmem:s20], [sflag:$0x1] =	stream.indirect.gather [spmem:s3], $0x10, s29, s12, $0xb8;
	[tilespmem:$0x1DE30] =	vst v63  }
0x2b6: {  	s23 =	simm.s32 $0x1CE30;
	s29 =	sld [smem:$0x796]  }
0x2b7: {  	[tilespmem:s23], [sflag:$0x1] =	stream.indirect.gather [spmem:s3], $0x10, s30, s12, $0xb8;
	[tilespmem:$0x1DE30] =	vst v63  }
0x2b8: {  	s30 =	simm.s32 $0x1D630  }
0x2b9: {  	[tilespmem:s30], [sflag:$0x1] =	stream.indirect.gather [spmem:s3], $0x10, s29, s12, $0xb8;
	[tilespmem:$0x1DE30] =	vst v63  }
0x2ba: {  	_ =	swait.ge [sflag:s17], $0xA000  }
0x2bb: {  	[sflag:s17] =	ssyncset.done $0x0  }
0x2bc: {  	[sflag:s17] =	ssyncadd.s32 $0xFFFF6000  }
0x2bd: {  	_ =	swait.ge [sflag:s28], $0xA000  }
0x2be: {  	s29 =	sld [smem:$0x797]  }
0x2bf: {  	[sflag:s28] =	ssyncset.done $0x0  }
0x2c0: {  	s4 =	simm.s32 $0x13E30;
	s30 =	sld [smem:$0x798];
	[sflag:s28] =	ssyncadd.s32 $0xFFFF6000  }
0x2c1: {  	[spmem:s2] =	stream.indirect.scatter.add.f32 [tilespmem:s4], [sflag:$0x2], $0x10, s29, s12, $0xb8;
	[tilespmem:$0x1DE30] =	vst v63  }
0x2c2: {  	s21 =	simm.s32 $0x14630;
	s29 =	sld [smem:$0x799]  }
0x2c3: {  	[spmem:s2] =	stream.indirect.scatter.add.f32 [tilespmem:s21], [sflag:$0x2], $0x10, s30, s12, $0xb8;
	[tilespmem:$0x1DE30] =	vst v63  }
0x2c4: {  	s22 =	simm.s32 $0x14E30;
	s30 =	sld [smem:$0x79A]  }
0x2c5: {  	[spmem:s2] =	stream.indirect.scatter.add.f32 [tilespmem:s22], [sflag:$0x2], $0x10, s29, s12, $0xb8;
	[tilespmem:$0x1DE30] =	vst v63  }
0x2c6: {  	s0 =	simm.s32 $0x15630;
	s29 =	sld [smem:$0x79B]  }
0x2c7: {  	[spmem:s2] =	stream.indirect.scatter.add.f32 [tilespmem:s0], [sflag:$0x2], $0x10, s30, s12, $0xb8;
	[tilespmem:$0x1DE30] =	vst v63  }
0x2c8: {  	s8 =	simm.s32 $0x15E30;
	s30 =	sld [smem:$0x79C]  }
0x2c9: {  	[spmem:s2] =	stream.indirect.scatter.add.f32 [tilespmem:s8], [sflag:$0x2], $0x10, s29, s12, $0xb8;
	[tilespmem:$0x1DE30] =	vst v63  }
0x2ca: {  	s5 =	simm.s32 $0x16630;
	s29 =	sld [smem:$0x79D]  }
0x2cb: {  	[spmem:s2] =	stream.indirect.scatter.add.f32 [tilespmem:s5], [sflag:$0x2], $0x10, s30, s12, $0xb8;
	[tilespmem:$0x1DE30] =	vst v63  }
0x2cc: {  	s7 =	simm.s32 $0x16E30;
	s30 =	sld [smem:$0x79E]  }
0x2cd: {  	[spmem:s2] =	stream.indirect.scatter.add.f32 [tilespmem:s7], [sflag:$0x2], $0x10, s29, s12, $0xb8;
	[tilespmem:$0x1DE30] =	vst v63  }
0x2ce: {  	s6 =	simm.s32 $0x17630;
	s29 =	sld [smem:$0x79F]  }
0x2cf: {  	[spmem:s2] =	stream.indirect.scatter.add.f32 [tilespmem:s6], [sflag:$0x2], $0x10, s30, s12, $0xb8;
	[tilespmem:$0x1DE30] =	vst v63  }
0x2d0: {  	s10 =	simm.s32 $0x17E30;
	s30 =	sld [smem:$0x7A0]  }
0x2d1: {  	[spmem:s2] =	stream.indirect.scatter.add.f32 [tilespmem:s10], [sflag:$0x2], $0x10, s29, s12, $0xb8;
	[tilespmem:$0x1DE30] =	vst v63  }
0x2d2: {  	s9 =	simm.s32 $0x18630;
	s29 =	sld [smem:$0x7A1]  }
0x2d3: {  	[spmem:s2] =	stream.indirect.scatter.add.f32 [tilespmem:s9], [sflag:$0x2], $0x10, s30, s12, $0xb8;
	[tilespmem:$0x1DE30] =	vst v63  }
0x2d4: {  	s13 =	simm.s32 $0x18E30;
	s30 =	sld [smem:$0x7A2]  }
0x2d5: {  	[spmem:s2] =	stream.indirect.scatter.add.f32 [tilespmem:s13], [sflag:$0x2], $0x10, s29, s12, $0xb8;
	[tilespmem:$0x1DE30] =	vst v63  }
0x2d6: {  	s11 =	simm.s32 $0x19630;
	s29 =	sld [smem:$0x7A3]  }
0x2d7: {  	[spmem:s2] =	stream.indirect.scatter.add.f32 [tilespmem:s11], [sflag:$0x2], $0x10, s30, s12, $0xb8;
	[tilespmem:$0x1DE30] =	vst v63  }
0x2d8: {  	s15 =	simm.s32 $0x19E30;
	s30 =	sld [smem:$0x7A4]  }
0x2d9: {  	[spmem:s2] =	stream.indirect.scatter.add.f32 [tilespmem:s15], [sflag:$0x2], $0x10, s29, s12, $0xb8;
	[tilespmem:$0x1DE30] =	vst v63  }
0x2da: {  	s14 =	simm.s32 $0x1A630;
	s29 =	sld [smem:$0x7A5]  }
0x2db: {  	[spmem:s2] =	stream.indirect.scatter.add.f32 [tilespmem:s14], [sflag:$0x2], $0x10, s30, s12, $0xb8;
	[tilespmem:$0x1DE30] =	vst v63  }
0x2dc: {  	s18 =	simm.s32 $0x1AE30;
	s30 =	sld [smem:$0x7A6]  }
0x2dd: {  	[spmem:s2] =	stream.indirect.scatter.add.f32 [tilespmem:s18], [sflag:$0x2], $0x10, s29, s12, $0xb8;
	[tilespmem:$0x1DE30] =	vst v63  }
0x2de: {  	s16 =	simm.s32 $0x1B630;
	s29 =	sld [smem:$0x7A7]  }
0x2df: {  	[spmem:s2] =	stream.indirect.scatter.add.f32 [tilespmem:s16], [sflag:$0x2], $0x10, s30, s12, $0xb8;
	[tilespmem:$0x1DE30] =	vst v63  }
0x2e0: {  	s19 =	simm.s32 $0x1BE30;
	s30 =	sld [smem:$0x7A8]  }
0x2e1: {  	[spmem:s2] =	stream.indirect.scatter.add.f32 [tilespmem:s19], [sflag:$0x2], $0x10, s29, s12, $0xb8;
	[tilespmem:$0x1DE30] =	vst v63  }
0x2e2: {  	s1 =	simm.s32 $0x1C630;
	s29 =	sld [smem:$0x7A9]  }
0x2e3: {  	[spmem:s2] =	stream.indirect.scatter.add.f32 [tilespmem:s1], [sflag:$0x2], $0x10, s30, s12, $0xb8;
	[tilespmem:$0x1DE30] =	vst v63  }
0x2e4: {  	s23 =	simm.s32 $0x1CE30;
	s30 =	sld [smem:$0x7AA]  }
0x2e5: {  	[spmem:s2] =	stream.indirect.scatter.add.f32 [tilespmem:s23], [sflag:$0x2], $0x10, s29, s12, $0xb8;
	[tilespmem:$0x1DE30] =	vst v63  }
0x2e6: {  	s20 =	simm.s32 $0x1D630;
	s29 =	sld [smem:$0x7AB]  }
0x2e7: {  	[spmem:s2] =	stream.indirect.scatter.add.f32 [tilespmem:s20], [sflag:$0x2], $0x10, s30, s12, $0xb8;
	[tilespmem:$0x1DE30] =	vst v63  }
0x2e8: {  	s30 =	sld [smem:$0x7AC]  }
0x2e9: {  	[tilespmem:s31], [sflag:$0x1] =	stream.indirect.gather [spmem:s3], $0x10, s29, s12, $0xb8;
	[tilespmem:$0x1DE30] =	vst v63  }
0x2ea: {  	s23 =	simm.s32 $0xA630;
	s29 =	sld [smem:$0x7AD]  }
0x2eb: {  	[tilespmem:s23], [sflag:$0x1] =	stream.indirect.gather [spmem:s3], $0x10, s30, s12, $0xb8;
	[tilespmem:$0x1DE30] =	vst v63  }
0x2ec: {  	s15 =	simm.s32 $0xAE30;
	s30 =	sld [smem:$0x7AE]  }
0x2ed: {  	[tilespmem:s15], [sflag:$0x1] =	stream.indirect.gather [spmem:s3], $0x10, s29, s12, $0xb8;
	[tilespmem:$0x1DE30] =	vst v63  }
0x2ee: {  	s0 =	simm.s32 $0xB630;
	s29 =	sld [smem:$0x7AF]  }
0x2ef: {  	[tilespmem:s0], [sflag:$0x1] =	stream.indirect.gather [spmem:s3], $0x10, s30, s12, $0xb8;
	[tilespmem:$0x1DE30] =	vst v63  }
0x2f0: {  	s1 =	simm.s32 $0xBE30;
	s30 =	sld [smem:$0x7B0]  }
0x2f1: {  	[tilespmem:s1], [sflag:$0x1] =	stream.indirect.gather [spmem:s3], $0x10, s29, s12, $0xb8;
	[tilespmem:$0x1DE30] =	vst v63  }
0x2f2: {  	s4 =	simm.s32 $0xC630;
	s29 =	sld [smem:$0x7B1]  }
0x2f3: {  	[tilespmem:s4], [sflag:$0x1] =	stream.indirect.gather [spmem:s3], $0x10, s30, s12, $0xb8;
	[tilespmem:$0x1DE30] =	vst v63  }
0x2f4: {  	s5 =	simm.s32 $0xCE30;
	s30 =	sld [smem:$0x7B2]  }
0x2f5: {  	[tilespmem:s5], [sflag:$0x1] =	stream.indirect.gather [spmem:s3], $0x10, s29, s12, $0xb8;
	[tilespmem:$0x1DE30] =	vst v63  }
0x2f6: {  	s16 =	simm.s32 $0xD630;
	s29 =	sld [smem:$0x7B3]  }
0x2f7: {  	[tilespmem:s16], [sflag:$0x1] =	stream.indirect.gather [spmem:s3], $0x10, s30, s12, $0xb8;
	[tilespmem:$0x1DE30] =	vst v63  }
0x2f8: {  	s30 =	sld [smem:$0x7B4]  }
0x2f9: {  	[tilespmem:s24], [sflag:$0x1] =	stream.indirect.gather [spmem:s3], $0x10, s29, s12, $0xb8;
	[tilespmem:$0x1DE30] =	vst v63  }
0x2fa: {  	s29 =	sld [smem:$0x7B5]  }
0x2fb: {  	[tilespmem:s25], [sflag:$0x1] =	stream.indirect.gather [spmem:s3], $0x10, s30, s12, $0xb8;
	[tilespmem:$0x1DE30] =	vst v63  }
0x2fc: {  	s30 =	sld [smem:$0x7B6]  }
0x2fd: {  	[tilespmem:s26], [sflag:$0x1] =	stream.indirect.gather [spmem:s3], $0x10, s29, s12, $0xb8;
	[tilespmem:$0x1DE30] =	vst v63  }
0x2fe: {  	s6 =	simm.s32 $0xF630;
	s29 =	sld [smem:$0x7B7]  }
0x2ff: {  	[tilespmem:s6], [sflag:$0x1] =	stream.indirect.gather [spmem:s3], $0x10, s30, s12, $0xb8;
	[tilespmem:$0x1DE30] =	vst v63  }
0x300: {  	s7 =	simm.s32 $0xFE30;
	s30 =	sld [smem:$0x7B8]  }
0x301: {  	[tilespmem:s7], [sflag:$0x1] =	stream.indirect.gather [spmem:s3], $0x10, s29, s12, $0xb8;
	[tilespmem:$0x1DE30] =	vst v63  }
0x302: {  	s8 =	simm.s32 $0x10630;
	s29 =	sld [smem:$0x7B9]  }
0x303: {  	[tilespmem:s8], [sflag:$0x1] =	stream.indirect.gather [spmem:s3], $0x10, s30, s12, $0xb8;
	[tilespmem:$0x1DE30] =	vst v63  }
0x304: {  	s9 =	simm.s32 $0x10E30;
	s30 =	sld [smem:$0x7BA]  }
0x305: {  	[tilespmem:s9], [sflag:$0x1] =	stream.indirect.gather [spmem:s3], $0x10, s29, s12, $0xb8;
	[tilespmem:$0x1DE30] =	vst v63  }
0x306: {  	s10 =	simm.s32 $0x11630;
	s29 =	sld [smem:$0x7BB]  }
0x307: {  	[tilespmem:s10], [sflag:$0x1] =	stream.indirect.gather [spmem:s3], $0x10, s30, s12, $0xb8;
	[tilespmem:$0x1DE30] =	vst v63  }
0x308: {  	s11 =	simm.s32 $0x11E30;
	s30 =	sld [smem:$0x7BC]  }
0x309: {  	[tilespmem:s11], [sflag:$0x1] =	stream.indirect.gather [spmem:s3], $0x10, s29, s12, $0xb8;
	[tilespmem:$0x1DE30] =	vst v63  }
0x30a: {  	s13 =	simm.s32 $0x12630;
	s29 =	sld [smem:$0x7BD]  }
0x30b: {  	[tilespmem:s13], [sflag:$0x1] =	stream.indirect.gather [spmem:s3], $0x10, s30, s12, $0xb8;
	[tilespmem:$0x1DE30] =	vst v63  }
0x30c: {  	s14 =	simm.s32 $0x12E30;
	s30 =	sld [smem:$0x7BE]  }
0x30d: {  	[tilespmem:s14], [sflag:$0x1] =	stream.indirect.gather [spmem:s3], $0x10, s29, s12, $0xb8;
	[tilespmem:$0x1DE30] =	vst v63  }
0x30e: {  	s19 =	simm.s32 $0x13630  }
0x30f: {  	[tilespmem:s19], [sflag:$0x1] =	stream.indirect.gather [spmem:s3], $0x10, s30, s12, $0xb8;
	[tilespmem:$0x1DE30] =	vst v63  }
0x310: {  	_ =	swait.ge [sflag:s17], $0xA000  }
0x311: {  	[sflag:s17] =	ssyncset.done $0x0  }
0x312: {  	[sflag:s17] =	ssyncadd.s32 $0xFFFF6000  }
0x313: {  	_ =	swait.ge [sflag:s28], $0xA000  }
0x314: {  	s29 =	sld [smem:$0x7BF]  }
0x315: {  	[sflag:s28] =	ssyncset.done $0x0  }
0x316: {  	s30 =	sld [smem:$0x7C0];
	[sflag:s28] =	ssyncadd.s32 $0xFFFF6000  }
0x317: {  	[spmem:s2] =	stream.indirect.scatter.add.f32 [tilespmem:s31], [sflag:$0x2], $0x10, s29, s12, $0xb8;
	[tilespmem:$0x1DE30] =	vst v63  }
0x318: {  	s29 =	sld [smem:$0x7C1]  }
0x319: {  	[spmem:s2] =	stream.indirect.scatter.add.f32 [tilespmem:s23], [sflag:$0x2], $0x10, s30, s12, $0xb8;
	[tilespmem:$0x1DE30] =	vst v63  }
0x31a: {  	s30 =	sld [smem:$0x7C2]  }
0x31b: {  	[spmem:s2] =	stream.indirect.scatter.add.f32 [tilespmem:s15], [sflag:$0x2], $0x10, s29, s12, $0xb8;
	[tilespmem:$0x1DE30] =	vst v63  }
0x31c: {  	s29 =	sld [smem:$0x7C3]  }
0x31d: {  	[spmem:s2] =	stream.indirect.scatter.add.f32 [tilespmem:s0], [sflag:$0x2], $0x10, s30, s12, $0xb8;
	[tilespmem:$0x1DE30] =	vst v63  }
0x31e: {  	s30 =	sld [smem:$0x7C4]  }
0x31f: {  	[spmem:s2] =	stream.indirect.scatter.add.f32 [tilespmem:s1], [sflag:$0x2], $0x10, s29, s12, $0xb8;
	[tilespmem:$0x1DE30] =	vst v63  }
0x320: {  	s29 =	sld [smem:$0x7C5]  }
0x321: {  	[spmem:s2] =	stream.indirect.scatter.add.f32 [tilespmem:s4], [sflag:$0x2], $0x10, s30, s12, $0xb8;
	[tilespmem:$0x1DE30] =	vst v63  }
0x322: {  	s30 =	sld [smem:$0x7C6]  }
0x323: {  	[spmem:s2] =	stream.indirect.scatter.add.f32 [tilespmem:s5], [sflag:$0x2], $0x10, s29, s12, $0xb8;
	[tilespmem:$0x1DE30] =	vst v63  }
0x324: {  	s29 =	sld [smem:$0x7C7]  }
0x325: {  	[spmem:s2] =	stream.indirect.scatter.add.f32 [tilespmem:s16], [sflag:$0x2], $0x10, s30, s12, $0xb8;
	[tilespmem:$0x1DE30] =	vst v63  }
0x326: {  	s30 =	sld [smem:$0x7C8]  }
0x327: {  	[spmem:s2] =	stream.indirect.scatter.add.f32 [tilespmem:s24], [sflag:$0x2], $0x10, s29, s12, $0xb8;
	[tilespmem:$0x1DE30] =	vst v63  }
0x328: {  	s29 =	sld [smem:$0x7C9]  }
0x329: {  	[spmem:s2] =	stream.indirect.scatter.add.f32 [tilespmem:s25], [sflag:$0x2], $0x10, s30, s12, $0xb8;
	[tilespmem:$0x1DE30] =	vst v63  }
0x32a: {  	s30 =	sld [smem:$0x7CA]  }
0x32b: {  	[spmem:s2] =	stream.indirect.scatter.add.f32 [tilespmem:s26], [sflag:$0x2], $0x10, s29, s12, $0xb8;
	[tilespmem:$0x1DE30] =	vst v63  }
0x32c: {  	s29 =	sld [smem:$0x7CB]  }
0x32d: {  	[spmem:s2] =	stream.indirect.scatter.add.f32 [tilespmem:s6], [sflag:$0x2], $0x10, s30, s12, $0xb8;
	[tilespmem:$0x1DE30] =	vst v63  }
0x32e: {  	s30 =	sld [smem:$0x7CC]  }
0x32f: {  	[spmem:s2] =	stream.indirect.scatter.add.f32 [tilespmem:s7], [sflag:$0x2], $0x10, s29, s12, $0xb8;
	[tilespmem:$0x1DE30] =	vst v63  }
0x330: {  	s29 =	sld [smem:$0x7CD]  }
0x331: {  	[spmem:s2] =	stream.indirect.scatter.add.f32 [tilespmem:s8], [sflag:$0x2], $0x10, s30, s12, $0xb8;
	[tilespmem:$0x1DE30] =	vst v63  }
0x332: {  	s30 =	sld [smem:$0x7CE]  }
0x333: {  	[spmem:s2] =	stream.indirect.scatter.add.f32 [tilespmem:s9], [sflag:$0x2], $0x10, s29, s12, $0xb8;
	[tilespmem:$0x1DE30] =	vst v63  }
0x334: {  	s29 =	sld [smem:$0x7CF]  }
0x335: {  	[spmem:s2] =	stream.indirect.scatter.add.f32 [tilespmem:s10], [sflag:$0x2], $0x10, s30, s12, $0xb8;
	[tilespmem:$0x1DE30] =	vst v63  }
0x336: {  	s30 =	sld [smem:$0x7D0]  }
0x337: {  	[spmem:s2] =	stream.indirect.scatter.add.f32 [tilespmem:s11], [sflag:$0x2], $0x10, s29, s12, $0xb8;
	[tilespmem:$0x1DE30] =	vst v63  }
0x338: {  	s29 =	sld [smem:$0x7D1]  }
0x339: {  	[spmem:s2] =	stream.indirect.scatter.add.f32 [tilespmem:s13], [sflag:$0x2], $0x10, s30, s12, $0xb8;
	[tilespmem:$0x1DE30] =	vst v63  }
0x33a: {  	s30 =	sld [smem:$0x7D2]  }
0x33b: {  	[spmem:s2] =	stream.indirect.scatter.add.f32 [tilespmem:s14], [sflag:$0x2], $0x10, s29, s12, $0xb8;
	[tilespmem:$0x1DE30] =	vst v63  }
0x33c: {  	s29 =	sld [smem:$0x7D3]  }
0x33d: {  	[spmem:s2] =	stream.indirect.scatter.add.f32 [tilespmem:s19], [sflag:$0x2], $0x10, s30, s12, $0xb8;
	[tilespmem:$0x1DE30] =	vst v63  }
0x33e: {  	s16 =	simm.s32 $0x13E30;
	s30 =	sld [smem:$0x7D4]  }
0x33f: {  	[tilespmem:s16], [sflag:$0x1] =	stream.indirect.gather [spmem:s3], $0x10, s29, s12, $0xb8;
	[tilespmem:$0x1DE30] =	vst v63  }
0x340: {  	s4 =	simm.s32 $0x14630;
	s29 =	sld [smem:$0x7D5]  }
0x341: {  	[tilespmem:s4], [sflag:$0x1] =	stream.indirect.gather [spmem:s3], $0x10, s30, s12, $0xb8;
	[tilespmem:$0x1DE30] =	vst v63  }
0x342: {  	s21 =	simm.s32 $0x14E30;
	s30 =	sld [smem:$0x7D6]  }
0x343: {  	[tilespmem:s21], [sflag:$0x1] =	stream.indirect.gather [spmem:s3], $0x10, s29, s12, $0xb8;
	[tilespmem:$0x1DE30] =	vst v63  }
0x344: {  	s22 =	simm.s32 $0x15630;
	s29 =	sld [smem:$0x7D7]  }
0x345: {  	[tilespmem:s22], [sflag:$0x1] =	stream.indirect.gather [spmem:s3], $0x10, s30, s12, $0xb8;
	[tilespmem:$0x1DE30] =	vst v63  }
0x346: {  	s0 =	simm.s32 $0x15E30;
	s30 =	sld [smem:$0x7D8]  }
0x347: {  	[tilespmem:s0], [sflag:$0x1] =	stream.indirect.gather [spmem:s3], $0x10, s29, s12, $0xb8;
	[tilespmem:$0x1DE30] =	vst v63  }
0x348: {  	s8 =	simm.s32 $0x16630;
	s29 =	sld [smem:$0x7D9]  }
0x349: {  	[tilespmem:s8], [sflag:$0x1] =	stream.indirect.gather [spmem:s3], $0x10, s30, s12, $0xb8;
	[tilespmem:$0x1DE30] =	vst v63  }
0x34a: {  	s5 =	simm.s32 $0x16E30;
	s30 =	sld [smem:$0x7DA]  }
0x34b: {  	[tilespmem:s5], [sflag:$0x1] =	stream.indirect.gather [spmem:s3], $0x10, s29, s12, $0xb8;
	[tilespmem:$0x1DE30] =	vst v63  }
0x34c: {  	s7 =	simm.s32 $0x17630;
	s29 =	sld [smem:$0x7DB]  }
0x34d: {  	[tilespmem:s7], [sflag:$0x1] =	stream.indirect.gather [spmem:s3], $0x10, s30, s12, $0xb8;
	[tilespmem:$0x1DE30] =	vst v63  }
0x34e: {  	s6 =	simm.s32 $0x17E30;
	s30 =	sld [smem:$0x7DC]  }
0x34f: {  	[tilespmem:s6], [sflag:$0x1] =	stream.indirect.gather [spmem:s3], $0x10, s29, s12, $0xb8;
	[tilespmem:$0x1DE30] =	vst v63  }
0x350: {  	s10 =	simm.s32 $0x18630;
	s29 =	sld [smem:$0x7DD]  }
0x351: {  	[tilespmem:s10], [sflag:$0x1] =	stream.indirect.gather [spmem:s3], $0x10, s30, s12, $0xb8;
	[tilespmem:$0x1DE30] =	vst v63  }
0x352: {  	s9 =	simm.s32 $0x18E30;
	s30 =	sld [smem:$0x7DE]  }
0x353: {  	[tilespmem:s9], [sflag:$0x1] =	stream.indirect.gather [spmem:s3], $0x10, s29, s12, $0xb8;
	[tilespmem:$0x1DE30] =	vst v63  }
0x354: {  	s13 =	simm.s32 $0x19630;
	s29 =	sld [smem:$0x7DF]  }
0x355: {  	[tilespmem:s13], [sflag:$0x1] =	stream.indirect.gather [spmem:s3], $0x10, s30, s12, $0xb8;
	[tilespmem:$0x1DE30] =	vst v63  }
0x356: {  	s11 =	simm.s32 $0x19E30;
	s30 =	sld [smem:$0x7E0]  }
0x357: {  	[tilespmem:s11], [sflag:$0x1] =	stream.indirect.gather [spmem:s3], $0x10, s29, s12, $0xb8;
	[tilespmem:$0x1DE30] =	vst v63  }
0x358: {  	s15 =	simm.s32 $0x1A630;
	s29 =	sld [smem:$0x7E1]  }
0x359: {  	[tilespmem:s15], [sflag:$0x1] =	stream.indirect.gather [spmem:s3], $0x10, s30, s12, $0xb8;
	[tilespmem:$0x1DE30] =	vst v63  }
0x35a: {  	s14 =	simm.s32 $0x1AE30;
	s30 =	sld [smem:$0x7E2]  }
0x35b: {  	[tilespmem:s14], [sflag:$0x1] =	stream.indirect.gather [spmem:s3], $0x10, s29, s12, $0xb8;
	[tilespmem:$0x1DE30] =	vst v63  }
0x35c: {  	s16 =	simm.s32 $0x1B630;
	s29 =	sld [smem:$0x7E3]  }
0x35d: {  	[tilespmem:s16], [sflag:$0x1] =	stream.indirect.gather [spmem:s3], $0x10, s30, s12, $0xb8;
	[tilespmem:$0x1DE30] =	vst v63  }
0x35e: {  	s18 =	simm.s32 $0x1BE30;
	s30 =	sld [smem:$0x7E4]  }
0x35f: {  	[tilespmem:s18], [sflag:$0x1] =	stream.indirect.gather [spmem:s3], $0x10, s29, s12, $0xb8;
	[tilespmem:$0x1DE30] =	vst v63  }
0x360: {  	s1 =	simm.s32 $0x1C630;
	s29 =	sld [smem:$0x7E5]  }
0x361: {  	[tilespmem:s1], [sflag:$0x1] =	stream.indirect.gather [spmem:s3], $0x10, s30, s12, $0xb8;
	[tilespmem:$0x1DE30] =	vst v63  }
0x362: {  	s31 =	simm.s32 $0x1CE30;
	s30 =	sld [smem:$0x7E6]  }
0x363: {  	[tilespmem:s31], [sflag:$0x1] =	stream.indirect.gather [spmem:s3], $0x10, s29, s12, $0xb8;
	[tilespmem:$0x1DE30] =	vst v63  }
0x364: {  	_ = 	snop  }
0x365: {  	[tilespmem:s20], [sflag:$0x1] =	stream.indirect.gather [spmem:s3], $0x10, s30, s12, $0xb8;
	[tilespmem:$0x1DE30] =	vst v63  }
0x366: {  	_ =	swait.ge [sflag:s17], $0xA000  }
0x367: {  	[sflag:s17] =	ssyncset.done $0x0  }
0x368: {  	[sflag:s17] =	ssyncadd.s32 $0xFFFF6000  }
0x369: {  	_ =	swait.ge [sflag:s28], $0xA000  }
0x36a: {  	s29 =	sld [smem:$0x7E7]  }
0x36b: {  	[sflag:s28] =	ssyncset.done $0x0  }
0x36c: {  	s23 =	simm.s32 $0x13E30;
	s30 =	sld [smem:$0x7E8];
	[sflag:s28] =	ssyncadd.s32 $0xFFFF6000  }
0x36d: {  	[spmem:s2] =	stream.indirect.scatter.add.f32 [tilespmem:s23], [sflag:$0x2], $0x10, s29, s12, $0xb8;
	[tilespmem:$0x1DE30] =	vst v63  }
0x36e: {  	s29 =	sld [smem:$0x7E9]  }
0x36f: {  	[spmem:s2] =	stream.indirect.scatter.add.f32 [tilespmem:s4], [sflag:$0x2], $0x10, s30, s12, $0xb8;
	[tilespmem:$0x1DE30] =	vst v63  }
0x370: {  	s30 =	sld [smem:$0x7EA]  }
0x371: {  	[spmem:s2] =	stream.indirect.scatter.add.f32 [tilespmem:s21], [sflag:$0x2], $0x10, s29, s12, $0xb8;
	[tilespmem:$0x1DE30] =	vst v63  }
0x372: {  	s29 =	sld [smem:$0x7EB]  }
0x373: {  	[spmem:s2] =	stream.indirect.scatter.add.f32 [tilespmem:s22], [sflag:$0x2], $0x10, s30, s12, $0xb8;
	[tilespmem:$0x1DE30] =	vst v63  }
0x374: {  	s30 =	sld [smem:$0x7EC]  }
0x375: {  	[spmem:s2] =	stream.indirect.scatter.add.f32 [tilespmem:s0], [sflag:$0x2], $0x10, s29, s12, $0xb8;
	[tilespmem:$0x1DE30] =	vst v63  }
0x376: {  	s29 =	sld [smem:$0x7ED]  }
0x377: {  	[spmem:s2] =	stream.indirect.scatter.add.f32 [tilespmem:s8], [sflag:$0x2], $0x10, s30, s12, $0xb8;
	[tilespmem:$0x1DE30] =	vst v63  }
0x378: {  	s30 =	sld [smem:$0x7EE]  }
0x379: {  	[spmem:s2] =	stream.indirect.scatter.add.f32 [tilespmem:s5], [sflag:$0x2], $0x10, s29, s12, $0xb8;
	[tilespmem:$0x1DE30] =	vst v63  }
0x37a: {  	s29 =	sld [smem:$0x7EF]  }
0x37b: {  	[spmem:s2] =	stream.indirect.scatter.add.f32 [tilespmem:s7], [sflag:$0x2], $0x10, s30, s12, $0xb8;
	[tilespmem:$0x1DE30] =	vst v63  }
0x37c: {  	s30 =	sld [smem:$0x7F0]  }
0x37d: {  	[spmem:s2] =	stream.indirect.scatter.add.f32 [tilespmem:s6], [sflag:$0x2], $0x10, s29, s12, $0xb8;
	[tilespmem:$0x1DE30] =	vst v63  }
0x37e: {  	s29 =	sld [smem:$0x7F1]  }
0x37f: {  	[spmem:s2] =	stream.indirect.scatter.add.f32 [tilespmem:s10], [sflag:$0x2], $0x10, s30, s12, $0xb8;
	[tilespmem:$0x1DE30] =	vst v63  }
0x380: {  	s30 =	sld [smem:$0x7F2]  }
0x381: {  	[spmem:s2] =	stream.indirect.scatter.add.f32 [tilespmem:s9], [sflag:$0x2], $0x10, s29, s12, $0xb8;
	[tilespmem:$0x1DE30] =	vst v63  }
0x382: {  	s29 =	sld [smem:$0x7F3]  }
0x383: {  	[spmem:s2] =	stream.indirect.scatter.add.f32 [tilespmem:s13], [sflag:$0x2], $0x10, s30, s12, $0xb8;
	[tilespmem:$0x1DE30] =	vst v63  }
0x384: {  	s30 =	sld [smem:$0x7F4]  }
0x385: {  	[spmem:s2] =	stream.indirect.scatter.add.f32 [tilespmem:s11], [sflag:$0x2], $0x10, s29, s12, $0xb8;
	[tilespmem:$0x1DE30] =	vst v63  }
0x386: {  	s29 =	sld [smem:$0x7F5]  }
0x387: {  	[spmem:s2] =	stream.indirect.scatter.add.f32 [tilespmem:s15], [sflag:$0x2], $0x10, s30, s12, $0xb8;
	[tilespmem:$0x1DE30] =	vst v63  }
0x388: {  	s30 =	sld [smem:$0x7F6]  }
0x389: {  	[spmem:s2] =	stream.indirect.scatter.add.f32 [tilespmem:s14], [sflag:$0x2], $0x10, s29, s12, $0xb8;
	[tilespmem:$0x1DE30] =	vst v63  }
0x38a: {  	s29 =	sld [smem:$0x7F7]  }
0x38b: {  	[spmem:s2] =	stream.indirect.scatter.add.f32 [tilespmem:s16], [sflag:$0x2], $0x10, s30, s12, $0xb8;
	[tilespmem:$0x1DE30] =	vst v63  }
0x38c: {  	s30 =	sld [smem:$0x7F8]  }
0x38d: {  	[spmem:s2] =	stream.indirect.scatter.add.f32 [tilespmem:s18], [sflag:$0x2], $0x10, s29, s12, $0xb8;
	[tilespmem:$0x1DE30] =	vst v63  }
0x38e: {  	s29 =	sld [smem:$0x7F9]  }
0x38f: {  	[spmem:s2] =	stream.indirect.scatter.add.f32 [tilespmem:s1], [sflag:$0x2], $0x10, s30, s12, $0xb8;
	[tilespmem:$0x1DE30] =	vst v63  }
0x390: {  	s30 =	sld [smem:$0x7FA]  }
0x391: {  	[spmem:s2] =	stream.indirect.scatter.add.f32 [tilespmem:s31], [sflag:$0x2], $0x10, s29, s12, $0xb8;
	[tilespmem:$0x1DE30] =	vst v63  }
0x392: {  	_ = 	snop  }
0x393: {  	[spmem:s2] =	stream.indirect.scatter.add.f32 [tilespmem:s20], [sflag:$0x2], $0x10, s30, s12, $0xb8;
	[tilespmem:$0x1DE30] =	vst v63  }
0x394: {  	s0 =	sld [smem:$0x770];
	_ =	swait.ge [sflag:s17], $0xA000  }
.Ltmp1:
0x395: {  	[sflag:s17] =	ssyncset.done $0x0;
	(pc) =	sbr.rel @p0 .LBB2_2-.Ltmp1, $4  }
0x396: {  	[sflag:s17] =	ssyncadd.s32 $0xFFFF6000  }
0x397: {  	[bflag:$0x0] =	sbarrier.arrive $0xFFFF  }
0x398: {  	s29 =	sld [smem:$0x7FC]  }
0x399: {  	s30 =	sld [smem:$0x7FD]  }
.LBB2_3:
0x39a: {  	s0 =	sld [smem:$0x771];
	_ =	sdelay $0x2  }
0x39b: {  	[hbm:s29], [sflag:s0] =	dma.local [spmem:s30], $0x4E2  }
0x39c: {  	s30 =	simm.s32 $0x1  }
0x39d: {  	_ =	swait.ge [sflag:s30], $0x4E2  }
0x39e: {  	[sflag:s30] =	ssyncset.done $0x0  }
0x39f: {  	[sflag:s30] =	ssyncadd.s32 $0xFFFFFB1E  }
0x3a0: {  	_ =	sfence.sel $0x180000  }
0x3a1: {  	[bflag:$0x0] =	sbarrier.arrive $0xFFFF  }
0x3a2: {  	_ =	strace $0x9000004D  }
0x3a3: {  	s31 =	stileid.u32;
	[bflag:$0x2] =	sbarrier.arrive $0xFFFF  }
0x3a4: {  	p0 =	sne.s32 s31, $0x0;
	s0 =	rddreg [dreg:$0x3]  }
0x3a5: {  	s0 =	sadd.s32 @!p0 $0x100000, s0  }
0x3a6: {  	[sflag:s0] =	ssyncadd.tile.s32 @!p0 $0x1;
	_ =	shalt  }
.Lfunc_end2:
_tile_overlayer_lowered:
.L_overlay_start_2:
0x3a7: {  	(tag) =	ssettag $0x2  }
0x3a8: {  	s0 =	rddreg [dreg:$0x0];
	s2 =	stileid.u32  }
0x3a9: {  	s1 =	rddreg [dreg:$0x1];
	p0 =	sne.s32 s2, $0x0  }
0x3aa: {  	s3 =	rddreg [dreg:$0x2];
	[bflag:$0x3] =	sbarrier.arrive $0xFFFF;
	s2 =	simm.s32 @!p0 $0x1C01  }
0x3ab: {  	[timem:s3], [sflag:s2] =	dma.local @!p0 [hbm:s0], s1  }
0x3ac: {  	s0 =	simm.s32 @!p0 $0x1  }
0x3ad: {  	_ =	swait.ge @!p0 [sflag:s0], s1  }
0x3ae: {  	s1 =	ssub.s32 @!p0 $0x0, s1;
	[sflag:s0] =	ssyncset.done @!p0 $0x0  }
0x3af: {  	[sflag:s0] =	ssyncadd.s32 @!p0 s1  }
0x3b0: {  	[bflag:$0x3] =	sbarrier.arrive $0xFFFF  }
0x3b1: {  	_ =	shalt  }

// kernel: kernel.20.cloned.1.call-start
scs
__scs_entry_jumppad:
0x0: {  	(pc) =	sbr.rel $0x88, $3  }
0x1: {  	(tag) =	ssettag $0x0;
	lr =	simm.s32 $0x1  }
0x2: {  	[smem:$0x3F8F] =	sst lr;
	_ =	strace $0xD0000000  }
0x3: {  	_ = 	snop  }
0x4: {  	_ = 	snop  }
0x5: {  	_ = 	snop  }
0x6: {  	_ = 	snop  }
0x7: {  	_ = 	snop  }
__scs_overlays_trampoline_lowered:
0x8: {  	[smem:$0x3F9E] =	sst s0  }
0x9: {  	[smem:$0x3F9F] =	sst s1  }
0xa: {  	[smem:$0x3FA0] =	sst s2  }
0xb: {  	[smem:$0x3FA1] =	sst s3  }
0xc: {  	[smem:$0x3FA2] =	sst s4  }
0xd: {  	[smem:$0x3FA3] =	sst s5  }
0xe: {  	[smem:$0x3FA4] =	sst s6  }
0xf: {  	[smem:$0x3FA5] =	sst s7  }
0x10: {  	[smem:$0x3FA6] =	sst s8  }
0x11: {  	[smem:$0x3FA7] =	sst s9;
	s0 =	simm.s32 @!p0 $0x0  }
0x12: {  	s1 =	sld [smem:$0x3F8D];
	s0 =	simm.s32 @p0 $0x1  }
0x13: {  	[smem:$0x3FA8] =	sst s0;
	s0 =	simm.s32 @!p1 $0x0  }
0x14: {  	s2 =	sld [smem:$0x3F8C];
	s0 =	simm.s32 @p1 $0x1  }
0x15: {  	[smem:$0x3FA9] =	sst s0;
	s0 =	simm.s32 @!p2 $0x0  }
0x16: {  	s3 =	sld [smem:$0x3FDB];
	s0 =	simm.s32 @p2 $0x1  }
0x17: {  	s4 =	simm.s32 $0x1BF5;
	[smem:$0x3FAB] =	sst s0  }
0x18: {  	s0 =	sld [smem:$0x3F8E];
	_ =	swait.ge [sflag:s4], $0x0  }
0x19: {  	s7 =	sld [smem:$0x3F8F]  }
0x1a: {  	s8 =	sadd.s32 $0xFFFFE003, lr  }
0x1b: {  	s9 =	sadd.s32 $0xFFFFFEF7, lr;
	s5 =	simm.s32 $0xFFFFFFFF;
	p2 =	slt.u32 s8, $0xFFFFF086  }
0x1c: {  	p1 =	slt.u32 s9, $0xF7A;
	s5 =	simm.s32 @!p2 $0x0  }
0x1d: {  	s5 =	simm.s32 @p1 $0x1;
	p0 =	seq.s32 s7, s2  }
0x1e: {  	s7 =	smul.u32 @!p0 $0xF7A, s2;
	p2 =	seq.s32 @!p0 s5, $0x0  }
0x1f: {  	s9 =	smul.u32 $0xF7A, s1;
	s8 =	simm.s32 @!p0 $0x1BF5;
	p2 =	por !p2, p0  }
0x20: {  	[sflag:s8] =	ssyncset.s32 @!p0 $0xFFFFF086;
	s6 =	sadd.s32 @!p0 s3, s7;
	s7 =	simm.s32 @!p0 $0x108  }
0x21: {  	s3 =	sadd.s32 s3, s9;
	s6 =	sadd.s32 @!p0 $0x88, s6;
	s7 =	simm.s32 @p2 $0x1082  }
0x22: {  	[simem:s7], [sflag:s8] =	dma.local @!p0 [hbm:s6], $0xF7A  }
0x23: {  	s9 =	sor.u32 $0xD0000000, s2;
	s6 =	simm.s32 $0x108;
	_ =	swait.ge @!p0 [sflag:s8], $0x0  }
0x24: {  	s3 =	sadd.s32 $0x88, s3;
	s6 =	simm.s32 @!p1 $0x1082;
	[sflag:s4] =	ssyncset.s32 $0xFFFFF086  }
0x25: {  	[simem:s6], [sflag:s4] =	dma.local [hbm:s3], $0xF7A  }
0x26: {  	[smem:$0x3F8F] =	sst s1;
	(tag) =	ssettag s2;
	_ =	strace s9  }
0x27: {  	s1 =	sld [smem:$0x3F9F]  }
0x28: {  	s2 =	sld [smem:$0x3FA0]  }
0x29: {  	s4 =	sld [smem:$0x3FA2]  }
0x2a: {  	p0 =	seq.s32 s5, $0x0;
	s5 =	sld [smem:$0x3FA3]  }
0x2b: {  	s6 =	sld [smem:$0x3FA4]  }
0x2c: {  	s7 =	sld [smem:$0x3FA5]  }
0x2d: {  	s3 =	simm.s32 $0x108;
	s8 =	sld [smem:$0x3FA6]  }
0x2e: {  	s3 =	simm.s32 @!p0 $0x1082;
	s9 =	sld [smem:$0x3FA7]  }
0x2f: {  	lr =	sadd.s32 s0, s3;
	s0 =	sld [smem:$0x3F9E]  }
0x30: {  	s3 =	sld [smem:$0x3FA1]  }
0x31: {  	[smem:$0x3FAA] =	sst s10  }
0x32: {  	s10 =	sld [smem:$0x3FA8];
	_ =	sdelay $0x3  }
0x33: {  	p0 =	seq.s32 s10, $0x1;
	s10 =	sld [smem:$0x3FAA];
	_ =	sdelay $0x3  }
0x34: {  	[smem:$0x3FAA] =	sst s10  }
0x35: {  	s10 =	sld [smem:$0x3FA9];
	_ =	sdelay $0x3  }
0x36: {  	p1 =	seq.s32 s10, $0x1;
	s10 =	sld [smem:$0x3FAA];
	_ =	sdelay $0x3  }
0x37: {  	[smem:$0x3FAA] =	sst s10  }
0x38: {  	s10 =	sld [smem:$0x3FAB]  }
0x39: {  	_ = 	snop;
	(pc) =	sbr.ind lr, $3  }
0x3a: {  	_ = 	snop  }
0x3b: {  	_ = 	snop  }
0x3c: {  	p2 =	seq.s32 s10, $0x1;
	s10 =	sld [smem:$0x3FAA]  }
0x3d: {  	_ =	shalt  }
0x3e: {  	_ =	shalt  }
0x3f: {  	_ =	shalt  }
0x40: {  	_ =	shalt  }
0x41: {  	_ =	shalt  }
0x42: {  	_ =	shalt  }
0x43: {  	_ =	shalt  }
0x44: {  	_ =	shalt  }
0x45: {  	_ =	shalt  }
0x46: {  	_ =	shalt  }
0x47: {  	_ =	shalt  }
0x48: {  	_ =	shalt  }
0x49: {  	_ =	shalt  }
0x4a: {  	_ =	shalt  }
0x4b: {  	_ =	shalt  }
0x4c: {  	_ =	shalt  }
0x4d: {  	_ =	shalt  }
0x4e: {  	_ =	shalt  }
0x4f: {  	_ =	shalt  }
0x50: {  	_ =	shalt  }
0x51: {  	_ =	shalt  }
0x52: {  	_ =	shalt  }
0x53: {  	_ =	shalt  }
0x54: {  	_ =	shalt  }
0x55: {  	_ =	shalt  }
0x56: {  	_ =	shalt  }
0x57: {  	_ =	shalt  }
0x58: {  	_ =	shalt  }
0x59: {  	_ =	shalt  }
0x5a: {  	_ =	shalt  }
0x5b: {  	_ =	shalt  }
0x5c: {  	_ =	shalt  }
0x5d: {  	_ =	shalt  }
0x5e: {  	_ =	shalt  }
0x5f: {  	_ =	shalt  }
0x60: {  	_ =	shalt  }
0x61: {  	_ =	shalt  }
0x62: {  	_ =	shalt  }
0x63: {  	_ =	shalt  }
0x64: {  	_ =	shalt  }
0x65: {  	_ =	shalt  }
0x66: {  	_ =	shalt  }
0x67: {  	_ =	shalt  }
0x68: {  	_ =	shalt  }
0x69: {  	_ =	shalt  }
0x6a: {  	_ =	shalt  }
0x6b: {  	_ =	shalt  }
0x6c: {  	_ =	shalt  }
0x6d: {  	_ =	shalt  }
0x6e: {  	_ =	shalt  }
0x6f: {  	_ =	shalt  }
0x70: {  	_ =	shalt  }
0x71: {  	_ =	shalt  }
0x72: {  	_ =	shalt  }
0x73: {  	_ =	shalt  }
0x74: {  	_ =	shalt  }
0x75: {  	_ =	shalt  }
0x76: {  	_ =	shalt  }
0x77: {  	_ =	shalt  }
0x78: {  	_ =	shalt  }
0x79: {  	_ =	shalt  }
0x7a: {  	_ =	shalt  }
0x7b: {  	_ =	shalt  }
0x7c: {  	_ =	shalt  }
0x7d: {  	_ =	shalt  }
0x7e: {  	_ =	shalt  }
0x7f: {  	_ =	shalt  }
0x80: {  	_ =	shalt  }
0x81: {  	_ =	shalt  }
0x82: {  	_ =	shalt  }
0x83: {  	_ =	shalt  }
0x84: {  	_ =	shalt  }
0x85: {  	_ =	shalt  }
0x86: {  	_ =	shalt  }
0x87: {  	_ =	shalt  }
.Lfunc_end0:
.L_simem_size_0:
called_computation.3_lowered:
.L_overlay_start_0:
0x88: {  	s2 =	sld [smem:$0x3FD9]  }
0x89: {  	s3 =	sld [smem:$0x3FFE];
	_ =	sdelay $0x1  }
0x8a: {  	s1 =	srdreg.scid  }
0x8b: {  	s0 =	sand.u32 $0x1, s1  }
0x8c: {  	s16 =	sshll.u32 s0, $0xA;
	s2 =	sadd.s32 s3, s2  }
0x8d: {  	s2 =	sadd.s32 s2, s16  }
0x8e: {  	[smem:$0x3FB6] =	sst s2  }
0x8f: {  	_ = 	snop  }
0x90: {  	(tm) =	ssettm $0x1  }
0x91: {  	s17 =	sld [smem:$0x3FFB];
	_ =	sdelay $0x3  }
0x92: {  	_ =	strace s17  }
0x93: {  	s2 =	sld [smem:$0x3FFC];
	_ =	sdelay $0x3  }
0x94: {  	_ =	strace s2  }
0x95: {  	s2 =	sld [smem:$0x3FFD];
	_ =	sdelay $0x3  }
0x96: {  	_ =	strace s2  }
0x97: {  	_ =	strace $0x8FFFFFFF  }
0x98: {  	s18 =	sld [smem:$0x3FDB];
	_ =	sdelay $0x1  }
0x99: {  	s19 =	simm.s32 $_scs_section_size  }
0x9a: {  	s4 =	simm.s32 $_size__tile_overlayer_lowered;
	s5 =	simm.s32 $_tile_overlayer_lowered  }
0x9b: {  	s22 =	simm.s32 $0x1BFF;
	s21 =	sshll.u32 s5, $0x1;
	s2 =	sadd.s32 s19, s18  }
0x9c: {  	s6 =	simm.s32 $0x0;
	s20 =	sshll.u32 s4, $0x1;
	s4 =	sadd.s32 s21, s2  }
0x9d: {  	[timem:s6], [sflag:s22] =	dma.local [hbm:s4], s20  }
0x9e: {  	_ =	swait.ge [sflag:s22], s20  }
0x9f: {  	s3 =	ssub.s32 $0x0, s20;
	[sflag:s22] =	ssyncset.done $0x0  }
0xa0: {  	[sflag:s22] =	ssyncadd.s32 s3;
	_ =	sdelay $0x1  }
0xa1: {  	s23 =	simm.s32 $0x1B8B  }
0xa2: {  	_ =	swait.ge [sflag:s23], $0x1  }
0xa3: {  	[sflag:s23] =	ssyncset.done $0x0  }
0xa4: {  	s25 =	simm.s32 $0x1B8E;
	s24 =	sld [smem:$0x3FFE];
	[sflag:s23] =	ssyncadd.s32 $0xFFFFFFFF  }
0xa5: {  	s26 =	simm.s32 $execute0_lowered;
	[smem:$0x3FD2] =	sst s25  }
0xa6: {  	s4 =	sshll.u32 s26, $0x1;
	_ =	strace $0x8000004F;
	[dreg:$0x1] =	wrdreg $0xFFFFFFFF  }
0xa7: {  	s28 =	simm.s32 $_size_execute0_lowered;
	s2 =	sadd.s32 s2, s4;
	[dreg:$0x0] =	wrdreg $0x0  }
0xa8: {  	s4 =	sshll.u32 s28, $0x1;
	[dreg:$0x2] =	wrdreg s2  }
0xa9: {  	[dreg:$0x3] =	wrdreg s4  }
0xaa: {  	[dreg:$0x4] =	wrdreg $0xC0  }
0xab: {  	_ =	task [dreg:s6], $0x5FFFF  }
0xac: {  	[dreg:$0x1] =	wrdreg $0xFFFFFFFF  }
0xad: {  	[dreg:$0x0] =	wrdreg $0x60  }
0xae: {  	[dreg:$0x2] =	wrdreg s24  }
0xaf: {  	[dreg:$0x3] =	wrdreg $0x0  }
0xb0: {  	[dreg:$0x4] =	wrdreg $0x27200  }
0xb1: {  	[dreg:$0x5] =	wrdreg $0x9  }
0xb2: {  	_ =	task.clear_ibuf [dreg:s6], $0x6FFFF;
	_ =	strace $0x9000004F  }
0xb3: {  	s29 =	simm.s32 $0x9;
	_ =	strace $0x80000051  }
0xb4: {  	_ =	swait.ge [sflag:s29], $0x1  }
0xb5: {  	[sflag:s29] =	ssyncadd.s32 $0xFFFFFFFF  }
0xb6: {  	_ =	strace $0x90000051  }
0xb7: {  	_ =	sfence  }
0xb8: {  	s30 =	sld [smem:$0x0];
	_ =	sdelay $0x2  }
0xb9: {  	s31 =	sshll.u32 s1, $0xD;
	s1 =	sshrl.u32 s1, $0x2  }
0xba: {  	s3 =	sand.u32 $0x4000, s31;
	s1 =	sadd.s32 s1, s30  }
0xbb: {  	s0 =	sor.u32 s3, s0;
	s1 =	sshll.u32 s1, $0x11  }
0xbc: {  	s0 =	sor.u32 s1, s0  }
0xbd: {  	s0 =	sadd.s32 $0x8F2B, s0  }
0xbe: {  	[sflag:s0] =	ssyncadd.remote.s32 $0x1  }
0xbf: {  	_ =	sfence.sel $0xFFFF  }
0xc0: {  	[dreg:$0x0] =	wrdreg $0xFFFFFFFF;
	(pc) =	sbr.abs _section_cstart, $3  }
0xc1: {  	[dreg:$0x1] =	wrdreg $0xFFFFFFFF  }
0xc2: {  	_ =	task.clear_ibuf [dreg:s6], $0x2FFFF;
	_ =	strace $0x9FFFFFFF  }
0xc3: {  	(tm) =	ssettm $0x7FFFFFFF  }
tec
execute0_lowered:
.L_overlay_start_1:
0x0: {  	(tag) =	ssettag $0x1  }
0x1: {  	s0 =	rddreg [dreg:$0x0]  }
0x2: {  	s2 =	rddreg [dreg:$0x1]  }
0x3: {  	s3 =	rddreg [dreg:$0x2];
	s1 =	srdreg.scid;
	s10 =	simm.s32 $0x0  }
0x4: {  	s11 =	sand.u32 $0x1, s1;
	[smem:$0x7FF] =	sst s10  }
0x5: {  	s31 =	simm.s32 $0x4EB0;
	[smem:$0x7FB] =	sst s11  }
0x6: {  	s12 =	simm.s32 $0x50B0;
	_ =	strace $0x80000050;
	[dreg:$0xb] =	wrdreg s31  }
0x7: {  	s13 =	simm.s32 $0x5130;
	[dreg:$0xf] =	wrdreg s12  }
0x8: {  	s9 =	stileid.u32;
	s14 =	simm.s32 $0x51B0;
	[dreg:$0x10] =	wrdreg s13  }
0x9: {  	s15 =	simm.s32 $0x5230;
	s16 =	simm.s32 $0x52B0;
	[dreg:$0x11] =	wrdreg s14  }
0xa: {  	s17 =	simm.s32 $0x5330;
	s18 =	simm.s32 $0x53B0;
	[dreg:$0x12] =	wrdreg s15  }
0xb: {  	s19 =	simm.s32 $0x5430;
	s20 =	simm.s32 $0x54B0;
	[dreg:$0x13] =	wrdreg s16  }
0xc: {  	s5 =	smul.u32 $0x2720, s9;
	s4 =	sshll.u32 s11, $0x4;
	[dreg:$0x14] =	wrdreg s17  }
0xd: {  	s1 =	smul.u32 $0x2710, s9;
	s6 =	sor.u32 s9, s4;
	[dreg:$0x15] =	wrdreg s18  }
0xe: {  	s7 =	sshrl.u32 s5, $0x3;
	s23 =	sadd.s32 s5, s2;
	[dreg:$0x16] =	wrdreg s19  }
0xf: {  	s5 =	sshll.u32 s9, $0x6;
	s9 =	simm.s32 $0x5030;
	[dreg:$0x17] =	wrdreg s20  }
0x10: {  	s4 =	sshrl.u32 s1, $0x3;
	s24 =	sshrl.u32 s23, $0x3;
	[dreg:$0xe] =	wrdreg s9  }
0x11: {  	s25 =	sadd.s32 s1, s3;
	s26 =	sor.u32 $0x1C02, s5;
	[dreg:$0x8] =	wrdreg s24  }
0x12: {  	s7 =	sadd.s32 s7, s0;
	s28 =	sshrl.u32 s25, $0x3;
	[dreg:$0x9] =	wrdreg s26  }
0x13: {  	s8 =	sadd.s32 s4, s0;
	s7 =	sadd.s32 $0xD600, s7;
	[dreg:$0xa] =	wrdreg s28  }
0x14: {  	s21 =	sadd.s32 $0x12600, s8;
	[dreg:$0x4] =	wrdreg s7  }
0x15: {  	s6 =	smul.u32 $0x500, s6;
	s8 =	simm.s32 $0x4FB0;
	[dreg:$0x5] =	wrdreg s21  }
0x16: {  	s7 =	simm.s32 $0x4F30;
	[dreg:$0xd] =	wrdreg s8  }
0x17: {  	s6 =	sadd.s32 s6, s0;
	s21 =	simm.s32 $0x5530;
	[dreg:$0xc] =	wrdreg s7  }
0x18: {  	s22 =	sadd.s32 $0x1C400, s6;
	[dreg:$0x18] =	wrdreg s21  }
0x19: {  	s6 =	sadd.s32 $0x3600, s6;
	[dreg:$0x6] =	wrdreg s22  }
0x1a: {  	[dreg:$0x7] =	wrdreg s6;
	s22 =	simm.s32 $0x55B0  }
0x1b: {  	s23 =	simm.s32 $0x5630;
	[dreg:$0x19] =	wrdreg s22  }
0x1c: {  	s24 =	simm.s32 $0x56B0;
	[dreg:$0x1a] =	wrdreg s23  }
0x1d: {  	s25 =	simm.s32 $0x5730;
	[dreg:$0x1b] =	wrdreg s24  }
0x1e: {  	s26 =	simm.s32 $0x57B0;
	[dreg:$0x1c] =	wrdreg s25  }
0x1f: {  	s28 =	simm.s32 $0x76B0;
	[dreg:$0x1d] =	wrdreg s26  }
0x20: {  	s31 =	simm.s32 $0x7730;
	[dreg:$0x1e] =	wrdreg s28  }
0x21: {  	s7 =	simm.s32 $0x77B0;
	[dreg:$0x1f] =	wrdreg s31  }
0x22: {  	s8 =	simm.s32 $0x7830;
	[smem:$0x772] =	sst s7  }
0x23: {  	s9 =	simm.s32 $0x78B0;
	[smem:$0x773] =	sst s8  }
0x24: {  	s12 =	simm.s32 $0x7930;
	[smem:$0x774] =	sst s9  }
0x25: {  	s13 =	simm.s32 $0x79B0;
	[smem:$0x775] =	sst s12  }
0x26: {  	s14 =	simm.s32 $0x7A30;
	[smem:$0x776] =	sst s13  }
0x27: {  	s15 =	simm.s32 $0x7AB0;
	[smem:$0x777] =	sst s14  }
0x28: {  	s16 =	simm.s32 $0x7B30;
	[smem:$0x778] =	sst s15  }
0x29: {  	s17 =	simm.s32 $0x7BB0;
	[smem:$0x779] =	sst s16  }
0x2a: {  	s18 =	simm.s32 $0x7C30;
	[smem:$0x77A] =	sst s17  }
0x2b: {  	s19 =	simm.s32 $0x7CB0;
	[smem:$0x77B] =	sst s18  }
0x2c: {  	s20 =	simm.s32 $0x7D30;
	[smem:$0x77C] =	sst s19  }
0x2d: {  	s1 =	sadd.s32 s1, s2;
	s21 =	simm.s32 $0x7DB0;
	[smem:$0x77D] =	sst s20  }
0x2e: {  	s1 =	sshrl.u32 s1, $0x3;
	[smem:$0x77E] =	sst s21  }
0x2f: {  	s5 =	sor.u32 $0x1C01, s5;
	[smem:$0x7FD] =	sst s1  }
0x30: {  	s22 =	simm.s32 $0x7E30;
	[smem:$0x771] =	sst s5  }
0x31: {  	s23 =	simm.s32 $0x7EB0;
	[smem:$0x77F] =	sst s22  }
0x32: {  	s24 =	simm.s32 $0x7F30;
	[smem:$0x780] =	sst s23  }
0x33: {  	s25 =	simm.s32 $0x7FB0;
	[smem:$0x781] =	sst s24  }
0x34: {  	s26 =	simm.s32 $0x5830;
	[smem:$0x782] =	sst s25  }
0x35: {  	s28 =	simm.s32 $0x58B0;
	[smem:$0x783] =	sst s26  }
0x36: {  	s31 =	simm.s32 $0x5930;
	[smem:$0x784] =	sst s28  }
0x37: {  	s7 =	simm.s32 $0x59B0;
	[smem:$0x785] =	sst s31  }
0x38: {  	s8 =	simm.s32 $0x5A30;
	[smem:$0x786] =	sst s7  }
0x39: {  	s9 =	simm.s32 $0x5AB0;
	[smem:$0x787] =	sst s8  }
0x3a: {  	s12 =	simm.s32 $0x5B30;
	[smem:$0x788] =	sst s9  }
0x3b: {  	s13 =	simm.s32 $0x5BB0;
	[smem:$0x789] =	sst s12  }
0x3c: {  	s14 =	simm.s32 $0x5C30;
	[smem:$0x78A] =	sst s13  }
0x3d: {  	s15 =	simm.s32 $0x5CB0;
	[smem:$0x78B] =	sst s14  }
0x3e: {  	s16 =	simm.s32 $0x5D30;
	[smem:$0x78C] =	sst s15  }
0x3f: {  	s17 =	simm.s32 $0x5DB0;
	[smem:$0x78D] =	sst s16  }
0x40: {  	s18 =	simm.s32 $0x5E30;
	[smem:$0x78E] =	sst s17  }
0x41: {  	s19 =	simm.s32 $0x5EB0;
	[smem:$0x78F] =	sst s18  }
0x42: {  	s20 =	simm.s32 $0x5F30;
	[smem:$0x790] =	sst s19  }
0x43: {  	s21 =	simm.s32 $0x5FB0;
	[smem:$0x791] =	sst s20  }
0x44: {  	[smem:$0x792] =	sst s21;
	s22 =	simm.s32 $0x6030  }
0x45: {  	s23 =	simm.s32 $0x60B0;
	[smem:$0x793] =	sst s22  }
0x46: {  	s24 =	simm.s32 $0x6130;
	[smem:$0x794] =	sst s23  }
0x47: {  	s25 =	simm.s32 $0x61B0;
	[smem:$0x795] =	sst s24  }
0x48: {  	s26 =	simm.s32 $0x8030;
	[smem:$0x796] =	sst s25  }
0x49: {  	s28 =	simm.s32 $0x80B0;
	[smem:$0x797] =	sst s26  }
0x4a: {  	s31 =	simm.s32 $0x8130;
	[smem:$0x798] =	sst s28  }
0x4b: {  	s7 =	simm.s32 $0x81B0;
	[smem:$0x799] =	sst s31  }
0x4c: {  	s8 =	simm.s32 $0x8230;
	[smem:$0x79A] =	sst s7  }
0x4d: {  	s9 =	simm.s32 $0x82B0;
	[smem:$0x79B] =	sst s8  }
0x4e: {  	s12 =	simm.s32 $0x8330;
	[smem:$0x79C] =	sst s9  }
0x4f: {  	s13 =	simm.s32 $0x83B0;
	[smem:$0x79D] =	sst s12  }
0x50: {  	s14 =	simm.s32 $0x8430;
	[smem:$0x79E] =	sst s13  }
0x51: {  	s15 =	simm.s32 $0x84B0;
	[smem:$0x79F] =	sst s14  }
0x52: {  	s16 =	simm.s32 $0x8530;
	[smem:$0x7A0] =	sst s15  }
0x53: {  	s17 =	simm.s32 $0x85B0;
	[smem:$0x7A1] =	sst s16  }
0x54: {  	s18 =	simm.s32 $0x8630;
	[smem:$0x7A2] =	sst s17  }
0x55: {  	s19 =	simm.s32 $0x86B0;
	[smem:$0x7A3] =	sst s18  }
0x56: {  	s20 =	simm.s32 $0x8730;
	[smem:$0x7A4] =	sst s19  }
0x57: {  	s21 =	simm.s32 $0x87B0;
	[smem:$0x7A5] =	sst s20  }
0x58: {  	[smem:$0x7A6] =	sst s21;
	s22 =	simm.s32 $0x8830  }
0x59: {  	s23 =	simm.s32 $0x88B0;
	[smem:$0x7A7] =	sst s22  }
0x5a: {  	s24 =	simm.s32 $0x8930;
	[smem:$0x7A8] =	sst s23  }
0x5b: {  	s25 =	simm.s32 $0x89B0;
	[smem:$0x7A9] =	sst s24  }
0x5c: {  	s26 =	simm.s32 $0x6230;
	[smem:$0x7AA] =	sst s25  }
0x5d: {  	s28 =	simm.s32 $0x62B0;
	[smem:$0x7AB] =	sst s26  }
0x5e: {  	s31 =	simm.s32 $0x6330;
	[smem:$0x7AC] =	sst s28  }
0x5f: {  	s7 =	simm.s32 $0x63B0;
	[smem:$0x7AD] =	sst s31  }
0x60: {  	s8 =	simm.s32 $0x6430;
	[smem:$0x7AE] =	sst s7  }
0x61: {  	s9 =	simm.s32 $0x64B0;
	[smem:$0x7AF] =	sst s8  }
0x62: {  	s12 =	simm.s32 $0x6530;
	[smem:$0x7B0] =	sst s9  }
0x63: {  	s13 =	simm.s32 $0x65B0;
	[smem:$0x7B1] =	sst s12  }
0x64: {  	s14 =	simm.s32 $0x6630;
	[smem:$0x7B2] =	sst s13  }
0x65: {  	s15 =	simm.s32 $0x66B0;
	[smem:$0x7B3] =	sst s14  }
0x66: {  	s16 =	simm.s32 $0x6730;
	[smem:$0x7B4] =	sst s15  }
0x67: {  	s17 =	simm.s32 $0x67B0;
	[smem:$0x7B5] =	sst s16  }
0x68: {  	s18 =	simm.s32 $0x6830;
	[smem:$0x7B6] =	sst s17  }
0x69: {  	s19 =	simm.s32 $0x68B0;
	[smem:$0x7B7] =	sst s18  }
0x6a: {  	s20 =	simm.s32 $0x6930;
	[smem:$0x7B8] =	sst s19  }
0x6b: {  	s21 =	simm.s32 $0x69B0;
	[smem:$0x7B9] =	sst s20  }
0x6c: {  	[smem:$0x7BA] =	sst s21;
	s22 =	simm.s32 $0x6A30  }
0x6d: {  	s23 =	simm.s32 $0x6AB0;
	[smem:$0x7BB] =	sst s22  }
0x6e: {  	s24 =	simm.s32 $0x6B30;
	[smem:$0x7BC] =	sst s23  }
0x6f: {  	s25 =	simm.s32 $0x6BB0;
	[smem:$0x7BD] =	sst s24  }
0x70: {  	s26 =	simm.s32 $0x8A30;
	[smem:$0x7BE] =	sst s25  }
0x71: {  	s28 =	simm.s32 $0x8AB0;
	[smem:$0x7BF] =	sst s26  }
0x72: {  	s31 =	simm.s32 $0x8B30;
	[smem:$0x7C0] =	sst s28  }
0x73: {  	s7 =	simm.s32 $0x8BB0;
	[smem:$0x7C1] =	sst s31  }
0x74: {  	s8 =	simm.s32 $0x8C30;
	[smem:$0x7C2] =	sst s7  }
0x75: {  	s9 =	simm.s32 $0x8CB0;
	[smem:$0x7C3] =	sst s8  }
0x76: {  	s12 =	simm.s32 $0x8D30;
	[smem:$0x7C4] =	sst s9  }
0x77: {  	s13 =	simm.s32 $0x8DB0;
	[smem:$0x7C5] =	sst s12  }
0x78: {  	s14 =	simm.s32 $0x8E30;
	[smem:$0x7C6] =	sst s13  }
0x79: {  	s15 =	simm.s32 $0x8EB0;
	[smem:$0x7C7] =	sst s14  }
0x7a: {  	s16 =	simm.s32 $0x8F30;
	[smem:$0x7C8] =	sst s15  }
0x7b: {  	s17 =	simm.s32 $0x8FB0;
	[smem:$0x7C9] =	sst s16  }
0x7c: {  	s18 =	simm.s32 $0x9030;
	[smem:$0x7CA] =	sst s17  }
0x7d: {  	s19 =	simm.s32 $0x90B0;
	[smem:$0x7CB] =	sst s18  }
0x7e: {  	s20 =	simm.s32 $0x9130;
	[smem:$0x7CC] =	sst s19  }
0x7f: {  	s21 =	simm.s32 $0x91B0;
	[smem:$0x7CD] =	sst s20  }
0x80: {  	[smem:$0x7CE] =	sst s21;
	s22 =	simm.s32 $0x9230  }
0x81: {  	s23 =	simm.s32 $0x92B0;
	[smem:$0x7CF] =	sst s22  }
0x82: {  	s24 =	simm.s32 $0x9330;
	[smem:$0x7D0] =	sst s23  }
0x83: {  	s25 =	simm.s32 $0x93B0;
	[smem:$0x7D1] =	sst s24  }
0x84: {  	s26 =	simm.s32 $0x6C30;
	[smem:$0x7D2] =	sst s25  }
0x85: {  	s28 =	simm.s32 $0x6CB0;
	[smem:$0x7D3] =	sst s26  }
0x86: {  	s31 =	simm.s32 $0x6D30;
	[smem:$0x7D4] =	sst s28  }
0x87: {  	s7 =	simm.s32 $0x6DB0;
	[smem:$0x7D5] =	sst s31  }
0x88: {  	s8 =	simm.s32 $0x6E30;
	[smem:$0x7D6] =	sst s7  }
0x89: {  	s9 =	simm.s32 $0x6EB0;
	[smem:$0x7D7] =	sst s8  }
0x8a: {  	s12 =	simm.s32 $0x6F30;
	[smem:$0x7D8] =	sst s9  }
0x8b: {  	s13 =	simm.s32 $0x6FB0;
	[smem:$0x7D9] =	sst s12  }
0x8c: {  	s14 =	simm.s32 $0x7030;
	[smem:$0x7DA] =	sst s13  }
0x8d: {  	s15 =	simm.s32 $0x70B0;
	[smem:$0x7DB] =	sst s14  }
0x8e: {  	s16 =	simm.s32 $0x7130;
	[smem:$0x7DC] =	sst s15  }
0x8f: {  	s17 =	simm.s32 $0x71B0;
	[smem:$0x7DD] =	sst s16  }
0x90: {  	s18 =	simm.s32 $0x7230;
	[smem:$0x7DE] =	sst s17  }
0x91: {  	s19 =	simm.s32 $0x72B0;
	[smem:$0x7DF] =	sst s18  }
0x92: {  	s20 =	simm.s32 $0x7330;
	[smem:$0x7E0] =	sst s19  }
0x93: {  	s21 =	simm.s32 $0x73B0;
	[smem:$0x7E1] =	sst s20  }
0x94: {  	[smem:$0x7E2] =	sst s21;
	s22 =	simm.s32 $0x7430  }
0x95: {  	s23 =	simm.s32 $0x74B0;
	[smem:$0x7E3] =	sst s22  }
0x96: {  	s24 =	simm.s32 $0x7530;
	[smem:$0x7E4] =	sst s23  }
0x97: {  	s25 =	simm.s32 $0x75B0;
	[smem:$0x7E5] =	sst s24  }
0x98: {  	s26 =	simm.s32 $0x9430;
	[smem:$0x7E6] =	sst s25  }
0x99: {  	s28 =	simm.s32 $0x94B0;
	[smem:$0x7E7] =	sst s26  }
0x9a: {  	s31 =	simm.s32 $0x9530;
	[smem:$0x7E8] =	sst s28  }
0x9b: {  	s7 =	simm.s32 $0x95B0;
	[smem:$0x7E9] =	sst s31  }
0x9c: {  	s8 =	simm.s32 $0x9630;
	[smem:$0x7EA] =	sst s7  }
0x9d: {  	s9 =	simm.s32 $0x96B0;
	[smem:$0x7EB] =	sst s8  }
0x9e: {  	s12 =	simm.s32 $0x9730;
	[smem:$0x7EC] =	sst s9  }
0x9f: {  	s13 =	simm.s32 $0x97B0;
	[smem:$0x7ED] =	sst s12  }
0xa0: {  	s14 =	simm.s32 $0x9830;
	[smem:$0x7EE] =	sst s13  }
0xa1: {  	s15 =	simm.s32 $0x98B0;
	[smem:$0x7EF] =	sst s14  }
0xa2: {  	s16 =	simm.s32 $0x9930;
	[smem:$0x7F0] =	sst s15  }
0xa3: {  	s17 =	simm.s32 $0x99B0;
	[smem:$0x7F1] =	sst s16  }
0xa4: {  	s18 =	simm.s32 $0x9A30;
	[smem:$0x7F2] =	sst s17  }
0xa5: {  	s19 =	simm.s32 $0x9AB0;
	[smem:$0x7F3] =	sst s18  }
0xa6: {  	s20 =	simm.s32 $0x9B30;
	[smem:$0x7F4] =	sst s19  }
0xa7: {  	s21 =	simm.s32 $0x9BB0;
	[smem:$0x7F5] =	sst s20  }
0xa8: {  	[smem:$0x7F6] =	sst s21  }
0xa9: {  	s28 =	rddreg [dreg:$0x4]  }
0xaa: {  	s22 =	simm.s32 $0x9C30;
	s24 =	smul.u32 $0x4E20, s11;
	s31 =	rddreg [dreg:$0x8]  }
0xab: {  	s23 =	simm.s32 $0x9CB0;
	[smem:$0x7F7] =	sst s22  }
0xac: {  	s25 =	simm.s32 $0x9D30;
	[smem:$0x7F8] =	sst s23;
	s0 =	sadd.s32 s24, s0  }
0xad: {  	s26 =	simm.s32 $0x9DB0;
	[smem:$0x7F9] =	sst s25;
	s0 =	sadd.s32 $0x26400, s0  }
0xae: {  	[smem:$0x7FA] =	sst s26;
	s0 =	sadd.s32 s4, s0  }
0xaf: {  	[smem:$0x7FC] =	sst s0  }
0xb0: {  	[spmem:s31], [sflag:s5] =	dma.local [hbm:s28], $0x4E4  }
0xb1: {  	s7 =	rddreg [dreg:$0xa]  }
0xb2: {  	s1 =	rddreg [dreg:$0x9]  }
0xb3: {  	s4 =	rddreg [dreg:$0x5]  }
0xb4: {  	[spmem:s7], [sflag:s1] =	dma.local [hbm:s4], $0x4E2  }
0xb5: {  	s8 =	simm.s32 $0x4E30;
	s0 =	rddreg [dreg:$0x6]  }
0xb6: {  	[tilespmem:s8], [sflag:$0x3] =	stream.linear.gather [hbm4b:s0+s10], $0x2800, $0x38;
	[tilespmem:$0x1DE30] =	vst v63  }
0xb7: {  	s26 =	simm.s32 $0x1;
	s5 =	simm.s32 $0x7630;
	s1 =	rddreg [dreg:$0x7]  }
0xb8: {  	[tilespmem:s5], [sflag:$0x4] =	stream.linear.gather [hbm4b:s1+s10], $0x2800, $0x38;
	[tilespmem:$0x1DE30] =	vst v63  }
0xb9: {  	_ =	swait.ge [sflag:s26], $0x4E4  }
0xba: {  	[sflag:s26] =	ssyncset.done $0x0  }
0xbb: {  	s30 =	simm.s32 $0x2;
	[sflag:s26] =	ssyncadd.s32 $0xFFFFFB1C  }
0xbc: {  	_ =	swait.ge [sflag:s30], $0x4E2  }
0xbd: {  	[sflag:s30] =	ssyncset.done $0x0  }
0xbe: {  	s9 =	simm.s32 $0x3;
	[sflag:s30] =	ssyncadd.s32 $0xFFFFFB1E  }
0xbf: {  	_ =	swait.ge [sflag:s9], $0x2800  }
0xc0: {  	[sflag:s9] =	ssyncset.done $0x0  }
0xc1: {  	s10 =	simm.s32 $0x4;
	[sflag:s9] =	ssyncadd.s32 $0xFFFFD800  }
0xc2: {  	_ =	swait.ge [sflag:s10], $0x2800  }
0xc3: {  	[sflag:s10] =	ssyncset.done $0x0  }
0xc4: {  	[sflag:s10] =	ssyncadd.s32 $0xFFFFD800  }
0xc5: {  	s12 =	simm.s32 $0x80;
	s11 =	simm.s32 $0x9E30;
	[bflag:$0x0] =	sbarrier.arrive $0xFFFF  }
0xc6: {  	[tilespmem:s11], [sflag:$0x1] =	stream.indirect.gather [spmem:s3], $0x10, s8, s12, $0xb8;
	[tilespmem:$0x1DE30] =	vst v63  }
0xc7: {  	s14 =	simm.s32 $0xA630;
	s13 =	rddreg [dreg:$0xb]  }
0xc8: {  	[tilespmem:s14], [sflag:$0x1] =	stream.indirect.gather [spmem:s3], $0x10, s13, s12, $0xb8;
	[tilespmem:$0x1DE30] =	vst v63  }
0xc9: {  	s16 =	simm.s32 $0xAE30;
	s15 =	rddreg [dreg:$0xc]  }
0xca: {  	[tilespmem:s16], [sflag:$0x1] =	stream.indirect.gather [spmem:s3], $0x10, s15, s12, $0xb8;
	[tilespmem:$0x1DE30] =	vst v63  }
0xcb: {  	s18 =	simm.s32 $0xB630;
	s17 =	rddreg [dreg:$0xd]  }
0xcc: {  	[tilespmem:s18], [sflag:$0x1] =	stream.indirect.gather [spmem:s3], $0x10, s17, s12, $0xb8;
	[tilespmem:$0x1DE30] =	vst v63  }
0xcd: {  	s20 =	simm.s32 $0xBE30;
	s19 =	rddreg [dreg:$0xe]  }
0xce: {  	[tilespmem:s20], [sflag:$0x1] =	stream.indirect.gather [spmem:s3], $0x10, s19, s12, $0xb8;
	[tilespmem:$0x1DE30] =	vst v63  }
0xcf: {  	s22 =	simm.s32 $0xC630;
	s21 =	rddreg [dreg:$0xf]  }
0xd0: {  	[tilespmem:s22], [sflag:$0x1] =	stream.indirect.gather [spmem:s3], $0x10, s21, s12, $0xb8;
	[tilespmem:$0x1DE30] =	vst v63  }
0xd1: {  	s24 =	simm.s32 $0xCE30;
	s23 =	rddreg [dreg:$0x10]  }
0xd2: {  	[tilespmem:s24], [sflag:$0x1] =	stream.indirect.gather [spmem:s3], $0x10, s23, s12, $0xb8;
	[tilespmem:$0x1DE30] =	vst v63  }
0xd3: {  	s28 =	simm.s32 $0xD630;
	s25 =	rddreg [dreg:$0x11]  }
0xd4: {  	[tilespmem:s28], [sflag:$0x1] =	stream.indirect.gather [spmem:s3], $0x10, s25, s12, $0xb8;
	[tilespmem:$0x1DE30] =	vst v63  }
0xd5: {  	s0 =	simm.s32 $0xDE30;
	s31 =	rddreg [dreg:$0x12]  }
0xd6: {  	[tilespmem:s0], [sflag:$0x1] =	stream.indirect.gather [spmem:s3], $0x10, s31, s12, $0xb8;
	[tilespmem:$0x1DE30] =	vst v63  }
0xd7: {  	s7 =	rddreg [dreg:$0x13];
	s8 =	simm.s32 $0xE630  }
0xd8: {  	[tilespmem:s8], [sflag:$0x1] =	stream.indirect.gather [spmem:s3], $0x10, s7, s12, $0xb8;
	[tilespmem:$0x1DE30] =	vst v63  }
0xd9: {  	s9 =	rddreg [dreg:$0x14];
	s20 =	simm.s32 $0xEE30  }
0xda: {  	[tilespmem:s20], [sflag:$0x1] =	stream.indirect.gather [spmem:s3], $0x10, s9, s12, $0xb8;
	[tilespmem:$0x1DE30] =	vst v63  }
0xdb: {  	s21 =	rddreg [dreg:$0x15];
	s22 =	simm.s32 $0xF630  }
0xdc: {  	[tilespmem:s22], [sflag:$0x1] =	stream.indirect.gather [spmem:s3], $0x10, s21, s12, $0xb8;
	[tilespmem:$0x1DE30] =	vst v63  }
0xdd: {  	s23 =	rddreg [dreg:$0x16];
	s24 =	simm.s32 $0xFE30  }
0xde: {  	[tilespmem:s24], [sflag:$0x1] =	stream.indirect.gather [spmem:s3], $0x10, s23, s12, $0xb8;
	[tilespmem:$0x1DE30] =	vst v63  }
0xdf: {  	s25 =	rddreg [dreg:$0x17];
	s28 =	simm.s32 $0x10630  }
0xe0: {  	[tilespmem:s28], [sflag:$0x1] =	stream.indirect.gather [spmem:s3], $0x10, s25, s12, $0xb8;
	[tilespmem:$0x1DE30] =	vst v63  }
0xe1: {  	s31 =	rddreg [dreg:$0x18];
	s0 =	simm.s32 $0x10E30  }
0xe2: {  	[tilespmem:s0], [sflag:$0x1] =	stream.indirect.gather [spmem:s3], $0x10, s31, s12, $0xb8;
	[tilespmem:$0x1DE30] =	vst v63  }
0xe3: {  	s7 =	rddreg [dreg:$0x19];
	s8 =	simm.s32 $0x11630  }
0xe4: {  	[tilespmem:s8], [sflag:$0x1] =	stream.indirect.gather [spmem:s3], $0x10, s7, s12, $0xb8;
	[tilespmem:$0x1DE30] =	vst v63  }
0xe5: {  	s9 =	rddreg [dreg:$0x1a];
	s28 =	simm.s32 $0x11E30  }
0xe6: {  	[tilespmem:s28], [sflag:$0x1] =	stream.indirect.gather [spmem:s3], $0x10, s9, s12, $0xb8;
	[tilespmem:$0x1DE30] =	vst v63  }
0xe7: {  	s1 =	simm.s32 $0x12630;
	s31 =	rddreg [dreg:$0x1b]  }
0xe8: {  	[tilespmem:s1], [sflag:$0x1] =	stream.indirect.gather [spmem:s3], $0x10, s31, s12, $0xb8;
	[tilespmem:$0x1DE30] =	vst v63  }
0xe9: {  	s7 =	rddreg [dreg:$0x1c];
	s8 =	simm.s32 $0x12E30  }
0xea: {  	[tilespmem:s8], [sflag:$0x1] =	stream.indirect.gather [spmem:s3], $0x10, s7, s12, $0xb8;
	[tilespmem:$0x1DE30] =	vst v63  }
0xeb: {  	s9 =	rddreg [dreg:$0x1d];
	s31 =	simm.s32 $0x13630  }
0xec: {  	[tilespmem:s31], [sflag:$0x1] =	stream.indirect.gather [spmem:s3], $0x10, s9, s12, $0xb8;
	[tilespmem:$0x1DE30] =	vst v63  }
0xed: {  	_ =	swait.ge [sflag:s26], $0xA000  }
0xee: {  	[sflag:s26] =	ssyncset.done $0x0  }
0xef: {  	s6 =	simm.s32 $0x9E30;
	s8 =	rddreg [dreg:$0x1e];
	[sflag:s26] =	ssyncadd.s32 $0xFFFF6000  }
0xf0: {  	[spmem:s2] =	stream.indirect.scatter.add.f32 [tilespmem:s6], [sflag:$0x2], $0x10, s5, s12, $0xb8;
	[tilespmem:$0x1DE30] =	vst v63  }
0xf1: {  	s10 =	simm.s32 $0xA630;
	s9 =	rddreg [dreg:$0x1f]  }
0xf2: {  	[spmem:s2] =	stream.indirect.scatter.add.f32 [tilespmem:s10], [sflag:$0x2], $0x10, s8, s12, $0xb8;
	[tilespmem:$0x1DE30] =	vst v63  }
0xf3: {  	s11 =	simm.s32 $0xAE30;
	s10 =	sld [smem:$0x772]  }
0xf4: {  	[spmem:s2] =	stream.indirect.scatter.add.f32 [tilespmem:s11], [sflag:$0x2], $0x10, s9, s12, $0xb8;
	[tilespmem:$0x1DE30] =	vst v63  }
0xf5: {  	s13 =	simm.s32 $0xB630;
	s11 =	sld [smem:$0x773]  }
0xf6: {  	[spmem:s2] =	stream.indirect.scatter.add.f32 [tilespmem:s13], [sflag:$0x2], $0x10, s10, s12, $0xb8;
	[tilespmem:$0x1DE30] =	vst v63  }
0xf7: {  	s14 =	simm.s32 $0xBE30;
	s13 =	sld [smem:$0x774]  }
0xf8: {  	[spmem:s2] =	stream.indirect.scatter.add.f32 [tilespmem:s14], [sflag:$0x2], $0x10, s11, s12, $0xb8;
	[tilespmem:$0x1DE30] =	vst v63  }
0xf9: {  	s15 =	simm.s32 $0xC630;
	s14 =	sld [smem:$0x775]  }
0xfa: {  	[spmem:s2] =	stream.indirect.scatter.add.f32 [tilespmem:s15], [sflag:$0x2], $0x10, s13, s12, $0xb8;
	[tilespmem:$0x1DE30] =	vst v63  }
0xfb: {  	s16 =	simm.s32 $0xCE30;
	s15 =	sld [smem:$0x776]  }
0xfc: {  	[spmem:s2] =	stream.indirect.scatter.add.f32 [tilespmem:s16], [sflag:$0x2], $0x10, s14, s12, $0xb8;
	[tilespmem:$0x1DE30] =	vst v63  }
0xfd: {  	s17 =	simm.s32 $0xD630;
	s16 =	sld [smem:$0x777]  }
0xfe: {  	[spmem:s2] =	stream.indirect.scatter.add.f32 [tilespmem:s17], [sflag:$0x2], $0x10, s15, s12, $0xb8;
	[tilespmem:$0x1DE30] =	vst v63  }
0xff: {  	s18 =	simm.s32 $0xDE30;
	s17 =	sld [smem:$0x778]  }
0x100: {  	[spmem:s2] =	stream.indirect.scatter.add.f32 [tilespmem:s18], [sflag:$0x2], $0x10, s16, s12, $0xb8;
	[tilespmem:$0x1DE30] =	vst v63  }
0x101: {  	s19 =	simm.s32 $0xE630;
	s18 =	sld [smem:$0x779]  }
0x102: {  	[spmem:s2] =	stream.indirect.scatter.add.f32 [tilespmem:s19], [sflag:$0x2], $0x10, s17, s12, $0xb8;
	[tilespmem:$0x1DE30] =	vst v63  }
0x103: {  	s20 =	simm.s32 $0xEE30;
	s19 =	sld [smem:$0x77A]  }
0x104: {  	[spmem:s2] =	stream.indirect.scatter.add.f32 [tilespmem:s20], [sflag:$0x2], $0x10, s18, s12, $0xb8;
	[tilespmem:$0x1DE30] =	vst v63  }
0x105: {  	s21 =	simm.s32 $0xF630;
	s20 =	sld [smem:$0x77B]  }
0x106: {  	[spmem:s2] =	stream.indirect.scatter.add.f32 [tilespmem:s21], [sflag:$0x2], $0x10, s19, s12, $0xb8;
	[tilespmem:$0x1DE30] =	vst v63  }
0x107: {  	s22 =	simm.s32 $0xFE30;
	s21 =	sld [smem:$0x77C]  }
0x108: {  	[spmem:s2] =	stream.indirect.scatter.add.f32 [tilespmem:s22], [sflag:$0x2], $0x10, s20, s12, $0xb8;
	[tilespmem:$0x1DE30] =	vst v63  }
0x109: {  	s23 =	simm.s32 $0x10630;
	s22 =	sld [smem:$0x77D]  }
0x10a: {  	[spmem:s2] =	stream.indirect.scatter.add.f32 [tilespmem:s23], [sflag:$0x2], $0x10, s21, s12, $0xb8;
	[tilespmem:$0x1DE30] =	vst v63  }
0x10b: {  	s24 =	simm.s32 $0x10E30;
	s23 =	sld [smem:$0x77E]  }
0x10c: {  	[spmem:s2] =	stream.indirect.scatter.add.f32 [tilespmem:s24], [sflag:$0x2], $0x10, s22, s12, $0xb8;
	[tilespmem:$0x1DE30] =	vst v63  }
0x10d: {  	s25 =	simm.s32 $0x11630;
	s24 =	sld [smem:$0x77F]  }
0x10e: {  	[spmem:s2] =	stream.indirect.scatter.add.f32 [tilespmem:s25], [sflag:$0x2], $0x10, s23, s12, $0xb8;
	[tilespmem:$0x1DE30] =	vst v63  }
0x10f: {  	s28 =	simm.s32 $0x11E30;
	s25 =	sld [smem:$0x780]  }
0x110: {  	[spmem:s2] =	stream.indirect.scatter.add.f32 [tilespmem:s28], [sflag:$0x2], $0x10, s24, s12, $0xb8;
	[tilespmem:$0x1DE30] =	vst v63  }
0x111: {  	s0 =	simm.s32 $0x12630;
	s31 =	sld [smem:$0x781]  }
0x112: {  	[spmem:s2] =	stream.indirect.scatter.add.f32 [tilespmem:s0], [sflag:$0x2], $0x10, s25, s12, $0xb8;
	[tilespmem:$0x1DE30] =	vst v63  }
0x113: {  	s1 =	simm.s32 $0x12E30;
	s0 =	sld [smem:$0x782]  }
0x114: {  	[spmem:s2] =	stream.indirect.scatter.add.f32 [tilespmem:s1], [sflag:$0x2], $0x10, s31, s12, $0xb8;
	[tilespmem:$0x1DE30] =	vst v63  }
0x115: {  	s7 =	simm.s32 $0x13630;
	s1 =	sld [smem:$0x783]  }
0x116: {  	[spmem:s2] =	stream.indirect.scatter.add.f32 [tilespmem:s7], [sflag:$0x2], $0x10, s0, s12, $0xb8;
	[tilespmem:$0x1DE30] =	vst v63  }
0x117: {  	s6 =	simm.s32 $0x13E30;
	s7 =	sld [smem:$0x784]  }
0x118: {  	[tilespmem:s6], [sflag:$0x1] =	stream.indirect.gather [spmem:s3], $0x10, s1, s12, $0xb8;
	[tilespmem:$0x1DE30] =	vst v63  }
0x119: {  	s8 =	simm.s32 $0x14630;
	s9 =	sld [smem:$0x785]  }
0x11a: {  	[tilespmem:s8], [sflag:$0x1] =	stream.indirect.gather [spmem:s3], $0x10, s7, s12, $0xb8;
	[tilespmem:$0x1DE30] =	vst v63  }
0x11b: {  	s10 =	simm.s32 $0x14E30;
	s11 =	sld [smem:$0x786]  }
0x11c: {  	[tilespmem:s10], [sflag:$0x1] =	stream.indirect.gather [spmem:s3], $0x10, s9, s12, $0xb8;
	[tilespmem:$0x1DE30] =	vst v63  }
0x11d: {  	s13 =	simm.s32 $0x15630;
	s14 =	sld [smem:$0x787]  }
0x11e: {  	[tilespmem:s13], [sflag:$0x1] =	stream.indirect.gather [spmem:s3], $0x10, s11, s12, $0xb8;
	[tilespmem:$0x1DE30] =	vst v63  }
0x11f: {  	s15 =	simm.s32 $0x15E30;
	s16 =	sld [smem:$0x788]  }
0x120: {  	[tilespmem:s15], [sflag:$0x1] =	stream.indirect.gather [spmem:s3], $0x10, s14, s12, $0xb8;
	[tilespmem:$0x1DE30] =	vst v63  }
0x121: {  	s17 =	simm.s32 $0x16630;
	s18 =	sld [smem:$0x789]  }
0x122: {  	[tilespmem:s17], [sflag:$0x1] =	stream.indirect.gather [spmem:s3], $0x10, s16, s12, $0xb8;
	[tilespmem:$0x1DE30] =	vst v63  }
0x123: {  	s19 =	simm.s32 $0x16E30;
	s20 =	sld [smem:$0x78A]  }
0x124: {  	[tilespmem:s19], [sflag:$0x1] =	stream.indirect.gather [spmem:s3], $0x10, s18, s12, $0xb8;
	[tilespmem:$0x1DE30] =	vst v63  }
0x125: {  	s21 =	simm.s32 $0x17630;
	s22 =	sld [smem:$0x78B]  }
0x126: {  	[tilespmem:s21], [sflag:$0x1] =	stream.indirect.gather [spmem:s3], $0x10, s20, s12, $0xb8;
	[tilespmem:$0x1DE30] =	vst v63  }
0x127: {  	s23 =	simm.s32 $0x17E30;
	s24 =	sld [smem:$0x78C]  }
0x128: {  	[tilespmem:s23], [sflag:$0x1] =	stream.indirect.gather [spmem:s3], $0x10, s22, s12, $0xb8;
	[tilespmem:$0x1DE30] =	vst v63  }
0x129: {  	s28 =	sld [smem:$0x78D];
	s25 =	simm.s32 $0x18630  }
0x12a: {  	[tilespmem:s25], [sflag:$0x1] =	stream.indirect.gather [spmem:s3], $0x10, s24, s12, $0xb8;
	[tilespmem:$0x1DE30] =	vst v63  }
0x12b: {  	s31 =	simm.s32 $0x18E30;
	s14 =	sld [smem:$0x78E]  }
0x12c: {  	[tilespmem:s31], [sflag:$0x1] =	stream.indirect.gather [spmem:s3], $0x10, s28, s12, $0xb8;
	[tilespmem:$0x1DE30] =	vst v63  }
0x12d: {  	s15 =	simm.s32 $0x19630;
	s16 =	sld [smem:$0x78F]  }
0x12e: {  	[tilespmem:s15], [sflag:$0x1] =	stream.indirect.gather [spmem:s3], $0x10, s14, s12, $0xb8;
	[tilespmem:$0x1DE30] =	vst v63  }
0x12f: {  	s17 =	simm.s32 $0x19E30;
	s18 =	sld [smem:$0x790]  }
0x130: {  	[tilespmem:s17], [sflag:$0x1] =	stream.indirect.gather [spmem:s3], $0x10, s16, s12, $0xb8;
	[tilespmem:$0x1DE30] =	vst v63  }
0x131: {  	s21 =	simm.s32 $0x1A630;
	s22 =	sld [smem:$0x791]  }
0x132: {  	[tilespmem:s21], [sflag:$0x1] =	stream.indirect.gather [spmem:s3], $0x10, s18, s12, $0xb8;
	[tilespmem:$0x1DE30] =	vst v63  }
0x133: {  	s23 =	simm.s32 $0x1AE30;
	s24 =	sld [smem:$0x792]  }
0x134: {  	[tilespmem:s23], [sflag:$0x1] =	stream.indirect.gather [spmem:s3], $0x10, s22, s12, $0xb8;
	[tilespmem:$0x1DE30] =	vst v63  }
0x135: {  	s25 =	simm.s32 $0x1B630;
	s28 =	sld [smem:$0x793]  }
0x136: {  	[tilespmem:s25], [sflag:$0x1] =	stream.indirect.gather [spmem:s3], $0x10, s24, s12, $0xb8;
	[tilespmem:$0x1DE30] =	vst v63  }
0x137: {  	s19 =	sld [smem:$0x794];
	s31 =	simm.s32 $0x1BE30  }
0x138: {  	[tilespmem:s31], [sflag:$0x1] =	stream.indirect.gather [spmem:s3], $0x10, s28, s12, $0xb8;
	[tilespmem:$0x1DE30] =	vst v63  }
0x139: {  	s20 =	sld [smem:$0x795];
	s23 =	simm.s32 $0x1C630  }
0x13a: {  	[tilespmem:s23], [sflag:$0x1] =	stream.indirect.gather [spmem:s3], $0x10, s19, s12, $0xb8;
	[tilespmem:$0x1DE30] =	vst v63  }
0x13b: {  	s21 =	sld [smem:$0x796];
	s24 =	simm.s32 $0x1CE30  }
0x13c: {  	[tilespmem:s24], [sflag:$0x1] =	stream.indirect.gather [spmem:s3], $0x10, s20, s12, $0xb8;
	[tilespmem:$0x1DE30] =	vst v63  }
0x13d: {  	s25 =	simm.s32 $0x1D630  }
0x13e: {  	[tilespmem:s25], [sflag:$0x1] =	stream.indirect.gather [spmem:s3], $0x10, s21, s12, $0xb8;
	[tilespmem:$0x1DE30] =	vst v63  }
0x13f: {  	_ =	swait.ge [sflag:s30], $0xA000  }
0x140: {  	[sflag:s30] =	ssyncset.done $0x0  }
0x141: {  	[sflag:s30] =	ssyncadd.s32 $0xFFFF6000  }
0x142: {  	_ =	swait.ge [sflag:s26], $0xA000  }
0x143: {  	s22 =	sld [smem:$0x797]  }
0x144: {  	[sflag:s26] =	ssyncset.done $0x0  }
0x145: {  	s1 =	simm.s32 $0x13E30;
	s29 =	sld [smem:$0x798];
	[sflag:s26] =	ssyncadd.s32 $0xFFFF6000  }
0x146: {  	[spmem:s2] =	stream.indirect.scatter.add.f32 [tilespmem:s1], [sflag:$0x2], $0x10, s22, s12, $0xb8;
	[tilespmem:$0x1DE30] =	vst v63  }
0x147: {  	s0 =	simm.s32 $0x14630;
	s1 =	sld [smem:$0x799]  }
0x148: {  	[spmem:s2] =	stream.indirect.scatter.add.f32 [tilespmem:s0], [sflag:$0x2], $0x10, s29, s12, $0xb8;
	[tilespmem:$0x1DE30] =	vst v63  }
0x149: {  	s4 =	simm.s32 $0x14E30;
	s29 =	sld [smem:$0x79A]  }
0x14a: {  	[spmem:s2] =	stream.indirect.scatter.add.f32 [tilespmem:s4], [sflag:$0x2], $0x10, s1, s12, $0xb8;
	[tilespmem:$0x1DE30] =	vst v63  }
0x14b: {  	s6 =	simm.s32 $0x15630;
	s4 =	sld [smem:$0x79B]  }
0x14c: {  	[spmem:s2] =	stream.indirect.scatter.add.f32 [tilespmem:s6], [sflag:$0x2], $0x10, s29, s12, $0xb8;
	[tilespmem:$0x1DE30] =	vst v63  }
0x14d: {  	s5 =	simm.s32 $0x15E30;
	s29 =	sld [smem:$0x79C]  }
0x14e: {  	[spmem:s2] =	stream.indirect.scatter.add.f32 [tilespmem:s5], [sflag:$0x2], $0x10, s4, s12, $0xb8;
	[tilespmem:$0x1DE30] =	vst v63  }
0x14f: {  	s7 =	simm.s32 $0x16630;
	s5 =	sld [smem:$0x79D]  }
0x150: {  	[spmem:s2] =	stream.indirect.scatter.add.f32 [tilespmem:s7], [sflag:$0x2], $0x10, s29, s12, $0xb8;
	[tilespmem:$0x1DE30] =	vst v63  }
0x151: {  	s8 =	simm.s32 $0x16E30;
	s29 =	sld [smem:$0x79E]  }
0x152: {  	[spmem:s2] =	stream.indirect.scatter.add.f32 [tilespmem:s8], [sflag:$0x2], $0x10, s5, s12, $0xb8;
	[tilespmem:$0x1DE30] =	vst v63  }
0x153: {  	s9 =	simm.s32 $0x17630;
	s6 =	sld [smem:$0x79F]  }
0x154: {  	[spmem:s2] =	stream.indirect.scatter.add.f32 [tilespmem:s9], [sflag:$0x2], $0x10, s29, s12, $0xb8;
	[tilespmem:$0x1DE30] =	vst v63  }
0x155: {  	s10 =	simm.s32 $0x17E30;
	s29 =	sld [smem:$0x7A0]  }
0x156: {  	[spmem:s2] =	stream.indirect.scatter.add.f32 [tilespmem:s10], [sflag:$0x2], $0x10, s6, s12, $0xb8;
	[tilespmem:$0x1DE30] =	vst v63  }
0x157: {  	s11 =	simm.s32 $0x18630;
	s7 =	sld [smem:$0x7A1]  }
0x158: {  	[spmem:s2] =	stream.indirect.scatter.add.f32 [tilespmem:s11], [sflag:$0x2], $0x10, s29, s12, $0xb8;
	[tilespmem:$0x1DE30] =	vst v63  }
0x159: {  	s13 =	simm.s32 $0x18E30;
	s29 =	sld [smem:$0x7A2]  }
0x15a: {  	[spmem:s2] =	stream.indirect.scatter.add.f32 [tilespmem:s13], [sflag:$0x2], $0x10, s7, s12, $0xb8;
	[tilespmem:$0x1DE30] =	vst v63  }
0x15b: {  	s14 =	simm.s32 $0x19630;
	s8 =	sld [smem:$0x7A3]  }
0x15c: {  	[spmem:s2] =	stream.indirect.scatter.add.f32 [tilespmem:s14], [sflag:$0x2], $0x10, s29, s12, $0xb8;
	[tilespmem:$0x1DE30] =	vst v63  }
0x15d: {  	s15 =	simm.s32 $0x19E30;
	s29 =	sld [smem:$0x7A4]  }
0x15e: {  	[spmem:s2] =	stream.indirect.scatter.add.f32 [tilespmem:s15], [sflag:$0x2], $0x10, s8, s12, $0xb8;
	[tilespmem:$0x1DE30] =	vst v63  }
0x15f: {  	s16 =	simm.s32 $0x1A630;
	s9 =	sld [smem:$0x7A5]  }
0x160: {  	[spmem:s2] =	stream.indirect.scatter.add.f32 [tilespmem:s16], [sflag:$0x2], $0x10, s29, s12, $0xb8;
	[tilespmem:$0x1DE30] =	vst v63  }
0x161: {  	s17 =	simm.s32 $0x1AE30;
	s29 =	sld [smem:$0x7A6]  }
0x162: {  	[spmem:s2] =	stream.indirect.scatter.add.f32 [tilespmem:s17], [sflag:$0x2], $0x10, s9, s12, $0xb8;
	[tilespmem:$0x1DE30] =	vst v63  }
0x163: {  	s18 =	simm.s32 $0x1B630;
	s10 =	sld [smem:$0x7A7]  }
0x164: {  	[spmem:s2] =	stream.indirect.scatter.add.f32 [tilespmem:s18], [sflag:$0x2], $0x10, s29, s12, $0xb8;
	[tilespmem:$0x1DE30] =	vst v63  }
0x165: {  	s29 =	sld [smem:$0x7A8]  }
0x166: {  	[spmem:s2] =	stream.indirect.scatter.add.f32 [tilespmem:s31], [sflag:$0x2], $0x10, s10, s12, $0xb8;
	[tilespmem:$0x1DE30] =	vst v63  }
0x167: {  	s11 =	sld [smem:$0x7A9]  }
0x168: {  	[spmem:s2] =	stream.indirect.scatter.add.f32 [tilespmem:s23], [sflag:$0x2], $0x10, s29, s12, $0xb8;
	[tilespmem:$0x1DE30] =	vst v63  }
0x169: {  	s29 =	sld [smem:$0x7AA]  }
0x16a: {  	[spmem:s2] =	stream.indirect.scatter.add.f32 [tilespmem:s24], [sflag:$0x2], $0x10, s11, s12, $0xb8;
	[tilespmem:$0x1DE30] =	vst v63  }
0x16b: {  	s13 =	sld [smem:$0x7AB]  }
0x16c: {  	[spmem:s2] =	stream.indirect.scatter.add.f32 [tilespmem:s25], [sflag:$0x2], $0x10, s29, s12, $0xb8;
	[tilespmem:$0x1DE30] =	vst v63  }
0x16d: {  	s0 =	simm.s32 $0x9E30;
	s29 =	sld [smem:$0x7AC]  }
0x16e: {  	[tilespmem:s0], [sflag:$0x1] =	stream.indirect.gather [spmem:s3], $0x10, s13, s12, $0xb8;
	[tilespmem:$0x1DE30] =	vst v63  }
0x16f: {  	s1 =	simm.s32 $0xA630;
	s14 =	sld [smem:$0x7AD]  }
0x170: {  	[tilespmem:s1], [sflag:$0x1] =	stream.indirect.gather [spmem:s3], $0x10, s29, s12, $0xb8;
	[tilespmem:$0x1DE30] =	vst v63  }
0x171: {  	s4 =	simm.s32 $0xAE30;
	s29 =	sld [smem:$0x7AE]  }
0x172: {  	[tilespmem:s4], [sflag:$0x1] =	stream.indirect.gather [spmem:s3], $0x10, s14, s12, $0xb8;
	[tilespmem:$0x1DE30] =	vst v63  }
0x173: {  	s5 =	simm.s32 $0xB630;
	s15 =	sld [smem:$0x7AF]  }
0x174: {  	[tilespmem:s5], [sflag:$0x1] =	stream.indirect.gather [spmem:s3], $0x10, s29, s12, $0xb8;
	[tilespmem:$0x1DE30] =	vst v63  }
0x175: {  	s6 =	simm.s32 $0xBE30;
	s29 =	sld [smem:$0x7B0]  }
0x176: {  	[tilespmem:s6], [sflag:$0x1] =	stream.indirect.gather [spmem:s3], $0x10, s15, s12, $0xb8;
	[tilespmem:$0x1DE30] =	vst v63  }
0x177: {  	s7 =	simm.s32 $0xC630;
	s16 =	sld [smem:$0x7B1]  }
0x178: {  	[tilespmem:s7], [sflag:$0x1] =	stream.indirect.gather [spmem:s3], $0x10, s29, s12, $0xb8;
	[tilespmem:$0x1DE30] =	vst v63  }
0x179: {  	s8 =	simm.s32 $0xCE30;
	s29 =	sld [smem:$0x7B2]  }
0x17a: {  	[tilespmem:s8], [sflag:$0x1] =	stream.indirect.gather [spmem:s3], $0x10, s16, s12, $0xb8;
	[tilespmem:$0x1DE30] =	vst v63  }
0x17b: {  	s17 =	sld [smem:$0x7B3];
	s9 =	simm.s32 $0xD630  }
0x17c: {  	[tilespmem:s9], [sflag:$0x1] =	stream.indirect.gather [spmem:s3], $0x10, s29, s12, $0xb8;
	[tilespmem:$0x1DE30] =	vst v63  }
0x17d: {  	s10 =	simm.s32 $0xDE30;
	s29 =	sld [smem:$0x7B4]  }
0x17e: {  	[tilespmem:s10], [sflag:$0x1] =	stream.indirect.gather [spmem:s3], $0x10, s17, s12, $0xb8;
	[tilespmem:$0x1DE30] =	vst v63  }
0x17f: {  	s18 =	sld [smem:$0x7B5];
	s11 =	simm.s32 $0xE630  }
0x180: {  	[tilespmem:s11], [sflag:$0x1] =	stream.indirect.gather [spmem:s3], $0x10, s29, s12, $0xb8;
	[tilespmem:$0x1DE30] =	vst v63  }
0x181: {  	s13 =	simm.s32 $0xEE30;
	s29 =	sld [smem:$0x7B6]  }
0x182: {  	[tilespmem:s13], [sflag:$0x1] =	stream.indirect.gather [spmem:s3], $0x10, s18, s12, $0xb8;
	[tilespmem:$0x1DE30] =	vst v63  }
0x183: {  	s19 =	sld [smem:$0x7B7];
	s14 =	simm.s32 $0xF630  }
0x184: {  	[tilespmem:s14], [sflag:$0x1] =	stream.indirect.gather [spmem:s3], $0x10, s29, s12, $0xb8;
	[tilespmem:$0x1DE30] =	vst v63  }
0x185: {  	s15 =	simm.s32 $0xFE30;
	s29 =	sld [smem:$0x7B8]  }
0x186: {  	[tilespmem:s15], [sflag:$0x1] =	stream.indirect.gather [spmem:s3], $0x10, s19, s12, $0xb8;
	[tilespmem:$0x1DE30] =	vst v63  }
0x187: {  	s20 =	sld [smem:$0x7B9];
	s16 =	simm.s32 $0x10630  }
0x188: {  	[tilespmem:s16], [sflag:$0x1] =	stream.indirect.gather [spmem:s3], $0x10, s29, s12, $0xb8;
	[tilespmem:$0x1DE30] =	vst v63  }
0x189: {  	s17 =	simm.s32 $0x10E30;
	s29 =	sld [smem:$0x7BA]  }
0x18a: {  	[tilespmem:s17], [sflag:$0x1] =	stream.indirect.gather [spmem:s3], $0x10, s20, s12, $0xb8;
	[tilespmem:$0x1DE30] =	vst v63  }
0x18b: {  	s21 =	sld [smem:$0x7BB];
	s18 =	simm.s32 $0x11630  }
0x18c: {  	[tilespmem:s18], [sflag:$0x1] =	stream.indirect.gather [spmem:s3], $0x10, s29, s12, $0xb8;
	[tilespmem:$0x1DE30] =	vst v63  }
0x18d: {  	s19 =	simm.s32 $0x11E30;
	s29 =	sld [smem:$0x7BC]  }
0x18e: {  	[tilespmem:s19], [sflag:$0x1] =	stream.indirect.gather [spmem:s3], $0x10, s21, s12, $0xb8;
	[tilespmem:$0x1DE30] =	vst v63  }
0x18f: {  	s22 =	sld [smem:$0x7BD];
	s20 =	simm.s32 $0x12630  }
0x190: {  	[tilespmem:s20], [sflag:$0x1] =	stream.indirect.gather [spmem:s3], $0x10, s29, s12, $0xb8;
	[tilespmem:$0x1DE30] =	vst v63  }
0x191: {  	s21 =	simm.s32 $0x12E30;
	s29 =	sld [smem:$0x7BE]  }
0x192: {  	[tilespmem:s21], [sflag:$0x1] =	stream.indirect.gather [spmem:s3], $0x10, s22, s12, $0xb8;
	[tilespmem:$0x1DE30] =	vst v63  }
0x193: {  	s22 =	simm.s32 $0x13630  }
0x194: {  	[tilespmem:s22], [sflag:$0x1] =	stream.indirect.gather [spmem:s3], $0x10, s29, s12, $0xb8;
	[tilespmem:$0x1DE30] =	vst v63  }
0x195: {  	_ =	swait.ge [sflag:s30], $0xA000  }
0x196: {  	[sflag:s30] =	ssyncset.done $0x0  }
0x197: {  	[sflag:s30] =	ssyncadd.s32 $0xFFFF6000  }
0x198: {  	_ =	swait.ge [sflag:s26], $0xA000  }
0x199: {  	s28 =	sld [smem:$0x7BF]  }
0x19a: {  	[sflag:s26] =	ssyncset.done $0x0  }
0x19b: {  	s29 =	sld [smem:$0x7C0];
	[sflag:s26] =	ssyncadd.s32 $0xFFFF6000  }
0x19c: {  	[spmem:s2] =	stream.indirect.scatter.add.f32 [tilespmem:s0], [sflag:$0x2], $0x10, s28, s12, $0xb8;
	[tilespmem:$0x1DE30] =	vst v63  }
0x19d: {  	s0 =	sld [smem:$0x7C1]  }
0x19e: {  	[spmem:s2] =	stream.indirect.scatter.add.f32 [tilespmem:s1], [sflag:$0x2], $0x10, s29, s12, $0xb8;
	[tilespmem:$0x1DE30] =	vst v63  }
0x19f: {  	s29 =	sld [smem:$0x7C2]  }
0x1a0: {  	[spmem:s2] =	stream.indirect.scatter.add.f32 [tilespmem:s4], [sflag:$0x2], $0x10, s0, s12, $0xb8;
	[tilespmem:$0x1DE30] =	vst v63  }
0x1a1: {  	s1 =	sld [smem:$0x7C3]  }
0x1a2: {  	[spmem:s2] =	stream.indirect.scatter.add.f32 [tilespmem:s5], [sflag:$0x2], $0x10, s29, s12, $0xb8;
	[tilespmem:$0x1DE30] =	vst v63  }
0x1a3: {  	s29 =	sld [smem:$0x7C4]  }
0x1a4: {  	[spmem:s2] =	stream.indirect.scatter.add.f32 [tilespmem:s6], [sflag:$0x2], $0x10, s1, s12, $0xb8;
	[tilespmem:$0x1DE30] =	vst v63  }
0x1a5: {  	s4 =	sld [smem:$0x7C5]  }
0x1a6: {  	[spmem:s2] =	stream.indirect.scatter.add.f32 [tilespmem:s7], [sflag:$0x2], $0x10, s29, s12, $0xb8;
	[tilespmem:$0x1DE30] =	vst v63  }
0x1a7: {  	s29 =	sld [smem:$0x7C6]  }
0x1a8: {  	[spmem:s2] =	stream.indirect.scatter.add.f32 [tilespmem:s8], [sflag:$0x2], $0x10, s4, s12, $0xb8;
	[tilespmem:$0x1DE30] =	vst v63  }
0x1a9: {  	s5 =	sld [smem:$0x7C7]  }
0x1aa: {  	[spmem:s2] =	stream.indirect.scatter.add.f32 [tilespmem:s9], [sflag:$0x2], $0x10, s29, s12, $0xb8;
	[tilespmem:$0x1DE30] =	vst v63  }
0x1ab: {  	s29 =	sld [smem:$0x7C8]  }
0x1ac: {  	[spmem:s2] =	stream.indirect.scatter.add.f32 [tilespmem:s10], [sflag:$0x2], $0x10, s5, s12, $0xb8;
	[tilespmem:$0x1DE30] =	vst v63  }
0x1ad: {  	s6 =	sld [smem:$0x7C9]  }
0x1ae: {  	[spmem:s2] =	stream.indirect.scatter.add.f32 [tilespmem:s11], [sflag:$0x2], $0x10, s29, s12, $0xb8;
	[tilespmem:$0x1DE30] =	vst v63  }
0x1af: {  	s29 =	sld [smem:$0x7CA]  }
0x1b0: {  	[spmem:s2] =	stream.indirect.scatter.add.f32 [tilespmem:s13], [sflag:$0x2], $0x10, s6, s12, $0xb8;
	[tilespmem:$0x1DE30] =	vst v63  }
0x1b1: {  	s7 =	sld [smem:$0x7CB]  }
0x1b2: {  	[spmem:s2] =	stream.indirect.scatter.add.f32 [tilespmem:s14], [sflag:$0x2], $0x10, s29, s12, $0xb8;
	[tilespmem:$0x1DE30] =	vst v63  }
0x1b3: {  	s29 =	sld [smem:$0x7CC]  }
0x1b4: {  	[spmem:s2] =	stream.indirect.scatter.add.f32 [tilespmem:s15], [sflag:$0x2], $0x10, s7, s12, $0xb8;
	[tilespmem:$0x1DE30] =	vst v63  }
0x1b5: {  	s8 =	sld [smem:$0x7CD]  }
0x1b6: {  	[spmem:s2] =	stream.indirect.scatter.add.f32 [tilespmem:s16], [sflag:$0x2], $0x10, s29, s12, $0xb8;
	[tilespmem:$0x1DE30] =	vst v63  }
0x1b7: {  	s29 =	sld [smem:$0x7CE]  }
0x1b8: {  	[spmem:s2] =	stream.indirect.scatter.add.f32 [tilespmem:s17], [sflag:$0x2], $0x10, s8, s12, $0xb8;
	[tilespmem:$0x1DE30] =	vst v63  }
0x1b9: {  	s9 =	sld [smem:$0x7CF]  }
0x1ba: {  	[spmem:s2] =	stream.indirect.scatter.add.f32 [tilespmem:s18], [sflag:$0x2], $0x10, s29, s12, $0xb8;
	[tilespmem:$0x1DE30] =	vst v63  }
0x1bb: {  	s29 =	sld [smem:$0x7D0]  }
0x1bc: {  	[spmem:s2] =	stream.indirect.scatter.add.f32 [tilespmem:s19], [sflag:$0x2], $0x10, s9, s12, $0xb8;
	[tilespmem:$0x1DE30] =	vst v63  }
0x1bd: {  	s10 =	sld [smem:$0x7D1]  }
0x1be: {  	[spmem:s2] =	stream.indirect.scatter.add.f32 [tilespmem:s20], [sflag:$0x2], $0x10, s29, s12, $0xb8;
	[tilespmem:$0x1DE30] =	vst v63  }
0x1bf: {  	s29 =	sld [smem:$0x7D2]  }
0x1c0: {  	[spmem:s2] =	stream.indirect.scatter.add.f32 [tilespmem:s21], [sflag:$0x2], $0x10, s10, s12, $0xb8;
	[tilespmem:$0x1DE30] =	vst v63  }
0x1c1: {  	s11 =	sld [smem:$0x7D3]  }
0x1c2: {  	[spmem:s2] =	stream.indirect.scatter.add.f32 [tilespmem:s22], [sflag:$0x2], $0x10, s29, s12, $0xb8;
	[tilespmem:$0x1DE30] =	vst v63  }
0x1c3: {  	s0 =	simm.s32 $0x13E30;
	s29 =	sld [smem:$0x7D4]  }
0x1c4: {  	[tilespmem:s0], [sflag:$0x1] =	stream.indirect.gather [spmem:s3], $0x10, s11, s12, $0xb8;
	[tilespmem:$0x1DE30] =	vst v63  }
0x1c5: {  	s1 =	simm.s32 $0x14630;
	s13 =	sld [smem:$0x7D5]  }
0x1c6: {  	[tilespmem:s1], [sflag:$0x1] =	stream.indirect.gather [spmem:s3], $0x10, s29, s12, $0xb8;
	[tilespmem:$0x1DE30] =	vst v63  }
0x1c7: {  	s4 =	simm.s32 $0x14E30;
	s29 =	sld [smem:$0x7D6]  }
0x1c8: {  	[tilespmem:s4], [sflag:$0x1] =	stream.indirect.gather [spmem:s3], $0x10, s13, s12, $0xb8;
	[tilespmem:$0x1DE30] =	vst v63  }
0x1c9: {  	s5 =	simm.s32 $0x15630;
	s14 =	sld [smem:$0x7D7]  }
0x1ca: {  	[tilespmem:s5], [sflag:$0x1] =	stream.indirect.gather [spmem:s3], $0x10, s29, s12, $0xb8;
	[tilespmem:$0x1DE30] =	vst v63  }
0x1cb: {  	s6 =	simm.s32 $0x15E30;
	s29 =	sld [smem:$0x7D8]  }
0x1cc: {  	[tilespmem:s6], [sflag:$0x1] =	stream.indirect.gather [spmem:s3], $0x10, s14, s12, $0xb8;
	[tilespmem:$0x1DE30] =	vst v63  }
0x1cd: {  	s15 =	sld [smem:$0x7D9];
	s7 =	simm.s32 $0x16630  }
0x1ce: {  	[tilespmem:s7], [sflag:$0x1] =	stream.indirect.gather [spmem:s3], $0x10, s29, s12, $0xb8;
	[tilespmem:$0x1DE30] =	vst v63  }
0x1cf: {  	s8 =	simm.s32 $0x16E30;
	s29 =	sld [smem:$0x7DA]  }
0x1d0: {  	[tilespmem:s8], [sflag:$0x1] =	stream.indirect.gather [spmem:s3], $0x10, s15, s12, $0xb8;
	[tilespmem:$0x1DE30] =	vst v63  }
0x1d1: {  	s16 =	sld [smem:$0x7DB];
	s9 =	simm.s32 $0x17630  }
0x1d2: {  	[tilespmem:s9], [sflag:$0x1] =	stream.indirect.gather [spmem:s3], $0x10, s29, s12, $0xb8;
	[tilespmem:$0x1DE30] =	vst v63  }
0x1d3: {  	s10 =	simm.s32 $0x17E30;
	s29 =	sld [smem:$0x7DC]  }
0x1d4: {  	[tilespmem:s10], [sflag:$0x1] =	stream.indirect.gather [spmem:s3], $0x10, s16, s12, $0xb8;
	[tilespmem:$0x1DE30] =	vst v63  }
0x1d5: {  	s17 =	sld [smem:$0x7DD];
	s11 =	simm.s32 $0x18630  }
0x1d6: {  	[tilespmem:s11], [sflag:$0x1] =	stream.indirect.gather [spmem:s3], $0x10, s29, s12, $0xb8;
	[tilespmem:$0x1DE30] =	vst v63  }
0x1d7: {  	s13 =	simm.s32 $0x18E30;
	s29 =	sld [smem:$0x7DE]  }
0x1d8: {  	[tilespmem:s13], [sflag:$0x1] =	stream.indirect.gather [spmem:s3], $0x10, s17, s12, $0xb8;
	[tilespmem:$0x1DE30] =	vst v63  }
0x1d9: {  	s18 =	sld [smem:$0x7DF];
	s14 =	simm.s32 $0x19630  }
0x1da: {  	[tilespmem:s14], [sflag:$0x1] =	stream.indirect.gather [spmem:s3], $0x10, s29, s12, $0xb8;
	[tilespmem:$0x1DE30] =	vst v63  }
0x1db: {  	s15 =	simm.s32 $0x19E30;
	s29 =	sld [smem:$0x7E0]  }
0x1dc: {  	[tilespmem:s15], [sflag:$0x1] =	stream.indirect.gather [spmem:s3], $0x10, s18, s12, $0xb8;
	[tilespmem:$0x1DE30] =	vst v63  }
0x1dd: {  	s19 =	sld [smem:$0x7E1];
	s16 =	simm.s32 $0x1A630  }
0x1de: {  	[tilespmem:s16], [sflag:$0x1] =	stream.indirect.gather [spmem:s3], $0x10, s29, s12, $0xb8;
	[tilespmem:$0x1DE30] =	vst v63  }
0x1df: {  	s17 =	simm.s32 $0x1AE30;
	s29 =	sld [smem:$0x7E2]  }
0x1e0: {  	[tilespmem:s17], [sflag:$0x1] =	stream.indirect.gather [spmem:s3], $0x10, s19, s12, $0xb8;
	[tilespmem:$0x1DE30] =	vst v63  }
0x1e1: {  	s20 =	sld [smem:$0x7E3];
	s18 =	simm.s32 $0x1B630  }
0x1e2: {  	[tilespmem:s18], [sflag:$0x1] =	stream.indirect.gather [spmem:s3], $0x10, s29, s12, $0xb8;
	[tilespmem:$0x1DE30] =	vst v63  }
0x1e3: {  	s29 =	sld [smem:$0x7E4]  }
0x1e4: {  	[tilespmem:s31], [sflag:$0x1] =	stream.indirect.gather [spmem:s3], $0x10, s20, s12, $0xb8;
	[tilespmem:$0x1DE30] =	vst v63  }
0x1e5: {  	s21 =	sld [smem:$0x7E5]  }
0x1e6: {  	[tilespmem:s23], [sflag:$0x1] =	stream.indirect.gather [spmem:s3], $0x10, s29, s12, $0xb8;
	[tilespmem:$0x1DE30] =	vst v63  }
0x1e7: {  	s29 =	sld [smem:$0x7E6]  }
0x1e8: {  	[tilespmem:s24], [sflag:$0x1] =	stream.indirect.gather [spmem:s3], $0x10, s21, s12, $0xb8;
	[tilespmem:$0x1DE30] =	vst v63  }
0x1e9: {  	_ = 	snop  }
0x1ea: {  	[tilespmem:s25], [sflag:$0x1] =	stream.indirect.gather [spmem:s3], $0x10, s29, s12, $0xb8;
	[tilespmem:$0x1DE30] =	vst v63  }
0x1eb: {  	_ =	swait.ge [sflag:s30], $0xA000  }
0x1ec: {  	[sflag:s30] =	ssyncset.done $0x0  }
0x1ed: {  	[sflag:s30] =	ssyncadd.s32 $0xFFFF6000  }
0x1ee: {  	_ =	swait.ge [sflag:s26], $0xA000  }
0x1ef: {  	s22 =	sld [smem:$0x7E7]  }
0x1f0: {  	[sflag:s26] =	ssyncset.done $0x0;
	s29 =	sld [smem:$0x7E8]  }
0x1f1: {  	s19 =	sld [smem:$0x7F1];
	[sflag:s26] =	ssyncadd.s32 $0xFFFF6000  }
0x1f2: {  	[spmem:s2] =	stream.indirect.scatter.add.f32 [tilespmem:s0], [sflag:$0x2], $0x10, s22, s12, $0xb8;
	[tilespmem:$0x1DE30] =	vst v63  }
0x1f3: {  	s0 =	sld [smem:$0x7E9]  }
0x1f4: {  	[spmem:s2] =	stream.indirect.scatter.add.f32 [tilespmem:s1], [sflag:$0x2], $0x10, s29, s12, $0xb8;
	[tilespmem:$0x1DE30] =	vst v63  }
0x1f5: {  	s29 =	sld [smem:$0x7EA]  }
0x1f6: {  	[spmem:s2] =	stream.indirect.scatter.add.f32 [tilespmem:s4], [sflag:$0x2], $0x10, s0, s12, $0xb8;
	[tilespmem:$0x1DE30] =	vst v63  }
0x1f7: {  	s4 =	sld [smem:$0x7EB]  }
0x1f8: {  	[spmem:s2] =	stream.indirect.scatter.add.f32 [tilespmem:s5], [sflag:$0x2], $0x10, s29, s12, $0xb8;
	[tilespmem:$0x1DE30] =	vst v63  }
0x1f9: {  	s29 =	sld [smem:$0x7EC]  }
0x1fa: {  	[spmem:s2] =	stream.indirect.scatter.add.f32 [tilespmem:s6], [sflag:$0x2], $0x10, s4, s12, $0xb8;
	[tilespmem:$0x1DE30] =	vst v63  }
0x1fb: {  	s6 =	sld [smem:$0x7ED]  }
0x1fc: {  	[spmem:s2] =	stream.indirect.scatter.add.f32 [tilespmem:s7], [sflag:$0x2], $0x10, s29, s12, $0xb8;
	[tilespmem:$0x1DE30] =	vst v63  }
0x1fd: {  	s29 =	sld [smem:$0x7EE]  }
0x1fe: {  	[spmem:s2] =	stream.indirect.scatter.add.f32 [tilespmem:s8], [sflag:$0x2], $0x10, s6, s12, $0xb8;
	[tilespmem:$0x1DE30] =	vst v63  }
0x1ff: {  	s8 =	sld [smem:$0x7EF]  }
0x200: {  	[spmem:s2] =	stream.indirect.scatter.add.f32 [tilespmem:s9], [sflag:$0x2], $0x10, s29, s12, $0xb8;
	[tilespmem:$0x1DE30] =	vst v63  }
0x201: {  	s29 =	sld [smem:$0x7F0]  }
0x202: {  	[spmem:s2] =	stream.indirect.scatter.add.f32 [tilespmem:s10], [sflag:$0x2], $0x10, s8, s12, $0xb8;
	[tilespmem:$0x1DE30] =	vst v63  }
0x203: {  	s20 =	sld [smem:$0x7F3]  }
0x204: {  	[spmem:s2] =	stream.indirect.scatter.add.f32 [tilespmem:s11], [sflag:$0x2], $0x10, s29, s12, $0xb8;
	[tilespmem:$0x1DE30] =	vst v63  }
0x205: {  	s29 =	sld [smem:$0x7F2]  }
0x206: {  	[spmem:s2] =	stream.indirect.scatter.add.f32 [tilespmem:s13], [sflag:$0x2], $0x10, s19, s12, $0xb8;
	[tilespmem:$0x1DE30] =	vst v63  }
0x207: {  	s21 =	sld [smem:$0x7F5]  }
0x208: {  	[spmem:s2] =	stream.indirect.scatter.add.f32 [tilespmem:s14], [sflag:$0x2], $0x10, s29, s12, $0xb8;
	[tilespmem:$0x1DE30] =	vst v63  }
0x209: {  	s29 =	sld [smem:$0x7F4]  }
0x20a: {  	[spmem:s2] =	stream.indirect.scatter.add.f32 [tilespmem:s15], [sflag:$0x2], $0x10, s20, s12, $0xb8;
	[tilespmem:$0x1DE30] =	vst v63  }
0x20b: {  	s28 =	sld [smem:$0x7FB]  }
0x20c: {  	[spmem:s2] =	stream.indirect.scatter.add.f32 [tilespmem:s16], [sflag:$0x2], $0x10, s29, s12, $0xb8;
	[tilespmem:$0x1DE30] =	vst v63  }
0x20d: {  	s29 =	sld [smem:$0x7F6]  }
0x20e: {  	[spmem:s2] =	stream.indirect.scatter.add.f32 [tilespmem:s17], [sflag:$0x2], $0x10, s21, s12, $0xb8;
	[tilespmem:$0x1DE30] =	vst v63  }
0x20f: {  	s22 =	sld [smem:$0x7F7]  }
0x210: {  	[spmem:s2] =	stream.indirect.scatter.add.f32 [tilespmem:s18], [sflag:$0x2], $0x10, s29, s12, $0xb8;
	[tilespmem:$0x1DE30] =	vst v63  }
0x211: {  	s29 =	sld [smem:$0x7F8]  }
0x212: {  	[spmem:s2] =	stream.indirect.scatter.add.f32 [tilespmem:s31], [sflag:$0x2], $0x10, s22, s12, $0xb8;
	[tilespmem:$0x1DE30] =	vst v63  }
0x213: {  	s26 =	sld [smem:$0x7F9]  }
0x214: {  	[spmem:s2] =	stream.indirect.scatter.add.f32 [tilespmem:s23], [sflag:$0x2], $0x10, s29, s12, $0xb8;
	[tilespmem:$0x1DE30] =	vst v63  }
0x215: {  	s29 =	sld [smem:$0x7FA]  }
0x216: {  	[spmem:s2] =	stream.indirect.scatter.add.f32 [tilespmem:s24], [sflag:$0x2], $0x10, s26, s12, $0xb8;
	[tilespmem:$0x1DE30] =	vst v63  }
0x217: {  	s31 =	ssub.s32 $0x2, s28  }
0x218: {  	[spmem:s2] =	stream.indirect.scatter.add.f32 [tilespmem:s25], [sflag:$0x2], $0x10, s29, s12, $0xb8;
	[tilespmem:$0x1DE30] =	vst v63  }
0x219: {  	s29 =	sshrl.u32 s31, $0x1  }
0x21a: {  	s28 =	ssub.s32 s31, s29  }
0x21b: {  	s28 =	smax.u32 s28, $0x1  }
0x21c: {  	_ =	swait.ge [sflag:s30], $0xA000;
	p0 =	sne.s32 s28, $0x1  }
.Ltmp0:
0x21d: {  	[sflag:s30] =	ssyncset.done $0x0;
	(pc) =	sbr.rel @!p0 .LBB2_3-.Ltmp0, $4  }
0x21e: {  	[sflag:s30] =	ssyncadd.s32 $0xFFFF6000  }
0x21f: {  	[bflag:$0x0] =	sbarrier.arrive $0xFFFF  }
0x220: {  	s29 =	sld [smem:$0x7FC]  }
0x221: {  	s0 =	sadd.s32 $0xFFFFFFFF, s28;
	s30 =	sld [smem:$0x7FD]  }
0x222: {  	s28 =	simm.s32 $0x1;
	s17 =	simm.s32 $0x2  }
0x223: {  	s24 =	simm.s32 $0xDE30;
	s25 =	simm.s32 $0xE630;
	s26 =	simm.s32 $0xEE30  }
.LBB2_2:
0x224: {  	s31 =	sld [smem:$0x771];
	_ =	sdelay $0x1  }
0x225: {  	s11 =	sadd.s32 $0xFFFFFFFF, s0  }
0x226: {  	[hbm:s29], [sflag:s31] =	dma.local [spmem:s30], $0x4E2  }
0x227: {  	[smem:$0x770] =	sst s11  }
0x228: {  	_ =	swait.ge [sflag:s28], $0x4E2  }
0x229: {  	s29 =	rddreg [dreg:$0x4];
	[sflag:s28] =	ssyncset.done $0x0  }
0x22a: {  	s30 =	rddreg [dreg:$0x8];
	[sflag:s28] =	ssyncadd.s32 $0xFFFFFB1E  }
0x22b: {  	[spmem:s30], [sflag:s31] =	dma.local [hbm:s29], $0x4E4  }
0x22c: {  	s29 =	rddreg [dreg:$0xa]  }
0x22d: {  	s30 =	rddreg [dreg:$0x9]  }
0x22e: {  	s31 =	rddreg [dreg:$0x5]  }
0x22f: {  	[spmem:s29], [sflag:s30] =	dma.local [hbm:s31], $0x4E2  }
0x230: {  	s13 =	simm.s32 $0x0;
	s14 =	simm.s32 $0x4E30;
	s29 =	rddreg [dreg:$0x6]  }
0x231: {  	[tilespmem:s14], [sflag:$0x3] =	stream.linear.gather [hbm4b:s29+s13], $0x2800, $0x38;
	[tilespmem:$0x1DE30] =	vst v63  }
0x232: {  	s1 =	simm.s32 $0x7630;
	s30 =	rddreg [dreg:$0x7]  }
0x233: {  	[tilespmem:s1], [sflag:$0x4] =	stream.linear.gather [hbm4b:s30+s13], $0x2800, $0x38;
	[tilespmem:$0x1DE30] =	vst v63  }
0x234: {  	_ =	swait.ge [sflag:s28], $0x4E4  }
0x235: {  	[sflag:s28] =	ssyncset.done $0x0  }
0x236: {  	[sflag:s28] =	ssyncadd.s32 $0xFFFFFB1C  }
0x237: {  	_ =	swait.ge [sflag:s17], $0x4E2  }
0x238: {  	[sflag:s17] =	ssyncset.done $0x0  }
0x239: {  	s29 =	simm.s32 $0x3;
	[sflag:s17] =	ssyncadd.s32 $0xFFFFFB1E  }
0x23a: {  	_ =	swait.ge [sflag:s29], $0x2800  }
0x23b: {  	[sflag:s29] =	ssyncset.done $0x0  }
0x23c: {  	[sflag:s29] =	ssyncadd.s32 $0xFFFFD800;
	s29 =	simm.s32 $0x4  }
0x23d: {  	_ =	swait.ge [sflag:s29], $0x2800  }
0x23e: {  	[sflag:s29] =	ssyncset.done $0x0  }
0x23f: {  	[sflag:s29] =	ssyncadd.s32 $0xFFFFD800  }
0x240: {  	s31 =	simm.s32 $0x9E30;
	[bflag:$0x0] =	sbarrier.arrive $0xFFFF  }
0x241: {  	[tilespmem:s31], [sflag:$0x1] =	stream.indirect.gather [spmem:s3], $0x10, s14, s12, $0xb8;
	[tilespmem:$0x1DE30] =	vst v63  }
0x242: {  	s15 =	simm.s32 $0xA630;
	s29 =	rddreg [dreg:$0xb]  }
0x243: {  	[tilespmem:s15], [sflag:$0x1] =	stream.indirect.gather [spmem:s3], $0x10, s29, s12, $0xb8;
	[tilespmem:$0x1DE30] =	vst v63  }
0x244: {  	s16 =	simm.s32 $0xAE30;
	s30 =	rddreg [dreg:$0xc]  }
0x245: {  	[tilespmem:s16], [sflag:$0x1] =	stream.indirect.gather [spmem:s3], $0x10, s30, s12, $0xb8;
	[tilespmem:$0x1DE30] =	vst v63  }
0x246: {  	s18 =	simm.s32 $0xB630;
	s29 =	rddreg [dreg:$0xd]  }
0x247: {  	[tilespmem:s18], [sflag:$0x1] =	stream.indirect.gather [spmem:s3], $0x10, s29, s12, $0xb8;
	[tilespmem:$0x1DE30] =	vst v63  }
0x248: {  	s19 =	simm.s32 $0xBE30;
	s30 =	rddreg [dreg:$0xe]  }
0x249: {  	[tilespmem:s19], [sflag:$0x1] =	stream.indirect.gather [spmem:s3], $0x10, s30, s12, $0xb8;
	[tilespmem:$0x1DE30] =	vst v63  }
0x24a: {  	s20 =	simm.s32 $0xC630;
	s29 =	rddreg [dreg:$0xf]  }
0x24b: {  	[tilespmem:s20], [sflag:$0x1] =	stream.indirect.gather [spmem:s3], $0x10, s29, s12, $0xb8;
	[tilespmem:$0x1DE30] =	vst v63  }
0x24c: {  	s21 =	simm.s32 $0xCE30;
	s30 =	rddreg [dreg:$0x10]  }
0x24d: {  	[tilespmem:s21], [sflag:$0x1] =	stream.indirect.gather [spmem:s3], $0x10, s30, s12, $0xb8;
	[tilespmem:$0x1DE30] =	vst v63  }
0x24e: {  	s23 =	simm.s32 $0xD630;
	s29 =	rddreg [dreg:$0x11]  }
0x24f: {  	[tilespmem:s23], [sflag:$0x1] =	stream.indirect.gather [spmem:s3], $0x10, s29, s12, $0xb8;
	[tilespmem:$0x1DE30] =	vst v63  }
0x250: {  	s9 =	simm.s32 $0xDE30;
	s30 =	rddreg [dreg:$0x12]  }
0x251: {  	[tilespmem:s9], [sflag:$0x1] =	stream.indirect.gather [spmem:s3], $0x10, s30, s12, $0xb8;
	[tilespmem:$0x1DE30] =	vst v63  }
0x252: {  	s10 =	simm.s32 $0xE630;
	s29 =	rddreg [dreg:$0x13]  }
0x253: {  	[tilespmem:s10], [sflag:$0x1] =	stream.indirect.gather [spmem:s3], $0x10, s29, s12, $0xb8;
	[tilespmem:$0x1DE30] =	vst v63  }
0x254: {  	s11 =	simm.s32 $0xEE30;
	s30 =	rddreg [dreg:$0x14]  }
0x255: {  	[tilespmem:s11], [sflag:$0x1] =	stream.indirect.gather [spmem:s3], $0x10, s30, s12, $0xb8;
	[tilespmem:$0x1DE30] =	vst v63  }
0x256: {  	s13 =	simm.s32 $0xF630;
	s29 =	rddreg [dreg:$0x15]  }
0x257: {  	[tilespmem:s13], [sflag:$0x1] =	stream.indirect.gather [spmem:s3], $0x10, s29, s12, $0xb8;
	[tilespmem:$0x1DE30] =	vst v63  }
0x258: {  	s14 =	simm.s32 $0xFE30;
	s30 =	rddreg [dreg:$0x16]  }
0x259: {  	[tilespmem:s14], [sflag:$0x1] =	stream.indirect.gather [spmem:s3], $0x10, s30, s12, $0xb8;
	[tilespmem:$0x1DE30] =	vst v63  }
0x25a: {  	s15 =	simm.s32 $0x10630;
	s29 =	rddreg [dreg:$0x17]  }
0x25b: {  	[tilespmem:s15], [sflag:$0x1] =	stream.indirect.gather [spmem:s3], $0x10, s29, s12, $0xb8;
	[tilespmem:$0x1DE30] =	vst v63  }
0x25c: {  	s16 =	simm.s32 $0x10E30;
	s30 =	rddreg [dreg:$0x18]  }
0x25d: {  	[tilespmem:s16], [sflag:$0x1] =	stream.indirect.gather [spmem:s3], $0x10, s30, s12, $0xb8;
	[tilespmem:$0x1DE30] =	vst v63  }
0x25e: {  	s18 =	simm.s32 $0x11630;
	s29 =	rddreg [dreg:$0x19]  }
0x25f: {  	[tilespmem:s18], [sflag:$0x1] =	stream.indirect.gather [spmem:s3], $0x10, s29, s12, $0xb8;
	[tilespmem:$0x1DE30] =	vst v63  }
0x260: {  	s19 =	simm.s32 $0x11E30;
	s30 =	rddreg [dreg:$0x1a]  }
0x261: {  	[tilespmem:s19], [sflag:$0x1] =	stream.indirect.gather [spmem:s3], $0x10, s30, s12, $0xb8;
	[tilespmem:$0x1DE30] =	vst v63  }
0x262: {  	s20 =	simm.s32 $0x12630;
	s29 =	rddreg [dreg:$0x1b]  }
0x263: {  	[tilespmem:s20], [sflag:$0x1] =	stream.indirect.gather [spmem:s3], $0x10, s29, s12, $0xb8;
	[tilespmem:$0x1DE30] =	vst v63  }
0x264: {  	s21 =	simm.s32 $0x12E30;
	s30 =	rddreg [dreg:$0x1c]  }
0x265: {  	[tilespmem:s21], [sflag:$0x1] =	stream.indirect.gather [spmem:s3], $0x10, s30, s12, $0xb8;
	[tilespmem:$0x1DE30] =	vst v63  }
0x266: {  	p0 =	sne.s32 s0, $0x1;
	s0 =	simm.s32 $0x13630;
	s29 =	rddreg [dreg:$0x1d]  }
0x267: {  	[tilespmem:s0], [sflag:$0x1] =	stream.indirect.gather [spmem:s3], $0x10, s29, s12, $0xb8;
	[tilespmem:$0x1DE30] =	vst v63  }
0x268: {  	_ =	swait.ge [sflag:s28], $0xA000  }
0x269: {  	[sflag:s28] =	ssyncset.done $0x0  }
0x26a: {  	s29 =	rddreg [dreg:$0x1e];
	[sflag:s28] =	ssyncadd.s32 $0xFFFF6000  }
0x26b: {  	[spmem:s2] =	stream.indirect.scatter.add.f32 [tilespmem:s31], [sflag:$0x2], $0x10, s1, s12, $0xb8;
	[tilespmem:$0x1DE30] =	vst v63  }
0x26c: {  	s4 =	simm.s32 $0xA630;
	s30 =	rddreg [dreg:$0x1f]  }
0x26d: {  	[spmem:s2] =	stream.indirect.scatter.add.f32 [tilespmem:s4], [sflag:$0x2], $0x10, s29, s12, $0xb8;
	[tilespmem:$0x1DE30] =	vst v63  }
0x26e: {  	s22 =	simm.s32 $0xAE30;
	s29 =	sld [smem:$0x772]  }
0x26f: {  	[spmem:s2] =	stream.indirect.scatter.add.f32 [tilespmem:s22], [sflag:$0x2], $0x10, s30, s12, $0xb8;
	[tilespmem:$0x1DE30] =	vst v63  }
0x270: {  	s5 =	simm.s32 $0xB630;
	s30 =	sld [smem:$0x773]  }
0x271: {  	[spmem:s2] =	stream.indirect.scatter.add.f32 [tilespmem:s5], [sflag:$0x2], $0x10, s29, s12, $0xb8;
	[tilespmem:$0x1DE30] =	vst v63  }
0x272: {  	s6 =	simm.s32 $0xBE30;
	s29 =	sld [smem:$0x774]  }
0x273: {  	[spmem:s2] =	stream.indirect.scatter.add.f32 [tilespmem:s6], [sflag:$0x2], $0x10, s30, s12, $0xb8;
	[tilespmem:$0x1DE30] =	vst v63  }
0x274: {  	s7 =	simm.s32 $0xC630;
	s30 =	sld [smem:$0x775]  }
0x275: {  	[spmem:s2] =	stream.indirect.scatter.add.f32 [tilespmem:s7], [sflag:$0x2], $0x10, s29, s12, $0xb8;
	[tilespmem:$0x1DE30] =	vst v63  }
0x276: {  	s8 =	simm.s32 $0xCE30;
	s29 =	sld [smem:$0x776]  }
0x277: {  	[spmem:s2] =	stream.indirect.scatter.add.f32 [tilespmem:s8], [sflag:$0x2], $0x10, s30, s12, $0xb8;
	[tilespmem:$0x1DE30] =	vst v63  }
0x278: {  	s23 =	simm.s32 $0xD630;
	s30 =	sld [smem:$0x777]  }
0x279: {  	[spmem:s2] =	stream.indirect.scatter.add.f32 [tilespmem:s23], [sflag:$0x2], $0x10, s29, s12, $0xb8;
	[tilespmem:$0x1DE30] =	vst v63  }
0x27a: {  	s9 =	simm.s32 $0xDE30;
	s29 =	sld [smem:$0x778]  }
0x27b: {  	[spmem:s2] =	stream.indirect.scatter.add.f32 [tilespmem:s9], [sflag:$0x2], $0x10, s30, s12, $0xb8;
	[tilespmem:$0x1DE30] =	vst v63  }
0x27c: {  	s10 =	simm.s32 $0xE630;
	s30 =	sld [smem:$0x779]  }
0x27d: {  	[spmem:s2] =	stream.indirect.scatter.add.f32 [tilespmem:s10], [sflag:$0x2], $0x10, s29, s12, $0xb8;
	[tilespmem:$0x1DE30] =	vst v63  }
0x27e: {  	s11 =	simm.s32 $0xEE30;
	s29 =	sld [smem:$0x77A]  }
0x27f: {  	[spmem:s2] =	stream.indirect.scatter.add.f32 [tilespmem:s11], [sflag:$0x2], $0x10, s30, s12, $0xb8;
	[tilespmem:$0x1DE30] =	vst v63  }
0x280: {  	s13 =	simm.s32 $0xF630;
	s30 =	sld [smem:$0x77B]  }
0x281: {  	[spmem:s2] =	stream.indirect.scatter.add.f32 [tilespmem:s13], [sflag:$0x2], $0x10, s29, s12, $0xb8;
	[tilespmem:$0x1DE30] =	vst v63  }
0x282: {  	s14 =	simm.s32 $0xFE30;
	s29 =	sld [smem:$0x77C]  }
0x283: {  	[spmem:s2] =	stream.indirect.scatter.add.f32 [tilespmem:s14], [sflag:$0x2], $0x10, s30, s12, $0xb8;
	[tilespmem:$0x1DE30] =	vst v63  }
0x284: {  	s15 =	simm.s32 $0x10630;
	s30 =	sld [smem:$0x77D]  }
0x285: {  	[spmem:s2] =	stream.indirect.scatter.add.f32 [tilespmem:s15], [sflag:$0x2], $0x10, s29, s12, $0xb8;
	[tilespmem:$0x1DE30] =	vst v63  }
0x286: {  	s16 =	simm.s32 $0x10E30;
	s29 =	sld [smem:$0x77E]  }
0x287: {  	[spmem:s2] =	stream.indirect.scatter.add.f32 [tilespmem:s16], [sflag:$0x2], $0x10, s30, s12, $0xb8;
	[tilespmem:$0x1DE30] =	vst v63  }
0x288: {  	s18 =	simm.s32 $0x11630;
	s30 =	sld [smem:$0x77F]  }
0x289: {  	[spmem:s2] =	stream.indirect.scatter.add.f32 [tilespmem:s18], [sflag:$0x2], $0x10, s29, s12, $0xb8;
	[tilespmem:$0x1DE30] =	vst v63  }
0x28a: {  	s19 =	simm.s32 $0x11E30;
	s29 =	sld [smem:$0x780]  }
0x28b: {  	[spmem:s2] =	stream.indirect.scatter.add.f32 [tilespmem:s19], [sflag:$0x2], $0x10, s30, s12, $0xb8;
	[tilespmem:$0x1DE30] =	vst v63  }
0x28c: {  	s20 =	simm.s32 $0x12630;
	s30 =	sld [smem:$0x781]  }
0x28d: {  	[spmem:s2] =	stream.indirect.scatter.add.f32 [tilespmem:s20], [sflag:$0x2], $0x10, s29, s12, $0xb8;
	[tilespmem:$0x1DE30] =	vst v63  }
0x28e: {  	s21 =	simm.s32 $0x12E30;
	s29 =	sld [smem:$0x782]  }
0x28f: {  	[spmem:s2] =	stream.indirect.scatter.add.f32 [tilespmem:s21], [sflag:$0x2], $0x10, s30, s12, $0xb8;
	[tilespmem:$0x1DE30] =	vst v63  }
0x290: {  	s0 =	simm.s32 $0x13630;
	s30 =	sld [smem:$0x783]  }
0x291: {  	[spmem:s2] =	stream.indirect.scatter.add.f32 [tilespmem:s0], [sflag:$0x2], $0x10, s29, s12, $0xb8;
	[tilespmem:$0x1DE30] =	vst v63  }
0x292: {  	s5 =	simm.s32 $0x13E30;
	s29 =	sld [smem:$0x784]  }
0x293: {  	[tilespmem:s5], [sflag:$0x1] =	stream.indirect.gather [spmem:s3], $0x10, s30, s12, $0xb8;
	[tilespmem:$0x1DE30] =	vst v63  }
0x294: {  	s6 =	simm.s32 $0x14630;
	s30 =	sld [smem:$0x785]  }
0x295: {  	[tilespmem:s6], [sflag:$0x1] =	stream.indirect.gather [spmem:s3], $0x10, s29, s12, $0xb8;
	[tilespmem:$0x1DE30] =	vst v63  }
0x296: {  	s7 =	simm.s32 $0x14E30;
	s29 =	sld [smem:$0x786]  }
0x297: {  	[tilespmem:s7], [sflag:$0x1] =	stream.indirect.gather [spmem:s3], $0x10, s30, s12, $0xb8;
	[tilespmem:$0x1DE30] =	vst v63  }
0x298: {  	s8 =	simm.s32 $0x15630;
	s30 =	sld [smem:$0x787]  }
0x299: {  	[tilespmem:s8], [sflag:$0x1] =	stream.indirect.gather [spmem:s3], $0x10, s29, s12, $0xb8;
	[tilespmem:$0x1DE30] =	vst v63  }
0x29a: {  	s9 =	simm.s32 $0x15E30;
	s29 =	sld [smem:$0x788]  }
0x29b: {  	[tilespmem:s9], [sflag:$0x1] =	stream.indirect.gather [spmem:s3], $0x10, s30, s12, $0xb8;
	[tilespmem:$0x1DE30] =	vst v63  }
0x29c: {  	s10 =	simm.s32 $0x16630;
	s30 =	sld [smem:$0x789]  }
0x29d: {  	[tilespmem:s10], [sflag:$0x1] =	stream.indirect.gather [spmem:s3], $0x10, s29, s12, $0xb8;
	[tilespmem:$0x1DE30] =	vst v63  }
0x29e: {  	s11 =	simm.s32 $0x16E30;
	s29 =	sld [smem:$0x78A]  }
0x29f: {  	[tilespmem:s11], [sflag:$0x1] =	stream.indirect.gather [spmem:s3], $0x10, s30, s12, $0xb8;
	[tilespmem:$0x1DE30] =	vst v63  }
0x2a0: {  	s13 =	simm.s32 $0x17630;
	s30 =	sld [smem:$0x78B]  }
0x2a1: {  	[tilespmem:s13], [sflag:$0x1] =	stream.indirect.gather [spmem:s3], $0x10, s29, s12, $0xb8;
	[tilespmem:$0x1DE30] =	vst v63  }
0x2a2: {  	s14 =	simm.s32 $0x17E30;
	s29 =	sld [smem:$0x78C]  }
0x2a3: {  	[tilespmem:s14], [sflag:$0x1] =	stream.indirect.gather [spmem:s3], $0x10, s30, s12, $0xb8;
	[tilespmem:$0x1DE30] =	vst v63  }
0x2a4: {  	s15 =	simm.s32 $0x18630;
	s30 =	sld [smem:$0x78D]  }
0x2a5: {  	[tilespmem:s15], [sflag:$0x1] =	stream.indirect.gather [spmem:s3], $0x10, s29, s12, $0xb8;
	[tilespmem:$0x1DE30] =	vst v63  }
0x2a6: {  	s16 =	simm.s32 $0x18E30;
	s29 =	sld [smem:$0x78E]  }
0x2a7: {  	[tilespmem:s16], [sflag:$0x1] =	stream.indirect.gather [spmem:s3], $0x10, s30, s12, $0xb8;
	[tilespmem:$0x1DE30] =	vst v63  }
0x2a8: {  	s18 =	simm.s32 $0x19630;
	s30 =	sld [smem:$0x78F]  }
0x2a9: {  	[tilespmem:s18], [sflag:$0x1] =	stream.indirect.gather [spmem:s3], $0x10, s29, s12, $0xb8;
	[tilespmem:$0x1DE30] =	vst v63  }
0x2aa: {  	s19 =	simm.s32 $0x19E30;
	s29 =	sld [smem:$0x790]  }
0x2ab: {  	[tilespmem:s19], [sflag:$0x1] =	stream.indirect.gather [spmem:s3], $0x10, s30, s12, $0xb8;
	[tilespmem:$0x1DE30] =	vst v63  }
0x2ac: {  	s20 =	simm.s32 $0x1A630;
	s30 =	sld [smem:$0x791]  }
0x2ad: {  	[tilespmem:s20], [sflag:$0x1] =	stream.indirect.gather [spmem:s3], $0x10, s29, s12, $0xb8;
	[tilespmem:$0x1DE30] =	vst v63  }
0x2ae: {  	s23 =	simm.s32 $0x1AE30;
	s29 =	sld [smem:$0x792]  }
0x2af: {  	[tilespmem:s23], [sflag:$0x1] =	stream.indirect.gather [spmem:s3], $0x10, s30, s12, $0xb8;
	[tilespmem:$0x1DE30] =	vst v63  }
0x2b0: {  	s16 =	simm.s32 $0x1B630;
	s30 =	sld [smem:$0x793]  }
0x2b1: {  	[tilespmem:s16], [sflag:$0x1] =	stream.indirect.gather [spmem:s3], $0x10, s29, s12, $0xb8;
	[tilespmem:$0x1DE30] =	vst v63  }
0x2b2: {  	s19 =	simm.s32 $0x1BE30;
	s29 =	sld [smem:$0x794]  }
0x2b3: {  	[tilespmem:s19], [sflag:$0x1] =	stream.indirect.gather [spmem:s3], $0x10, s30, s12, $0xb8;
	[tilespmem:$0x1DE30] =	vst v63  }
0x2b4: {  	s20 =	simm.s32 $0x1C630;
	s30 =	sld [smem:$0x795]  }
0x2b5: {  	[tilespmem:s20], [sflag:$0x1] =	stream.indirect.gather [spmem:s3], $0x10, s29, s12, $0xb8;
	[tilespmem:$0x1DE30] =	vst v63  }
0x2b6: {  	s23 =	simm.s32 $0x1CE30;
	s29 =	sld [smem:$0x796]  }
0x2b7: {  	[tilespmem:s23], [sflag:$0x1] =	stream.indirect.gather [spmem:s3], $0x10, s30, s12, $0xb8;
	[tilespmem:$0x1DE30] =	vst v63  }
0x2b8: {  	s30 =	simm.s32 $0x1D630  }
0x2b9: {  	[tilespmem:s30], [sflag:$0x1] =	stream.indirect.gather [spmem:s3], $0x10, s29, s12, $0xb8;
	[tilespmem:$0x1DE30] =	vst v63  }
0x2ba: {  	_ =	swait.ge [sflag:s17], $0xA000  }
0x2bb: {  	[sflag:s17] =	ssyncset.done $0x0  }
0x2bc: {  	[sflag:s17] =	ssyncadd.s32 $0xFFFF6000  }
0x2bd: {  	_ =	swait.ge [sflag:s28], $0xA000  }
0x2be: {  	s29 =	sld [smem:$0x797]  }
0x2bf: {  	[sflag:s28] =	ssyncset.done $0x0  }
0x2c0: {  	s4 =	simm.s32 $0x13E30;
	s30 =	sld [smem:$0x798];
	[sflag:s28] =	ssyncadd.s32 $0xFFFF6000  }
0x2c1: {  	[spmem:s2] =	stream.indirect.scatter.add.f32 [tilespmem:s4], [sflag:$0x2], $0x10, s29, s12, $0xb8;
	[tilespmem:$0x1DE30] =	vst v63  }
0x2c2: {  	s21 =	simm.s32 $0x14630;
	s29 =	sld [smem:$0x799]  }
0x2c3: {  	[spmem:s2] =	stream.indirect.scatter.add.f32 [tilespmem:s21], [sflag:$0x2], $0x10, s30, s12, $0xb8;
	[tilespmem:$0x1DE30] =	vst v63  }
0x2c4: {  	s22 =	simm.s32 $0x14E30;
	s30 =	sld [smem:$0x79A]  }
0x2c5: {  	[spmem:s2] =	stream.indirect.scatter.add.f32 [tilespmem:s22], [sflag:$0x2], $0x10, s29, s12, $0xb8;
	[tilespmem:$0x1DE30] =	vst v63  }
0x2c6: {  	s0 =	simm.s32 $0x15630;
	s29 =	sld [smem:$0x79B]  }
0x2c7: {  	[spmem:s2] =	stream.indirect.scatter.add.f32 [tilespmem:s0], [sflag:$0x2], $0x10, s30, s12, $0xb8;
	[tilespmem:$0x1DE30] =	vst v63  }
0x2c8: {  	s8 =	simm.s32 $0x15E30;
	s30 =	sld [smem:$0x79C]  }
0x2c9: {  	[spmem:s2] =	stream.indirect.scatter.add.f32 [tilespmem:s8], [sflag:$0x2], $0x10, s29, s12, $0xb8;
	[tilespmem:$0x1DE30] =	vst v63  }
0x2ca: {  	s5 =	simm.s32 $0x16630;
	s29 =	sld [smem:$0x79D]  }
0x2cb: {  	[spmem:s2] =	stream.indirect.scatter.add.f32 [tilespmem:s5], [sflag:$0x2], $0x10, s30, s12, $0xb8;
	[tilespmem:$0x1DE30] =	vst v63  }
0x2cc: {  	s7 =	simm.s32 $0x16E30;
	s30 =	sld [smem:$0x79E]  }
0x2cd: {  	[spmem:s2] =	stream.indirect.scatter.add.f32 [tilespmem:s7], [sflag:$0x2], $0x10, s29, s12, $0xb8;
	[tilespmem:$0x1DE30] =	vst v63  }
0x2ce: {  	s6 =	simm.s32 $0x17630;
	s29 =	sld [smem:$0x79F]  }
0x2cf: {  	[spmem:s2] =	stream.indirect.scatter.add.f32 [tilespmem:s6], [sflag:$0x2], $0x10, s30, s12, $0xb8;
	[tilespmem:$0x1DE30] =	vst v63  }
0x2d0: {  	s10 =	simm.s32 $0x17E30;
	s30 =	sld [smem:$0x7A0]  }
0x2d1: {  	[spmem:s2] =	stream.indirect.scatter.add.f32 [tilespmem:s10], [sflag:$0x2], $0x10, s29, s12, $0xb8;
	[tilespmem:$0x1DE30] =	vst v63  }
0x2d2: {  	s9 =	simm.s32 $0x18630;
	s29 =	sld [smem:$0x7A1]  }
0x2d3: {  	[spmem:s2] =	stream.indirect.scatter.add.f32 [tilespmem:s9], [sflag:$0x2], $0x10, s30, s12, $0xb8;
	[tilespmem:$0x1DE30] =	vst v63  }
0x2d4: {  	s13 =	simm.s32 $0x18E30;
	s30 =	sld [smem:$0x7A2]  }
0x2d5: {  	[spmem:s2] =	stream.indirect.scatter.add.f32 [tilespmem:s13], [sflag:$0x2], $0x10, s29, s12, $0xb8;
	[tilespmem:$0x1DE30] =	vst v63  }
0x2d6: {  	s11 =	simm.s32 $0x19630;
	s29 =	sld [smem:$0x7A3]  }
0x2d7: {  	[spmem:s2] =	stream.indirect.scatter.add.f32 [tilespmem:s11], [sflag:$0x2], $0x10, s30, s12, $0xb8;
	[tilespmem:$0x1DE30] =	vst v63  }
0x2d8: {  	s15 =	simm.s32 $0x19E30;
	s30 =	sld [smem:$0x7A4]  }
0x2d9: {  	[spmem:s2] =	stream.indirect.scatter.add.f32 [tilespmem:s15], [sflag:$0x2], $0x10, s29, s12, $0xb8;
	[tilespmem:$0x1DE30] =	vst v63  }
0x2da: {  	s14 =	simm.s32 $0x1A630;
	s29 =	sld [smem:$0x7A5]  }
0x2db: {  	[spmem:s2] =	stream.indirect.scatter.add.f32 [tilespmem:s14], [sflag:$0x2], $0x10, s30, s12, $0xb8;
	[tilespmem:$0x1DE30] =	vst v63  }
0x2dc: {  	s18 =	simm.s32 $0x1AE30;
	s30 =	sld [smem:$0x7A6]  }
0x2dd: {  	[spmem:s2] =	stream.indirect.scatter.add.f32 [tilespmem:s18], [sflag:$0x2], $0x10, s29, s12, $0xb8;
	[tilespmem:$0x1DE30] =	vst v63  }
0x2de: {  	s16 =	simm.s32 $0x1B630;
	s29 =	sld [smem:$0x7A7]  }
0x2df: {  	[spmem:s2] =	stream.indirect.scatter.add.f32 [tilespmem:s16], [sflag:$0x2], $0x10, s30, s12, $0xb8;
	[tilespmem:$0x1DE30] =	vst v63  }
0x2e0: {  	s19 =	simm.s32 $0x1BE30;
	s30 =	sld [smem:$0x7A8]  }
0x2e1: {  	[spmem:s2] =	stream.indirect.scatter.add.f32 [tilespmem:s19], [sflag:$0x2], $0x10, s29, s12, $0xb8;
	[tilespmem:$0x1DE30] =	vst v63  }
0x2e2: {  	s1 =	simm.s32 $0x1C630;
	s29 =	sld [smem:$0x7A9]  }
0x2e3: {  	[spmem:s2] =	stream.indirect.scatter.add.f32 [tilespmem:s1], [sflag:$0x2], $0x10, s30, s12, $0xb8;
	[tilespmem:$0x1DE30] =	vst v63  }
0x2e4: {  	s23 =	simm.s32 $0x1CE30;
	s30 =	sld [smem:$0x7AA]  }
0x2e5: {  	[spmem:s2] =	stream.indirect.scatter.add.f32 [tilespmem:s23], [sflag:$0x2], $0x10, s29, s12, $0xb8;
	[tilespmem:$0x1DE30] =	vst v63  }
0x2e6: {  	s20 =	simm.s32 $0x1D630;
	s29 =	sld [smem:$0x7AB]  }
0x2e7: {  	[spmem:s2] =	stream.indirect.scatter.add.f32 [tilespmem:s20], [sflag:$0x2], $0x10, s30, s12, $0xb8;
	[tilespmem:$0x1DE30] =	vst v63  }
0x2e8: {  	s30 =	sld [smem:$0x7AC]  }
0x2e9: {  	[tilespmem:s31], [sflag:$0x1] =	stream.indirect.gather [spmem:s3], $0x10, s29, s12, $0xb8;
	[tilespmem:$0x1DE30] =	vst v63  }
0x2ea: {  	s23 =	simm.s32 $0xA630;
	s29 =	sld [smem:$0x7AD]  }
0x2eb: {  	[tilespmem:s23], [sflag:$0x1] =	stream.indirect.gather [spmem:s3], $0x10, s30, s12, $0xb8;
	[tilespmem:$0x1DE30] =	vst v63  }
0x2ec: {  	s15 =	simm.s32 $0xAE30;
	s30 =	sld [smem:$0x7AE]  }
0x2ed: {  	[tilespmem:s15], [sflag:$0x1] =	stream.indirect.gather [spmem:s3], $0x10, s29, s12, $0xb8;
	[tilespmem:$0x1DE30] =	vst v63  }
0x2ee: {  	s0 =	simm.s32 $0xB630;
	s29 =	sld [smem:$0x7AF]  }
0x2ef: {  	[tilespmem:s0], [sflag:$0x1] =	stream.indirect.gather [spmem:s3], $0x10, s30, s12, $0xb8;
	[tilespmem:$0x1DE30] =	vst v63  }
0x2f0: {  	s1 =	simm.s32 $0xBE30;
	s30 =	sld [smem:$0x7B0]  }
0x2f1: {  	[tilespmem:s1], [sflag:$0x1] =	stream.indirect.gather [spmem:s3], $0x10, s29, s12, $0xb8;
	[tilespmem:$0x1DE30] =	vst v63  }
0x2f2: {  	s4 =	simm.s32 $0xC630;
	s29 =	sld [smem:$0x7B1]  }
0x2f3: {  	[tilespmem:s4], [sflag:$0x1] =	stream.indirect.gather [spmem:s3], $0x10, s30, s12, $0xb8;
	[tilespmem:$0x1DE30] =	vst v63  }
0x2f4: {  	s5 =	simm.s32 $0xCE30;
	s30 =	sld [smem:$0x7B2]  }
0x2f5: {  	[tilespmem:s5], [sflag:$0x1] =	stream.indirect.gather [spmem:s3], $0x10, s29, s12, $0xb8;
	[tilespmem:$0x1DE30] =	vst v63  }
0x2f6: {  	s16 =	simm.s32 $0xD630;
	s29 =	sld [smem:$0x7B3]  }
0x2f7: {  	[tilespmem:s16], [sflag:$0x1] =	stream.indirect.gather [spmem:s3], $0x10, s30, s12, $0xb8;
	[tilespmem:$0x1DE30] =	vst v63  }
0x2f8: {  	s30 =	sld [smem:$0x7B4]  }
0x2f9: {  	[tilespmem:s24], [sflag:$0x1] =	stream.indirect.gather [spmem:s3], $0x10, s29, s12, $0xb8;
	[tilespmem:$0x1DE30] =	vst v63  }
0x2fa: {  	s29 =	sld [smem:$0x7B5]  }
0x2fb: {  	[tilespmem:s25], [sflag:$0x1] =	stream.indirect.gather [spmem:s3], $0x10, s30, s12, $0xb8;
	[tilespmem:$0x1DE30] =	vst v63  }
0x2fc: {  	s30 =	sld [smem:$0x7B6]  }
0x2fd: {  	[tilespmem:s26], [sflag:$0x1] =	stream.indirect.gather [spmem:s3], $0x10, s29, s12, $0xb8;
	[tilespmem:$0x1DE30] =	vst v63  }
0x2fe: {  	s6 =	simm.s32 $0xF630;
	s29 =	sld [smem:$0x7B7]  }
0x2ff: {  	[tilespmem:s6], [sflag:$0x1] =	stream.indirect.gather [spmem:s3], $0x10, s30, s12, $0xb8;
	[tilespmem:$0x1DE30] =	vst v63  }
0x300: {  	s7 =	simm.s32 $0xFE30;
	s30 =	sld [smem:$0x7B8]  }
0x301: {  	[tilespmem:s7], [sflag:$0x1] =	stream.indirect.gather [spmem:s3], $0x10, s29, s12, $0xb8;
	[tilespmem:$0x1DE30] =	vst v63  }
0x302: {  	s8 =	simm.s32 $0x10630;
	s29 =	sld [smem:$0x7B9]  }
0x303: {  	[tilespmem:s8], [sflag:$0x1] =	stream.indirect.gather [spmem:s3], $0x10, s30, s12, $0xb8;
	[tilespmem:$0x1DE30] =	vst v63  }
0x304: {  	s9 =	simm.s32 $0x10E30;
	s30 =	sld [smem:$0x7BA]  }
0x305: {  	[tilespmem:s9], [sflag:$0x1] =	stream.indirect.gather [spmem:s3], $0x10, s29, s12, $0xb8;
	[tilespmem:$0x1DE30] =	vst v63  }
0x306: {  	s10 =	simm.s32 $0x11630;
	s29 =	sld [smem:$0x7BB]  }
0x307: {  	[tilespmem:s10], [sflag:$0x1] =	stream.indirect.gather [spmem:s3], $0x10, s30, s12, $0xb8;
	[tilespmem:$0x1DE30] =	vst v63  }
0x308: {  	s11 =	simm.s32 $0x11E30;
	s30 =	sld [smem:$0x7BC]  }
0x309: {  	[tilespmem:s11], [sflag:$0x1] =	stream.indirect.gather [spmem:s3], $0x10, s29, s12, $0xb8;
	[tilespmem:$0x1DE30] =	vst v63  }
0x30a: {  	s13 =	simm.s32 $0x12630;
	s29 =	sld [smem:$0x7BD]  }
0x30b: {  	[tilespmem:s13], [sflag:$0x1] =	stream.indirect.gather [spmem:s3], $0x10, s30, s12, $0xb8;
	[tilespmem:$0x1DE30] =	vst v63  }
0x30c: {  	s14 =	simm.s32 $0x12E30;
	s30 =	sld [smem:$0x7BE]  }
0x30d: {  	[tilespmem:s14], [sflag:$0x1] =	stream.indirect.gather [spmem:s3], $0x10, s29, s12, $0xb8;
	[tilespmem:$0x1DE30] =	vst v63  }
0x30e: {  	s19 =	simm.s32 $0x13630  }
0x30f: {  	[tilespmem:s19], [sflag:$0x1] =	stream.indirect.gather [spmem:s3], $0x10, s30, s12, $0xb8;
	[tilespmem:$0x1DE30] =	vst v63  }
0x310: {  	_ =	swait.ge [sflag:s17], $0xA000  }
0x311: {  	[sflag:s17] =	ssyncset.done $0x0  }
0x312: {  	[sflag:s17] =	ssyncadd.s32 $0xFFFF6000  }
0x313: {  	_ =	swait.ge [sflag:s28], $0xA000  }
0x314: {  	s29 =	sld [smem:$0x7BF]  }
0x315: {  	[sflag:s28] =	ssyncset.done $0x0  }
0x316: {  	s30 =	sld [smem:$0x7C0];
	[sflag:s28] =	ssyncadd.s32 $0xFFFF6000  }
0x317: {  	[spmem:s2] =	stream.indirect.scatter.add.f32 [tilespmem:s31], [sflag:$0x2], $0x10, s29, s12, $0xb8;
	[tilespmem:$0x1DE30] =	vst v63  }
0x318: {  	s29 =	sld [smem:$0x7C1]  }
0x319: {  	[spmem:s2] =	stream.indirect.scatter.add.f32 [tilespmem:s23], [sflag:$0x2], $0x10, s30, s12, $0xb8;
	[tilespmem:$0x1DE30] =	vst v63  }
0x31a: {  	s30 =	sld [smem:$0x7C2]  }
0x31b: {  	[spmem:s2] =	stream.indirect.scatter.add.f32 [tilespmem:s15], [sflag:$0x2], $0x10, s29, s12, $0xb8;
	[tilespmem:$0x1DE30] =	vst v63  }
0x31c: {  	s29 =	sld [smem:$0x7C3]  }
0x31d: {  	[spmem:s2] =	stream.indirect.scatter.add.f32 [tilespmem:s0], [sflag:$0x2], $0x10, s30, s12, $0xb8;
	[tilespmem:$0x1DE30] =	vst v63  }
0x31e: {  	s30 =	sld [smem:$0x7C4]  }
0x31f: {  	[spmem:s2] =	stream.indirect.scatter.add.f32 [tilespmem:s1], [sflag:$0x2], $0x10, s29, s12, $0xb8;
	[tilespmem:$0x1DE30] =	vst v63  }
0x320: {  	s29 =	sld [smem:$0x7C5]  }
0x321: {  	[spmem:s2] =	stream.indirect.scatter.add.f32 [tilespmem:s4], [sflag:$0x2], $0x10, s30, s12, $0xb8;
	[tilespmem:$0x1DE30] =	vst v63  }
0x322: {  	s30 =	sld [smem:$0x7C6]  }
0x323: {  	[spmem:s2] =	stream.indirect.scatter.add.f32 [tilespmem:s5], [sflag:$0x2], $0x10, s29, s12, $0xb8;
	[tilespmem:$0x1DE30] =	vst v63  }
0x324: {  	s29 =	sld [smem:$0x7C7]  }
0x325: {  	[spmem:s2] =	stream.indirect.scatter.add.f32 [tilespmem:s16], [sflag:$0x2], $0x10, s30, s12, $0xb8;
	[tilespmem:$0x1DE30] =	vst v63  }
0x326: {  	s30 =	sld [smem:$0x7C8]  }
0x327: {  	[spmem:s2] =	stream.indirect.scatter.add.f32 [tilespmem:s24], [sflag:$0x2], $0x10, s29, s12, $0xb8;
	[tilespmem:$0x1DE30] =	vst v63  }
0x328: {  	s29 =	sld [smem:$0x7C9]  }
0x329: {  	[spmem:s2] =	stream.indirect.scatter.add.f32 [tilespmem:s25], [sflag:$0x2], $0x10, s30, s12, $0xb8;
	[tilespmem:$0x1DE30] =	vst v63  }
0x32a: {  	s30 =	sld [smem:$0x7CA]  }
0x32b: {  	[spmem:s2] =	stream.indirect.scatter.add.f32 [tilespmem:s26], [sflag:$0x2], $0x10, s29, s12, $0xb8;
	[tilespmem:$0x1DE30] =	vst v63  }
0x32c: {  	s29 =	sld [smem:$0x7CB]  }
0x32d: {  	[spmem:s2] =	stream.indirect.scatter.add.f32 [tilespmem:s6], [sflag:$0x2], $0x10, s30, s12, $0xb8;
	[tilespmem:$0x1DE30] =	vst v63  }
0x32e: {  	s30 =	sld [smem:$0x7CC]  }
0x32f: {  	[spmem:s2] =	stream.indirect.scatter.add.f32 [tilespmem:s7], [sflag:$0x2], $0x10, s29, s12, $0xb8;
	[tilespmem:$0x1DE30] =	vst v63  }
0x330: {  	s29 =	sld [smem:$0x7CD]  }
0x331: {  	[spmem:s2] =	stream.indirect.scatter.add.f32 [tilespmem:s8], [sflag:$0x2], $0x10, s30, s12, $0xb8;
	[tilespmem:$0x1DE30] =	vst v63  }
0x332: {  	s30 =	sld [smem:$0x7CE]  }
0x333: {  	[spmem:s2] =	stream.indirect.scatter.add.f32 [tilespmem:s9], [sflag:$0x2], $0x10, s29, s12, $0xb8;
	[tilespmem:$0x1DE30] =	vst v63  }
0x334: {  	s29 =	sld [smem:$0x7CF]  }
0x335: {  	[spmem:s2] =	stream.indirect.scatter.add.f32 [tilespmem:s10], [sflag:$0x2], $0x10, s30, s12, $0xb8;
	[tilespmem:$0x1DE30] =	vst v63  }
0x336: {  	s30 =	sld [smem:$0x7D0]  }
0x337: {  	[spmem:s2] =	stream.indirect.scatter.add.f32 [tilespmem:s11], [sflag:$0x2], $0x10, s29, s12, $0xb8;
	[tilespmem:$0x1DE30] =	vst v63  }
0x338: {  	s29 =	sld [smem:$0x7D1]  }
0x339: {  	[spmem:s2] =	stream.indirect.scatter.add.f32 [tilespmem:s13], [sflag:$0x2], $0x10, s30, s12, $0xb8;
	[tilespmem:$0x1DE30] =	vst v63  }
0x33a: {  	s30 =	sld [smem:$0x7D2]  }
0x33b: {  	[spmem:s2] =	stream.indirect.scatter.add.f32 [tilespmem:s14], [sflag:$0x2], $0x10, s29, s12, $0xb8;
	[tilespmem:$0x1DE30] =	vst v63  }
0x33c: {  	s29 =	sld [smem:$0x7D3]  }
0x33d: {  	[spmem:s2] =	stream.indirect.scatter.add.f32 [tilespmem:s19], [sflag:$0x2], $0x10, s30, s12, $0xb8;
	[tilespmem:$0x1DE30] =	vst v63  }
0x33e: {  	s16 =	simm.s32 $0x13E30;
	s30 =	sld [smem:$0x7D4]  }
0x33f: {  	[tilespmem:s16], [sflag:$0x1] =	stream.indirect.gather [spmem:s3], $0x10, s29, s12, $0xb8;
	[tilespmem:$0x1DE30] =	vst v63  }
0x340: {  	s4 =	simm.s32 $0x14630;
	s29 =	sld [smem:$0x7D5]  }
0x341: {  	[tilespmem:s4], [sflag:$0x1] =	stream.indirect.gather [spmem:s3], $0x10, s30, s12, $0xb8;
	[tilespmem:$0x1DE30] =	vst v63  }
0x342: {  	s21 =	simm.s32 $0x14E30;
	s30 =	sld [smem:$0x7D6]  }
0x343: {  	[tilespmem:s21], [sflag:$0x1] =	stream.indirect.gather [spmem:s3], $0x10, s29, s12, $0xb8;
	[tilespmem:$0x1DE30] =	vst v63  }
0x344: {  	s22 =	simm.s32 $0x15630;
	s29 =	sld [smem:$0x7D7]  }
0x345: {  	[tilespmem:s22], [sflag:$0x1] =	stream.indirect.gather [spmem:s3], $0x10, s30, s12, $0xb8;
	[tilespmem:$0x1DE30] =	vst v63  }
0x346: {  	s0 =	simm.s32 $0x15E30;
	s30 =	sld [smem:$0x7D8]  }
0x347: {  	[tilespmem:s0], [sflag:$0x1] =	stream.indirect.gather [spmem:s3], $0x10, s29, s12, $0xb8;
	[tilespmem:$0x1DE30] =	vst v63  }
0x348: {  	s8 =	simm.s32 $0x16630;
	s29 =	sld [smem:$0x7D9]  }
0x349: {  	[tilespmem:s8], [sflag:$0x1] =	stream.indirect.gather [spmem:s3], $0x10, s30, s12, $0xb8;
	[tilespmem:$0x1DE30] =	vst v63  }
0x34a: {  	s5 =	simm.s32 $0x16E30;
	s30 =	sld [smem:$0x7DA]  }
0x34b: {  	[tilespmem:s5], [sflag:$0x1] =	stream.indirect.gather [spmem:s3], $0x10, s29, s12, $0xb8;
	[tilespmem:$0x1DE30] =	vst v63  }
0x34c: {  	s7 =	simm.s32 $0x17630;
	s29 =	sld [smem:$0x7DB]  }
0x34d: {  	[tilespmem:s7], [sflag:$0x1] =	stream.indirect.gather [spmem:s3], $0x10, s30, s12, $0xb8;
	[tilespmem:$0x1DE30] =	vst v63  }
0x34e: {  	s6 =	simm.s32 $0x17E30;
	s30 =	sld [smem:$0x7DC]  }
0x34f: {  	[tilespmem:s6], [sflag:$0x1] =	stream.indirect.gather [spmem:s3], $0x10, s29, s12, $0xb8;
	[tilespmem:$0x1DE30] =	vst v63  }
0x350: {  	s10 =	simm.s32 $0x18630;
	s29 =	sld [smem:$0x7DD]  }
0x351: {  	[tilespmem:s10], [sflag:$0x1] =	stream.indirect.gather [spmem:s3], $0x10, s30, s12, $0xb8;
	[tilespmem:$0x1DE30] =	vst v63  }
0x352: {  	s9 =	simm.s32 $0x18E30;
	s30 =	sld [smem:$0x7DE]  }
0x353: {  	[tilespmem:s9], [sflag:$0x1] =	stream.indirect.gather [spmem:s3], $0x10, s29, s12, $0xb8;
	[tilespmem:$0x1DE30] =	vst v63  }
0x354: {  	s13 =	simm.s32 $0x19630;
	s29 =	sld [smem:$0x7DF]  }
0x355: {  	[tilespmem:s13], [sflag:$0x1] =	stream.indirect.gather [spmem:s3], $0x10, s30, s12, $0xb8;
	[tilespmem:$0x1DE30] =	vst v63  }
0x356: {  	s11 =	simm.s32 $0x19E30;
	s30 =	sld [smem:$0x7E0]  }
0x357: {  	[tilespmem:s11], [sflag:$0x1] =	stream.indirect.gather [spmem:s3], $0x10, s29, s12, $0xb8;
	[tilespmem:$0x1DE30] =	vst v63  }
0x358: {  	s15 =	simm.s32 $0x1A630;
	s29 =	sld [smem:$0x7E1]  }
0x359: {  	[tilespmem:s15], [sflag:$0x1] =	stream.indirect.gather [spmem:s3], $0x10, s30, s12, $0xb8;
	[tilespmem:$0x1DE30] =	vst v63  }
0x35a: {  	s14 =	simm.s32 $0x1AE30;
	s30 =	sld [smem:$0x7E2]  }
0x35b: {  	[tilespmem:s14], [sflag:$0x1] =	stream.indirect.gather [spmem:s3], $0x10, s29, s12, $0xb8;
	[tilespmem:$0x1DE30] =	vst v63  }
0x35c: {  	s16 =	simm.s32 $0x1B630;
	s29 =	sld [smem:$0x7E3]  }
0x35d: {  	[tilespmem:s16], [sflag:$0x1] =	stream.indirect.gather [spmem:s3], $0x10, s30, s12, $0xb8;
	[tilespmem:$0x1DE30] =	vst v63  }
0x35e: {  	s18 =	simm.s32 $0x1BE30;
	s30 =	sld [smem:$0x7E4]  }
0x35f: {  	[tilespmem:s18], [sflag:$0x1] =	stream.indirect.gather [spmem:s3], $0x10, s29, s12, $0xb8;
	[tilespmem:$0x1DE30] =	vst v63  }
0x360: {  	s1 =	simm.s32 $0x1C630;
	s29 =	sld [smem:$0x7E5]  }
0x361: {  	[tilespmem:s1], [sflag:$0x1] =	stream.indirect.gather [spmem:s3], $0x10, s30, s12, $0xb8;
	[tilespmem:$0x1DE30] =	vst v63  }
0x362: {  	s31 =	simm.s32 $0x1CE30;
	s30 =	sld [smem:$0x7E6]  }
0x363: {  	[tilespmem:s31], [sflag:$0x1] =	stream.indirect.gather [spmem:s3], $0x10, s29, s12, $0xb8;
	[tilespmem:$0x1DE30] =	vst v63  }
0x364: {  	_ = 	snop  }
0x365: {  	[tilespmem:s20], [sflag:$0x1] =	stream.indirect.gather [spmem:s3], $0x10, s30, s12, $0xb8;
	[tilespmem:$0x1DE30] =	vst v63  }
0x366: {  	_ =	swait.ge [sflag:s17], $0xA000  }
0x367: {  	[sflag:s17] =	ssyncset.done $0x0  }
0x368: {  	[sflag:s17] =	ssyncadd.s32 $0xFFFF6000  }
0x369: {  	_ =	swait.ge [sflag:s28], $0xA000  }
0x36a: {  	s29 =	sld [smem:$0x7E7]  }
0x36b: {  	[sflag:s28] =	ssyncset.done $0x0  }
0x36c: {  	s23 =	simm.s32 $0x13E30;
	s30 =	sld [smem:$0x7E8];
	[sflag:s28] =	ssyncadd.s32 $0xFFFF6000  }
0x36d: {  	[spmem:s2] =	stream.indirect.scatter.add.f32 [tilespmem:s23], [sflag:$0x2], $0x10, s29, s12, $0xb8;
	[tilespmem:$0x1DE30] =	vst v63  }
0x36e: {  	s29 =	sld [smem:$0x7E9]  }
0x36f: {  	[spmem:s2] =	stream.indirect.scatter.add.f32 [tilespmem:s4], [sflag:$0x2], $0x10, s30, s12, $0xb8;
	[tilespmem:$0x1DE30] =	vst v63  }
0x370: {  	s30 =	sld [smem:$0x7EA]  }
0x371: {  	[spmem:s2] =	stream.indirect.scatter.add.f32 [tilespmem:s21], [sflag:$0x2], $0x10, s29, s12, $0xb8;
	[tilespmem:$0x1DE30] =	vst v63  }
0x372: {  	s29 =	sld [smem:$0x7EB]  }
0x373: {  	[spmem:s2] =	stream.indirect.scatter.add.f32 [tilespmem:s22], [sflag:$0x2], $0x10, s30, s12, $0xb8;
	[tilespmem:$0x1DE30] =	vst v63  }
0x374: {  	s30 =	sld [smem:$0x7EC]  }
0x375: {  	[spmem:s2] =	stream.indirect.scatter.add.f32 [tilespmem:s0], [sflag:$0x2], $0x10, s29, s12, $0xb8;
	[tilespmem:$0x1DE30] =	vst v63  }
0x376: {  	s29 =	sld [smem:$0x7ED]  }
0x377: {  	[spmem:s2] =	stream.indirect.scatter.add.f32 [tilespmem:s8], [sflag:$0x2], $0x10, s30, s12, $0xb8;
	[tilespmem:$0x1DE30] =	vst v63  }
0x378: {  	s30 =	sld [smem:$0x7EE]  }
0x379: {  	[spmem:s2] =	stream.indirect.scatter.add.f32 [tilespmem:s5], [sflag:$0x2], $0x10, s29, s12, $0xb8;
	[tilespmem:$0x1DE30] =	vst v63  }
0x37a: {  	s29 =	sld [smem:$0x7EF]  }
0x37b: {  	[spmem:s2] =	stream.indirect.scatter.add.f32 [tilespmem:s7], [sflag:$0x2], $0x10, s30, s12, $0xb8;
	[tilespmem:$0x1DE30] =	vst v63  }
0x37c: {  	s30 =	sld [smem:$0x7F0]  }
0x37d: {  	[spmem:s2] =	stream.indirect.scatter.add.f32 [tilespmem:s6], [sflag:$0x2], $0x10, s29, s12, $0xb8;
	[tilespmem:$0x1DE30] =	vst v63  }
0x37e: {  	s29 =	sld [smem:$0x7F1]  }
0x37f: {  	[spmem:s2] =	stream.indirect.scatter.add.f32 [tilespmem:s10], [sflag:$0x2], $0x10, s30, s12, $0xb8;
	[tilespmem:$0x1DE30] =	vst v63  }
0x380: {  	s30 =	sld [smem:$0x7F2]  }
0x381: {  	[spmem:s2] =	stream.indirect.scatter.add.f32 [tilespmem:s9], [sflag:$0x2], $0x10, s29, s12, $0xb8;
	[tilespmem:$0x1DE30] =	vst v63  }
0x382: {  	s29 =	sld [smem:$0x7F3]  }
0x383: {  	[spmem:s2] =	stream.indirect.scatter.add.f32 [tilespmem:s13], [sflag:$0x2], $0x10, s30, s12, $0xb8;
	[tilespmem:$0x1DE30] =	vst v63  }
0x384: {  	s30 =	sld [smem:$0x7F4]  }
0x385: {  	[spmem:s2] =	stream.indirect.scatter.add.f32 [tilespmem:s11], [sflag:$0x2], $0x10, s29, s12, $0xb8;
	[tilespmem:$0x1DE30] =	vst v63  }
0x386: {  	s29 =	sld [smem:$0x7F5]  }
0x387: {  	[spmem:s2] =	stream.indirect.scatter.add.f32 [tilespmem:s15], [sflag:$0x2], $0x10, s30, s12, $0xb8;
	[tilespmem:$0x1DE30] =	vst v63  }
0x388: {  	s30 =	sld [smem:$0x7F6]  }
0x389: {  	[spmem:s2] =	stream.indirect.scatter.add.f32 [tilespmem:s14], [sflag:$0x2], $0x10, s29, s12, $0xb8;
	[tilespmem:$0x1DE30] =	vst v63  }
0x38a: {  	s29 =	sld [smem:$0x7F7]  }
0x38b: {  	[spmem:s2] =	stream.indirect.scatter.add.f32 [tilespmem:s16], [sflag:$0x2], $0x10, s30, s12, $0xb8;
	[tilespmem:$0x1DE30] =	vst v63  }
0x38c: {  	s30 =	sld [smem:$0x7F8]  }
0x38d: {  	[spmem:s2] =	stream.indirect.scatter.add.f32 [tilespmem:s18], [sflag:$0x2], $0x10, s29, s12, $0xb8;
	[tilespmem:$0x1DE30] =	vst v63  }
0x38e: {  	s29 =	sld [smem:$0x7F9]  }
0x38f: {  	[spmem:s2] =	stream.indirect.scatter.add.f32 [tilespmem:s1], [sflag:$0x2], $0x10, s30, s12, $0xb8;
	[tilespmem:$0x1DE30] =	vst v63  }
0x390: {  	s30 =	sld [smem:$0x7FA]  }
0x391: {  	[spmem:s2] =	stream.indirect.scatter.add.f32 [tilespmem:s31], [sflag:$0x2], $0x10, s29, s12, $0xb8;
	[tilespmem:$0x1DE30] =	vst v63  }
0x392: {  	_ = 	snop  }
0x393: {  	[spmem:s2] =	stream.indirect.scatter.add.f32 [tilespmem:s20], [sflag:$0x2], $0x10, s30, s12, $0xb8;
	[tilespmem:$0x1DE30] =	vst v63  }
0x394: {  	s0 =	sld [smem:$0x770];
	_ =	swait.ge [sflag:s17], $0xA000  }
.Ltmp1:
0x395: {  	[sflag:s17] =	ssyncset.done $0x0;
	(pc) =	sbr.rel @p0 .LBB2_2-.Ltmp1, $4  }
0x396: {  	[sflag:s17] =	ssyncadd.s32 $0xFFFF6000  }
0x397: {  	[bflag:$0x0] =	sbarrier.arrive $0xFFFF  }
0x398: {  	s29 =	sld [smem:$0x7FC]  }
0x399: {  	s30 =	sld [smem:$0x7FD]  }
.LBB2_3:
0x39a: {  	s0 =	sld [smem:$0x771];
	_ =	sdelay $0x2  }
0x39b: {  	[hbm:s29], [sflag:s0] =	dma.local [spmem:s30], $0x4E2  }
0x39c: {  	s30 =	simm.s32 $0x1  }
0x39d: {  	_ =	swait.ge [sflag:s30], $0x4E2  }
0x39e: {  	[sflag:s30] =	ssyncset.done $0x0  }
0x39f: {  	[sflag:s30] =	ssyncadd.s32 $0xFFFFFB1E  }
0x3a0: {  	_ =	sfence.sel $0x180000  }
0x3a1: {  	[bflag:$0x0] =	sbarrier.arrive $0xFFFF  }
0x3a2: {  	_ =	strace $0x90000050  }
0x3a3: {  	s31 =	stileid.u32;
	[bflag:$0x2] =	sbarrier.arrive $0xFFFF  }
0x3a4: {  	p0 =	sne.s32 s31, $0x0;
	s0 =	rddreg [dreg:$0x3]  }
0x3a5: {  	s0 =	sadd.s32 @!p0 $0x100000, s0  }
0x3a6: {  	[sflag:s0] =	ssyncadd.tile.s32 @!p0 $0x1;
	_ =	shalt  }
.Lfunc_end2:
_tile_overlayer_lowered:
.L_overlay_start_2:
0x3a7: {  	(tag) =	ssettag $0x2  }
0x3a8: {  	s0 =	rddreg [dreg:$0x0];
	s2 =	stileid.u32  }
0x3a9: {  	s1 =	rddreg [dreg:$0x1];
	p0 =	sne.s32 s2, $0x0  }
0x3aa: {  	s3 =	rddreg [dreg:$0x2];
	[bflag:$0x3] =	sbarrier.arrive $0xFFFF;
	s2 =	simm.s32 @!p0 $0x1C01  }
0x3ab: {  	[timem:s3], [sflag:s2] =	dma.local @!p0 [hbm:s0], s1  }
0x3ac: {  	s0 =	simm.s32 @!p0 $0x1  }
0x3ad: {  	_ =	swait.ge @!p0 [sflag:s0], s1  }
0x3ae: {  	s1 =	ssub.s32 @!p0 $0x0, s1;
	[sflag:s0] =	ssyncset.done @!p0 $0x0  }
0x3af: {  	[sflag:s0] =	ssyncadd.s32 @!p0 s1  }
0x3b0: {  	[bflag:$0x3] =	sbarrier.arrive $0xFFFF  }
0x3b1: {  	_ =	shalt  }

</sc_bundles>
